<compile_context>
chip_gen: v7x
topology: tpu7x:2x2x1
jax: 0.10.2.dev20260603
libtpu: 0.0.44.dev20260713+nightly
codegen_flags: <defaults>
</compile_context>

<pallas_src>
import functools

import jax
import jax.numpy as jnp
from jax import lax
from jax.experimental import pallas as pl
from jax.experimental.pallas import tpu as pltpu
from jax.experimental.pallas import tpu_sc as plsc

B, C, N, K, OUT = 1, 128, 10000, 32, 128

NW = 32
NPW = 320
NP = NW * NPW
G = 4
EG = G * K
NG = NPW // G


def _tc_tables_body(x_ref, w_ref, b_ref, u_ref, v_ref):
    xb = x_ref[...]
    w = w_ref[...]
    w1 = w[:, :C]
    w2 = w[:, C:]
    dn = (((0,), (1,)), ((), ()))
    u = lax.dot_general(xb, w1 - w2, dn, precision=lax.Precision.HIGHEST,
                        preferred_element_type=jnp.float32)
    u_ref[...] = u + b_ref[...]
    v_ref[...] = lax.dot_general(xb, w2, dn, precision=lax.Precision.HIGHEST,
                                 preferred_element_type=jnp.float32)


def _tc_tables(xf, W, b2d):
    return pl.pallas_call(
        _tc_tables_body,
        out_shape=[
            jax.ShapeDtypeStruct((N, OUT), jnp.float32),
            jax.ShapeDtypeStruct((N, OUT), jnp.float32),
        ],
    )(xf, W, b2d)


def _rsqrt_approx(d2):
    i = lax.bitcast_convert_type(d2, jnp.int32)
    y = lax.bitcast_convert_type(jnp.int32(0x5F3759DF) - (i >> 1), jnp.float32)
    for _ in range(3):
        y = y * (1.5 - 0.5 * d2 * y * y)
    return y


def _sc_body(u_hbm, v_hbm, ii_hbm, jj_hbm, px_hbm, py_hbm, pz_hbm, out_hbm,
             ii_v, jj_v, px_v, py_v, pz_v,
             u_buf0, v_buf0, u_buf1, v_buf1, supp_v, out_v0, out_v1,
             sem0, sem1, semo0, semo1):
    wid = lax.axis_index("s") * 2 + lax.axis_index("c")
    pltpu.sync_copy(ii_hbm.at[wid], ii_v)
    pltpu.sync_copy(jj_hbm.at[wid], jj_v)
    pltpu.sync_copy(px_hbm, px_v)
    pltpu.sync_copy(py_hbm, py_v)
    pltpu.sync_copy(pz_hbm, pz_v)

    def fire(g, ub, vb, sem):
        pltpu.make_async_copy(u_hbm.at[ii_v.at[g]], ub, sem).start()
        pltpu.make_async_copy(v_hbm.at[jj_v.at[g]], vb, sem).start()

    def drain(g, ub, vb, sem):
        pltpu.make_async_copy(u_hbm.at[ii_v.at[g]], ub, sem).wait()
        pltpu.make_async_copy(v_hbm.at[jj_v.at[g]], vb, sem).wait()

    def compute(g, gg, ub, vb, ob, sem, semo):
        nh = EG // 16
        ii16 = [ii_v[g, pl.ds(h * 16, 16)] for h in range(nh)]
        jj16 = [jj_v[g, pl.ds(h * 16, 16)] for h in range(nh)]
        dx = [plsc.load_gather(px_v, [jj16[h]])
              - plsc.load_gather(px_v, [ii16[h]]) for h in range(nh)]
        dy = [plsc.load_gather(py_v, [jj16[h]])
              - plsc.load_gather(py_v, [ii16[h]]) for h in range(nh)]
        dz = [plsc.load_gather(pz_v, [jj16[h]])
              - plsc.load_gather(pz_v, [ii16[h]]) for h in range(nh)]
        d2 = [dx[h] * dx[h] + dy[h] * dy[h] + dz[h] * dz[h]
              for h in range(nh)]
        d2c = [jnp.maximum(v, 1e-30) for v in d2]
        i32 = [lax.bitcast_convert_type(v, jnp.int32) for v in d2c]
        y = [lax.bitcast_convert_type(jnp.int32(0x5F3759DF) - (v >> 1),
                                      jnp.float32) for v in i32]
        for _ in range(3):
            y = [y[h] * (1.5 - 0.5 * d2c[h] * y[h] * y[h])
                 for h in range(nh)]
        d = [d2[h] * y[h] for h in range(nh)]
        e = [jnp.exp(v) for v in d]
        s = [2.0 / (1.0 + v) for v in e]
        for h in range(nh):
            supp_v[pl.ds(h * 16, 16)] = s[h]
        drain(g, ub, vb, sem)
        @pl.when(gg > 0)
        def _():
            pltpu.make_async_copy(ob, out_hbm.at[pl.ds(0, G)], semo).wait()
        for nl in range(G):
            def kstep(k, acc):
                r = nl * K + k
                sk = supp_v[pl.ds(r, 16)][0]
                return tuple(
                    jnp.maximum(acc[ci],
                                (ub[r, pl.ds(ci * 16, 16)]
                                 + vb[r, pl.ds(ci * 16, 16)]) * sk)
                    for ci in range(OUT // 16))
            acc0 = tuple(jnp.zeros((16,), jnp.float32)
                         for _ in range(OUT // 16))
            acc = lax.fori_loop(0, K, kstep, acc0)
            for ci in range(OUT // 16):
                ob[nl, pl.ds(ci * 16, 16)] = acc[ci]
        pltpu.make_async_copy(
            ob, out_hbm.at[pl.ds(wid * NPW + g * G, G)], semo).start()

    fire(0, u_buf0, v_buf0, sem0)

    def pair(gg, carry):
        g0 = 2 * gg
        fire(g0 + 1, u_buf1, v_buf1, sem1)
        compute(g0, gg, u_buf0, v_buf0, out_v0, sem0, semo0)

        @pl.when(g0 + 2 < NG)
        def _():
            fire(g0 + 2, u_buf0, v_buf0, sem0)
        compute(g0 + 1, gg, u_buf1, v_buf1, out_v1, sem1, semo1)
        return carry

    lax.fori_loop(0, NG // 2, pair, 0)
    pltpu.make_async_copy(out_v0, out_hbm.at[pl.ds(0, G)], semo0).wait()
    pltpu.make_async_copy(out_v1, out_hbm.at[pl.ds(0, G)], semo1).wait()


_sc_edge_max = functools.partial(
    pl.kernel,
    mesh=plsc.VectorSubcoreMesh(core_axis_name="c", subcore_axis_name="s"),
    out_type=jax.ShapeDtypeStruct((NP, OUT), jnp.float32),
    compiler_params=pltpu.CompilerParams(needs_layout_passes=False),
    scratch_types=[
        pltpu.VMEM((NG, EG), jnp.int32),
        pltpu.VMEM((NG, EG), jnp.int32),
        pltpu.VMEM((NP,), jnp.float32),
        pltpu.VMEM((NP,), jnp.float32),
        pltpu.VMEM((NP,), jnp.float32),
        pltpu.VMEM((EG, OUT), jnp.float32),
        pltpu.VMEM((EG, OUT), jnp.float32),
        pltpu.VMEM((EG, OUT), jnp.float32),
        pltpu.VMEM((EG, OUT), jnp.float32),
        pltpu.VMEM((EG + 16,), jnp.float32),
        pltpu.VMEM((G, OUT), jnp.float32),
        pltpu.VMEM((G, OUT), jnp.float32),
        pltpu.SemaphoreType.DMA,
        pltpu.SemaphoreType.DMA,
        pltpu.SemaphoreType.DMA,
        pltpu.SemaphoreType.DMA,
    ],
)(_sc_body)


def kernel(x, edge_index, pos, W, b):
    xf = x[0, :, :, 0]
    ei = edge_index.astype(jnp.int32)
    pad = ((0, NP - N), (0, 0))
    ii = jnp.pad(ei[1, 0], pad).reshape(NW, NG, EG)
    jj = jnp.pad(ei[0, 0], pad).reshape(NW, NG, EG)
    px = jnp.pad(pos[0, 0, :, 0], (0, NP - N))
    py = jnp.pad(pos[0, 1, :, 0], (0, NP - N))
    pz = jnp.pad(pos[0, 2, :, 0], (0, NP - N))
    U, V = _tc_tables(xf, W, b.reshape(1, OUT))
    out = _sc_edge_max(U, V, ii, jj, px, py, pz)
    max_value = out[:N].T[None, :, :, None]
    return (max_value, edge_index, pos)

# --- scband reference (transcript-rebuilt; emitter-appended) ---
"""Pipeline reference for scband-edge-conv2d-12841952215498 (READ-ONLY COPY).

The authoritative reference and input builder live on the scoring server;
editing this copy changes nothing except your own understanding.
"""

import jax, jax.numpy as jnp
import numpy as np

B, C, N, K, OUT = 1, 128, 10000, 32, 128

def batched_index_select(x, idx):
    # x: [B, C, N, 1], idx: [B, N, K] -> [B, C, N, K]
    Cd = x.shape[1]
    Kd = idx.shape[-1]
    xf = x[..., 0]  # [B, C, N]
    def per_batch(xb, ib):
        return xb[:, ib.reshape(-1)].reshape(Cd, ib.shape[0], Kd)
    return jax.vmap(per_batch)(xf, idx)

def setup_inputs(seed: int = 0):
    key = jax.random.key(seed)
    k1, k2, k3, k4, k5 = jax.random.split(key, 5)
    x = jax.random.normal(k1, (B, C, N, 1), dtype=jnp.float32)
    edge_index = jax.random.randint(k2, (2, B, N, K), 0, N)
    # avoid exact self-pairs so sqrt(0) never hits the backward pass downstream
    same = edge_index[0] == edge_index[1]
    src = jnp.where(same, (edge_index[0] + 1) % N, edge_index[0])
    edge_index = jnp.stack([src, edge_index[1]], axis=0).astype(jnp.int64)
    pos = jax.random.normal(k3, (B, 3, N, 1), dtype=jnp.float32)
    W = jax.random.normal(k4, (OUT, 2 * C), dtype=jnp.float32) * (1.0 / np.sqrt(2.0 * C))
    b = jax.random.normal(k5, (OUT,), dtype=jnp.float32) * 0.01
    return {"x": x, "edge_index": edge_index, "pos": pos, "W": W, "b": b}

def reference(x, edge_index, pos, W, b):
    x_i = batched_index_select(x, edge_index[1])
    x_j = batched_index_select(x, edge_index[0])
    feature = jnp.concatenate([x_i, x_j - x_i], axis=1)  # [B, 2C, N, K]
    # BasicConv: 1x1 Conv2d + ReLU (norm=None)
    feature = jnp.einsum('oc,bcnk->bonk', W, feature) + b[None, :, None, None]
    feature = jax.nn.relu(feature)
    # distance-based suppression (diss=True)
    pos_i = batched_index_select(pos, edge_index[1])
    pos_j = batched_index_select(pos, edge_index[0])
    vec = pos_j - pos_i  # [B, 3, N, K]
    dis = jnp.sqrt(jnp.sum(jnp.square(vec), axis=1))  # [B, N, K]
    suppression = 2.0 * jax.nn.sigmoid(-dis)[:, None, :, :]
    feature = feature * suppression
    max_value = jnp.max(feature, axis=-1, keepdims=True)  # [B, OUT, N, 1]
    return (max_value, edge_index, pos)

if __name__ == "__main__":
    import jax
    _d = setup_inputs()
    print(jax.jit(kernel)(*tuple(_d.values())))

</pallas_src>

<mosaic_0001>
#map = affine_map<(d0, d1) -> (0, 0)>
#map1 = affine_map<(d0, d1) -> (0, 0, 0)>
#map2 = affine_map<(d0, d1) -> (0)>
module attributes {stable_mosaic.version = 14 : i64} {
  func.func @_sc_body(%arg0: i32, %arg1: i32, %arg2: memref<10000x128xf32, #tpu.memory_space<hbm>>, %arg3: memref<10000x128xf32, #tpu.memory_space<hbm>>, %arg4: memref<32x80x128xi32, #tpu.memory_space<hbm>>, %arg5: memref<32x80x128xi32, #tpu.memory_space<hbm>>, %arg6: memref<10240xf32, #tpu.memory_space<hbm>>, %arg7: memref<10240xf32, #tpu.memory_space<hbm>>, %arg8: memref<10240xf32, #tpu.memory_space<hbm>>, %arg9: memref<10240x128xf32, #tpu.memory_space<hbm>>, %arg10: memref<80x128xi32, #tpu.memory_space<vmem>>, %arg11: memref<80x128xi32, #tpu.memory_space<vmem>>, %arg12: memref<10240xf32, #tpu.memory_space<vmem>>, %arg13: memref<10240xf32, #tpu.memory_space<vmem>>, %arg14: memref<10240xf32, #tpu.memory_space<vmem>>, %arg15: memref<128x128xf32, #tpu.memory_space<vmem>>, %arg16: memref<128x128xf32, #tpu.memory_space<vmem>>, %arg17: memref<128x128xf32, #tpu.memory_space<vmem>>, %arg18: memref<128x128xf32, #tpu.memory_space<vmem>>, %arg19: memref<144xf32, #tpu.memory_space<vmem>>, %arg20: memref<4x128xf32, #tpu.memory_space<vmem>>, %arg21: memref<4x128xf32, #tpu.memory_space<vmem>>, %arg22: memref<!tpu.dma_semaphore, #tpu.memory_space<semaphore_mem>>, %arg23: memref<!tpu.dma_semaphore, #tpu.memory_space<semaphore_mem>>, %arg24: memref<!tpu.dma_semaphore, #tpu.memory_space<semaphore_mem>>, %arg25: memref<!tpu.dma_semaphore, #tpu.memory_space<semaphore_mem>>) attributes {dimension_semantics = [#tpu.dimension_semantics<core_parallel>, #tpu.dimension_semantics<subcore_parallel>], iteration_bounds = array<i64: 2, 16>, scalar_prefetch = 0 : i64, scratch_operands = 16 : i64, tpu.core_type = #tpu.core_type<sc_vector_subcore>, window_params = [{transform_indices = #map}, {transform_indices = #map}, {transform_indices = #map1}, {transform_indices = #map1}, {transform_indices = #map2}, {transform_indices = #map2}, {transform_indices = #map2}, {transform_indices = #map}]} {
    %mul3A = arith.constant 2 : i32
    %mul3A_0 = arith.muli %arg1, %mul3A : i32
    %add3A = arith.addi %mul3A_0, %arg0 : i32
    "tpu.region"() ({
      %run_scoped3A = tpu.sem_alloc : memref<!tpu.dma_semaphore, #tpu.memory_space<semaphore_mem>>
      %dma_start3A_30 = arith.constant 0 : i32
      %dma_start3A_31 = arith.constant 0 : i32
      %dma_start3A_32 = tpu.memref_slice %arg4[%add3A, %dma_start3A_30, %dma_start3A_31] : memref<32x80x128xi32, #tpu.memory_space<hbm>> -> memref<1x80x128xi32, #tpu.memory_space<hbm>>
      %dma_start3A_33 = tpu.memref_squeeze %dma_start3A_32 : memref<1x80x128xi32, #tpu.memory_space<hbm>> -> memref<80x128xi32, #tpu.memory_space<hbm>>
      %dma_start3A_34 = arith.constant 0 : i32
      %dma_start3A_35 = arith.constant 0 : i32
      %dma_start3A_36 = tpu.memref_slice %arg4[%add3A, %dma_start3A_34, %dma_start3A_35] : memref<32x80x128xi32, #tpu.memory_space<hbm>> -> memref<1x80x128xi32, #tpu.memory_space<hbm>>
      %dma_start3A_37 = tpu.memref_squeeze %dma_start3A_36 : memref<1x80x128xi32, #tpu.memory_space<hbm>> -> memref<80x128xi32, #tpu.memory_space<hbm>>
      tpu.enqueue_dma source(%dma_start3A_37 : memref<80x128xi32, #tpu.memory_space<hbm>>) target(%arg10 : memref<80x128xi32, #tpu.memory_space<vmem>>) target_semaphore(%run_scoped3A : memref<!tpu.dma_semaphore, #tpu.memory_space<semaphore_mem>>)
      %dma_wait3A_38 = arith.constant 0 : i32
      %dma_wait3A_39 = arith.constant 0 : i32
      %dma_wait3A_40 = tpu.memref_slice %arg4[%add3A, %dma_wait3A_38, %dma_wait3A_39] : memref<32x80x128xi32, #tpu.memory_space<hbm>> -> memref<1x80x128xi32, #tpu.memory_space<hbm>>
      %dma_wait3A_41 = tpu.memref_squeeze %dma_wait3A_40 : memref<1x80x128xi32, #tpu.memory_space<hbm>> -> memref<80x128xi32, #tpu.memory_space<hbm>>
      %dma_wait3A_42 = arith.constant 0 : i32
      %dma_wait3A_43 = arith.constant 0 : i32
      %dma_wait3A_44 = tpu.memref_slice %arg4[%add3A, %dma_wait3A_42, %dma_wait3A_43] : memref<32x80x128xi32, #tpu.memory_space<hbm>> -> memref<1x80x128xi32, #tpu.memory_space<hbm>>
      %dma_wait3A_45 = tpu.memref_squeeze %dma_wait3A_44 : memref<1x80x128xi32, #tpu.memory_space<hbm>> -> memref<80x128xi32, #tpu.memory_space<hbm>>
      tpu.wait_dma2 semaphore(%run_scoped3A : memref<!tpu.dma_semaphore, #tpu.memory_space<semaphore_mem>>) src(%dma_wait3A_45 : memref<80x128xi32, #tpu.memory_space<hbm>>) dst(%arg10 : memref<80x128xi32, #tpu.memory_space<vmem>>)
      tpu.yield
    }) : () -> ()
    "tpu.region"() ({
      %run_scoped3A = tpu.sem_alloc : memref<!tpu.dma_semaphore, #tpu.memory_space<semaphore_mem>>
      %dma_start3A_30 = arith.constant 0 : i32
      %dma_start3A_31 = arith.constant 0 : i32
      %dma_start3A_32 = tpu.memref_slice %arg5[%add3A, %dma_start3A_30, %dma_start3A_31] : memref<32x80x128xi32, #tpu.memory_space<hbm>> -> memref<1x80x128xi32, #tpu.memory_space<hbm>>
      %dma_start3A_33 = tpu.memref_squeeze %dma_start3A_32 : memref<1x80x128xi32, #tpu.memory_space<hbm>> -> memref<80x128xi32, #tpu.memory_space<hbm>>
      %dma_start3A_34 = arith.constant 0 : i32
      %dma_start3A_35 = arith.constant 0 : i32
      %dma_start3A_36 = tpu.memref_slice %arg5[%add3A, %dma_start3A_34, %dma_start3A_35] : memref<32x80x128xi32, #tpu.memory_space<hbm>> -> memref<1x80x128xi32, #tpu.memory_space<hbm>>
      %dma_start3A_37 = tpu.memref_squeeze %dma_start3A_36 : memref<1x80x128xi32, #tpu.memory_space<hbm>> -> memref<80x128xi32, #tpu.memory_space<hbm>>
      tpu.enqueue_dma source(%dma_start3A_37 : memref<80x128xi32, #tpu.memory_space<hbm>>) target(%arg11 : memref<80x128xi32, #tpu.memory_space<vmem>>) target_semaphore(%run_scoped3A : memref<!tpu.dma_semaphore, #tpu.memory_space<semaphore_mem>>)
      %dma_wait3A_38 = arith.constant 0 : i32
      %dma_wait3A_39 = arith.constant 0 : i32
      %dma_wait3A_40 = tpu.memref_slice %arg5[%add3A, %dma_wait3A_38, %dma_wait3A_39] : memref<32x80x128xi32, #tpu.memory_space<hbm>> -> memref<1x80x128xi32, #tpu.memory_space<hbm>>
      %dma_wait3A_41 = tpu.memref_squeeze %dma_wait3A_40 : memref<1x80x128xi32, #tpu.memory_space<hbm>> -> memref<80x128xi32, #tpu.memory_space<hbm>>
      %dma_wait3A_42 = arith.constant 0 : i32
      %dma_wait3A_43 = arith.constant 0 : i32
      %dma_wait3A_44 = tpu.memref_slice %arg5[%add3A, %dma_wait3A_42, %dma_wait3A_43] : memref<32x80x128xi32, #tpu.memory_space<hbm>> -> memref<1x80x128xi32, #tpu.memory_space<hbm>>
      %dma_wait3A_45 = tpu.memref_squeeze %dma_wait3A_44 : memref<1x80x128xi32, #tpu.memory_space<hbm>> -> memref<80x128xi32, #tpu.memory_space<hbm>>
      tpu.wait_dma2 semaphore(%run_scoped3A : memref<!tpu.dma_semaphore, #tpu.memory_space<semaphore_mem>>) src(%dma_wait3A_45 : memref<80x128xi32, #tpu.memory_space<hbm>>) dst(%arg11 : memref<80x128xi32, #tpu.memory_space<vmem>>)
      tpu.yield
    }) : () -> ()
    "tpu.region"() ({
      %run_scoped3A = tpu.sem_alloc : memref<!tpu.dma_semaphore, #tpu.memory_space<semaphore_mem>>
      tpu.enqueue_dma source(%arg6 : memref<10240xf32, #tpu.memory_space<hbm>>) target(%arg12 : memref<10240xf32, #tpu.memory_space<vmem>>) target_semaphore(%run_scoped3A : memref<!tpu.dma_semaphore, #tpu.memory_space<semaphore_mem>>)
      tpu.wait_dma2 semaphore(%run_scoped3A : memref<!tpu.dma_semaphore, #tpu.memory_space<semaphore_mem>>) src(%arg6 : memref<10240xf32, #tpu.memory_space<hbm>>) dst(%arg12 : memref<10240xf32, #tpu.memory_space<vmem>>)
      tpu.yield
    }) : () -> ()
    "tpu.region"() ({
      %run_scoped3A = tpu.sem_alloc : memref<!tpu.dma_semaphore, #tpu.memory_space<semaphore_mem>>
      tpu.enqueue_dma source(%arg7 : memref<10240xf32, #tpu.memory_space<hbm>>) target(%arg13 : memref<10240xf32, #tpu.memory_space<vmem>>) target_semaphore(%run_scoped3A : memref<!tpu.dma_semaphore, #tpu.memory_space<semaphore_mem>>)
      tpu.wait_dma2 semaphore(%run_scoped3A : memref<!tpu.dma_semaphore, #tpu.memory_space<semaphore_mem>>) src(%arg7 : memref<10240xf32, #tpu.memory_space<hbm>>) dst(%arg13 : memref<10240xf32, #tpu.memory_space<vmem>>)
      tpu.yield
    }) : () -> ()
    "tpu.region"() ({
      %run_scoped3A = tpu.sem_alloc : memref<!tpu.dma_semaphore, #tpu.memory_space<semaphore_mem>>
      tpu.enqueue_dma source(%arg8 : memref<10240xf32, #tpu.memory_space<hbm>>) target(%arg14 : memref<10240xf32, #tpu.memory_space<vmem>>) target_semaphore(%run_scoped3A : memref<!tpu.dma_semaphore, #tpu.memory_space<semaphore_mem>>)
      tpu.wait_dma2 semaphore(%run_scoped3A : memref<!tpu.dma_semaphore, #tpu.memory_space<semaphore_mem>>) src(%arg8 : memref<10240xf32, #tpu.memory_space<hbm>>) dst(%arg14 : memref<10240xf32, #tpu.memory_space<vmem>>)
      tpu.yield
    }) : () -> ()
    %dma_start3A = arith.constant 0 : i32
    %dma_start3A_1 = arith.constant 0 : i32
    %dma_start3A_2 = tpu.memref_slice %arg10[%dma_start3A, %dma_start3A_1] : memref<80x128xi32, #tpu.memory_space<vmem>> -> memref<1x128xi32, #tpu.memory_space<vmem>>
    %dma_start3A_3 = tpu.memref_squeeze %dma_start3A_2 : memref<1x128xi32, #tpu.memory_space<vmem>> -> memref<128xi32, #tpu.memory_space<vmem>>
    %dma_start3A_4 = arith.constant 0 : i32
    %dma_start3A_5 = arith.constant 0 : i32
    %dma_start3A_6 = tpu.memref_slice %arg2[%dma_start3A_4, %dma_start3A_5] : memref<10000x128xf32, #tpu.memory_space<hbm>> -> memref<10000x128xf32, #tpu.memory_space<hbm>>
    tpu.enqueue_indirect_dma source(%dma_start3A_6 : memref<10000x128xf32, #tpu.memory_space<hbm>>) target(%arg15 : memref<128x128xf32, #tpu.memory_space<vmem>>) offsets(%dma_start3A_3 : memref<128xi32, #tpu.memory_space<vmem>>) semaphore(%arg22 : memref<!tpu.dma_semaphore, #tpu.memory_space<semaphore_mem>>)
    %dma_start3A_7 = arith.constant 0 : i32
    %dma_start3A_8 = arith.constant 0 : i32
    %dma_start3A_9 = tpu.memref_slice %arg11[%dma_start3A_7, %dma_start3A_8] : memref<80x128xi32, #tpu.memory_space<vmem>> -> memref<1x128xi32, #tpu.memory_space<vmem>>
    %dma_start3A_10 = tpu.memref_squeeze %dma_start3A_9 : memref<1x128xi32, #tpu.memory_space<vmem>> -> memref<128xi32, #tpu.memory_space<vmem>>
    %dma_start3A_11 = arith.constant 0 : i32
    %dma_start3A_12 = arith.constant 0 : i32
    %dma_start3A_13 = tpu.memref_slice %arg3[%dma_start3A_11, %dma_start3A_12] : memref<10000x128xf32, #tpu.memory_space<hbm>> -> memref<10000x128xf32, #tpu.memory_space<hbm>>
    tpu.enqueue_indirect_dma source(%dma_start3A_13 : memref<10000x128xf32, #tpu.memory_space<hbm>>) target(%arg16 : memref<128x128xf32, #tpu.memory_space<vmem>>) offsets(%dma_start3A_10 : memref<128xi32, #tpu.memory_space<vmem>>) semaphore(%arg22 : memref<!tpu.dma_semaphore, #tpu.memory_space<semaphore_mem>>)
    %scan3A = arith.constant 0 : i32
    %scan3A_14 = arith.constant 0 : i32
    %scan3A_15 = arith.constant 40 : i32
    %scan3A_16 = arith.addi %scan3A_14, %scan3A_15 : i32
    %scan3A_17 = arith.constant 1 : i32
    scf.for %scan3A_30 = %scan3A_14 to %scan3A_16 step %scan3A_17  : i32 {
      %mul3A_31 = arith.constant 2 : i32
      %mul3A_32 = arith.muli %mul3A_31, %scan3A_30 : i32
      %add3A_33 = arith.constant 1 : i32
      %add3A_34 = arith.addi %mul3A_32, %add3A_33 : i32
      %dma_start3A_35 = arith.constant 0 : i32
      %dma_start3A_36 = tpu.memref_slice %arg10[%add3A_34, %dma_start3A_35] : memref<80x128xi32, #tpu.memory_space<vmem>> -> memref<1x128xi32, #tpu.memory_space<vmem>>
      %dma_start3A_37 = tpu.memref_squeeze %dma_start3A_36 : memref<1x128xi32, #tpu.memory_space<vmem>> -> memref<128xi32, #tpu.memory_space<vmem>>
      %dma_start3A_38 = arith.constant 0 : i32
      %dma_start3A_39 = arith.constant 0 : i32
      %dma_start3A_40 = tpu.memref_slice %arg2[%dma_start3A_38, %dma_start3A_39] : memref<10000x128xf32, #tpu.memory_space<hbm>> -> memref<10000x128xf32, #tpu.memory_space<hbm>>
      tpu.enqueue_indirect_dma source(%dma_start3A_40 : memref<10000x128xf32, #tpu.memory_space<hbm>>) target(%arg17 : memref<128x128xf32, #tpu.memory_space<vmem>>) offsets(%dma_start3A_37 : memref<128xi32, #tpu.memory_space<vmem>>) semaphore(%arg23 : memref<!tpu.dma_semaphore, #tpu.memory_space<semaphore_mem>>)
      %dma_start3A_41 = arith.constant 0 : i32
      %dma_start3A_42 = tpu.memref_slice %arg11[%add3A_34, %dma_start3A_41] : memref<80x128xi32, #tpu.memory_space<vmem>> -> memref<1x128xi32, #tpu.memory_space<vmem>>
      %dma_start3A_43 = tpu.memref_squeeze %dma_start3A_42 : memref<1x128xi32, #tpu.memory_space<vmem>> -> memref<128xi32, #tpu.memory_space<vmem>>
      %dma_start3A_44 = arith.constant 0 : i32
      %dma_start3A_45 = arith.constant 0 : i32
      %dma_start3A_46 = tpu.memref_slice %arg3[%dma_start3A_44, %dma_start3A_45] : memref<10000x128xf32, #tpu.memory_space<hbm>> -> memref<10000x128xf32, #tpu.memory_space<hbm>>
      tpu.enqueue_indirect_dma source(%dma_start3A_46 : memref<10000x128xf32, #tpu.memory_space<hbm>>) target(%arg18 : memref<128x128xf32, #tpu.memory_space<vmem>>) offsets(%dma_start3A_43 : memref<128xi32, #tpu.memory_space<vmem>>) semaphore(%arg23 : memref<!tpu.dma_semaphore, #tpu.memory_space<semaphore_mem>>)
      %get3A = arith.index_cast %mul3A_32 : i32 to index
      %get3A_47 = arith.constant 0 : index
      %get3A_48 = tpu.vector_load %arg10[%get3A, %get3A_47] {strides = array<i32>} : memref<80x128xi32, #tpu.memory_space<vmem>>, vector<16xi32>,
      %get3A_49 = arith.index_cast %mul3A_32 : i32 to index
      %get3A_50 = arith.constant 16 : index
      %get3A_51 = tpu.vector_load %arg10[%get3A_49, %get3A_50] {strides = array<i32>} : memref<80x128xi32, #tpu.memory_space<vmem>>, vector<16xi32>,
      %get3A_52 = arith.index_cast %mul3A_32 : i32 to index
      %get3A_53 = arith.constant 32 : index
      %get3A_54 = tpu.vector_load %arg10[%get3A_52, %get3A_53] {strides = array<i32>} : memref<80x128xi32, #tpu.memory_space<vmem>>, vector<16xi32>,
      %get3A_55 = arith.index_cast %mul3A_32 : i32 to index
      %get3A_56 = arith.constant 48 : index
      %get3A_57 = tpu.vector_load %arg10[%get3A_55, %get3A_56] {strides = array<i32>} : memref<80x128xi32, #tpu.memory_space<vmem>>, vector<16xi32>,
      %get3A_58 = arith.index_cast %mul3A_32 : i32 to index
      %get3A_59 = arith.constant 64 : index
      %get3A_60 = tpu.vector_load %arg10[%get3A_58, %get3A_59] {strides = array<i32>} : memref<80x128xi32, #tpu.memory_space<vmem>>, vector<16xi32>,
      %get3A_61 = arith.index_cast %mul3A_32 : i32 to index
      %get3A_62 = arith.constant 80 : index
      %get3A_63 = tpu.vector_load %arg10[%get3A_61, %get3A_62] {strides = array<i32>} : memref<80x128xi32, #tpu.memory_space<vmem>>, vector<16xi32>,
      %get3A_64 = arith.index_cast %mul3A_32 : i32 to index
      %get3A_65 = arith.constant 96 : index
      %get3A_66 = tpu.vector_load %arg10[%get3A_64, %get3A_65] {strides = array<i32>} : memref<80x128xi32, #tpu.memory_space<vmem>>, vector<16xi32>,
      %get3A_67 = arith.index_cast %mul3A_32 : i32 to index
      %get3A_68 = arith.constant 112 : index
      %get3A_69 = tpu.vector_load %arg10[%get3A_67, %get3A_68] {strides = array<i32>} : memref<80x128xi32, #tpu.memory_space<vmem>>, vector<16xi32>,
      %get3A_70 = arith.index_cast %mul3A_32 : i32 to index
      %get3A_71 = arith.constant 0 : index
      %get3A_72 = tpu.vector_load %arg11[%get3A_70, %get3A_71] {strides = array<i32>} : memref<80x128xi32, #tpu.memory_space<vmem>>, vector<16xi32>,
      %get3A_73 = arith.index_cast %mul3A_32 : i32 to index
      %get3A_74 = arith.constant 16 : index
      %get3A_75 = tpu.vector_load %arg11[%get3A_73, %get3A_74] {strides = array<i32>} : memref<80x128xi32, #tpu.memory_space<vmem>>, vector<16xi32>,
      %get3A_76 = arith.index_cast %mul3A_32 : i32 to index
      %get3A_77 = arith.constant 32 : index
      %get3A_78 = tpu.vector_load %arg11[%get3A_76, %get3A_77] {strides = array<i32>} : memref<80x128xi32, #tpu.memory_space<vmem>>, vector<16xi32>,
      %get3A_79 = arith.index_cast %mul3A_32 : i32 to index
      %get3A_80 = arith.constant 48 : index
      %get3A_81 = tpu.vector_load %arg11[%get3A_79, %get3A_80] {strides = array<i32>} : memref<80x128xi32, #tpu.memory_space<vmem>>, vector<16xi32>,
      %get3A_82 = arith.index_cast %mul3A_32 : i32 to index
      %get3A_83 = arith.constant 64 : index
      %get3A_84 = tpu.vector_load %arg11[%get3A_82, %get3A_83] {strides = array<i32>} : memref<80x128xi32, #tpu.memory_space<vmem>>, vector<16xi32>,
      %get3A_85 = arith.index_cast %mul3A_32 : i32 to index
      %get3A_86 = arith.constant 80 : index
      %get3A_87 = tpu.vector_load %arg11[%get3A_85, %get3A_86] {strides = array<i32>} : memref<80x128xi32, #tpu.memory_space<vmem>>, vector<16xi32>,
      %get3A_88 = arith.index_cast %mul3A_32 : i32 to index
      %get3A_89 = arith.constant 96 : index
      %get3A_90 = tpu.vector_load %arg11[%get3A_88, %get3A_89] {strides = array<i32>} : memref<80x128xi32, #tpu.memory_space<vmem>>, vector<16xi32>,
      %get3A_91 = arith.index_cast %mul3A_32 : i32 to index
      %get3A_92 = arith.constant 112 : index
      %get3A_93 = tpu.vector_load %arg11[%get3A_91, %get3A_92] {strides = array<i32>} : memref<80x128xi32, #tpu.memory_space<vmem>>, vector<16xi32>,
      %gather3A = tpu.vector_load_idx %arg12[%get3A_72] : memref<10240xf32, #tpu.memory_space<vmem>>[vector<16xi32>], vector<16xf32>,
      %gather3A_94 = tpu.vector_load_idx %arg12[%get3A_48] : memref<10240xf32, #tpu.memory_space<vmem>>[vector<16xi32>], vector<16xf32>,
      %sub3A = arith.subf %gather3A, %gather3A_94 : vector<16xf32>
      %gather3A_95 = tpu.vector_load_idx %arg12[%get3A_75] : memref<10240xf32, #tpu.memory_space<vmem>>[vector<16xi32>], vector<16xf32>,
      %gather3A_96 = tpu.vector_load_idx %arg12[%get3A_51] : memref<10240xf32, #tpu.memory_space<vmem>>[vector<16xi32>], vector<16xf32>,
      %sub3A_97 = arith.subf %gather3A_95, %gather3A_96 : vector<16xf32>
      %gather3A_98 = tpu.vector_load_idx %arg12[%get3A_78] : memref<10240xf32, #tpu.memory_space<vmem>>[vector<16xi32>], vector<16xf32>,
      %gather3A_99 = tpu.vector_load_idx %arg12[%get3A_54] : memref<10240xf32, #tpu.memory_space<vmem>>[vector<16xi32>], vector<16xf32>,
      %sub3A_100 = arith.subf %gather3A_98, %gather3A_99 : vector<16xf32>
      %gather3A_101 = tpu.vector_load_idx %arg12[%get3A_81] : memref<10240xf32, #tpu.memory_space<vmem>>[vector<16xi32>], vector<16xf32>,
      %gather3A_102 = tpu.vector_load_idx %arg12[%get3A_57] : memref<10240xf32, #tpu.memory_space<vmem>>[vector<16xi32>], vector<16xf32>,
      %sub3A_103 = arith.subf %gather3A_101, %gather3A_102 : vector<16xf32>
      %gather3A_104 = tpu.vector_load_idx %arg12[%get3A_84] : memref<10240xf32, #tpu.memory_space<vmem>>[vector<16xi32>], vector<16xf32>,
      %gather3A_105 = tpu.vector_load_idx %arg12[%get3A_60] : memref<10240xf32, #tpu.memory_space<vmem>>[vector<16xi32>], vector<16xf32>,
      %sub3A_106 = arith.subf %gather3A_104, %gather3A_105 : vector<16xf32>
      %gather3A_107 = tpu.vector_load_idx %arg12[%get3A_87] : memref<10240xf32, #tpu.memory_space<vmem>>[vector<16xi32>], vector<16xf32>,
      %gather3A_108 = tpu.vector_load_idx %arg12[%get3A_63] : memref<10240xf32, #tpu.memory_space<vmem>>[vector<16xi32>], vector<16xf32>,
      %sub3A_109 = arith.subf %gather3A_107, %gather3A_108 : vector<16xf32>
      %gather3A_110 = tpu.vector_load_idx %arg12[%get3A_90] : memref<10240xf32, #tpu.memory_space<vmem>>[vector<16xi32>], vector<16xf32>,
      %gather3A_111 = tpu.vector_load_idx %arg12[%get3A_66] : memref<10240xf32, #tpu.memory_space<vmem>>[vector<16xi32>], vector<16xf32>,
      %sub3A_112 = arith.subf %gather3A_110, %gather3A_111 : vector<16xf32>
      %gather3A_113 = tpu.vector_load_idx %arg12[%get3A_93] : memref<10240xf32, #tpu.memory_space<vmem>>[vector<16xi32>], vector<16xf32>,
      %gather3A_114 = tpu.vector_load_idx %arg12[%get3A_69] : memref<10240xf32, #tpu.memory_space<vmem>>[vector<16xi32>], vector<16xf32>,
      %sub3A_115 = arith.subf %gather3A_113, %gather3A_114 : vector<16xf32>
      %gather3A_116 = tpu.vector_load_idx %arg13[%get3A_72] : memref<10240xf32, #tpu.memory_space<vmem>>[vector<16xi32>], vector<16xf32>,
      %gather3A_117 = tpu.vector_load_idx %arg13[%get3A_48] : memref<10240xf32, #tpu.memory_space<vmem>>[vector<16xi32>], vector<16xf32>,
      %sub3A_118 = arith.subf %gather3A_116, %gather3A_117 : vector<16xf32>
      %gather3A_119 = tpu.vector_load_idx %arg13[%get3A_75] : memref<10240xf32, #tpu.memory_space<vmem>>[vector<16xi32>], vector<16xf32>,
      %gather3A_120 = tpu.vector_load_idx %arg13[%get3A_51] : memref<10240xf32, #tpu.memory_space<vmem>>[vector<16xi32>], vector<16xf32>,
      %sub3A_121 = arith.subf %gather3A_119, %gather3A_120 : vector<16xf32>
      %gather3A_122 = tpu.vector_load_idx %arg13[%get3A_78] : memref<10240xf32, #tpu.memory_space<vmem>>[vector<16xi32>], vector<16xf32>,
      %gather3A_123 = tpu.vector_load_idx %arg13[%get3A_54] : memref<10240xf32, #tpu.memory_space<vmem>>[vector<16xi32>], vector<16xf32>,
      %sub3A_124 = arith.subf %gather3A_122, %gather3A_123 : vector<16xf32>
      %gather3A_125 = tpu.vector_load_idx %arg13[%get3A_81] : memref<10240xf32, #tpu.memory_space<vmem>>[vector<16xi32>], vector<16xf32>,
      %gather3A_126 = tpu.vector_load_idx %arg13[%get3A_57] : memref<10240xf32, #tpu.memory_space<vmem>>[vector<16xi32>], vector<16xf32>,
      %sub3A_127 = arith.subf %gather3A_125, %gather3A_126 : vector<16xf32>
      %gather3A_128 = tpu.vector_load_idx %arg13[%get3A_84] : memref<10240xf32, #tpu.memory_space<vmem>>[vector<16xi32>], vector<16xf32>,
      %gather3A_129 = tpu.vector_load_idx %arg13[%get3A_60] : memref<10240xf32, #tpu.memory_space<vmem>>[vector<16xi32>], vector<16xf32>,
      %sub3A_130 = arith.subf %gather3A_128, %gather3A_129 : vector<16xf32>
      %gather3A_131 = tpu.vector_load_idx %arg13[%get3A_87] : memref<10240xf32, #tpu.memory_space<vmem>>[vector<16xi32>], vector<16xf32>,
      %gather3A_132 = tpu.vector_load_idx %arg13[%get3A_63] : memref<10240xf32, #tpu.memory_space<vmem>>[vector<16xi32>], vector<16xf32>,
      %sub3A_133 = arith.subf %gather3A_131, %gather3A_132 : vector<16xf32>
      %gather3A_134 = tpu.vector_load_idx %arg13[%get3A_90] : memref<10240xf32, #tpu.memory_space<vmem>>[vector<16xi32>], vector<16xf32>,
      %gather3A_135 = tpu.vector_load_idx %arg13[%get3A_66] : memref<10240xf32, #tpu.memory_space<vmem>>[vector<16xi32>], vector<16xf32>,
      %sub3A_136 = arith.subf %gather3A_134, %gather3A_135 : vector<16xf32>
      %gather3A_137 = tpu.vector_load_idx %arg13[%get3A_93] : memref<10240xf32, #tpu.memory_space<vmem>>[vector<16xi32>], vector<16xf32>,
      %gather3A_138 = tpu.vector_load_idx %arg13[%get3A_69] : memref<10240xf32, #tpu.memory_space<vmem>>[vector<16xi32>], vector<16xf32>,
      %sub3A_139 = arith.subf %gather3A_137, %gather3A_138 : vector<16xf32>
      %gather3A_140 = tpu.vector_load_idx %arg14[%get3A_72] : memref<10240xf32, #tpu.memory_space<vmem>>[vector<16xi32>], vector<16xf32>,
      %gather3A_141 = tpu.vector_load_idx %arg14[%get3A_48] : memref<10240xf32, #tpu.memory_space<vmem>>[vector<16xi32>], vector<16xf32>,
      %sub3A_142 = arith.subf %gather3A_140, %gather3A_141 : vector<16xf32>
      %gather3A_143 = tpu.vector_load_idx %arg14[%get3A_75] : memref<10240xf32, #tpu.memory_space<vmem>>[vector<16xi32>], vector<16xf32>,
      %gather3A_144 = tpu.vector_load_idx %arg14[%get3A_51] : memref<10240xf32, #tpu.memory_space<vmem>>[vector<16xi32>], vector<16xf32>,
      %sub3A_145 = arith.subf %gather3A_143, %gather3A_144 : vector<16xf32>
      %gather3A_146 = tpu.vector_load_idx %arg14[%get3A_78] : memref<10240xf32, #tpu.memory_space<vmem>>[vector<16xi32>], vector<16xf32>,
      %gather3A_147 = tpu.vector_load_idx %arg14[%get3A_54] : memref<10240xf32, #tpu.memory_space<vmem>>[vector<16xi32>], vector<16xf32>,
      %sub3A_148 = arith.subf %gather3A_146, %gather3A_147 : vector<16xf32>
      %gather3A_149 = tpu.vector_load_idx %arg14[%get3A_81] : memref<10240xf32, #tpu.memory_space<vmem>>[vector<16xi32>], vector<16xf32>,
      %gather3A_150 = tpu.vector_load_idx %arg14[%get3A_57] : memref<10240xf32, #tpu.memory_space<vmem>>[vector<16xi32>], vector<16xf32>,
      %sub3A_151 = arith.subf %gather3A_149, %gather3A_150 : vector<16xf32>
      %gather3A_152 = tpu.vector_load_idx %arg14[%get3A_84] : memref<10240xf32, #tpu.memory_space<vmem>>[vector<16xi32>], vector<16xf32>,
      %gather3A_153 = tpu.vector_load_idx %arg14[%get3A_60] : memref<10240xf32, #tpu.memory_space<vmem>>[vector<16xi32>], vector<16xf32>,
      %sub3A_154 = arith.subf %gather3A_152, %gather3A_153 : vector<16xf32>
      %gather3A_155 = tpu.vector_load_idx %arg14[%get3A_87] : memref<10240xf32, #tpu.memory_space<vmem>>[vector<16xi32>], vector<16xf32>,
      %gather3A_156 = tpu.vector_load_idx %arg14[%get3A_63] : memref<10240xf32, #tpu.memory_space<vmem>>[vector<16xi32>], vector<16xf32>,
      %sub3A_157 = arith.subf %gather3A_155, %gather3A_156 : vector<16xf32>
      %gather3A_158 = tpu.vector_load_idx %arg14[%get3A_90] : memref<10240xf32, #tpu.memory_space<vmem>>[vector<16xi32>], vector<16xf32>,
      %gather3A_159 = tpu.vector_load_idx %arg14[%get3A_66] : memref<10240xf32, #tpu.memory_space<vmem>>[vector<16xi32>], vector<16xf32>,
      %sub3A_160 = arith.subf %gather3A_158, %gather3A_159 : vector<16xf32>
      %gather3A_161 = tpu.vector_load_idx %arg14[%get3A_93] : memref<10240xf32, #tpu.memory_space<vmem>>[vector<16xi32>], vector<16xf32>,
      %gather3A_162 = tpu.vector_load_idx %arg14[%get3A_69] : memref<10240xf32, #tpu.memory_space<vmem>>[vector<16xi32>], vector<16xf32>,
      %sub3A_163 = arith.subf %gather3A_161, %gather3A_162 : vector<16xf32>
      %mul3A_164 = arith.mulf %sub3A, %sub3A : vector<16xf32>
      %mul3A_165 = arith.mulf %sub3A_118, %sub3A_118 : vector<16xf32>
      %add3A_166 = arith.addf %mul3A_164, %mul3A_165 : vector<16xf32>
      %mul3A_167 = arith.mulf %sub3A_142, %sub3A_142 : vector<16xf32>
      %add3A_168 = arith.addf %add3A_166, %mul3A_167 : vector<16xf32>
      %mul3A_169 = arith.mulf %sub3A_97, %sub3A_97 : vector<16xf32>
      %mul3A_170 = arith.mulf %sub3A_121, %sub3A_121 : vector<16xf32>
      %add3A_171 = arith.addf %mul3A_169, %mul3A_170 : vector<16xf32>
      %mul3A_172 = arith.mulf %sub3A_145, %sub3A_145 : vector<16xf32>
      %add3A_173 = arith.addf %add3A_171, %mul3A_172 : vector<16xf32>
      %mul3A_174 = arith.mulf %sub3A_100, %sub3A_100 : vector<16xf32>
      %mul3A_175 = arith.mulf %sub3A_124, %sub3A_124 : vector<16xf32>
      %add3A_176 = arith.addf %mul3A_174, %mul3A_175 : vector<16xf32>
      %mul3A_177 = arith.mulf %sub3A_148, %sub3A_148 : vector<16xf32>
      %add3A_178 = arith.addf %add3A_176, %mul3A_177 : vector<16xf32>
      %mul3A_179 = arith.mulf %sub3A_103, %sub3A_103 : vector<16xf32>
      %mul3A_180 = arith.mulf %sub3A_127, %sub3A_127 : vector<16xf32>
      %add3A_181 = arith.addf %mul3A_179, %mul3A_180 : vector<16xf32>
      %mul3A_182 = arith.mulf %sub3A_151, %sub3A_151 : vector<16xf32>
      %add3A_183 = arith.addf %add3A_181, %mul3A_182 : vector<16xf32>
      %mul3A_184 = arith.mulf %sub3A_106, %sub3A_106 : vector<16xf32>
      %mul3A_185 = arith.mulf %sub3A_130, %sub3A_130 : vector<16xf32>
      %add3A_186 = arith.addf %mul3A_184, %mul3A_185 : vector<16xf32>
      %mul3A_187 = arith.mulf %sub3A_154, %sub3A_154 : vector<16xf32>
      %add3A_188 = arith.addf %add3A_186, %mul3A_187 : vector<16xf32>
      %mul3A_189 = arith.mulf %sub3A_109, %sub3A_109 : vector<16xf32>
      %mul3A_190 = arith.mulf %sub3A_133, %sub3A_133 : vector<16xf32>
      %add3A_191 = arith.addf %mul3A_189, %mul3A_190 : vector<16xf32>
      %mul3A_192 = arith.mulf %sub3A_157, %sub3A_157 : vector<16xf32>
      %add3A_193 = arith.addf %add3A_191, %mul3A_192 : vector<16xf32>
      %mul3A_194 = arith.mulf %sub3A_112, %sub3A_112 : vector<16xf32>
      %mul3A_195 = arith.mulf %sub3A_136, %sub3A_136 : vector<16xf32>
      %add3A_196 = arith.addf %mul3A_194, %mul3A_195 : vector<16xf32>
      %mul3A_197 = arith.mulf %sub3A_160, %sub3A_160 : vector<16xf32>
      %add3A_198 = arith.addf %add3A_196, %mul3A_197 : vector<16xf32>
      %mul3A_199 = arith.mulf %sub3A_115, %sub3A_115 : vector<16xf32>
      %mul3A_200 = arith.mulf %sub3A_139, %sub3A_139 : vector<16xf32>
      %add3A_201 = arith.addf %mul3A_199, %mul3A_200 : vector<16xf32>
      %mul3A_202 = arith.mulf %sub3A_163, %sub3A_163 : vector<16xf32>
      %add3A_203 = arith.addf %add3A_201, %mul3A_202 : vector<16xf32>
      %max3A = arith.constant 1.000000e-30 : f32
      %max3A_204 = vector.broadcast %max3A : f32 to vector<16xf32>
      %max3A_205 = arith.maximumf %add3A_168, %max3A_204 : vector<16xf32>
      %max3A_206 = arith.constant 1.000000e-30 : f32
      %max3A_207 = vector.broadcast %max3A_206 : f32 to vector<16xf32>
      %max3A_208 = arith.maximumf %add3A_173, %max3A_207 : vector<16xf32>
      %max3A_209 = arith.constant 1.000000e-30 : f32
      %max3A_210 = vector.broadcast %max3A_209 : f32 to vector<16xf32>
      %max3A_211 = arith.maximumf %add3A_178, %max3A_210 : vector<16xf32>
      %max3A_212 = arith.constant 1.000000e-30 : f32
      %max3A_213 = vector.broadcast %max3A_212 : f32 to vector<16xf32>
      %max3A_214 = arith.maximumf %add3A_183, %max3A_213 : vector<16xf32>
      %max3A_215 = arith.constant 1.000000e-30 : f32
      %max3A_216 = vector.broadcast %max3A_215 : f32 to vector<16xf32>
      %max3A_217 = arith.maximumf %add3A_188, %max3A_216 : vector<16xf32>
      %max3A_218 = arith.constant 1.000000e-30 : f32
      %max3A_219 = vector.broadcast %max3A_218 : f32 to vector<16xf32>
      %max3A_220 = arith.maximumf %add3A_193, %max3A_219 : vector<16xf32>
      %max3A_221 = arith.constant 1.000000e-30 : f32
      %max3A_222 = vector.broadcast %max3A_221 : f32 to vector<16xf32>
      %max3A_223 = arith.maximumf %add3A_198, %max3A_222 : vector<16xf32>
      %max3A_224 = arith.constant 1.000000e-30 : f32
      %max3A_225 = vector.broadcast %max3A_224 : f32 to vector<16xf32>
      %max3A_226 = arith.maximumf %add3A_203, %max3A_225 : vector<16xf32>
      %bitcast_convert_type3A = tpu.bitcast %max3A_205 : vector<16xf32> -> vector<16xi32>
      %bitcast_convert_type3A_227 = tpu.bitcast %max3A_208 : vector<16xf32> -> vector<16xi32>
      %bitcast_convert_type3A_228 = tpu.bitcast %max3A_211 : vector<16xf32> -> vector<16xi32>
      %bitcast_convert_type3A_229 = tpu.bitcast %max3A_214 : vector<16xf32> -> vector<16xi32>
      %bitcast_convert_type3A_230 = tpu.bitcast %max3A_217 : vector<16xf32> -> vector<16xi32>
      %bitcast_convert_type3A_231 = tpu.bitcast %max3A_220 : vector<16xf32> -> vector<16xi32>
      %bitcast_convert_type3A_232 = tpu.bitcast %max3A_223 : vector<16xf32> -> vector<16xi32>
      %bitcast_convert_type3A_233 = tpu.bitcast %max3A_226 : vector<16xf32> -> vector<16xi32>
      %shift_right_arithmetic3A = arith.constant 1 : i32
      %shift_right_arithmetic3A_234 = vector.broadcast %shift_right_arithmetic3A : i32 to vector<16xi32>
      %shift_right_arithmetic3A_235 = arith.shrsi %bitcast_convert_type3A, %shift_right_arithmetic3A_234 : vector<16xi32>
      %sub3A_236 = arith.constant 1597463007 : i32
      %sub3A_237 = vector.broadcast %sub3A_236 : i32 to vector<16xi32>
      %sub3A_238 = arith.subi %sub3A_237, %shift_right_arithmetic3A_235 : vector<16xi32>
      %bitcast_convert_type3A_239 = tpu.bitcast %sub3A_238 : vector<16xi32> -> vector<16xf32>
      %shift_right_arithmetic3A_240 = arith.constant 1 : i32
      %shift_right_arithmetic3A_241 = vector.broadcast %shift_right_arithmetic3A_240 : i32 to vector<16xi32>
      %shift_right_arithmetic3A_242 = arith.shrsi %bitcast_convert_type3A_227, %shift_right_arithmetic3A_241 : vector<16xi32>
      %sub3A_243 = arith.constant 1597463007 : i32
      %sub3A_244 = vector.broadcast %sub3A_243 : i32 to vector<16xi32>
      %sub3A_245 = arith.subi %sub3A_244, %shift_right_arithmetic3A_242 : vector<16xi32>
      %bitcast_convert_type3A_246 = tpu.bitcast %sub3A_245 : vector<16xi32> -> vector<16xf32>
      %shift_right_arithmetic3A_247 = arith.constant 1 : i32
      %shift_right_arithmetic3A_248 = vector.broadcast %shift_right_arithmetic3A_247 : i32 to vector<16xi32>
      %shift_right_arithmetic3A_249 = arith.shrsi %bitcast_convert_type3A_228, %shift_right_arithmetic3A_248 : vector<16xi32>
      %sub3A_250 = arith.constant 1597463007 : i32
      %sub3A_251 = vector.broadcast %sub3A_250 : i32 to vector<16xi32>
      %sub3A_252 = arith.subi %sub3A_251, %shift_right_arithmetic3A_249 : vector<16xi32>
      %bitcast_convert_type3A_253 = tpu.bitcast %sub3A_252 : vector<16xi32> -> vector<16xf32>
      %shift_right_arithmetic3A_254 = arith.constant 1 : i32
      %shift_right_arithmetic3A_255 = vector.broadcast %shift_right_arithmetic3A_254 : i32 to vector<16xi32>
      %shift_right_arithmetic3A_256 = arith.shrsi %bitcast_convert_type3A_229, %shift_right_arithmetic3A_255 : vector<16xi32>
      %sub3A_257 = arith.constant 1597463007 : i32
      %sub3A_258 = vector.broadcast %sub3A_257 : i32 to vector<16xi32>
      %sub3A_259 = arith.subi %sub3A_258, %shift_right_arithmetic3A_256 : vector<16xi32>
      %bitcast_convert_type3A_260 = tpu.bitcast %sub3A_259 : vector<16xi32> -> vector<16xf32>
      %shift_right_arithmetic3A_261 = arith.constant 1 : i32
      %shift_right_arithmetic3A_262 = vector.broadcast %shift_right_arithmetic3A_261 : i32 to vector<16xi32>
      %shift_right_arithmetic3A_263 = arith.shrsi %bitcast_convert_type3A_230, %shift_right_arithmetic3A_262 : vector<16xi32>
      %sub3A_264 = arith.constant 1597463007 : i32
      %sub3A_265 = vector.broadcast %sub3A_264 : i32 to vector<16xi32>
      %sub3A_266 = arith.subi %sub3A_265, %shift_right_arithmetic3A_263 : vector<16xi32>
      %bitcast_convert_type3A_267 = tpu.bitcast %sub3A_266 : vector<16xi32> -> vector<16xf32>
      %shift_right_arithmetic3A_268 = arith.constant 1 : i32
      %shift_right_arithmetic3A_269 = vector.broadcast %shift_right_arithmetic3A_268 : i32 to vector<16xi32>
      %shift_right_arithmetic3A_270 = arith.shrsi %bitcast_convert_type3A_231, %shift_right_arithmetic3A_269 : vector<16xi32>
      %sub3A_271 = arith.constant 1597463007 : i32
      %sub3A_272 = vector.broadcast %sub3A_271 : i32 to vector<16xi32>
      %sub3A_273 = arith.subi %sub3A_272, %shift_right_arithmetic3A_270 : vector<16xi32>
      %bitcast_convert_type3A_274 = tpu.bitcast %sub3A_273 : vector<16xi32> -> vector<16xf32>
      %shift_right_arithmetic3A_275 = arith.constant 1 : i32
      %shift_right_arithmetic3A_276 = vector.broadcast %shift_right_arithmetic3A_275 : i32 to vector<16xi32>
      %shift_right_arithmetic3A_277 = arith.shrsi %bitcast_convert_type3A_232, %shift_right_arithmetic3A_276 : vector<16xi32>
      %sub3A_278 = arith.constant 1597463007 : i32
      %sub3A_279 = vector.broadcast %sub3A_278 : i32 to vector<16xi32>
      %sub3A_280 = arith.subi %sub3A_279, %shift_right_arithmetic3A_277 : vector<16xi32>
      %bitcast_convert_type3A_281 = tpu.bitcast %sub3A_280 : vector<16xi32> -> vector<16xf32>
      %shift_right_arithmetic3A_282 = arith.constant 1 : i32
      %shift_right_arithmetic3A_283 = vector.broadcast %shift_right_arithmetic3A_282 : i32 to vector<16xi32>
      %shift_right_arithmetic3A_284 = arith.shrsi %bitcast_convert_type3A_233, %shift_right_arithmetic3A_283 : vector<16xi32>
      %sub3A_285 = arith.constant 1597463007 : i32
      %sub3A_286 = vector.broadcast %sub3A_285 : i32 to vector<16xi32>
      %sub3A_287 = arith.subi %sub3A_286, %shift_right_arithmetic3A_284 : vector<16xi32>
      %bitcast_convert_type3A_288 = tpu.bitcast %sub3A_287 : vector<16xi32> -> vector<16xf32>
      %mul3A_289 = arith.constant 5.000000e-01 : f32
      %mul3A_290 = vector.broadcast %mul3A_289 : f32 to vector<16xf32>
      %mul3A_291 = arith.mulf %mul3A_290, %max3A_205 : vector<16xf32>
      %mul3A_292 = arith.mulf %mul3A_291, %bitcast_convert_type3A_239 : vector<16xf32>
      %mul3A_293 = arith.mulf %mul3A_292, %bitcast_convert_type3A_239 : vector<16xf32>
      %sub3A_294 = arith.constant 1.500000e+00 : f32
      %sub3A_295 = vector.broadcast %sub3A_294 : f32 to vector<16xf32>
      %sub3A_296 = arith.subf %sub3A_295, %mul3A_293 : vector<16xf32>
      %mul3A_297 = arith.mulf %bitcast_convert_type3A_239, %sub3A_296 : vector<16xf32>
      %mul3A_298 = arith.constant 5.000000e-01 : f32
      %mul3A_299 = vector.broadcast %mul3A_298 : f32 to vector<16xf32>
      %mul3A_300 = arith.mulf %mul3A_299, %max3A_208 : vector<16xf32>
      %mul3A_301 = arith.mulf %mul3A_300, %bitcast_convert_type3A_246 : vector<16xf32>
      %mul3A_302 = arith.mulf %mul3A_301, %bitcast_convert_type3A_246 : vector<16xf32>
      %sub3A_303 = arith.constant 1.500000e+00 : f32
      %sub3A_304 = vector.broadcast %sub3A_303 : f32 to vector<16xf32>
      %sub3A_305 = arith.subf %sub3A_304, %mul3A_302 : vector<16xf32>
      %mul3A_306 = arith.mulf %bitcast_convert_type3A_246, %sub3A_305 : vector<16xf32>
      %mul3A_307 = arith.constant 5.000000e-01 : f32
      %mul3A_308 = vector.broadcast %mul3A_307 : f32 to vector<16xf32>
      %mul3A_309 = arith.mulf %mul3A_308, %max3A_211 : vector<16xf32>
      %mul3A_310 = arith.mulf %mul3A_309, %bitcast_convert_type3A_253 : vector<16xf32>
      %mul3A_311 = arith.mulf %mul3A_310, %bitcast_convert_type3A_253 : vector<16xf32>
      %sub3A_312 = arith.constant 1.500000e+00 : f32
      %sub3A_313 = vector.broadcast %sub3A_312 : f32 to vector<16xf32>
      %sub3A_314 = arith.subf %sub3A_313, %mul3A_311 : vector<16xf32>
      %mul3A_315 = arith.mulf %bitcast_convert_type3A_253, %sub3A_314 : vector<16xf32>
      %mul3A_316 = arith.constant 5.000000e-01 : f32
      %mul3A_317 = vector.broadcast %mul3A_316 : f32 to vector<16xf32>
      %mul3A_318 = arith.mulf %mul3A_317, %max3A_214 : vector<16xf32>
      %mul3A_319 = arith.mulf %mul3A_318, %bitcast_convert_type3A_260 : vector<16xf32>
      %mul3A_320 = arith.mulf %mul3A_319, %bitcast_convert_type3A_260 : vector<16xf32>
      %sub3A_321 = arith.constant 1.500000e+00 : f32
      %sub3A_322 = vector.broadcast %sub3A_321 : f32 to vector<16xf32>
      %sub3A_323 = arith.subf %sub3A_322, %mul3A_320 : vector<16xf32>
      %mul3A_324 = arith.mulf %bitcast_convert_type3A_260, %sub3A_323 : vector<16xf32>
      %mul3A_325 = arith.constant 5.000000e-01 : f32
      %mul3A_326 = vector.broadcast %mul3A_325 : f32 to vector<16xf32>
      %mul3A_327 = arith.mulf %mul3A_326, %max3A_217 : vector<16xf32>
      %mul3A_328 = arith.mulf %mul3A_327, %bitcast_convert_type3A_267 : vector<16xf32>
      %mul3A_329 = arith.mulf %mul3A_328, %bitcast_convert_type3A_267 : vector<16xf32>
      %sub3A_330 = arith.constant 1.500000e+00 : f32
      %sub3A_331 = vector.broadcast %sub3A_330 : f32 to vector<16xf32>
      %sub3A_332 = arith.subf %sub3A_331, %mul3A_329 : vector<16xf32>
      %mul3A_333 = arith.mulf %bitcast_convert_type3A_267, %sub3A_332 : vector<16xf32>
      %mul3A_334 = arith.constant 5.000000e-01 : f32
      %mul3A_335 = vector.broadcast %mul3A_334 : f32 to vector<16xf32>
      %mul3A_336 = arith.mulf %mul3A_335, %max3A_220 : vector<16xf32>
      %mul3A_337 = arith.mulf %mul3A_336, %bitcast_convert_type3A_274 : vector<16xf32>
      %mul3A_338 = arith.mulf %mul3A_337, %bitcast_convert_type3A_274 : vector<16xf32>
      %sub3A_339 = arith.constant 1.500000e+00 : f32
      %sub3A_340 = vector.broadcast %sub3A_339 : f32 to vector<16xf32>
      %sub3A_341 = arith.subf %sub3A_340, %mul3A_338 : vector<16xf32>
      %mul3A_342 = arith.mulf %bitcast_convert_type3A_274, %sub3A_341 : vector<16xf32>
      %mul3A_343 = arith.constant 5.000000e-01 : f32
      %mul3A_344 = vector.broadcast %mul3A_343 : f32 to vector<16xf32>
      %mul3A_345 = arith.mulf %mul3A_344, %max3A_223 : vector<16xf32>
      %mul3A_346 = arith.mulf %mul3A_345, %bitcast_convert_type3A_281 : vector<16xf32>
      %mul3A_347 = arith.mulf %mul3A_346, %bitcast_convert_type3A_281 : vector<16xf32>
      %sub3A_348 = arith.constant 1.500000e+00 : f32
      %sub3A_349 = vector.broadcast %sub3A_348 : f32 to vector<16xf32>
      %sub3A_350 = arith.subf %sub3A_349, %mul3A_347 : vector<16xf32>
      %mul3A_351 = arith.mulf %bitcast_convert_type3A_281, %sub3A_350 : vector<16xf32>
      %mul3A_352 = arith.constant 5.000000e-01 : f32
      %mul3A_353 = vector.broadcast %mul3A_352 : f32 to vector<16xf32>
      %mul3A_354 = arith.mulf %mul3A_353, %max3A_226 : vector<16xf32>
      %mul3A_355 = arith.mulf %mul3A_354, %bitcast_convert_type3A_288 : vector<16xf32>
      %mul3A_356 = arith.mulf %mul3A_355, %bitcast_convert_type3A_288 : vector<16xf32>
      %sub3A_357 = arith.constant 1.500000e+00 : f32
      %sub3A_358 = vector.broadcast %sub3A_357 : f32 to vector<16xf32>
      %sub3A_359 = arith.subf %sub3A_358, %mul3A_356 : vector<16xf32>
      %mul3A_360 = arith.mulf %bitcast_convert_type3A_288, %sub3A_359 : vector<16xf32>
      %mul3A_361 = arith.constant 5.000000e-01 : f32
      %mul3A_362 = vector.broadcast %mul3A_361 : f32 to vector<16xf32>
      %mul3A_363 = arith.mulf %mul3A_362, %max3A_205 : vector<16xf32>
      %mul3A_364 = arith.mulf %mul3A_363, %mul3A_297 : vector<16xf32>
      %mul3A_365 = arith.mulf %mul3A_364, %mul3A_297 : vector<16xf32>
      %sub3A_366 = arith.constant 1.500000e+00 : f32
      %sub3A_367 = vector.broadcast %sub3A_366 : f32 to vector<16xf32>
      %sub3A_368 = arith.subf %sub3A_367, %mul3A_365 : vector<16xf32>
      %mul3A_369 = arith.mulf %mul3A_297, %sub3A_368 : vector<16xf32>
      %mul3A_370 = arith.constant 5.000000e-01 : f32
      %mul3A_371 = vector.broadcast %mul3A_370 : f32 to vector<16xf32>
      %mul3A_372 = arith.mulf %mul3A_371, %max3A_208 : vector<16xf32>
      %mul3A_373 = arith.mulf %mul3A_372, %mul3A_306 : vector<16xf32>
      %mul3A_374 = arith.mulf %mul3A_373, %mul3A_306 : vector<16xf32>
      %sub3A_375 = arith.constant 1.500000e+00 : f32
      %sub3A_376 = vector.broadcast %sub3A_375 : f32 to vector<16xf32>
      %sub3A_377 = arith.subf %sub3A_376, %mul3A_374 : vector<16xf32>
      %mul3A_378 = arith.mulf %mul3A_306, %sub3A_377 : vector<16xf32>
      %mul3A_379 = arith.constant 5.000000e-01 : f32
      %mul3A_380 = vector.broadcast %mul3A_379 : f32 to vector<16xf32>
      %mul3A_381 = arith.mulf %mul3A_380, %max3A_211 : vector<16xf32>
      %mul3A_382 = arith.mulf %mul3A_381, %mul3A_315 : vector<16xf32>
      %mul3A_383 = arith.mulf %mul3A_382, %mul3A_315 : vector<16xf32>
      %sub3A_384 = arith.constant 1.500000e+00 : f32
      %sub3A_385 = vector.broadcast %sub3A_384 : f32 to vector<16xf32>
      %sub3A_386 = arith.subf %sub3A_385, %mul3A_383 : vector<16xf32>
      %mul3A_387 = arith.mulf %mul3A_315, %sub3A_386 : vector<16xf32>
      %mul3A_388 = arith.constant 5.000000e-01 : f32
      %mul3A_389 = vector.broadcast %mul3A_388 : f32 to vector<16xf32>
      %mul3A_390 = arith.mulf %mul3A_389, %max3A_214 : vector<16xf32>
      %mul3A_391 = arith.mulf %mul3A_390, %mul3A_324 : vector<16xf32>
      %mul3A_392 = arith.mulf %mul3A_391, %mul3A_324 : vector<16xf32>
      %sub3A_393 = arith.constant 1.500000e+00 : f32
      %sub3A_394 = vector.broadcast %sub3A_393 : f32 to vector<16xf32>
      %sub3A_395 = arith.subf %sub3A_394, %mul3A_392 : vector<16xf32>
      %mul3A_396 = arith.mulf %mul3A_324, %sub3A_395 : vector<16xf32>
      %mul3A_397 = arith.constant 5.000000e-01 : f32
      %mul3A_398 = vector.broadcast %mul3A_397 : f32 to vector<16xf32>
      %mul3A_399 = arith.mulf %mul3A_398, %max3A_217 : vector<16xf32>
      %mul3A_400 = arith.mulf %mul3A_399, %mul3A_333 : vector<16xf32>
      %mul3A_401 = arith.mulf %mul3A_400, %mul3A_333 : vector<16xf32>
      %sub3A_402 = arith.constant 1.500000e+00 : f32
      %sub3A_403 = vector.broadcast %sub3A_402 : f32 to vector<16xf32>
      %sub3A_404 = arith.subf %sub3A_403, %mul3A_401 : vector<16xf32>
      %mul3A_405 = arith.mulf %mul3A_333, %sub3A_404 : vector<16xf32>
      %mul3A_406 = arith.constant 5.000000e-01 : f32
      %mul3A_407 = vector.broadcast %mul3A_406 : f32 to vector<16xf32>
      %mul3A_408 = arith.mulf %mul3A_407, %max3A_220 : vector<16xf32>
      %mul3A_409 = arith.mulf %mul3A_408, %mul3A_342 : vector<16xf32>
      %mul3A_410 = arith.mulf %mul3A_409, %mul3A_342 : vector<16xf32>
      %sub3A_411 = arith.constant 1.500000e+00 : f32
      %sub3A_412 = vector.broadcast %sub3A_411 : f32 to vector<16xf32>
      %sub3A_413 = arith.subf %sub3A_412, %mul3A_410 : vector<16xf32>
      %mul3A_414 = arith.mulf %mul3A_342, %sub3A_413 : vector<16xf32>
      %mul3A_415 = arith.constant 5.000000e-01 : f32
      %mul3A_416 = vector.broadcast %mul3A_415 : f32 to vector<16xf32>
      %mul3A_417 = arith.mulf %mul3A_416, %max3A_223 : vector<16xf32>
      %mul3A_418 = arith.mulf %mul3A_417, %mul3A_351 : vector<16xf32>
      %mul3A_419 = arith.mulf %mul3A_418, %mul3A_351 : vector<16xf32>
      %sub3A_420 = arith.constant 1.500000e+00 : f32
      %sub3A_421 = vector.broadcast %sub3A_420 : f32 to vector<16xf32>
      %sub3A_422 = arith.subf %sub3A_421, %mul3A_419 : vector<16xf32>
      %mul3A_423 = arith.mulf %mul3A_351, %sub3A_422 : vector<16xf32>
      %mul3A_424 = arith.constant 5.000000e-01 : f32
      %mul3A_425 = vector.broadcast %mul3A_424 : f32 to vector<16xf32>
      %mul3A_426 = arith.mulf %mul3A_425, %max3A_226 : vector<16xf32>
      %mul3A_427 = arith.mulf %mul3A_426, %mul3A_360 : vector<16xf32>
      %mul3A_428 = arith.mulf %mul3A_427, %mul3A_360 : vector<16xf32>
      %sub3A_429 = arith.constant 1.500000e+00 : f32
      %sub3A_430 = vector.broadcast %sub3A_429 : f32 to vector<16xf32>
      %sub3A_431 = arith.subf %sub3A_430, %mul3A_428 : vector<16xf32>
      %mul3A_432 = arith.mulf %mul3A_360, %sub3A_431 : vector<16xf32>
      %mul3A_433 = arith.constant 5.000000e-01 : f32
      %mul3A_434 = vector.broadcast %mul3A_433 : f32 to vector<16xf32>
      %mul3A_435 = arith.mulf %mul3A_434, %max3A_205 : vector<16xf32>
      %mul3A_436 = arith.mulf %mul3A_435, %mul3A_369 : vector<16xf32>
      %mul3A_437 = arith.mulf %mul3A_436, %mul3A_369 : vector<16xf32>
      %sub3A_438 = arith.constant 1.500000e+00 : f32
      %sub3A_439 = vector.broadcast %sub3A_438 : f32 to vector<16xf32>
      %sub3A_440 = arith.subf %sub3A_439, %mul3A_437 : vector<16xf32>
      %mul3A_441 = arith.mulf %mul3A_369, %sub3A_440 : vector<16xf32>
      %mul3A_442 = arith.constant 5.000000e-01 : f32
      %mul3A_443 = vector.broadcast %mul3A_442 : f32 to vector<16xf32>
      %mul3A_444 = arith.mulf %mul3A_443, %max3A_208 : vector<16xf32>
      %mul3A_445 = arith.mulf %mul3A_444, %mul3A_378 : vector<16xf32>
      %mul3A_446 = arith.mulf %mul3A_445, %mul3A_378 : vector<16xf32>
      %sub3A_447 = arith.constant 1.500000e+00 : f32
      %sub3A_448 = vector.broadcast %sub3A_447 : f32 to vector<16xf32>
      %sub3A_449 = arith.subf %sub3A_448, %mul3A_446 : vector<16xf32>
      %mul3A_450 = arith.mulf %mul3A_378, %sub3A_449 : vector<16xf32>
      %mul3A_451 = arith.constant 5.000000e-01 : f32
      %mul3A_452 = vector.broadcast %mul3A_451 : f32 to vector<16xf32>
      %mul3A_453 = arith.mulf %mul3A_452, %max3A_211 : vector<16xf32>
      %mul3A_454 = arith.mulf %mul3A_453, %mul3A_387 : vector<16xf32>
      %mul3A_455 = arith.mulf %mul3A_454, %mul3A_387 : vector<16xf32>
      %sub3A_456 = arith.constant 1.500000e+00 : f32
      %sub3A_457 = vector.broadcast %sub3A_456 : f32 to vector<16xf32>
      %sub3A_458 = arith.subf %sub3A_457, %mul3A_455 : vector<16xf32>
      %mul3A_459 = arith.mulf %mul3A_387, %sub3A_458 : vector<16xf32>
      %mul3A_460 = arith.constant 5.000000e-01 : f32
      %mul3A_461 = vector.broadcast %mul3A_460 : f32 to vector<16xf32>
      %mul3A_462 = arith.mulf %mul3A_461, %max3A_214 : vector<16xf32>
      %mul3A_463 = arith.mulf %mul3A_462, %mul3A_396 : vector<16xf32>
      %mul3A_464 = arith.mulf %mul3A_463, %mul3A_396 : vector<16xf32>
      %sub3A_465 = arith.constant 1.500000e+00 : f32
      %sub3A_466 = vector.broadcast %sub3A_465 : f32 to vector<16xf32>
      %sub3A_467 = arith.subf %sub3A_466, %mul3A_464 : vector<16xf32>
      %mul3A_468 = arith.mulf %mul3A_396, %sub3A_467 : vector<16xf32>
      %mul3A_469 = arith.constant 5.000000e-01 : f32
      %mul3A_470 = vector.broadcast %mul3A_469 : f32 to vector<16xf32>
      %mul3A_471 = arith.mulf %mul3A_470, %max3A_217 : vector<16xf32>
      %mul3A_472 = arith.mulf %mul3A_471, %mul3A_405 : vector<16xf32>
      %mul3A_473 = arith.mulf %mul3A_472, %mul3A_405 : vector<16xf32>
      %sub3A_474 = arith.constant 1.500000e+00 : f32
      %sub3A_475 = vector.broadcast %sub3A_474 : f32 to vector<16xf32>
      %sub3A_476 = arith.subf %sub3A_475, %mul3A_473 : vector<16xf32>
      %mul3A_477 = arith.mulf %mul3A_405, %sub3A_476 : vector<16xf32>
      %mul3A_478 = arith.constant 5.000000e-01 : f32
      %mul3A_479 = vector.broadcast %mul3A_478 : f32 to vector<16xf32>
      %mul3A_480 = arith.mulf %mul3A_479, %max3A_220 : vector<16xf32>
      %mul3A_481 = arith.mulf %mul3A_480, %mul3A_414 : vector<16xf32>
      %mul3A_482 = arith.mulf %mul3A_481, %mul3A_414 : vector<16xf32>
      %sub3A_483 = arith.constant 1.500000e+00 : f32
      %sub3A_484 = vector.broadcast %sub3A_483 : f32 to vector<16xf32>
      %sub3A_485 = arith.subf %sub3A_484, %mul3A_482 : vector<16xf32>
      %mul3A_486 = arith.mulf %mul3A_414, %sub3A_485 : vector<16xf32>
      %mul3A_487 = arith.constant 5.000000e-01 : f32
      %mul3A_488 = vector.broadcast %mul3A_487 : f32 to vector<16xf32>
      %mul3A_489 = arith.mulf %mul3A_488, %max3A_223 : vector<16xf32>
      %mul3A_490 = arith.mulf %mul3A_489, %mul3A_423 : vector<16xf32>
      %mul3A_491 = arith.mulf %mul3A_490, %mul3A_423 : vector<16xf32>
      %sub3A_492 = arith.constant 1.500000e+00 : f32
      %sub3A_493 = vector.broadcast %sub3A_492 : f32 to vector<16xf32>
      %sub3A_494 = arith.subf %sub3A_493, %mul3A_491 : vector<16xf32>
      %mul3A_495 = arith.mulf %mul3A_423, %sub3A_494 : vector<16xf32>
      %mul3A_496 = arith.constant 5.000000e-01 : f32
      %mul3A_497 = vector.broadcast %mul3A_496 : f32 to vector<16xf32>
      %mul3A_498 = arith.mulf %mul3A_497, %max3A_226 : vector<16xf32>
      %mul3A_499 = arith.mulf %mul3A_498, %mul3A_432 : vector<16xf32>
      %mul3A_500 = arith.mulf %mul3A_499, %mul3A_432 : vector<16xf32>
      %sub3A_501 = arith.constant 1.500000e+00 : f32
      %sub3A_502 = vector.broadcast %sub3A_501 : f32 to vector<16xf32>
      %sub3A_503 = arith.subf %sub3A_502, %mul3A_500 : vector<16xf32>
      %mul3A_504 = arith.mulf %mul3A_432, %sub3A_503 : vector<16xf32>
      %mul3A_505 = arith.mulf %add3A_168, %mul3A_441 : vector<16xf32>
      %mul3A_506 = arith.mulf %add3A_173, %mul3A_450 : vector<16xf32>
      %mul3A_507 = arith.mulf %add3A_178, %mul3A_459 : vector<16xf32>
      %mul3A_508 = arith.mulf %add3A_183, %mul3A_468 : vector<16xf32>
      %mul3A_509 = arith.mulf %add3A_188, %mul3A_477 : vector<16xf32>
      %mul3A_510 = arith.mulf %add3A_193, %mul3A_486 : vector<16xf32>
      %mul3A_511 = arith.mulf %add3A_198, %mul3A_495 : vector<16xf32>
      %mul3A_512 = arith.mulf %add3A_203, %mul3A_504 : vector<16xf32>
      %exp3A = math.exp %mul3A_505 : vector<16xf32>
      %exp3A_513 = math.exp %mul3A_506 : vector<16xf32>
      %exp3A_514 = math.exp %mul3A_507 : vector<16xf32>
      %exp3A_515 = math.exp %mul3A_508 : vector<16xf32>
      %exp3A_516 = math.exp %mul3A_509 : vector<16xf32>
      %exp3A_517 = math.exp %mul3A_510 : vector<16xf32>
      %exp3A_518 = math.exp %mul3A_511 : vector<16xf32>
      %exp3A_519 = math.exp %mul3A_512 : vector<16xf32>
      %add3A_520 = arith.constant 1.000000e+00 : f32
      %add3A_521 = vector.broadcast %add3A_520 : f32 to vector<16xf32>
      %add3A_522 = arith.addf %add3A_521, %exp3A : vector<16xf32>
      %div3A = arith.constant 2.000000e+00 : f32
      %div3A_523 = vector.broadcast %div3A : f32 to vector<16xf32>
      %div3A_524 = arith.divf %div3A_523, %add3A_522 : vector<16xf32>
      %add3A_525 = arith.constant 1.000000e+00 : f32
      %add3A_526 = vector.broadcast %add3A_525 : f32 to vector<16xf32>
      %add3A_527 = arith.addf %add3A_526, %exp3A_513 : vector<16xf32>
      %div3A_528 = arith.constant 2.000000e+00 : f32
      %div3A_529 = vector.broadcast %div3A_528 : f32 to vector<16xf32>
      %div3A_530 = arith.divf %div3A_529, %add3A_527 : vector<16xf32>
      %add3A_531 = arith.constant 1.000000e+00 : f32
      %add3A_532 = vector.broadcast %add3A_531 : f32 to vector<16xf32>
      %add3A_533 = arith.addf %add3A_532, %exp3A_514 : vector<16xf32>
      %div3A_534 = arith.constant 2.000000e+00 : f32
      %div3A_535 = vector.broadcast %div3A_534 : f32 to vector<16xf32>
      %div3A_536 = arith.divf %div3A_535, %add3A_533 : vector<16xf32>
      %add3A_537 = arith.constant 1.000000e+00 : f32
      %add3A_538 = vector.broadcast %add3A_537 : f32 to vector<16xf32>
      %add3A_539 = arith.addf %add3A_538, %exp3A_515 : vector<16xf32>
      %div3A_540 = arith.constant 2.000000e+00 : f32
      %div3A_541 = vector.broadcast %div3A_540 : f32 to vector<16xf32>
      %div3A_542 = arith.divf %div3A_541, %add3A_539 : vector<16xf32>
      %add3A_543 = arith.constant 1.000000e+00 : f32
      %add3A_544 = vector.broadcast %add3A_543 : f32 to vector<16xf32>
      %add3A_545 = arith.addf %add3A_544, %exp3A_516 : vector<16xf32>
      %div3A_546 = arith.constant 2.000000e+00 : f32
      %div3A_547 = vector.broadcast %div3A_546 : f32 to vector<16xf32>
      %div3A_548 = arith.divf %div3A_547, %add3A_545 : vector<16xf32>
      %add3A_549 = arith.constant 1.000000e+00 : f32
      %add3A_550 = vector.broadcast %add3A_549 : f32 to vector<16xf32>
      %add3A_551 = arith.addf %add3A_550, %exp3A_517 : vector<16xf32>
      %div3A_552 = arith.constant 2.000000e+00 : f32
      %div3A_553 = vector.broadcast %div3A_552 : f32 to vector<16xf32>
      %div3A_554 = arith.divf %div3A_553, %add3A_551 : vector<16xf32>
      %add3A_555 = arith.constant 1.000000e+00 : f32
      %add3A_556 = vector.broadcast %add3A_555 : f32 to vector<16xf32>
      %add3A_557 = arith.addf %add3A_556, %exp3A_518 : vector<16xf32>
      %div3A_558 = arith.constant 2.000000e+00 : f32
      %div3A_559 = vector.broadcast %div3A_558 : f32 to vector<16xf32>
      %div3A_560 = arith.divf %div3A_559, %add3A_557 : vector<16xf32>
      %add3A_561 = arith.constant 1.000000e+00 : f32
      %add3A_562 = vector.broadcast %add3A_561 : f32 to vector<16xf32>
      %add3A_563 = arith.addf %add3A_562, %exp3A_519 : vector<16xf32>
      %div3A_564 = arith.constant 2.000000e+00 : f32
      %div3A_565 = vector.broadcast %div3A_564 : f32 to vector<16xf32>
      %div3A_566 = arith.divf %div3A_565, %add3A_563 : vector<16xf32>
      %swap3A = arith.constant 0 : index
      %swap3A_567 = tpu.vector_load %arg19[%swap3A] {strides = array<i32>} : memref<144xf32, #tpu.memory_space<vmem>>, vector<16xf32>,
      tpu.vector_store %arg19[%swap3A], %div3A_524 {strides = array<i32>} : memref<144xf32, #tpu.memory_space<vmem>>, vector<16xf32>,
      %swap3A_568 = arith.constant 16 : index
      %swap3A_569 = tpu.vector_load %arg19[%swap3A_568] {strides = array<i32>} : memref<144xf32, #tpu.memory_space<vmem>>, vector<16xf32>,
      tpu.vector_store %arg19[%swap3A_568], %div3A_530 {strides = array<i32>} : memref<144xf32, #tpu.memory_space<vmem>>, vector<16xf32>,
      %swap3A_570 = arith.constant 32 : index
      %swap3A_571 = tpu.vector_load %arg19[%swap3A_570] {strides = array<i32>} : memref<144xf32, #tpu.memory_space<vmem>>, vector<16xf32>,
      tpu.vector_store %arg19[%swap3A_570], %div3A_536 {strides = array<i32>} : memref<144xf32, #tpu.memory_space<vmem>>, vector<16xf32>,
      %swap3A_572 = arith.constant 48 : index
      %swap3A_573 = tpu.vector_load %arg19[%swap3A_572] {strides = array<i32>} : memref<144xf32, #tpu.memory_space<vmem>>, vector<16xf32>,
      tpu.vector_store %arg19[%swap3A_572], %div3A_542 {strides = array<i32>} : memref<144xf32, #tpu.memory_space<vmem>>, vector<16xf32>,
      %swap3A_574 = arith.constant 64 : index
      %swap3A_575 = tpu.vector_load %arg19[%swap3A_574] {strides = array<i32>} : memref<144xf32, #tpu.memory_space<vmem>>, vector<16xf32>,
      tpu.vector_store %arg19[%swap3A_574], %div3A_548 {strides = array<i32>} : memref<144xf32, #tpu.memory_space<vmem>>, vector<16xf32>,
      %swap3A_576 = arith.constant 80 : index
      %swap3A_577 = tpu.vector_load %arg19[%swap3A_576] {strides = array<i32>} : memref<144xf32, #tpu.memory_space<vmem>>, vector<16xf32>,
      tpu.vector_store %arg19[%swap3A_576], %div3A_554 {strides = array<i32>} : memref<144xf32, #tpu.memory_space<vmem>>, vector<16xf32>,
      %swap3A_578 = arith.constant 96 : index
      %swap3A_579 = tpu.vector_load %arg19[%swap3A_578] {strides = array<i32>} : memref<144xf32, #tpu.memory_space<vmem>>, vector<16xf32>,
      tpu.vector_store %arg19[%swap3A_578], %div3A_560 {strides = array<i32>} : memref<144xf32, #tpu.memory_space<vmem>>, vector<16xf32>,
      %swap3A_580 = arith.constant 112 : index
      %swap3A_581 = tpu.vector_load %arg19[%swap3A_580] {strides = array<i32>} : memref<144xf32, #tpu.memory_space<vmem>>, vector<16xf32>,
      tpu.vector_store %arg19[%swap3A_580], %div3A_566 {strides = array<i32>} : memref<144xf32, #tpu.memory_space<vmem>>, vector<16xf32>,
      %dma_wait3A_582 = arith.constant 0 : i32
      %dma_wait3A_583 = tpu.memref_slice %arg10[%mul3A_32, %dma_wait3A_582] : memref<80x128xi32, #tpu.memory_space<vmem>> -> memref<1x128xi32, #tpu.memory_space<vmem>>
      %dma_wait3A_584 = tpu.memref_squeeze %dma_wait3A_583 : memref<1x128xi32, #tpu.memory_space<vmem>> -> memref<128xi32, #tpu.memory_space<vmem>>
      %dma_wait3A_585 = arith.constant 0 : i32
      %dma_wait3A_586 = arith.constant 0 : i32
      %dma_wait3A_587 = tpu.memref_slice %arg2[%dma_wait3A_585, %dma_wait3A_586] : memref<10000x128xf32, #tpu.memory_space<hbm>> -> memref<10000x128xf32, #tpu.memory_space<hbm>>
      tpu.wait_indirect_dma semaphore(%arg22 : memref<!tpu.dma_semaphore, #tpu.memory_space<semaphore_mem>>) src(%dma_wait3A_587 : memref<10000x128xf32, #tpu.memory_space<hbm>>) dst(%arg15 : memref<128x128xf32, #tpu.memory_space<vmem>>)
      %dma_wait3A_588 = arith.constant 0 : i32
      %dma_wait3A_589 = tpu.memref_slice %arg11[%mul3A_32, %dma_wait3A_588] : memref<80x128xi32, #tpu.memory_space<vmem>> -> memref<1x128xi32, #tpu.memory_space<vmem>>
      %dma_wait3A_590 = tpu.memref_squeeze %dma_wait3A_589 : memref<1x128xi32, #tpu.memory_space<vmem>> -> memref<128xi32, #tpu.memory_space<vmem>>
      %dma_wait3A_591 = arith.constant 0 : i32
      %dma_wait3A_592 = arith.constant 0 : i32
      %dma_wait3A_593 = tpu.memref_slice %arg3[%dma_wait3A_591, %dma_wait3A_592] : memref<10000x128xf32, #tpu.memory_space<hbm>> -> memref<10000x128xf32, #tpu.memory_space<hbm>>
      tpu.wait_indirect_dma semaphore(%arg22 : memref<!tpu.dma_semaphore, #tpu.memory_space<semaphore_mem>>) src(%dma_wait3A_593 : memref<10000x128xf32, #tpu.memory_space<hbm>>) dst(%arg16 : memref<128x128xf32, #tpu.memory_space<vmem>>)
      %gt3A = arith.constant 0 : i32
      %gt3A_594 = arith.cmpi sgt, %scan3A_30, %gt3A : i32
      %convert_element_type3A = arith.extui %gt3A_594 : i1 to i32
      %cond3A = arith.constant 0 : i32
      %cond3A_595 = arith.cmpi ne, %convert_element_type3A, %cond3A : i32
      scf.if %cond3A_595 {
        %dma_wait3A_1614 = arith.constant 0 : i32
        %dma_wait3A_1615 = arith.constant 0 : i32
        %dma_wait3A_1616 = tpu.memref_slice %arg9[%dma_wait3A_1614, %dma_wait3A_1615] : memref<10240x128xf32, #tpu.memory_space<hbm>> -> memref<4x128xf32, #tpu.memory_space<hbm>>
        %dma_wait3A_1617 = arith.constant 0 : i32
        %dma_wait3A_1618 = arith.constant 0 : i32
        %dma_wait3A_1619 = tpu.memref_slice %arg9[%dma_wait3A_1617, %dma_wait3A_1618] : memref<10240x128xf32, #tpu.memory_space<hbm>> -> memref<4x128xf32, #tpu.memory_space<hbm>>
        tpu.wait_dma2 semaphore(%arg24 : memref<!tpu.dma_semaphore, #tpu.memory_space<semaphore_mem>>) src(%arg20 : memref<4x128xf32, #tpu.memory_space<vmem>>) dst(%dma_wait3A_1619 : memref<4x128xf32, #tpu.memory_space<hbm>>)
      } else {
      }
      %broadcast_in_dim3A = arith.constant 0.000000e+00 : f32
      %broadcast_in_dim3A_596 = vector.broadcast %broadcast_in_dim3A : f32 to vector<16xf32>
      %broadcast_in_dim3A_597 = arith.constant 0.000000e+00 : f32
      %broadcast_in_dim3A_598 = vector.broadcast %broadcast_in_dim3A_597 : f32 to vector<16xf32>
      %broadcast_in_dim3A_599 = arith.constant 0.000000e+00 : f32
      %broadcast_in_dim3A_600 = vector.broadcast %broadcast_in_dim3A_599 : f32 to vector<16xf32>
      %broadcast_in_dim3A_601 = arith.constant 0.000000e+00 : f32
      %broadcast_in_dim3A_602 = vector.broadcast %broadcast_in_dim3A_601 : f32 to vector<16xf32>
      %broadcast_in_dim3A_603 = arith.constant 0.000000e+00 : f32
      %broadcast_in_dim3A_604 = vector.broadcast %broadcast_in_dim3A_603 : f32 to vector<16xf32>
      %broadcast_in_dim3A_605 = arith.constant 0.000000e+00 : f32
      %broadcast_in_dim3A_606 = vector.broadcast %broadcast_in_dim3A_605 : f32 to vector<16xf32>
      %broadcast_in_dim3A_607 = arith.constant 0.000000e+00 : f32
      %broadcast_in_dim3A_608 = vector.broadcast %broadcast_in_dim3A_607 : f32 to vector<16xf32>
      %broadcast_in_dim3A_609 = arith.constant 0.000000e+00 : f32
      %broadcast_in_dim3A_610 = vector.broadcast %broadcast_in_dim3A_609 : f32 to vector<16xf32>
      %scan3A_611 = arith.constant 0 : i32
      %scan3A_612 = arith.constant 32 : i32
      %scan3A_613 = arith.addi %scan3A_611, %scan3A_612 : i32
      %scan3A_614 = arith.constant 1 : i32
      %scan3A_615:8 = scf.for %scan3A_1614 = %scan3A_611 to %scan3A_613 step %scan3A_614 iter_args(%scan3A_1615 = %broadcast_in_dim3A_596, %scan3A_1616 = %broadcast_in_dim3A_598, %scan3A_1617 = %broadcast_in_dim3A_600, %scan3A_1618 = %broadcast_in_dim3A_602, %scan3A_1619 = %broadcast_in_dim3A_604, %scan3A_1620 = %broadcast_in_dim3A_606, %scan3A_1621 = %broadcast_in_dim3A_608, %scan3A_1622 = %broadcast_in_dim3A_610) -> (vector<16xf32>, vector<16xf32>, vector<16xf32>, vector<16xf32>, vector<16xf32>, vector<16xf32>, vector<16xf32>, vector<16xf32>)  : i32 {
        %add3A_1623 = arith.constant 0 : i32
        %add3A_1624 = arith.addi %add3A_1623, %scan3A_1614 : i32
        %get3A_1625 = arith.index_cast %add3A_1624 : i32 to index
        %get3A_1626 = tpu.vector_load %arg19[%get3A_1625] {strides = array<i32>} : memref<144xf32, #tpu.memory_space<vmem>>, vector<16xf32>,
        %slice3A = vector.extract_strided_slice %get3A_1626 {offsets = [0], sizes = [1], strides = [1]} : vector<16xf32> to vector<1xf32>
        %squeeze3A = vector.extract %slice3A[0] : f32 from vector<1xf32>
        %get3A_1627 = arith.index_cast %add3A_1624 : i32 to index
        %get3A_1628 = arith.constant 0 : index
        %get3A_1629 = tpu.vector_load %arg15[%get3A_1627, %get3A_1628] {strides = array<i32>} : memref<128x128xf32, #tpu.memory_space<vmem>>, vector<16xf32>,
        %get3A_1630 = arith.index_cast %add3A_1624 : i32 to index
        %get3A_1631 = arith.constant 0 : index
        %get3A_1632 = tpu.vector_load %arg16[%get3A_1630, %get3A_1631] {strides = array<i32>} : memref<128x128xf32, #tpu.memory_space<vmem>>, vector<16xf32>,
        %add3A_1633 = arith.addf %get3A_1629, %get3A_1632 : vector<16xf32>
        %mul3A_1634 = vector.broadcast %squeeze3A : f32 to vector<16xf32>
        %mul3A_1635 = arith.mulf %add3A_1633, %mul3A_1634 : vector<16xf32>
        %max3A_1636 = arith.maximumf %scan3A_1615, %mul3A_1635 : vector<16xf32>
        %get3A_1637 = arith.index_cast %add3A_1624 : i32 to index
        %get3A_1638 = arith.constant 16 : index
        %get3A_1639 = tpu.vector_load %arg15[%get3A_1637, %get3A_1638] {strides = array<i32>} : memref<128x128xf32, #tpu.memory_space<vmem>>, vector<16xf32>,
        %get3A_1640 = arith.index_cast %add3A_1624 : i32 to index
        %get3A_1641 = arith.constant 16 : index
        %get3A_1642 = tpu.vector_load %arg16[%get3A_1640, %get3A_1641] {strides = array<i32>} : memref<128x128xf32, #tpu.memory_space<vmem>>, vector<16xf32>,
        %add3A_1643 = arith.addf %get3A_1639, %get3A_1642 : vector<16xf32>
        %mul3A_1644 = vector.broadcast %squeeze3A : f32 to vector<16xf32>
        %mul3A_1645 = arith.mulf %add3A_1643, %mul3A_1644 : vector<16xf32>
        %max3A_1646 = arith.maximumf %scan3A_1616, %mul3A_1645 : vector<16xf32>
        %get3A_1647 = arith.index_cast %add3A_1624 : i32 to index
        %get3A_1648 = arith.constant 32 : index
        %get3A_1649 = tpu.vector_load %arg15[%get3A_1647, %get3A_1648] {strides = array<i32>} : memref<128x128xf32, #tpu.memory_space<vmem>>, vector<16xf32>,
        %get3A_1650 = arith.index_cast %add3A_1624 : i32 to index
        %get3A_1651 = arith.constant 32 : index
        %get3A_1652 = tpu.vector_load %arg16[%get3A_1650, %get3A_1651] {strides = array<i32>} : memref<128x128xf32, #tpu.memory_space<vmem>>, vector<16xf32>,
        %add3A_1653 = arith.addf %get3A_1649, %get3A_1652 : vector<16xf32>
        %mul3A_1654 = vector.broadcast %squeeze3A : f32 to vector<16xf32>
        %mul3A_1655 = arith.mulf %add3A_1653, %mul3A_1654 : vector<16xf32>
        %max3A_1656 = arith.maximumf %scan3A_1617, %mul3A_1655 : vector<16xf32>
        %get3A_1657 = arith.index_cast %add3A_1624 : i32 to index
        %get3A_1658 = arith.constant 48 : index
        %get3A_1659 = tpu.vector_load %arg15[%get3A_1657, %get3A_1658] {strides = array<i32>} : memref<128x128xf32, #tpu.memory_space<vmem>>, vector<16xf32>,
        %get3A_1660 = arith.index_cast %add3A_1624 : i32 to index
        %get3A_1661 = arith.constant 48 : index
        %get3A_1662 = tpu.vector_load %arg16[%get3A_1660, %get3A_1661] {strides = array<i32>} : memref<128x128xf32, #tpu.memory_space<vmem>>, vector<16xf32>,
        %add3A_1663 = arith.addf %get3A_1659, %get3A_1662 : vector<16xf32>
        %mul3A_1664 = vector.broadcast %squeeze3A : f32 to vector<16xf32>
        %mul3A_1665 = arith.mulf %add3A_1663, %mul3A_1664 : vector<16xf32>
        %max3A_1666 = arith.maximumf %scan3A_1618, %mul3A_1665 : vector<16xf32>
        %get3A_1667 = arith.index_cast %add3A_1624 : i32 to index
        %get3A_1668 = arith.constant 64 : index
        %get3A_1669 = tpu.vector_load %arg15[%get3A_1667, %get3A_1668] {strides = array<i32>} : memref<128x128xf32, #tpu.memory_space<vmem>>, vector<16xf32>,
        %get3A_1670 = arith.index_cast %add3A_1624 : i32 to index
        %get3A_1671 = arith.constant 64 : index
        %get3A_1672 = tpu.vector_load %arg16[%get3A_1670, %get3A_1671] {strides = array<i32>} : memref<128x128xf32, #tpu.memory_space<vmem>>, vector<16xf32>,
        %add3A_1673 = arith.addf %get3A_1669, %get3A_1672 : vector<16xf32>
        %mul3A_1674 = vector.broadcast %squeeze3A : f32 to vector<16xf32>
        %mul3A_1675 = arith.mulf %add3A_1673, %mul3A_1674 : vector<16xf32>
        %max3A_1676 = arith.maximumf %scan3A_1619, %mul3A_1675 : vector<16xf32>
        %get3A_1677 = arith.index_cast %add3A_1624 : i32 to index
        %get3A_1678 = arith.constant 80 : index
        %get3A_1679 = tpu.vector_load %arg15[%get3A_1677, %get3A_1678] {strides = array<i32>} : memref<128x128xf32, #tpu.memory_space<vmem>>, vector<16xf32>,
        %get3A_1680 = arith.index_cast %add3A_1624 : i32 to index
        %get3A_1681 = arith.constant 80 : index
        %get3A_1682 = tpu.vector_load %arg16[%get3A_1680, %get3A_1681] {strides = array<i32>} : memref<128x128xf32, #tpu.memory_space<vmem>>, vector<16xf32>,
        %add3A_1683 = arith.addf %get3A_1679, %get3A_1682 : vector<16xf32>
        %mul3A_1684 = vector.broadcast %squeeze3A : f32 to vector<16xf32>
        %mul3A_1685 = arith.mulf %add3A_1683, %mul3A_1684 : vector<16xf32>
        %max3A_1686 = arith.maximumf %scan3A_1620, %mul3A_1685 : vector<16xf32>
        %get3A_1687 = arith.index_cast %add3A_1624 : i32 to index
        %get3A_1688 = arith.constant 96 : index
        %get3A_1689 = tpu.vector_load %arg15[%get3A_1687, %get3A_1688] {strides = array<i32>} : memref<128x128xf32, #tpu.memory_space<vmem>>, vector<16xf32>,
        %get3A_1690 = arith.index_cast %add3A_1624 : i32 to index
        %get3A_1691 = arith.constant 96 : index
        %get3A_1692 = tpu.vector_load %arg16[%get3A_1690, %get3A_1691] {strides = array<i32>} : memref<128x128xf32, #tpu.memory_space<vmem>>, vector<16xf32>,
        %add3A_1693 = arith.addf %get3A_1689, %get3A_1692 : vector<16xf32>
        %mul3A_1694 = vector.broadcast %squeeze3A : f32 to vector<16xf32>
        %mul3A_1695 = arith.mulf %add3A_1693, %mul3A_1694 : vector<16xf32>
        %max3A_1696 = arith.maximumf %scan3A_1621, %mul3A_1695 : vector<16xf32>
        %get3A_1697 = arith.index_cast %add3A_1624 : i32 to index
        %get3A_1698 = arith.constant 112 : index
        %get3A_1699 = tpu.vector_load %arg15[%get3A_1697, %get3A_1698] {strides = array<i32>} : memref<128x128xf32, #tpu.memory_space<vmem>>, vector<16xf32>,
        %get3A_1700 = arith.index_cast %add3A_1624 : i32 to index
        %get3A_1701 = arith.constant 112 : index
        %get3A_1702 = tpu.vector_load %arg16[%get3A_1700, %get3A_1701] {strides = array<i32>} : memref<128x128xf32, #tpu.memory_space<vmem>>, vector<16xf32>,
        %add3A_1703 = arith.addf %get3A_1699, %get3A_1702 : vector<16xf32>
        %mul3A_1704 = vector.broadcast %squeeze3A : f32 to vector<16xf32>
        %mul3A_1705 = arith.mulf %add3A_1703, %mul3A_1704 : vector<16xf32>
        %max3A_1706 = arith.maximumf %scan3A_1622, %mul3A_1705 : vector<16xf32>
        scf.yield %max3A_1636, %max3A_1646, %max3A_1656, %max3A_1666, %max3A_1676, %max3A_1686, %max3A_1696, %max3A_1706 : vector<16xf32>, vector<16xf32>, vector<16xf32>, vector<16xf32>, vector<16xf32>, vector<16xf32>, vector<16xf32>, vector<16xf32>
      }
      %scan3A_616 = arith.constant 32 : i32
      %swap3A_617 = arith.constant 0 : i32
      %swap3A_618 = arith.index_cast %swap3A_617 : i32 to index
      %swap3A_619 = arith.constant 0 : index
      %swap3A_620 = tpu.vector_load %arg20[%swap3A_618, %swap3A_619] {strides = array<i32>} : memref<4x128xf32, #tpu.memory_space<vmem>>, vector<16xf32>,
      tpu.vector_store %arg20[%swap3A_618, %swap3A_619], %scan3A_615#0 {strides = array<i32>} : memref<4x128xf32, #tpu.memory_space<vmem>>, vector<16xf32>,
      %swap3A_621 = arith.constant 0 : i32
      %swap3A_622 = arith.index_cast %swap3A_621 : i32 to index
      %swap3A_623 = arith.constant 16 : index
      %swap3A_624 = tpu.vector_load %arg20[%swap3A_622, %swap3A_623] {strides = array<i32>} : memref<4x128xf32, #tpu.memory_space<vmem>>, vector<16xf32>,
      tpu.vector_store %arg20[%swap3A_622, %swap3A_623], %scan3A_615#1 {strides = array<i32>} : memref<4x128xf32, #tpu.memory_space<vmem>>, vector<16xf32>,
      %swap3A_625 = arith.constant 0 : i32
      %swap3A_626 = arith.index_cast %swap3A_625 : i32 to index
      %swap3A_627 = arith.constant 32 : index
      %swap3A_628 = tpu.vector_load %arg20[%swap3A_626, %swap3A_627] {strides = array<i32>} : memref<4x128xf32, #tpu.memory_space<vmem>>, vector<16xf32>,
      tpu.vector_store %arg20[%swap3A_626, %swap3A_627], %scan3A_615#2 {strides = array<i32>} : memref<4x128xf32, #tpu.memory_space<vmem>>, vector<16xf32>,
      %swap3A_629 = arith.constant 0 : i32
      %swap3A_630 = arith.index_cast %swap3A_629 : i32 to index
      %swap3A_631 = arith.constant 48 : index
      %swap3A_632 = tpu.vector_load %arg20[%swap3A_630, %swap3A_631] {strides = array<i32>} : memref<4x128xf32, #tpu.memory_space<vmem>>, vector<16xf32>,
      tpu.vector_store %arg20[%swap3A_630, %swap3A_631], %scan3A_615#3 {strides = array<i32>} : memref<4x128xf32, #tpu.memory_space<vmem>>, vector<16xf32>,
      %swap3A_633 = arith.constant 0 : i32
      %swap3A_634 = arith.index_cast %swap3A_633 : i32 to index
      %swap3A_635 = arith.constant 64 : index
      %swap3A_636 = tpu.vector_load %arg20[%swap3A_634, %swap3A_635] {strides = array<i32>} : memref<4x128xf32, #tpu.memory_space<vmem>>, vector<16xf32>,
      tpu.vector_store %arg20[%swap3A_634, %swap3A_635], %scan3A_615#4 {strides = array<i32>} : memref<4x128xf32, #tpu.memory_space<vmem>>, vector<16xf32>,
      %swap3A_637 = arith.constant 0 : i32
      %swap3A_638 = arith.index_cast %swap3A_637 : i32 to index
      %swap3A_639 = arith.constant 80 : index
      %swap3A_640 = tpu.vector_load %arg20[%swap3A_638, %swap3A_639] {strides = array<i32>} : memref<4x128xf32, #tpu.memory_space<vmem>>, vector<16xf32>,
      tpu.vector_store %arg20[%swap3A_638, %swap3A_639], %scan3A_615#5 {strides = array<i32>} : memref<4x128xf32, #tpu.memory_space<vmem>>, vector<16xf32>,
      %swap3A_641 = arith.constant 0 : i32
      %swap3A_642 = arith.index_cast %swap3A_641 : i32 to index
      %swap3A_643 = arith.constant 96 : index
      %swap3A_644 = tpu.vector_load %arg20[%swap3A_642, %swap3A_643] {strides = array<i32>} : memref<4x128xf32, #tpu.memory_space<vmem>>, vector<16xf32>,
      tpu.vector_store %arg20[%swap3A_642, %swap3A_643], %scan3A_615#6 {strides = array<i32>} : memref<4x128xf32, #tpu.memory_space<vmem>>, vector<16xf32>,
      %swap3A_645 = arith.constant 0 : i32
      %swap3A_646 = arith.index_cast %swap3A_645 : i32 to index
      %swap3A_647 = arith.constant 112 : index
      %swap3A_648 = tpu.vector_load %arg20[%swap3A_646, %swap3A_647] {strides = array<i32>} : memref<4x128xf32, #tpu.memory_space<vmem>>, vector<16xf32>,
      tpu.vector_store %arg20[%swap3A_646, %swap3A_647], %scan3A_615#7 {strides = array<i32>} : memref<4x128xf32, #tpu.memory_space<vmem>>, vector<16xf32>,
      %broadcast_in_dim3A_649 = arith.constant 0.000000e+00 : f32
      %broadcast_in_dim3A_650 = vector.broadcast %broadcast_in_dim3A_649 : f32 to vector<16xf32>
      %broadcast_in_dim3A_651 = arith.constant 0.000000e+00 : f32
      %broadcast_in_dim3A_652 = vector.broadcast %broadcast_in_dim3A_651 : f32 to vector<16xf32>
      %broadcast_in_dim3A_653 = arith.constant 0.000000e+00 : f32
      %broadcast_in_dim3A_654 = vector.broadcast %broadcast_in_dim3A_653 : f32 to vector<16xf32>
      %broadcast_in_dim3A_655 = arith.constant 0.000000e+00 : f32
      %broadcast_in_dim3A_656 = vector.broadcast %broadcast_in_dim3A_655 : f32 to vector<16xf32>
      %broadcast_in_dim3A_657 = arith.constant 0.000000e+00 : f32
      %broadcast_in_dim3A_658 = vector.broadcast %broadcast_in_dim3A_657 : f32 to vector<16xf32>
      %broadcast_in_dim3A_659 = arith.constant 0.000000e+00 : f32
      %broadcast_in_dim3A_660 = vector.broadcast %broadcast_in_dim3A_659 : f32 to vector<16xf32>
      %broadcast_in_dim3A_661 = arith.constant 0.000000e+00 : f32
      %broadcast_in_dim3A_662 = vector.broadcast %broadcast_in_dim3A_661 : f32 to vector<16xf32>
      %broadcast_in_dim3A_663 = arith.constant 0.000000e+00 : f32
      %broadcast_in_dim3A_664 = vector.broadcast %broadcast_in_dim3A_663 : f32 to vector<16xf32>
      %scan3A_665 = arith.constant 0 : i32
      %scan3A_666 = arith.constant 32 : i32
      %scan3A_667 = arith.addi %scan3A_665, %scan3A_666 : i32
      %scan3A_668 = arith.constant 1 : i32
      %scan3A_669:8 = scf.for %scan3A_1614 = %scan3A_665 to %scan3A_667 step %scan3A_668 iter_args(%scan3A_1615 = %broadcast_in_dim3A_650, %scan3A_1616 = %broadcast_in_dim3A_652, %scan3A_1617 = %broadcast_in_dim3A_654, %scan3A_1618 = %broadcast_in_dim3A_656, %scan3A_1619 = %broadcast_in_dim3A_658, %scan3A_1620 = %broadcast_in_dim3A_660, %scan3A_1621 = %broadcast_in_dim3A_662, %scan3A_1622 = %broadcast_in_dim3A_664) -> (vector<16xf32>, vector<16xf32>, vector<16xf32>, vector<16xf32>, vector<16xf32>, vector<16xf32>, vector<16xf32>, vector<16xf32>)  : i32 {
        %add3A_1623 = arith.constant 32 : i32
        %add3A_1624 = arith.addi %add3A_1623, %scan3A_1614 : i32
        %get3A_1625 = arith.index_cast %add3A_1624 : i32 to index
        %get3A_1626 = tpu.vector_load %arg19[%get3A_1625] {strides = array<i32>} : memref<144xf32, #tpu.memory_space<vmem>>, vector<16xf32>,
        %slice3A = vector.extract_strided_slice %get3A_1626 {offsets = [0], sizes = [1], strides = [1]} : vector<16xf32> to vector<1xf32>
        %squeeze3A = vector.extract %slice3A[0] : f32 from vector<1xf32>
        %get3A_1627 = arith.index_cast %add3A_1624 : i32 to index
        %get3A_1628 = arith.constant 0 : index
        %get3A_1629 = tpu.vector_load %arg15[%get3A_1627, %get3A_1628] {strides = array<i32>} : memref<128x128xf32, #tpu.memory_space<vmem>>, vector<16xf32>,
        %get3A_1630 = arith.index_cast %add3A_1624 : i32 to index
        %get3A_1631 = arith.constant 0 : index
        %get3A_1632 = tpu.vector_load %arg16[%get3A_1630, %get3A_1631] {strides = array<i32>} : memref<128x128xf32, #tpu.memory_space<vmem>>, vector<16xf32>,
        %add3A_1633 = arith.addf %get3A_1629, %get3A_1632 : vector<16xf32>
        %mul3A_1634 = vector.broadcast %squeeze3A : f32 to vector<16xf32>
        %mul3A_1635 = arith.mulf %add3A_1633, %mul3A_1634 : vector<16xf32>
        %max3A_1636 = arith.maximumf %scan3A_1615, %mul3A_1635 : vector<16xf32>
        %get3A_1637 = arith.index_cast %add3A_1624 : i32 to index
        %get3A_1638 = arith.constant 16 : index
        %get3A_1639 = tpu.vector_load %arg15[%get3A_1637, %get3A_1638] {strides = array<i32>} : memref<128x128xf32, #tpu.memory_space<vmem>>, vector<16xf32>,
        %get3A_1640 = arith.index_cast %add3A_1624 : i32 to index
        %get3A_1641 = arith.constant 16 : index
        %get3A_1642 = tpu.vector_load %arg16[%get3A_1640, %get3A_1641] {strides = array<i32>} : memref<128x128xf32, #tpu.memory_space<vmem>>, vector<16xf32>,
        %add3A_1643 = arith.addf %get3A_1639, %get3A_1642 : vector<16xf32>
        %mul3A_1644 = vector.broadcast %squeeze3A : f32 to vector<16xf32>
        %mul3A_1645 = arith.mulf %add3A_1643, %mul3A_1644 : vector<16xf32>
        %max3A_1646 = arith.maximumf %scan3A_1616, %mul3A_1645 : vector<16xf32>
        %get3A_1647 = arith.index_cast %add3A_1624 : i32 to index
        %get3A_1648 = arith.constant 32 : index
        %get3A_1649 = tpu.vector_load %arg15[%get3A_1647, %get3A_1648] {strides = array<i32>} : memref<128x128xf32, #tpu.memory_space<vmem>>, vector<16xf32>,
        %get3A_1650 = arith.index_cast %add3A_1624 : i32 to index
        %get3A_1651 = arith.constant 32 : index
        %get3A_1652 = tpu.vector_load %arg16[%get3A_1650, %get3A_1651] {strides = array<i32>} : memref<128x128xf32, #tpu.memory_space<vmem>>, vector<16xf32>,
        %add3A_1653 = arith.addf %get3A_1649, %get3A_1652 : vector<16xf32>
        %mul3A_1654 = vector.broadcast %squeeze3A : f32 to vector<16xf32>
        %mul3A_1655 = arith.mulf %add3A_1653, %mul3A_1654 : vector<16xf32>
        %max3A_1656 = arith.maximumf %scan3A_1617, %mul3A_1655 : vector<16xf32>
        %get3A_1657 = arith.index_cast %add3A_1624 : i32 to index
        %get3A_1658 = arith.constant 48 : index
        %get3A_1659 = tpu.vector_load %arg15[%get3A_1657, %get3A_1658] {strides = array<i32>} : memref<128x128xf32, #tpu.memory_space<vmem>>, vector<16xf32>,
        %get3A_1660 = arith.index_cast %add3A_1624 : i32 to index
        %get3A_1661 = arith.constant 48 : index
        %get3A_1662 = tpu.vector_load %arg16[%get3A_1660, %get3A_1661] {strides = array<i32>} : memref<128x128xf32, #tpu.memory_space<vmem>>, vector<16xf32>,
        %add3A_1663 = arith.addf %get3A_1659, %get3A_1662 : vector<16xf32>
        %mul3A_1664 = vector.broadcast %squeeze3A : f32 to vector<16xf32>
        %mul3A_1665 = arith.mulf %add3A_1663, %mul3A_1664 : vector<16xf32>
        %max3A_1666 = arith.maximumf %scan3A_1618, %mul3A_1665 : vector<16xf32>
        %get3A_1667 = arith.index_cast %add3A_1624 : i32 to index
        %get3A_1668 = arith.constant 64 : index
        %get3A_1669 = tpu.vector_load %arg15[%get3A_1667, %get3A_1668] {strides = array<i32>} : memref<128x128xf32, #tpu.memory_space<vmem>>, vector<16xf32>,
        %get3A_1670 = arith.index_cast %add3A_1624 : i32 to index
        %get3A_1671 = arith.constant 64 : index
        %get3A_1672 = tpu.vector_load %arg16[%get3A_1670, %get3A_1671] {strides = array<i32>} : memref<128x128xf32, #tpu.memory_space<vmem>>, vector<16xf32>,
        %add3A_1673 = arith.addf %get3A_1669, %get3A_1672 : vector<16xf32>
        %mul3A_1674 = vector.broadcast %squeeze3A : f32 to vector<16xf32>
        %mul3A_1675 = arith.mulf %add3A_1673, %mul3A_1674 : vector<16xf32>
        %max3A_1676 = arith.maximumf %scan3A_1619, %mul3A_1675 : vector<16xf32>
        %get3A_1677 = arith.index_cast %add3A_1624 : i32 to index
        %get3A_1678 = arith.constant 80 : index
        %get3A_1679 = tpu.vector_load %arg15[%get3A_1677, %get3A_1678] {strides = array<i32>} : memref<128x128xf32, #tpu.memory_space<vmem>>, vector<16xf32>,
        %get3A_1680 = arith.index_cast %add3A_1624 : i32 to index
        %get3A_1681 = arith.constant 80 : index
        %get3A_1682 = tpu.vector_load %arg16[%get3A_1680, %get3A_1681] {strides = array<i32>} : memref<128x128xf32, #tpu.memory_space<vmem>>, vector<16xf32>,
        %add3A_1683 = arith.addf %get3A_1679, %get3A_1682 : vector<16xf32>
        %mul3A_1684 = vector.broadcast %squeeze3A : f32 to vector<16xf32>
        %mul3A_1685 = arith.mulf %add3A_1683, %mul3A_1684 : vector<16xf32>
        %max3A_1686 = arith.maximumf %scan3A_1620, %mul3A_1685 : vector<16xf32>
        %get3A_1687 = arith.index_cast %add3A_1624 : i32 to index
        %get3A_1688 = arith.constant 96 : index
        %get3A_1689 = tpu.vector_load %arg15[%get3A_1687, %get3A_1688] {strides = array<i32>} : memref<128x128xf32, #tpu.memory_space<vmem>>, vector<16xf32>,
        %get3A_1690 = arith.index_cast %add3A_1624 : i32 to index
        %get3A_1691 = arith.constant 96 : index
        %get3A_1692 = tpu.vector_load %arg16[%get3A_1690, %get3A_1691] {strides = array<i32>} : memref<128x128xf32, #tpu.memory_space<vmem>>, vector<16xf32>,
        %add3A_1693 = arith.addf %get3A_1689, %get3A_1692 : vector<16xf32>
        %mul3A_1694 = vector.broadcast %squeeze3A : f32 to vector<16xf32>
        %mul3A_1695 = arith.mulf %add3A_1693, %mul3A_1694 : vector<16xf32>
        %max3A_1696 = arith.maximumf %scan3A_1621, %mul3A_1695 : vector<16xf32>
        %get3A_1697 = arith.index_cast %add3A_1624 : i32 to index
        %get3A_1698 = arith.constant 112 : index
        %get3A_1699 = tpu.vector_load %arg15[%get3A_1697, %get3A_1698] {strides = array<i32>} : memref<128x128xf32, #tpu.memory_space<vmem>>, vector<16xf32>,
        %get3A_1700 = arith.index_cast %add3A_1624 : i32 to index
        %get3A_1701 = arith.constant 112 : index
        %get3A_1702 = tpu.vector_load %arg16[%get3A_1700, %get3A_1701] {strides = array<i32>} : memref<128x128xf32, #tpu.memory_space<vmem>>, vector<16xf32>,
        %add3A_1703 = arith.addf %get3A_1699, %get3A_1702 : vector<16xf32>
        %mul3A_1704 = vector.broadcast %squeeze3A : f32 to vector<16xf32>
        %mul3A_1705 = arith.mulf %add3A_1703, %mul3A_1704 : vector<16xf32>
        %max3A_1706 = arith.maximumf %scan3A_1622, %mul3A_1705 : vector<16xf32>
        scf.yield %max3A_1636, %max3A_1646, %max3A_1656, %max3A_1666, %max3A_1676, %max3A_1686, %max3A_1696, %max3A_1706 : vector<16xf32>, vector<16xf32>, vector<16xf32>, vector<16xf32>, vector<16xf32>, vector<16xf32>, vector<16xf32>, vector<16xf32>
      }
      %scan3A_670 = arith.constant 32 : i32
      %swap3A_671 = arith.constant 1 : i32
      %swap3A_672 = arith.index_cast %swap3A_671 : i32 to index
      %swap3A_673 = arith.constant 0 : index
      %swap3A_674 = tpu.vector_load %arg20[%swap3A_672, %swap3A_673] {strides = array<i32>} : memref<4x128xf32, #tpu.memory_space<vmem>>, vector<16xf32>,
      tpu.vector_store %arg20[%swap3A_672, %swap3A_673], %scan3A_669#0 {strides = array<i32>} : memref<4x128xf32, #tpu.memory_space<vmem>>, vector<16xf32>,
      %swap3A_675 = arith.constant 1 : i32
      %swap3A_676 = arith.index_cast %swap3A_675 : i32 to index
      %swap3A_677 = arith.constant 16 : index
      %swap3A_678 = tpu.vector_load %arg20[%swap3A_676, %swap3A_677] {strides = array<i32>} : memref<4x128xf32, #tpu.memory_space<vmem>>, vector<16xf32>,
      tpu.vector_store %arg20[%swap3A_676, %swap3A_677], %scan3A_669#1 {strides = array<i32>} : memref<4x128xf32, #tpu.memory_space<vmem>>, vector<16xf32>,
      %swap3A_679 = arith.constant 1 : i32
      %swap3A_680 = arith.index_cast %swap3A_679 : i32 to index
      %swap3A_681 = arith.constant 32 : index
      %swap3A_682 = tpu.vector_load %arg20[%swap3A_680, %swap3A_681] {strides = array<i32>} : memref<4x128xf32, #tpu.memory_space<vmem>>, vector<16xf32>,
      tpu.vector_store %arg20[%swap3A_680, %swap3A_681], %scan3A_669#2 {strides = array<i32>} : memref<4x128xf32, #tpu.memory_space<vmem>>, vector<16xf32>,
      %swap3A_683 = arith.constant 1 : i32
      %swap3A_684 = arith.index_cast %swap3A_683 : i32 to index
      %swap3A_685 = arith.constant 48 : index
      %swap3A_686 = tpu.vector_load %arg20[%swap3A_684, %swap3A_685] {strides = array<i32>} : memref<4x128xf32, #tpu.memory_space<vmem>>, vector<16xf32>,
      tpu.vector_store %arg20[%swap3A_684, %swap3A_685], %scan3A_669#3 {strides = array<i32>} : memref<4x128xf32, #tpu.memory_space<vmem>>, vector<16xf32>,
      %swap3A_687 = arith.constant 1 : i32
      %swap3A_688 = arith.index_cast %swap3A_687 : i32 to index
      %swap3A_689 = arith.constant 64 : index
      %swap3A_690 = tpu.vector_load %arg20[%swap3A_688, %swap3A_689] {strides = array<i32>} : memref<4x128xf32, #tpu.memory_space<vmem>>, vector<16xf32>,
      tpu.vector_store %arg20[%swap3A_688, %swap3A_689], %scan3A_669#4 {strides = array<i32>} : memref<4x128xf32, #tpu.memory_space<vmem>>, vector<16xf32>,
      %swap3A_691 = arith.constant 1 : i32
      %swap3A_692 = arith.index_cast %swap3A_691 : i32 to index
      %swap3A_693 = arith.constant 80 : index
      %swap3A_694 = tpu.vector_load %arg20[%swap3A_692, %swap3A_693] {strides = array<i32>} : memref<4x128xf32, #tpu.memory_space<vmem>>, vector<16xf32>,
      tpu.vector_store %arg20[%swap3A_692, %swap3A_693], %scan3A_669#5 {strides = array<i32>} : memref<4x128xf32, #tpu.memory_space<vmem>>, vector<16xf32>,
      %swap3A_695 = arith.constant 1 : i32
      %swap3A_696 = arith.index_cast %swap3A_695 : i32 to index
      %swap3A_697 = arith.constant 96 : index
      %swap3A_698 = tpu.vector_load %arg20[%swap3A_696, %swap3A_697] {strides = array<i32>} : memref<4x128xf32, #tpu.memory_space<vmem>>, vector<16xf32>,
      tpu.vector_store %arg20[%swap3A_696, %swap3A_697], %scan3A_669#6 {strides = array<i32>} : memref<4x128xf32, #tpu.memory_space<vmem>>, vector<16xf32>,
      %swap3A_699 = arith.constant 1 : i32
      %swap3A_700 = arith.index_cast %swap3A_699 : i32 to index
      %swap3A_701 = arith.constant 112 : index
      %swap3A_702 = tpu.vector_load %arg20[%swap3A_700, %swap3A_701] {strides = array<i32>} : memref<4x128xf32, #tpu.memory_space<vmem>>, vector<16xf32>,
      tpu.vector_store %arg20[%swap3A_700, %swap3A_701], %scan3A_669#7 {strides = array<i32>} : memref<4x128xf32, #tpu.memory_space<vmem>>, vector<16xf32>,
      %broadcast_in_dim3A_703 = arith.constant 0.000000e+00 : f32
      %broadcast_in_dim3A_704 = vector.broadcast %broadcast_in_dim3A_703 : f32 to vector<16xf32>
      %broadcast_in_dim3A_705 = arith.constant 0.000000e+00 : f32
      %broadcast_in_dim3A_706 = vector.broadcast %broadcast_in_dim3A_705 : f32 to vector<16xf32>
      %broadcast_in_dim3A_707 = arith.constant 0.000000e+00 : f32
      %broadcast_in_dim3A_708 = vector.broadcast %broadcast_in_dim3A_707 : f32 to vector<16xf32>
      %broadcast_in_dim3A_709 = arith.constant 0.000000e+00 : f32
      %broadcast_in_dim3A_710 = vector.broadcast %broadcast_in_dim3A_709 : f32 to vector<16xf32>
      %broadcast_in_dim3A_711 = arith.constant 0.000000e+00 : f32
      %broadcast_in_dim3A_712 = vector.broadcast %broadcast_in_dim3A_711 : f32 to vector<16xf32>
      %broadcast_in_dim3A_713 = arith.constant 0.000000e+00 : f32
      %broadcast_in_dim3A_714 = vector.broadcast %broadcast_in_dim3A_713 : f32 to vector<16xf32>
      %broadcast_in_dim3A_715 = arith.constant 0.000000e+00 : f32
      %broadcast_in_dim3A_716 = vector.broadcast %broadcast_in_dim3A_715 : f32 to vector<16xf32>
      %broadcast_in_dim3A_717 = arith.constant 0.000000e+00 : f32
      %broadcast_in_dim3A_718 = vector.broadcast %broadcast_in_dim3A_717 : f32 to vector<16xf32>
      %scan3A_719 = arith.constant 0 : i32
      %scan3A_720 = arith.constant 32 : i32
      %scan3A_721 = arith.addi %scan3A_719, %scan3A_720 : i32
      %scan3A_722 = arith.constant 1 : i32
      %scan3A_723:8 = scf.for %scan3A_1614 = %scan3A_719 to %scan3A_721 step %scan3A_722 iter_args(%scan3A_1615 = %broadcast_in_dim3A_704, %scan3A_1616 = %broadcast_in_dim3A_706, %scan3A_1617 = %broadcast_in_dim3A_708, %scan3A_1618 = %broadcast_in_dim3A_710, %scan3A_1619 = %broadcast_in_dim3A_712, %scan3A_1620 = %broadcast_in_dim3A_714, %scan3A_1621 = %broadcast_in_dim3A_716, %scan3A_1622 = %broadcast_in_dim3A_718) -> (vector<16xf32>, vector<16xf32>, vector<16xf32>, vector<16xf32>, vector<16xf32>, vector<16xf32>, vector<16xf32>, vector<16xf32>)  : i32 {
        %add3A_1623 = arith.constant 64 : i32
        %add3A_1624 = arith.addi %add3A_1623, %scan3A_1614 : i32
        %get3A_1625 = arith.index_cast %add3A_1624 : i32 to index
        %get3A_1626 = tpu.vector_load %arg19[%get3A_1625] {strides = array<i32>} : memref<144xf32, #tpu.memory_space<vmem>>, vector<16xf32>,
        %slice3A = vector.extract_strided_slice %get3A_1626 {offsets = [0], sizes = [1], strides = [1]} : vector<16xf32> to vector<1xf32>
        %squeeze3A = vector.extract %slice3A[0] : f32 from vector<1xf32>
        %get3A_1627 = arith.index_cast %add3A_1624 : i32 to index
        %get3A_1628 = arith.constant 0 : index
        %get3A_1629 = tpu.vector_load %arg15[%get3A_1627, %get3A_1628] {strides = array<i32>} : memref<128x128xf32, #tpu.memory_space<vmem>>, vector<16xf32>,
        %get3A_1630 = arith.index_cast %add3A_1624 : i32 to index
        %get3A_1631 = arith.constant 0 : index
        %get3A_1632 = tpu.vector_load %arg16[%get3A_1630, %get3A_1631] {strides = array<i32>} : memref<128x128xf32, #tpu.memory_space<vmem>>, vector<16xf32>,
        %add3A_1633 = arith.addf %get3A_1629, %get3A_1632 : vector<16xf32>
        %mul3A_1634 = vector.broadcast %squeeze3A : f32 to vector<16xf32>
        %mul3A_1635 = arith.mulf %add3A_1633, %mul3A_1634 : vector<16xf32>
        %max3A_1636 = arith.maximumf %scan3A_1615, %mul3A_1635 : vector<16xf32>
        %get3A_1637 = arith.index_cast %add3A_1624 : i32 to index
        %get3A_1638 = arith.constant 16 : index
        %get3A_1639 = tpu.vector_load %arg15[%get3A_1637, %get3A_1638] {strides = array<i32>} : memref<128x128xf32, #tpu.memory_space<vmem>>, vector<16xf32>,
        %get3A_1640 = arith.index_cast %add3A_1624 : i32 to index
        %get3A_1641 = arith.constant 16 : index
        %get3A_1642 = tpu.vector_load %arg16[%get3A_1640, %get3A_1641] {strides = array<i32>} : memref<128x128xf32, #tpu.memory_space<vmem>>, vector<16xf32>,
        %add3A_1643 = arith.addf %get3A_1639, %get3A_1642 : vector<16xf32>
        %mul3A_1644 = vector.broadcast %squeeze3A : f32 to vector<16xf32>
        %mul3A_1645 = arith.mulf %add3A_1643, %mul3A_1644 : vector<16xf32>
        %max3A_1646 = arith.maximumf %scan3A_1616, %mul3A_1645 : vector<16xf32>
        %get3A_1647 = arith.index_cast %add3A_1624 : i32 to index
        %get3A_1648 = arith.constant 32 : index
        %get3A_1649 = tpu.vector_load %arg15[%get3A_1647, %get3A_1648] {strides = array<i32>} : memref<128x128xf32, #tpu.memory_space<vmem>>, vector<16xf32>,
        %get3A_1650 = arith.index_cast %add3A_1624 : i32 to index
        %get3A_1651 = arith.constant 32 : index
        %get3A_1652 = tpu.vector_load %arg16[%get3A_1650, %get3A_1651] {strides = array<i32>} : memref<128x128xf32, #tpu.memory_space<vmem>>, vector<16xf32>,
        %add3A_1653 = arith.addf %get3A_1649, %get3A_1652 : vector<16xf32>
        %mul3A_1654 = vector.broadcast %squeeze3A : f32 to vector<16xf32>
        %mul3A_1655 = arith.mulf %add3A_1653, %mul3A_1654 : vector<16xf32>
        %max3A_1656 = arith.maximumf %scan3A_1617, %mul3A_1655 : vector<16xf32>
        %get3A_1657 = arith.index_cast %add3A_1624 : i32 to index
        %get3A_1658 = arith.constant 48 : index
        %get3A_1659 = tpu.vector_load %arg15[%get3A_1657, %get3A_1658] {strides = array<i32>} : memref<128x128xf32, #tpu.memory_space<vmem>>, vector<16xf32>,
        %get3A_1660 = arith.index_cast %add3A_1624 : i32 to index
        %get3A_1661 = arith.constant 48 : index
        %get3A_1662 = tpu.vector_load %arg16[%get3A_1660, %get3A_1661] {strides = array<i32>} : memref<128x128xf32, #tpu.memory_space<vmem>>, vector<16xf32>,
        %add3A_1663 = arith.addf %get3A_1659, %get3A_1662 : vector<16xf32>
        %mul3A_1664 = vector.broadcast %squeeze3A : f32 to vector<16xf32>
        %mul3A_1665 = arith.mulf %add3A_1663, %mul3A_1664 : vector<16xf32>
        %max3A_1666 = arith.maximumf %scan3A_1618, %mul3A_1665 : vector<16xf32>
        %get3A_1667 = arith.index_cast %add3A_1624 : i32 to index
        %get3A_1668 = arith.constant 64 : index
        %get3A_1669 = tpu.vector_load %arg15[%get3A_1667, %get3A_1668] {strides = array<i32>} : memref<128x128xf32, #tpu.memory_space<vmem>>, vector<16xf32>,
        %get3A_1670 = arith.index_cast %add3A_1624 : i32 to index
        %get3A_1671 = arith.constant 64 : index
        %get3A_1672 = tpu.vector_load %arg16[%get3A_1670, %get3A_1671] {strides = array<i32>} : memref<128x128xf32, #tpu.memory_space<vmem>>, vector<16xf32>,
        %add3A_1673 = arith.addf %get3A_1669, %get3A_1672 : vector<16xf32>
        %mul3A_1674 = vector.broadcast %squeeze3A : f32 to vector<16xf32>
        %mul3A_1675 = arith.mulf %add3A_1673, %mul3A_1674 : vector<16xf32>
        %max3A_1676 = arith.maximumf %scan3A_1619, %mul3A_1675 : vector<16xf32>
        %get3A_1677 = arith.index_cast %add3A_1624 : i32 to index
        %get3A_1678 = arith.constant 80 : index
        %get3A_1679 = tpu.vector_load %arg15[%get3A_1677, %get3A_1678] {strides = array<i32>} : memref<128x128xf32, #tpu.memory_space<vmem>>, vector<16xf32>,
        %get3A_1680 = arith.index_cast %add3A_1624 : i32 to index
        %get3A_1681 = arith.constant 80 : index
        %get3A_1682 = tpu.vector_load %arg16[%get3A_1680, %get3A_1681] {strides = array<i32>} : memref<128x128xf32, #tpu.memory_space<vmem>>, vector<16xf32>,
        %add3A_1683 = arith.addf %get3A_1679, %get3A_1682 : vector<16xf32>
        %mul3A_1684 = vector.broadcast %squeeze3A : f32 to vector<16xf32>
        %mul3A_1685 = arith.mulf %add3A_1683, %mul3A_1684 : vector<16xf32>
        %max3A_1686 = arith.maximumf %scan3A_1620, %mul3A_1685 : vector<16xf32>
        %get3A_1687 = arith.index_cast %add3A_1624 : i32 to index
        %get3A_1688 = arith.constant 96 : index
        %get3A_1689 = tpu.vector_load %arg15[%get3A_1687, %get3A_1688] {strides = array<i32>} : memref<128x128xf32, #tpu.memory_space<vmem>>, vector<16xf32>,
        %get3A_1690 = arith.index_cast %add3A_1624 : i32 to index
        %get3A_1691 = arith.constant 96 : index
        %get3A_1692 = tpu.vector_load %arg16[%get3A_1690, %get3A_1691] {strides = array<i32>} : memref<128x128xf32, #tpu.memory_space<vmem>>, vector<16xf32>,
        %add3A_1693 = arith.addf %get3A_1689, %get3A_1692 : vector<16xf32>
        %mul3A_1694 = vector.broadcast %squeeze3A : f32 to vector<16xf32>
        %mul3A_1695 = arith.mulf %add3A_1693, %mul3A_1694 : vector<16xf32>
        %max3A_1696 = arith.maximumf %scan3A_1621, %mul3A_1695 : vector<16xf32>
        %get3A_1697 = arith.index_cast %add3A_1624 : i32 to index
        %get3A_1698 = arith.constant 112 : index
        %get3A_1699 = tpu.vector_load %arg15[%get3A_1697, %get3A_1698] {strides = array<i32>} : memref<128x128xf32, #tpu.memory_space<vmem>>, vector<16xf32>,
        %get3A_1700 = arith.index_cast %add3A_1624 : i32 to index
        %get3A_1701 = arith.constant 112 : index
        %get3A_1702 = tpu.vector_load %arg16[%get3A_1700, %get3A_1701] {strides = array<i32>} : memref<128x128xf32, #tpu.memory_space<vmem>>, vector<16xf32>,
        %add3A_1703 = arith.addf %get3A_1699, %get3A_1702 : vector<16xf32>
        %mul3A_1704 = vector.broadcast %squeeze3A : f32 to vector<16xf32>
        %mul3A_1705 = arith.mulf %add3A_1703, %mul3A_1704 : vector<16xf32>
        %max3A_1706 = arith.maximumf %scan3A_1622, %mul3A_1705 : vector<16xf32>
        scf.yield %max3A_1636, %max3A_1646, %max3A_1656, %max3A_1666, %max3A_1676, %max3A_1686, %max3A_1696, %max3A_1706 : vector<16xf32>, vector<16xf32>, vector<16xf32>, vector<16xf32>, vector<16xf32>, vector<16xf32>, vector<16xf32>, vector<16xf32>
      }
      %scan3A_724 = arith.constant 32 : i32
      %swap3A_725 = arith.constant 2 : i32
      %swap3A_726 = arith.index_cast %swap3A_725 : i32 to index
      %swap3A_727 = arith.constant 0 : index
      %swap3A_728 = tpu.vector_load %arg20[%swap3A_726, %swap3A_727] {strides = array<i32>} : memref<4x128xf32, #tpu.memory_space<vmem>>, vector<16xf32>,
      tpu.vector_store %arg20[%swap3A_726, %swap3A_727], %scan3A_723#0 {strides = array<i32>} : memref<4x128xf32, #tpu.memory_space<vmem>>, vector<16xf32>,
      %swap3A_729 = arith.constant 2 : i32
      %swap3A_730 = arith.index_cast %swap3A_729 : i32 to index
      %swap3A_731 = arith.constant 16 : index
      %swap3A_732 = tpu.vector_load %arg20[%swap3A_730, %swap3A_731] {strides = array<i32>} : memref<4x128xf32, #tpu.memory_space<vmem>>, vector<16xf32>,
      tpu.vector_store %arg20[%swap3A_730, %swap3A_731], %scan3A_723#1 {strides = array<i32>} : memref<4x128xf32, #tpu.memory_space<vmem>>, vector<16xf32>,
      %swap3A_733 = arith.constant 2 : i32
      %swap3A_734 = arith.index_cast %swap3A_733 : i32 to index
      %swap3A_735 = arith.constant 32 : index
      %swap3A_736 = tpu.vector_load %arg20[%swap3A_734, %swap3A_735] {strides = array<i32>} : memref<4x128xf32, #tpu.memory_space<vmem>>, vector<16xf32>,
      tpu.vector_store %arg20[%swap3A_734, %swap3A_735], %scan3A_723#2 {strides = array<i32>} : memref<4x128xf32, #tpu.memory_space<vmem>>, vector<16xf32>,
      %swap3A_737 = arith.constant 2 : i32
      %swap3A_738 = arith.index_cast %swap3A_737 : i32 to index
      %swap3A_739 = arith.constant 48 : index
      %swap3A_740 = tpu.vector_load %arg20[%swap3A_738, %swap3A_739] {strides = array<i32>} : memref<4x128xf32, #tpu.memory_space<vmem>>, vector<16xf32>,
      tpu.vector_store %arg20[%swap3A_738, %swap3A_739], %scan3A_723#3 {strides = array<i32>} : memref<4x128xf32, #tpu.memory_space<vmem>>, vector<16xf32>,
      %swap3A_741 = arith.constant 2 : i32
      %swap3A_742 = arith.index_cast %swap3A_741 : i32 to index
      %swap3A_743 = arith.constant 64 : index
      %swap3A_744 = tpu.vector_load %arg20[%swap3A_742, %swap3A_743] {strides = array<i32>} : memref<4x128xf32, #tpu.memory_space<vmem>>, vector<16xf32>,
      tpu.vector_store %arg20[%swap3A_742, %swap3A_743], %scan3A_723#4 {strides = array<i32>} : memref<4x128xf32, #tpu.memory_space<vmem>>, vector<16xf32>,
      %swap3A_745 = arith.constant 2 : i32
      %swap3A_746 = arith.index_cast %swap3A_745 : i32 to index
      %swap3A_747 = arith.constant 80 : index
      %swap3A_748 = tpu.vector_load %arg20[%swap3A_746, %swap3A_747] {strides = array<i32>} : memref<4x128xf32, #tpu.memory_space<vmem>>, vector<16xf32>,
      tpu.vector_store %arg20[%swap3A_746, %swap3A_747], %scan3A_723#5 {strides = array<i32>} : memref<4x128xf32, #tpu.memory_space<vmem>>, vector<16xf32>,
      %swap3A_749 = arith.constant 2 : i32
      %swap3A_750 = arith.index_cast %swap3A_749 : i32 to index
      %swap3A_751 = arith.constant 96 : index
      %swap3A_752 = tpu.vector_load %arg20[%swap3A_750, %swap3A_751] {strides = array<i32>} : memref<4x128xf32, #tpu.memory_space<vmem>>, vector<16xf32>,
      tpu.vector_store %arg20[%swap3A_750, %swap3A_751], %scan3A_723#6 {strides = array<i32>} : memref<4x128xf32, #tpu.memory_space<vmem>>, vector<16xf32>,
      %swap3A_753 = arith.constant 2 : i32
      %swap3A_754 = arith.index_cast %swap3A_753 : i32 to index
      %swap3A_755 = arith.constant 112 : index
      %swap3A_756 = tpu.vector_load %arg20[%swap3A_754, %swap3A_755] {strides = array<i32>} : memref<4x128xf32, #tpu.memory_space<vmem>>, vector<16xf32>,
      tpu.vector_store %arg20[%swap3A_754, %swap3A_755], %scan3A_723#7 {strides = array<i32>} : memref<4x128xf32, #tpu.memory_space<vmem>>, vector<16xf32>,
      %broadcast_in_dim3A_757 = arith.constant 0.000000e+00 : f32
      %broadcast_in_dim3A_758 = vector.broadcast %broadcast_in_dim3A_757 : f32 to vector<16xf32>
      %broadcast_in_dim3A_759 = arith.constant 0.000000e+00 : f32
      %broadcast_in_dim3A_760 = vector.broadcast %broadcast_in_dim3A_759 : f32 to vector<16xf32>
      %broadcast_in_dim3A_761 = arith.constant 0.000000e+00 : f32
      %broadcast_in_dim3A_762 = vector.broadcast %broadcast_in_dim3A_761 : f32 to vector<16xf32>
      %broadcast_in_dim3A_763 = arith.constant 0.000000e+00 : f32
      %broadcast_in_dim3A_764 = vector.broadcast %broadcast_in_dim3A_763 : f32 to vector<16xf32>
      %broadcast_in_dim3A_765 = arith.constant 0.000000e+00 : f32
      %broadcast_in_dim3A_766 = vector.broadcast %broadcast_in_dim3A_765 : f32 to vector<16xf32>
      %broadcast_in_dim3A_767 = arith.constant 0.000000e+00 : f32
      %broadcast_in_dim3A_768 = vector.broadcast %broadcast_in_dim3A_767 : f32 to vector<16xf32>
      %broadcast_in_dim3A_769 = arith.constant 0.000000e+00 : f32
      %broadcast_in_dim3A_770 = vector.broadcast %broadcast_in_dim3A_769 : f32 to vector<16xf32>
      %broadcast_in_dim3A_771 = arith.constant 0.000000e+00 : f32
      %broadcast_in_dim3A_772 = vector.broadcast %broadcast_in_dim3A_771 : f32 to vector<16xf32>
      %scan3A_773 = arith.constant 0 : i32
      %scan3A_774 = arith.constant 32 : i32
      %scan3A_775 = arith.addi %scan3A_773, %scan3A_774 : i32
      %scan3A_776 = arith.constant 1 : i32
      %scan3A_777:8 = scf.for %scan3A_1614 = %scan3A_773 to %scan3A_775 step %scan3A_776 iter_args(%scan3A_1615 = %broadcast_in_dim3A_758, %scan3A_1616 = %broadcast_in_dim3A_760, %scan3A_1617 = %broadcast_in_dim3A_762, %scan3A_1618 = %broadcast_in_dim3A_764, %scan3A_1619 = %broadcast_in_dim3A_766, %scan3A_1620 = %broadcast_in_dim3A_768, %scan3A_1621 = %broadcast_in_dim3A_770, %scan3A_1622 = %broadcast_in_dim3A_772) -> (vector<16xf32>, vector<16xf32>, vector<16xf32>, vector<16xf32>, vector<16xf32>, vector<16xf32>, vector<16xf32>, vector<16xf32>)  : i32 {
        %add3A_1623 = arith.constant 96 : i32
        %add3A_1624 = arith.addi %add3A_1623, %scan3A_1614 : i32
        %get3A_1625 = arith.index_cast %add3A_1624 : i32 to index
        %get3A_1626 = tpu.vector_load %arg19[%get3A_1625] {strides = array<i32>} : memref<144xf32, #tpu.memory_space<vmem>>, vector<16xf32>,
        %slice3A = vector.extract_strided_slice %get3A_1626 {offsets = [0], sizes = [1], strides = [1]} : vector<16xf32> to vector<1xf32>
        %squeeze3A = vector.extract %slice3A[0] : f32 from vector<1xf32>
        %get3A_1627 = arith.index_cast %add3A_1624 : i32 to index
        %get3A_1628 = arith.constant 0 : index
        %get3A_1629 = tpu.vector_load %arg15[%get3A_1627, %get3A_1628] {strides = array<i32>} : memref<128x128xf32, #tpu.memory_space<vmem>>, vector<16xf32>,
        %get3A_1630 = arith.index_cast %add3A_1624 : i32 to index
        %get3A_1631 = arith.constant 0 : index
        %get3A_1632 = tpu.vector_load %arg16[%get3A_1630, %get3A_1631] {strides = array<i32>} : memref<128x128xf32, #tpu.memory_space<vmem>>, vector<16xf32>,
        %add3A_1633 = arith.addf %get3A_1629, %get3A_1632 : vector<16xf32>
        %mul3A_1634 = vector.broadcast %squeeze3A : f32 to vector<16xf32>
        %mul3A_1635 = arith.mulf %add3A_1633, %mul3A_1634 : vector<16xf32>
        %max3A_1636 = arith.maximumf %scan3A_1615, %mul3A_1635 : vector<16xf32>
        %get3A_1637 = arith.index_cast %add3A_1624 : i32 to index
        %get3A_1638 = arith.constant 16 : index
        %get3A_1639 = tpu.vector_load %arg15[%get3A_1637, %get3A_1638] {strides = array<i32>} : memref<128x128xf32, #tpu.memory_space<vmem>>, vector<16xf32>,
        %get3A_1640 = arith.index_cast %add3A_1624 : i32 to index
        %get3A_1641 = arith.constant 16 : index
        %get3A_1642 = tpu.vector_load %arg16[%get3A_1640, %get3A_1641] {strides = array<i32>} : memref<128x128xf32, #tpu.memory_space<vmem>>, vector<16xf32>,
        %add3A_1643 = arith.addf %get3A_1639, %get3A_1642 : vector<16xf32>
        %mul3A_1644 = vector.broadcast %squeeze3A : f32 to vector<16xf32>
        %mul3A_1645 = arith.mulf %add3A_1643, %mul3A_1644 : vector<16xf32>
        %max3A_1646 = arith.maximumf %scan3A_1616, %mul3A_1645 : vector<16xf32>
        %get3A_1647 = arith.index_cast %add3A_1624 : i32 to index
        %get3A_1648 = arith.constant 32 : index
        %get3A_1649 = tpu.vector_load %arg15[%get3A_1647, %get3A_1648] {strides = array<i32>} : memref<128x128xf32, #tpu.memory_space<vmem>>, vector<16xf32>,
        %get3A_1650 = arith.index_cast %add3A_1624 : i32 to index
        %get3A_1651 = arith.constant 32 : index
        %get3A_1652 = tpu.vector_load %arg16[%get3A_1650, %get3A_1651] {strides = array<i32>} : memref<128x128xf32, #tpu.memory_space<vmem>>, vector<16xf32>,
        %add3A_1653 = arith.addf %get3A_1649, %get3A_1652 : vector<16xf32>
        %mul3A_1654 = vector.broadcast %squeeze3A : f32 to vector<16xf32>
        %mul3A_1655 = arith.mulf %add3A_1653, %mul3A_1654 : vector<16xf32>
        %max3A_1656 = arith.maximumf %scan3A_1617, %mul3A_1655 : vector<16xf32>
        %get3A_1657 = arith.index_cast %add3A_1624 : i32 to index
        %get3A_1658 = arith.constant 48 : index
        %get3A_1659 = tpu.vector_load %arg15[%get3A_1657, %get3A_1658] {strides = array<i32>} : memref<128x128xf32, #tpu.memory_space<vmem>>, vector<16xf32>,
        %get3A_1660 = arith.index_cast %add3A_1624 : i32 to index
        %get3A_1661 = arith.constant 48 : index
        %get3A_1662 = tpu.vector_load %arg16[%get3A_1660, %get3A_1661] {strides = array<i32>} : memref<128x128xf32, #tpu.memory_space<vmem>>, vector<16xf32>,
        %add3A_1663 = arith.addf %get3A_1659, %get3A_1662 : vector<16xf32>
        %mul3A_1664 = vector.broadcast %squeeze3A : f32 to vector<16xf32>
        %mul3A_1665 = arith.mulf %add3A_1663, %mul3A_1664 : vector<16xf32>
        %max3A_1666 = arith.maximumf %scan3A_1618, %mul3A_1665 : vector<16xf32>
        %get3A_1667 = arith.index_cast %add3A_1624 : i32 to index
        %get3A_1668 = arith.constant 64 : index
        %get3A_1669 = tpu.vector_load %arg15[%get3A_1667, %get3A_1668] {strides = array<i32>} : memref<128x128xf32, #tpu.memory_space<vmem>>, vector<16xf32>,
        %get3A_1670 = arith.index_cast %add3A_1624 : i32 to index
        %get3A_1671 = arith.constant 64 : index
        %get3A_1672 = tpu.vector_load %arg16[%get3A_1670, %get3A_1671] {strides = array<i32>} : memref<128x128xf32, #tpu.memory_space<vmem>>, vector<16xf32>,
        %add3A_1673 = arith.addf %get3A_1669, %get3A_1672 : vector<16xf32>
        %mul3A_1674 = vector.broadcast %squeeze3A : f32 to vector<16xf32>
        %mul3A_1675 = arith.mulf %add3A_1673, %mul3A_1674 : vector<16xf32>
        %max3A_1676 = arith.maximumf %scan3A_1619, %mul3A_1675 : vector<16xf32>
        %get3A_1677 = arith.index_cast %add3A_1624 : i32 to index
        %get3A_1678 = arith.constant 80 : index
        %get3A_1679 = tpu.vector_load %arg15[%get3A_1677, %get3A_1678] {strides = array<i32>} : memref<128x128xf32, #tpu.memory_space<vmem>>, vector<16xf32>,
        %get3A_1680 = arith.index_cast %add3A_1624 : i32 to index
        %get3A_1681 = arith.constant 80 : index
        %get3A_1682 = tpu.vector_load %arg16[%get3A_1680, %get3A_1681] {strides = array<i32>} : memref<128x128xf32, #tpu.memory_space<vmem>>, vector<16xf32>,
        %add3A_1683 = arith.addf %get3A_1679, %get3A_1682 : vector<16xf32>
        %mul3A_1684 = vector.broadcast %squeeze3A : f32 to vector<16xf32>
        %mul3A_1685 = arith.mulf %add3A_1683, %mul3A_1684 : vector<16xf32>
        %max3A_1686 = arith.maximumf %scan3A_1620, %mul3A_1685 : vector<16xf32>
        %get3A_1687 = arith.index_cast %add3A_1624 : i32 to index
        %get3A_1688 = arith.constant 96 : index
        %get3A_1689 = tpu.vector_load %arg15[%get3A_1687, %get3A_1688] {strides = array<i32>} : memref<128x128xf32, #tpu.memory_space<vmem>>, vector<16xf32>,
        %get3A_1690 = arith.index_cast %add3A_1624 : i32 to index
        %get3A_1691 = arith.constant 96 : index
        %get3A_1692 = tpu.vector_load %arg16[%get3A_1690, %get3A_1691] {strides = array<i32>} : memref<128x128xf32, #tpu.memory_space<vmem>>, vector<16xf32>,
        %add3A_1693 = arith.addf %get3A_1689, %get3A_1692 : vector<16xf32>
        %mul3A_1694 = vector.broadcast %squeeze3A : f32 to vector<16xf32>
        %mul3A_1695 = arith.mulf %add3A_1693, %mul3A_1694 : vector<16xf32>
        %max3A_1696 = arith.maximumf %scan3A_1621, %mul3A_1695 : vector<16xf32>
        %get3A_1697 = arith.index_cast %add3A_1624 : i32 to index
        %get3A_1698 = arith.constant 112 : index
        %get3A_1699 = tpu.vector_load %arg15[%get3A_1697, %get3A_1698] {strides = array<i32>} : memref<128x128xf32, #tpu.memory_space<vmem>>, vector<16xf32>,
        %get3A_1700 = arith.index_cast %add3A_1624 : i32 to index
        %get3A_1701 = arith.constant 112 : index
        %get3A_1702 = tpu.vector_load %arg16[%get3A_1700, %get3A_1701] {strides = array<i32>} : memref<128x128xf32, #tpu.memory_space<vmem>>, vector<16xf32>,
        %add3A_1703 = arith.addf %get3A_1699, %get3A_1702 : vector<16xf32>
        %mul3A_1704 = vector.broadcast %squeeze3A : f32 to vector<16xf32>
        %mul3A_1705 = arith.mulf %add3A_1703, %mul3A_1704 : vector<16xf32>
        %max3A_1706 = arith.maximumf %scan3A_1622, %mul3A_1705 : vector<16xf32>
        scf.yield %max3A_1636, %max3A_1646, %max3A_1656, %max3A_1666, %max3A_1676, %max3A_1686, %max3A_1696, %max3A_1706 : vector<16xf32>, vector<16xf32>, vector<16xf32>, vector<16xf32>, vector<16xf32>, vector<16xf32>, vector<16xf32>, vector<16xf32>
      }
      %scan3A_778 = arith.constant 32 : i32
      %swap3A_779 = arith.constant 3 : i32
      %swap3A_780 = arith.index_cast %swap3A_779 : i32 to index
      %swap3A_781 = arith.constant 0 : index
      %swap3A_782 = tpu.vector_load %arg20[%swap3A_780, %swap3A_781] {strides = array<i32>} : memref<4x128xf32, #tpu.memory_space<vmem>>, vector<16xf32>,
      tpu.vector_store %arg20[%swap3A_780, %swap3A_781], %scan3A_777#0 {strides = array<i32>} : memref<4x128xf32, #tpu.memory_space<vmem>>, vector<16xf32>,
      %swap3A_783 = arith.constant 3 : i32
      %swap3A_784 = arith.index_cast %swap3A_783 : i32 to index
      %swap3A_785 = arith.constant 16 : index
      %swap3A_786 = tpu.vector_load %arg20[%swap3A_784, %swap3A_785] {strides = array<i32>} : memref<4x128xf32, #tpu.memory_space<vmem>>, vector<16xf32>,
      tpu.vector_store %arg20[%swap3A_784, %swap3A_785], %scan3A_777#1 {strides = array<i32>} : memref<4x128xf32, #tpu.memory_space<vmem>>, vector<16xf32>,
      %swap3A_787 = arith.constant 3 : i32
      %swap3A_788 = arith.index_cast %swap3A_787 : i32 to index
      %swap3A_789 = arith.constant 32 : index
      %swap3A_790 = tpu.vector_load %arg20[%swap3A_788, %swap3A_789] {strides = array<i32>} : memref<4x128xf32, #tpu.memory_space<vmem>>, vector<16xf32>,
      tpu.vector_store %arg20[%swap3A_788, %swap3A_789], %scan3A_777#2 {strides = array<i32>} : memref<4x128xf32, #tpu.memory_space<vmem>>, vector<16xf32>,
      %swap3A_791 = arith.constant 3 : i32
      %swap3A_792 = arith.index_cast %swap3A_791 : i32 to index
      %swap3A_793 = arith.constant 48 : index
      %swap3A_794 = tpu.vector_load %arg20[%swap3A_792, %swap3A_793] {strides = array<i32>} : memref<4x128xf32, #tpu.memory_space<vmem>>, vector<16xf32>,
      tpu.vector_store %arg20[%swap3A_792, %swap3A_793], %scan3A_777#3 {strides = array<i32>} : memref<4x128xf32, #tpu.memory_space<vmem>>, vector<16xf32>,
      %swap3A_795 = arith.constant 3 : i32
      %swap3A_796 = arith.index_cast %swap3A_795 : i32 to index
      %swap3A_797 = arith.constant 64 : index
      %swap3A_798 = tpu.vector_load %arg20[%swap3A_796, %swap3A_797] {strides = array<i32>} : memref<4x128xf32, #tpu.memory_space<vmem>>, vector<16xf32>,
      tpu.vector_store %arg20[%swap3A_796, %swap3A_797], %scan3A_777#4 {strides = array<i32>} : memref<4x128xf32, #tpu.memory_space<vmem>>, vector<16xf32>,
      %swap3A_799 = arith.constant 3 : i32
      %swap3A_800 = arith.index_cast %swap3A_799 : i32 to index
      %swap3A_801 = arith.constant 80 : index
      %swap3A_802 = tpu.vector_load %arg20[%swap3A_800, %swap3A_801] {strides = array<i32>} : memref<4x128xf32, #tpu.memory_space<vmem>>, vector<16xf32>,
      tpu.vector_store %arg20[%swap3A_800, %swap3A_801], %scan3A_777#5 {strides = array<i32>} : memref<4x128xf32, #tpu.memory_space<vmem>>, vector<16xf32>,
      %swap3A_803 = arith.constant 3 : i32
      %swap3A_804 = arith.index_cast %swap3A_803 : i32 to index
      %swap3A_805 = arith.constant 96 : index
      %swap3A_806 = tpu.vector_load %arg20[%swap3A_804, %swap3A_805] {strides = array<i32>} : memref<4x128xf32, #tpu.memory_space<vmem>>, vector<16xf32>,
      tpu.vector_store %arg20[%swap3A_804, %swap3A_805], %scan3A_777#6 {strides = array<i32>} : memref<4x128xf32, #tpu.memory_space<vmem>>, vector<16xf32>,
      %swap3A_807 = arith.constant 3 : i32
      %swap3A_808 = arith.index_cast %swap3A_807 : i32 to index
      %swap3A_809 = arith.constant 112 : index
      %swap3A_810 = tpu.vector_load %arg20[%swap3A_808, %swap3A_809] {strides = array<i32>} : memref<4x128xf32, #tpu.memory_space<vmem>>, vector<16xf32>,
      tpu.vector_store %arg20[%swap3A_808, %swap3A_809], %scan3A_777#7 {strides = array<i32>} : memref<4x128xf32, #tpu.memory_space<vmem>>, vector<16xf32>,
      %mul3A_811 = arith.constant 320 : i32
      %mul3A_812 = arith.muli %add3A, %mul3A_811 : i32
      %mul3A_813 = arith.constant 4 : i32
      %mul3A_814 = arith.muli %mul3A_32, %mul3A_813 : i32
      %add3A_815 = arith.addi %mul3A_812, %mul3A_814 : i32
      %dma_start3A_816 = arith.constant 0 : i32
      %dma_start3A_817 = tpu.memref_slice %arg9[%add3A_815, %dma_start3A_816] : memref<10240x128xf32, #tpu.memory_space<hbm>> -> memref<4x128xf32, #tpu.memory_space<hbm>>
      %dma_start3A_818 = arith.constant 0 : i32
      %dma_start3A_819 = tpu.memref_slice %arg9[%add3A_815, %dma_start3A_818] : memref<10240x128xf32, #tpu.memory_space<hbm>> -> memref<4x128xf32, #tpu.memory_space<hbm>>
      tpu.enqueue_dma source(%arg20 : memref<4x128xf32, #tpu.memory_space<vmem>>) target(%dma_start3A_819 : memref<4x128xf32, #tpu.memory_space<hbm>>) target_semaphore(%arg24 : memref<!tpu.dma_semaphore, #tpu.memory_space<semaphore_mem>>)
      %add3A_820 = arith.constant 2 : i32
      %add3A_821 = arith.addi %mul3A_32, %add3A_820 : i32
      %lt3A = arith.constant 80 : i32
      %lt3A_822 = arith.cmpi slt, %add3A_821, %lt3A : i32
      %convert_element_type3A_823 = arith.extui %lt3A_822 : i1 to i32
      %cond3A_824 = arith.constant 0 : i32
      %cond3A_825 = arith.cmpi ne, %convert_element_type3A_823, %cond3A_824 : i32
      scf.if %cond3A_825 {
        %add3A_1614 = arith.constant 2 : i32
        %add3A_1615 = arith.addi %mul3A_32, %add3A_1614 : i32
        %dma_start3A_1616 = arith.constant 0 : i32
        %dma_start3A_1617 = tpu.memref_slice %arg10[%add3A_1615, %dma_start3A_1616] : memref<80x128xi32, #tpu.memory_space<vmem>> -> memref<1x128xi32, #tpu.memory_space<vmem>>
        %dma_start3A_1618 = tpu.memref_squeeze %dma_start3A_1617 : memref<1x128xi32, #tpu.memory_space<vmem>> -> memref<128xi32, #tpu.memory_space<vmem>>
        %dma_start3A_1619 = arith.constant 0 : i32
        %dma_start3A_1620 = arith.constant 0 : i32
        %dma_start3A_1621 = tpu.memref_slice %arg2[%dma_start3A_1619, %dma_start3A_1620] : memref<10000x128xf32, #tpu.memory_space<hbm>> -> memref<10000x128xf32, #tpu.memory_space<hbm>>
        tpu.enqueue_indirect_dma source(%dma_start3A_1621 : memref<10000x128xf32, #tpu.memory_space<hbm>>) target(%arg15 : memref<128x128xf32, #tpu.memory_space<vmem>>) offsets(%dma_start3A_1618 : memref<128xi32, #tpu.memory_space<vmem>>) semaphore(%arg22 : memref<!tpu.dma_semaphore, #tpu.memory_space<semaphore_mem>>)
        %dma_start3A_1622 = arith.constant 0 : i32
        %dma_start3A_1623 = tpu.memref_slice %arg11[%add3A_1615, %dma_start3A_1622] : memref<80x128xi32, #tpu.memory_space<vmem>> -> memref<1x128xi32, #tpu.memory_space<vmem>>
        %dma_start3A_1624 = tpu.memref_squeeze %dma_start3A_1623 : memref<1x128xi32, #tpu.memory_space<vmem>> -> memref<128xi32, #tpu.memory_space<vmem>>
        %dma_start3A_1625 = arith.constant 0 : i32
        %dma_start3A_1626 = arith.constant 0 : i32
        %dma_start3A_1627 = tpu.memref_slice %arg3[%dma_start3A_1625, %dma_start3A_1626] : memref<10000x128xf32, #tpu.memory_space<hbm>> -> memref<10000x128xf32, #tpu.memory_space<hbm>>
        tpu.enqueue_indirect_dma source(%dma_start3A_1627 : memref<10000x128xf32, #tpu.memory_space<hbm>>) target(%arg16 : memref<128x128xf32, #tpu.memory_space<vmem>>) offsets(%dma_start3A_1624 : memref<128xi32, #tpu.memory_space<vmem>>) semaphore(%arg22 : memref<!tpu.dma_semaphore, #tpu.memory_space<semaphore_mem>>)
      } else {
      }
      %add3A_826 = arith.constant 1 : i32
      %add3A_827 = arith.addi %mul3A_32, %add3A_826 : i32
      %get3A_828 = arith.index_cast %add3A_827 : i32 to index
      %get3A_829 = arith.constant 0 : index
      %get3A_830 = tpu.vector_load %arg10[%get3A_828, %get3A_829] {strides = array<i32>} : memref<80x128xi32, #tpu.memory_space<vmem>>, vector<16xi32>,
      %get3A_831 = arith.index_cast %add3A_827 : i32 to index
      %get3A_832 = arith.constant 16 : index
      %get3A_833 = tpu.vector_load %arg10[%get3A_831, %get3A_832] {strides = array<i32>} : memref<80x128xi32, #tpu.memory_space<vmem>>, vector<16xi32>,
      %get3A_834 = arith.index_cast %add3A_827 : i32 to index
      %get3A_835 = arith.constant 32 : index
      %get3A_836 = tpu.vector_load %arg10[%get3A_834, %get3A_835] {strides = array<i32>} : memref<80x128xi32, #tpu.memory_space<vmem>>, vector<16xi32>,
      %get3A_837 = arith.index_cast %add3A_827 : i32 to index
      %get3A_838 = arith.constant 48 : index
      %get3A_839 = tpu.vector_load %arg10[%get3A_837, %get3A_838] {strides = array<i32>} : memref<80x128xi32, #tpu.memory_space<vmem>>, vector<16xi32>,
      %get3A_840 = arith.index_cast %add3A_827 : i32 to index
      %get3A_841 = arith.constant 64 : index
      %get3A_842 = tpu.vector_load %arg10[%get3A_840, %get3A_841] {strides = array<i32>} : memref<80x128xi32, #tpu.memory_space<vmem>>, vector<16xi32>,
      %get3A_843 = arith.index_cast %add3A_827 : i32 to index
      %get3A_844 = arith.constant 80 : index
      %get3A_845 = tpu.vector_load %arg10[%get3A_843, %get3A_844] {strides = array<i32>} : memref<80x128xi32, #tpu.memory_space<vmem>>, vector<16xi32>,
      %get3A_846 = arith.index_cast %add3A_827 : i32 to index
      %get3A_847 = arith.constant 96 : index
      %get3A_848 = tpu.vector_load %arg10[%get3A_846, %get3A_847] {strides = array<i32>} : memref<80x128xi32, #tpu.memory_space<vmem>>, vector<16xi32>,
      %get3A_849 = arith.index_cast %add3A_827 : i32 to index
      %get3A_850 = arith.constant 112 : index
      %get3A_851 = tpu.vector_load %arg10[%get3A_849, %get3A_850] {strides = array<i32>} : memref<80x128xi32, #tpu.memory_space<vmem>>, vector<16xi32>,
      %get3A_852 = arith.index_cast %add3A_827 : i32 to index
      %get3A_853 = arith.constant 0 : index
      %get3A_854 = tpu.vector_load %arg11[%get3A_852, %get3A_853] {strides = array<i32>} : memref<80x128xi32, #tpu.memory_space<vmem>>, vector<16xi32>,
      %get3A_855 = arith.index_cast %add3A_827 : i32 to index
      %get3A_856 = arith.constant 16 : index
      %get3A_857 = tpu.vector_load %arg11[%get3A_855, %get3A_856] {strides = array<i32>} : memref<80x128xi32, #tpu.memory_space<vmem>>, vector<16xi32>,
      %get3A_858 = arith.index_cast %add3A_827 : i32 to index
      %get3A_859 = arith.constant 32 : index
      %get3A_860 = tpu.vector_load %arg11[%get3A_858, %get3A_859] {strides = array<i32>} : memref<80x128xi32, #tpu.memory_space<vmem>>, vector<16xi32>,
      %get3A_861 = arith.index_cast %add3A_827 : i32 to index
      %get3A_862 = arith.constant 48 : index
      %get3A_863 = tpu.vector_load %arg11[%get3A_861, %get3A_862] {strides = array<i32>} : memref<80x128xi32, #tpu.memory_space<vmem>>, vector<16xi32>,
      %get3A_864 = arith.index_cast %add3A_827 : i32 to index
      %get3A_865 = arith.constant 64 : index
      %get3A_866 = tpu.vector_load %arg11[%get3A_864, %get3A_865] {strides = array<i32>} : memref<80x128xi32, #tpu.memory_space<vmem>>, vector<16xi32>,
      %get3A_867 = arith.index_cast %add3A_827 : i32 to index
      %get3A_868 = arith.constant 80 : index
      %get3A_869 = tpu.vector_load %arg11[%get3A_867, %get3A_868] {strides = array<i32>} : memref<80x128xi32, #tpu.memory_space<vmem>>, vector<16xi32>,
      %get3A_870 = arith.index_cast %add3A_827 : i32 to index
      %get3A_871 = arith.constant 96 : index
      %get3A_872 = tpu.vector_load %arg11[%get3A_870, %get3A_871] {strides = array<i32>} : memref<80x128xi32, #tpu.memory_space<vmem>>, vector<16xi32>,
      %get3A_873 = arith.index_cast %add3A_827 : i32 to index
      %get3A_874 = arith.constant 112 : index
      %get3A_875 = tpu.vector_load %arg11[%get3A_873, %get3A_874] {strides = array<i32>} : memref<80x128xi32, #tpu.memory_space<vmem>>, vector<16xi32>,
      %gather3A_876 = tpu.vector_load_idx %arg12[%get3A_854] : memref<10240xf32, #tpu.memory_space<vmem>>[vector<16xi32>], vector<16xf32>,
      %gather3A_877 = tpu.vector_load_idx %arg12[%get3A_830] : memref<10240xf32, #tpu.memory_space<vmem>>[vector<16xi32>], vector<16xf32>,
      %sub3A_878 = arith.subf %gather3A_876, %gather3A_877 : vector<16xf32>
      %gather3A_879 = tpu.vector_load_idx %arg12[%get3A_857] : memref<10240xf32, #tpu.memory_space<vmem>>[vector<16xi32>], vector<16xf32>,
      %gather3A_880 = tpu.vector_load_idx %arg12[%get3A_833] : memref<10240xf32, #tpu.memory_space<vmem>>[vector<16xi32>], vector<16xf32>,
      %sub3A_881 = arith.subf %gather3A_879, %gather3A_880 : vector<16xf32>
      %gather3A_882 = tpu.vector_load_idx %arg12[%get3A_860] : memref<10240xf32, #tpu.memory_space<vmem>>[vector<16xi32>], vector<16xf32>,
      %gather3A_883 = tpu.vector_load_idx %arg12[%get3A_836] : memref<10240xf32, #tpu.memory_space<vmem>>[vector<16xi32>], vector<16xf32>,
      %sub3A_884 = arith.subf %gather3A_882, %gather3A_883 : vector<16xf32>
      %gather3A_885 = tpu.vector_load_idx %arg12[%get3A_863] : memref<10240xf32, #tpu.memory_space<vmem>>[vector<16xi32>], vector<16xf32>,
      %gather3A_886 = tpu.vector_load_idx %arg12[%get3A_839] : memref<10240xf32, #tpu.memory_space<vmem>>[vector<16xi32>], vector<16xf32>,
      %sub3A_887 = arith.subf %gather3A_885, %gather3A_886 : vector<16xf32>
      %gather3A_888 = tpu.vector_load_idx %arg12[%get3A_866] : memref<10240xf32, #tpu.memory_space<vmem>>[vector<16xi32>], vector<16xf32>,
      %gather3A_889 = tpu.vector_load_idx %arg12[%get3A_842] : memref<10240xf32, #tpu.memory_space<vmem>>[vector<16xi32>], vector<16xf32>,
      %sub3A_890 = arith.subf %gather3A_888, %gather3A_889 : vector<16xf32>
      %gather3A_891 = tpu.vector_load_idx %arg12[%get3A_869] : memref<10240xf32, #tpu.memory_space<vmem>>[vector<16xi32>], vector<16xf32>,
      %gather3A_892 = tpu.vector_load_idx %arg12[%get3A_845] : memref<10240xf32, #tpu.memory_space<vmem>>[vector<16xi32>], vector<16xf32>,
      %sub3A_893 = arith.subf %gather3A_891, %gather3A_892 : vector<16xf32>
      %gather3A_894 = tpu.vector_load_idx %arg12[%get3A_872] : memref<10240xf32, #tpu.memory_space<vmem>>[vector<16xi32>], vector<16xf32>,
      %gather3A_895 = tpu.vector_load_idx %arg12[%get3A_848] : memref<10240xf32, #tpu.memory_space<vmem>>[vector<16xi32>], vector<16xf32>,
      %sub3A_896 = arith.subf %gather3A_894, %gather3A_895 : vector<16xf32>
      %gather3A_897 = tpu.vector_load_idx %arg12[%get3A_875] : memref<10240xf32, #tpu.memory_space<vmem>>[vector<16xi32>], vector<16xf32>,
      %gather3A_898 = tpu.vector_load_idx %arg12[%get3A_851] : memref<10240xf32, #tpu.memory_space<vmem>>[vector<16xi32>], vector<16xf32>,
      %sub3A_899 = arith.subf %gather3A_897, %gather3A_898 : vector<16xf32>
      %gather3A_900 = tpu.vector_load_idx %arg13[%get3A_854] : memref<10240xf32, #tpu.memory_space<vmem>>[vector<16xi32>], vector<16xf32>,
      %gather3A_901 = tpu.vector_load_idx %arg13[%get3A_830] : memref<10240xf32, #tpu.memory_space<vmem>>[vector<16xi32>], vector<16xf32>,
      %sub3A_902 = arith.subf %gather3A_900, %gather3A_901 : vector<16xf32>
      %gather3A_903 = tpu.vector_load_idx %arg13[%get3A_857] : memref<10240xf32, #tpu.memory_space<vmem>>[vector<16xi32>], vector<16xf32>,
      %gather3A_904 = tpu.vector_load_idx %arg13[%get3A_833] : memref<10240xf32, #tpu.memory_space<vmem>>[vector<16xi32>], vector<16xf32>,
      %sub3A_905 = arith.subf %gather3A_903, %gather3A_904 : vector<16xf32>
      %gather3A_906 = tpu.vector_load_idx %arg13[%get3A_860] : memref<10240xf32, #tpu.memory_space<vmem>>[vector<16xi32>], vector<16xf32>,
      %gather3A_907 = tpu.vector_load_idx %arg13[%get3A_836] : memref<10240xf32, #tpu.memory_space<vmem>>[vector<16xi32>], vector<16xf32>,
      %sub3A_908 = arith.subf %gather3A_906, %gather3A_907 : vector<16xf32>
      %gather3A_909 = tpu.vector_load_idx %arg13[%get3A_863] : memref<10240xf32, #tpu.memory_space<vmem>>[vector<16xi32>], vector<16xf32>,
      %gather3A_910 = tpu.vector_load_idx %arg13[%get3A_839] : memref<10240xf32, #tpu.memory_space<vmem>>[vector<16xi32>], vector<16xf32>,
      %sub3A_911 = arith.subf %gather3A_909, %gather3A_910 : vector<16xf32>
      %gather3A_912 = tpu.vector_load_idx %arg13[%get3A_866] : memref<10240xf32, #tpu.memory_space<vmem>>[vector<16xi32>], vector<16xf32>,
      %gather3A_913 = tpu.vector_load_idx %arg13[%get3A_842] : memref<10240xf32, #tpu.memory_space<vmem>>[vector<16xi32>], vector<16xf32>,
      %sub3A_914 = arith.subf %gather3A_912, %gather3A_913 : vector<16xf32>
      %gather3A_915 = tpu.vector_load_idx %arg13[%get3A_869] : memref<10240xf32, #tpu.memory_space<vmem>>[vector<16xi32>], vector<16xf32>,
      %gather3A_916 = tpu.vector_load_idx %arg13[%get3A_845] : memref<10240xf32, #tpu.memory_space<vmem>>[vector<16xi32>], vector<16xf32>,
      %sub3A_917 = arith.subf %gather3A_915, %gather3A_916 : vector<16xf32>
      %gather3A_918 = tpu.vector_load_idx %arg13[%get3A_872] : memref<10240xf32, #tpu.memory_space<vmem>>[vector<16xi32>], vector<16xf32>,
      %gather3A_919 = tpu.vector_load_idx %arg13[%get3A_848] : memref<10240xf32, #tpu.memory_space<vmem>>[vector<16xi32>], vector<16xf32>,
      %sub3A_920 = arith.subf %gather3A_918, %gather3A_919 : vector<16xf32>
      %gather3A_921 = tpu.vector_load_idx %arg13[%get3A_875] : memref<10240xf32, #tpu.memory_space<vmem>>[vector<16xi32>], vector<16xf32>,
      %gather3A_922 = tpu.vector_load_idx %arg13[%get3A_851] : memref<10240xf32, #tpu.memory_space<vmem>>[vector<16xi32>], vector<16xf32>,
      %sub3A_923 = arith.subf %gather3A_921, %gather3A_922 : vector<16xf32>
      %gather3A_924 = tpu.vector_load_idx %arg14[%get3A_854] : memref<10240xf32, #tpu.memory_space<vmem>>[vector<16xi32>], vector<16xf32>,
      %gather3A_925 = tpu.vector_load_idx %arg14[%get3A_830] : memref<10240xf32, #tpu.memory_space<vmem>>[vector<16xi32>], vector<16xf32>,
      %sub3A_926 = arith.subf %gather3A_924, %gather3A_925 : vector<16xf32>
      %gather3A_927 = tpu.vector_load_idx %arg14[%get3A_857] : memref<10240xf32, #tpu.memory_space<vmem>>[vector<16xi32>], vector<16xf32>,
      %gather3A_928 = tpu.vector_load_idx %arg14[%get3A_833] : memref<10240xf32, #tpu.memory_space<vmem>>[vector<16xi32>], vector<16xf32>,
      %sub3A_929 = arith.subf %gather3A_927, %gather3A_928 : vector<16xf32>
      %gather3A_930 = tpu.vector_load_idx %arg14[%get3A_860] : memref<10240xf32, #tpu.memory_space<vmem>>[vector<16xi32>], vector<16xf32>,
      %gather3A_931 = tpu.vector_load_idx %arg14[%get3A_836] : memref<10240xf32, #tpu.memory_space<vmem>>[vector<16xi32>], vector<16xf32>,
      %sub3A_932 = arith.subf %gather3A_930, %gather3A_931 : vector<16xf32>
      %gather3A_933 = tpu.vector_load_idx %arg14[%get3A_863] : memref<10240xf32, #tpu.memory_space<vmem>>[vector<16xi32>], vector<16xf32>,
      %gather3A_934 = tpu.vector_load_idx %arg14[%get3A_839] : memref<10240xf32, #tpu.memory_space<vmem>>[vector<16xi32>], vector<16xf32>,
      %sub3A_935 = arith.subf %gather3A_933, %gather3A_934 : vector<16xf32>
      %gather3A_936 = tpu.vector_load_idx %arg14[%get3A_866] : memref<10240xf32, #tpu.memory_space<vmem>>[vector<16xi32>], vector<16xf32>,
      %gather3A_937 = tpu.vector_load_idx %arg14[%get3A_842] : memref<10240xf32, #tpu.memory_space<vmem>>[vector<16xi32>], vector<16xf32>,
      %sub3A_938 = arith.subf %gather3A_936, %gather3A_937 : vector<16xf32>
      %gather3A_939 = tpu.vector_load_idx %arg14[%get3A_869] : memref<10240xf32, #tpu.memory_space<vmem>>[vector<16xi32>], vector<16xf32>,
      %gather3A_940 = tpu.vector_load_idx %arg14[%get3A_845] : memref<10240xf32, #tpu.memory_space<vmem>>[vector<16xi32>], vector<16xf32>,
      %sub3A_941 = arith.subf %gather3A_939, %gather3A_940 : vector<16xf32>
      %gather3A_942 = tpu.vector_load_idx %arg14[%get3A_872] : memref<10240xf32, #tpu.memory_space<vmem>>[vector<16xi32>], vector<16xf32>,
      %gather3A_943 = tpu.vector_load_idx %arg14[%get3A_848] : memref<10240xf32, #tpu.memory_space<vmem>>[vector<16xi32>], vector<16xf32>,
      %sub3A_944 = arith.subf %gather3A_942, %gather3A_943 : vector<16xf32>
      %gather3A_945 = tpu.vector_load_idx %arg14[%get3A_875] : memref<10240xf32, #tpu.memory_space<vmem>>[vector<16xi32>], vector<16xf32>,
      %gather3A_946 = tpu.vector_load_idx %arg14[%get3A_851] : memref<10240xf32, #tpu.memory_space<vmem>>[vector<16xi32>], vector<16xf32>,
      %sub3A_947 = arith.subf %gather3A_945, %gather3A_946 : vector<16xf32>
      %mul3A_948 = arith.mulf %sub3A_878, %sub3A_878 : vector<16xf32>
      %mul3A_949 = arith.mulf %sub3A_902, %sub3A_902 : vector<16xf32>
      %add3A_950 = arith.addf %mul3A_948, %mul3A_949 : vector<16xf32>
      %mul3A_951 = arith.mulf %sub3A_926, %sub3A_926 : vector<16xf32>
      %add3A_952 = arith.addf %add3A_950, %mul3A_951 : vector<16xf32>
      %mul3A_953 = arith.mulf %sub3A_881, %sub3A_881 : vector<16xf32>
      %mul3A_954 = arith.mulf %sub3A_905, %sub3A_905 : vector<16xf32>
      %add3A_955 = arith.addf %mul3A_953, %mul3A_954 : vector<16xf32>
      %mul3A_956 = arith.mulf %sub3A_929, %sub3A_929 : vector<16xf32>
      %add3A_957 = arith.addf %add3A_955, %mul3A_956 : vector<16xf32>
      %mul3A_958 = arith.mulf %sub3A_884, %sub3A_884 : vector<16xf32>
      %mul3A_959 = arith.mulf %sub3A_908, %sub3A_908 : vector<16xf32>
      %add3A_960 = arith.addf %mul3A_958, %mul3A_959 : vector<16xf32>
      %mul3A_961 = arith.mulf %sub3A_932, %sub3A_932 : vector<16xf32>
      %add3A_962 = arith.addf %add3A_960, %mul3A_961 : vector<16xf32>
      %mul3A_963 = arith.mulf %sub3A_887, %sub3A_887 : vector<16xf32>
      %mul3A_964 = arith.mulf %sub3A_911, %sub3A_911 : vector<16xf32>
      %add3A_965 = arith.addf %mul3A_963, %mul3A_964 : vector<16xf32>
      %mul3A_966 = arith.mulf %sub3A_935, %sub3A_935 : vector<16xf32>
      %add3A_967 = arith.addf %add3A_965, %mul3A_966 : vector<16xf32>
      %mul3A_968 = arith.mulf %sub3A_890, %sub3A_890 : vector<16xf32>
      %mul3A_969 = arith.mulf %sub3A_914, %sub3A_914 : vector<16xf32>
      %add3A_970 = arith.addf %mul3A_968, %mul3A_969 : vector<16xf32>
      %mul3A_971 = arith.mulf %sub3A_938, %sub3A_938 : vector<16xf32>
      %add3A_972 = arith.addf %add3A_970, %mul3A_971 : vector<16xf32>
      %mul3A_973 = arith.mulf %sub3A_893, %sub3A_893 : vector<16xf32>
      %mul3A_974 = arith.mulf %sub3A_917, %sub3A_917 : vector<16xf32>
      %add3A_975 = arith.addf %mul3A_973, %mul3A_974 : vector<16xf32>
      %mul3A_976 = arith.mulf %sub3A_941, %sub3A_941 : vector<16xf32>
      %add3A_977 = arith.addf %add3A_975, %mul3A_976 : vector<16xf32>
      %mul3A_978 = arith.mulf %sub3A_896, %sub3A_896 : vector<16xf32>
      %mul3A_979 = arith.mulf %sub3A_920, %sub3A_920 : vector<16xf32>
      %add3A_980 = arith.addf %mul3A_978, %mul3A_979 : vector<16xf32>
      %mul3A_981 = arith.mulf %sub3A_944, %sub3A_944 : vector<16xf32>
      %add3A_982 = arith.addf %add3A_980, %mul3A_981 : vector<16xf32>
      %mul3A_983 = arith.mulf %sub3A_899, %sub3A_899 : vector<16xf32>
      %mul3A_984 = arith.mulf %sub3A_923, %sub3A_923 : vector<16xf32>
      %add3A_985 = arith.addf %mul3A_983, %mul3A_984 : vector<16xf32>
      %mul3A_986 = arith.mulf %sub3A_947, %sub3A_947 : vector<16xf32>
      %add3A_987 = arith.addf %add3A_985, %mul3A_986 : vector<16xf32>
      %max3A_988 = arith.constant 1.000000e-30 : f32
      %max3A_989 = vector.broadcast %max3A_988 : f32 to vector<16xf32>
      %max3A_990 = arith.maximumf %add3A_952, %max3A_989 : vector<16xf32>
      %max3A_991 = arith.constant 1.000000e-30 : f32
      %max3A_992 = vector.broadcast %max3A_991 : f32 to vector<16xf32>
      %max3A_993 = arith.maximumf %add3A_957, %max3A_992 : vector<16xf32>
      %max3A_994 = arith.constant 1.000000e-30 : f32
      %max3A_995 = vector.broadcast %max3A_994 : f32 to vector<16xf32>
      %max3A_996 = arith.maximumf %add3A_962, %max3A_995 : vector<16xf32>
      %max3A_997 = arith.constant 1.000000e-30 : f32
      %max3A_998 = vector.broadcast %max3A_997 : f32 to vector<16xf32>
      %max3A_999 = arith.maximumf %add3A_967, %max3A_998 : vector<16xf32>
      %max3A_1000 = arith.constant 1.000000e-30 : f32
      %max3A_1001 = vector.broadcast %max3A_1000 : f32 to vector<16xf32>
      %max3A_1002 = arith.maximumf %add3A_972, %max3A_1001 : vector<16xf32>
      %max3A_1003 = arith.constant 1.000000e-30 : f32
      %max3A_1004 = vector.broadcast %max3A_1003 : f32 to vector<16xf32>
      %max3A_1005 = arith.maximumf %add3A_977, %max3A_1004 : vector<16xf32>
      %max3A_1006 = arith.constant 1.000000e-30 : f32
      %max3A_1007 = vector.broadcast %max3A_1006 : f32 to vector<16xf32>
      %max3A_1008 = arith.maximumf %add3A_982, %max3A_1007 : vector<16xf32>
      %max3A_1009 = arith.constant 1.000000e-30 : f32
      %max3A_1010 = vector.broadcast %max3A_1009 : f32 to vector<16xf32>
      %max3A_1011 = arith.maximumf %add3A_987, %max3A_1010 : vector<16xf32>
      %bitcast_convert_type3A_1012 = tpu.bitcast %max3A_990 : vector<16xf32> -> vector<16xi32>
      %bitcast_convert_type3A_1013 = tpu.bitcast %max3A_993 : vector<16xf32> -> vector<16xi32>
      %bitcast_convert_type3A_1014 = tpu.bitcast %max3A_996 : vector<16xf32> -> vector<16xi32>
      %bitcast_convert_type3A_1015 = tpu.bitcast %max3A_999 : vector<16xf32> -> vector<16xi32>
      %bitcast_convert_type3A_1016 = tpu.bitcast %max3A_1002 : vector<16xf32> -> vector<16xi32>
      %bitcast_convert_type3A_1017 = tpu.bitcast %max3A_1005 : vector<16xf32> -> vector<16xi32>
      %bitcast_convert_type3A_1018 = tpu.bitcast %max3A_1008 : vector<16xf32> -> vector<16xi32>
      %bitcast_convert_type3A_1019 = tpu.bitcast %max3A_1011 : vector<16xf32> -> vector<16xi32>
      %shift_right_arithmetic3A_1020 = arith.constant 1 : i32
      %shift_right_arithmetic3A_1021 = vector.broadcast %shift_right_arithmetic3A_1020 : i32 to vector<16xi32>
      %shift_right_arithmetic3A_1022 = arith.shrsi %bitcast_convert_type3A_1012, %shift_right_arithmetic3A_1021 : vector<16xi32>
      %sub3A_1023 = arith.constant 1597463007 : i32
      %sub3A_1024 = vector.broadcast %sub3A_1023 : i32 to vector<16xi32>
      %sub3A_1025 = arith.subi %sub3A_1024, %shift_right_arithmetic3A_1022 : vector<16xi32>
      %bitcast_convert_type3A_1026 = tpu.bitcast %sub3A_1025 : vector<16xi32> -> vector<16xf32>
      %shift_right_arithmetic3A_1027 = arith.constant 1 : i32
      %shift_right_arithmetic3A_1028 = vector.broadcast %shift_right_arithmetic3A_1027 : i32 to vector<16xi32>
      %shift_right_arithmetic3A_1029 = arith.shrsi %bitcast_convert_type3A_1013, %shift_right_arithmetic3A_1028 : vector<16xi32>
      %sub3A_1030 = arith.constant 1597463007 : i32
      %sub3A_1031 = vector.broadcast %sub3A_1030 : i32 to vector<16xi32>
      %sub3A_1032 = arith.subi %sub3A_1031, %shift_right_arithmetic3A_1029 : vector<16xi32>
      %bitcast_convert_type3A_1033 = tpu.bitcast %sub3A_1032 : vector<16xi32> -> vector<16xf32>
      %shift_right_arithmetic3A_1034 = arith.constant 1 : i32
      %shift_right_arithmetic3A_1035 = vector.broadcast %shift_right_arithmetic3A_1034 : i32 to vector<16xi32>
      %shift_right_arithmetic3A_1036 = arith.shrsi %bitcast_convert_type3A_1014, %shift_right_arithmetic3A_1035 : vector<16xi32>
      %sub3A_1037 = arith.constant 1597463007 : i32
      %sub3A_1038 = vector.broadcast %sub3A_1037 : i32 to vector<16xi32>
      %sub3A_1039 = arith.subi %sub3A_1038, %shift_right_arithmetic3A_1036 : vector<16xi32>
      %bitcast_convert_type3A_1040 = tpu.bitcast %sub3A_1039 : vector<16xi32> -> vector<16xf32>
      %shift_right_arithmetic3A_1041 = arith.constant 1 : i32
      %shift_right_arithmetic3A_1042 = vector.broadcast %shift_right_arithmetic3A_1041 : i32 to vector<16xi32>
      %shift_right_arithmetic3A_1043 = arith.shrsi %bitcast_convert_type3A_1015, %shift_right_arithmetic3A_1042 : vector<16xi32>
      %sub3A_1044 = arith.constant 1597463007 : i32
      %sub3A_1045 = vector.broadcast %sub3A_1044 : i32 to vector<16xi32>
      %sub3A_1046 = arith.subi %sub3A_1045, %shift_right_arithmetic3A_1043 : vector<16xi32>
      %bitcast_convert_type3A_1047 = tpu.bitcast %sub3A_1046 : vector<16xi32> -> vector<16xf32>
      %shift_right_arithmetic3A_1048 = arith.constant 1 : i32
      %shift_right_arithmetic3A_1049 = vector.broadcast %shift_right_arithmetic3A_1048 : i32 to vector<16xi32>
      %shift_right_arithmetic3A_1050 = arith.shrsi %bitcast_convert_type3A_1016, %shift_right_arithmetic3A_1049 : vector<16xi32>
      %sub3A_1051 = arith.constant 1597463007 : i32
      %sub3A_1052 = vector.broadcast %sub3A_1051 : i32 to vector<16xi32>
      %sub3A_1053 = arith.subi %sub3A_1052, %shift_right_arithmetic3A_1050 : vector<16xi32>
      %bitcast_convert_type3A_1054 = tpu.bitcast %sub3A_1053 : vector<16xi32> -> vector<16xf32>
      %shift_right_arithmetic3A_1055 = arith.constant 1 : i32
      %shift_right_arithmetic3A_1056 = vector.broadcast %shift_right_arithmetic3A_1055 : i32 to vector<16xi32>
      %shift_right_arithmetic3A_1057 = arith.shrsi %bitcast_convert_type3A_1017, %shift_right_arithmetic3A_1056 : vector<16xi32>
      %sub3A_1058 = arith.constant 1597463007 : i32
      %sub3A_1059 = vector.broadcast %sub3A_1058 : i32 to vector<16xi32>
      %sub3A_1060 = arith.subi %sub3A_1059, %shift_right_arithmetic3A_1057 : vector<16xi32>
      %bitcast_convert_type3A_1061 = tpu.bitcast %sub3A_1060 : vector<16xi32> -> vector<16xf32>
      %shift_right_arithmetic3A_1062 = arith.constant 1 : i32
      %shift_right_arithmetic3A_1063 = vector.broadcast %shift_right_arithmetic3A_1062 : i32 to vector<16xi32>
      %shift_right_arithmetic3A_1064 = arith.shrsi %bitcast_convert_type3A_1018, %shift_right_arithmetic3A_1063 : vector<16xi32>
      %sub3A_1065 = arith.constant 1597463007 : i32
      %sub3A_1066 = vector.broadcast %sub3A_1065 : i32 to vector<16xi32>
      %sub3A_1067 = arith.subi %sub3A_1066, %shift_right_arithmetic3A_1064 : vector<16xi32>
      %bitcast_convert_type3A_1068 = tpu.bitcast %sub3A_1067 : vector<16xi32> -> vector<16xf32>
      %shift_right_arithmetic3A_1069 = arith.constant 1 : i32
      %shift_right_arithmetic3A_1070 = vector.broadcast %shift_right_arithmetic3A_1069 : i32 to vector<16xi32>
      %shift_right_arithmetic3A_1071 = arith.shrsi %bitcast_convert_type3A_1019, %shift_right_arithmetic3A_1070 : vector<16xi32>
      %sub3A_1072 = arith.constant 1597463007 : i32
      %sub3A_1073 = vector.broadcast %sub3A_1072 : i32 to vector<16xi32>
      %sub3A_1074 = arith.subi %sub3A_1073, %shift_right_arithmetic3A_1071 : vector<16xi32>
      %bitcast_convert_type3A_1075 = tpu.bitcast %sub3A_1074 : vector<16xi32> -> vector<16xf32>
      %mul3A_1076 = arith.constant 5.000000e-01 : f32
      %mul3A_1077 = vector.broadcast %mul3A_1076 : f32 to vector<16xf32>
      %mul3A_1078 = arith.mulf %mul3A_1077, %max3A_990 : vector<16xf32>
      %mul3A_1079 = arith.mulf %mul3A_1078, %bitcast_convert_type3A_1026 : vector<16xf32>
      %mul3A_1080 = arith.mulf %mul3A_1079, %bitcast_convert_type3A_1026 : vector<16xf32>
      %sub3A_1081 = arith.constant 1.500000e+00 : f32
      %sub3A_1082 = vector.broadcast %sub3A_1081 : f32 to vector<16xf32>
      %sub3A_1083 = arith.subf %sub3A_1082, %mul3A_1080 : vector<16xf32>
      %mul3A_1084 = arith.mulf %bitcast_convert_type3A_1026, %sub3A_1083 : vector<16xf32>
      %mul3A_1085 = arith.constant 5.000000e-01 : f32
      %mul3A_1086 = vector.broadcast %mul3A_1085 : f32 to vector<16xf32>
      %mul3A_1087 = arith.mulf %mul3A_1086, %max3A_993 : vector<16xf32>
      %mul3A_1088 = arith.mulf %mul3A_1087, %bitcast_convert_type3A_1033 : vector<16xf32>
      %mul3A_1089 = arith.mulf %mul3A_1088, %bitcast_convert_type3A_1033 : vector<16xf32>
      %sub3A_1090 = arith.constant 1.500000e+00 : f32
      %sub3A_1091 = vector.broadcast %sub3A_1090 : f32 to vector<16xf32>
      %sub3A_1092 = arith.subf %sub3A_1091, %mul3A_1089 : vector<16xf32>
      %mul3A_1093 = arith.mulf %bitcast_convert_type3A_1033, %sub3A_1092 : vector<16xf32>
      %mul3A_1094 = arith.constant 5.000000e-01 : f32
      %mul3A_1095 = vector.broadcast %mul3A_1094 : f32 to vector<16xf32>
      %mul3A_1096 = arith.mulf %mul3A_1095, %max3A_996 : vector<16xf32>
      %mul3A_1097 = arith.mulf %mul3A_1096, %bitcast_convert_type3A_1040 : vector<16xf32>
      %mul3A_1098 = arith.mulf %mul3A_1097, %bitcast_convert_type3A_1040 : vector<16xf32>
      %sub3A_1099 = arith.constant 1.500000e+00 : f32
      %sub3A_1100 = vector.broadcast %sub3A_1099 : f32 to vector<16xf32>
      %sub3A_1101 = arith.subf %sub3A_1100, %mul3A_1098 : vector<16xf32>
      %mul3A_1102 = arith.mulf %bitcast_convert_type3A_1040, %sub3A_1101 : vector<16xf32>
      %mul3A_1103 = arith.constant 5.000000e-01 : f32
      %mul3A_1104 = vector.broadcast %mul3A_1103 : f32 to vector<16xf32>
      %mul3A_1105 = arith.mulf %mul3A_1104, %max3A_999 : vector<16xf32>
      %mul3A_1106 = arith.mulf %mul3A_1105, %bitcast_convert_type3A_1047 : vector<16xf32>
      %mul3A_1107 = arith.mulf %mul3A_1106, %bitcast_convert_type3A_1047 : vector<16xf32>
      %sub3A_1108 = arith.constant 1.500000e+00 : f32
      %sub3A_1109 = vector.broadcast %sub3A_1108 : f32 to vector<16xf32>
      %sub3A_1110 = arith.subf %sub3A_1109, %mul3A_1107 : vector<16xf32>
      %mul3A_1111 = arith.mulf %bitcast_convert_type3A_1047, %sub3A_1110 : vector<16xf32>
      %mul3A_1112 = arith.constant 5.000000e-01 : f32
      %mul3A_1113 = vector.broadcast %mul3A_1112 : f32 to vector<16xf32>
      %mul3A_1114 = arith.mulf %mul3A_1113, %max3A_1002 : vector<16xf32>
      %mul3A_1115 = arith.mulf %mul3A_1114, %bitcast_convert_type3A_1054 : vector<16xf32>
      %mul3A_1116 = arith.mulf %mul3A_1115, %bitcast_convert_type3A_1054 : vector<16xf32>
      %sub3A_1117 = arith.constant 1.500000e+00 : f32
      %sub3A_1118 = vector.broadcast %sub3A_1117 : f32 to vector<16xf32>
      %sub3A_1119 = arith.subf %sub3A_1118, %mul3A_1116 : vector<16xf32>
      %mul3A_1120 = arith.mulf %bitcast_convert_type3A_1054, %sub3A_1119 : vector<16xf32>
      %mul3A_1121 = arith.constant 5.000000e-01 : f32
      %mul3A_1122 = vector.broadcast %mul3A_1121 : f32 to vector<16xf32>
      %mul3A_1123 = arith.mulf %mul3A_1122, %max3A_1005 : vector<16xf32>
      %mul3A_1124 = arith.mulf %mul3A_1123, %bitcast_convert_type3A_1061 : vector<16xf32>
      %mul3A_1125 = arith.mulf %mul3A_1124, %bitcast_convert_type3A_1061 : vector<16xf32>
      %sub3A_1126 = arith.constant 1.500000e+00 : f32
      %sub3A_1127 = vector.broadcast %sub3A_1126 : f32 to vector<16xf32>
      %sub3A_1128 = arith.subf %sub3A_1127, %mul3A_1125 : vector<16xf32>
      %mul3A_1129 = arith.mulf %bitcast_convert_type3A_1061, %sub3A_1128 : vector<16xf32>
      %mul3A_1130 = arith.constant 5.000000e-01 : f32
      %mul3A_1131 = vector.broadcast %mul3A_1130 : f32 to vector<16xf32>
      %mul3A_1132 = arith.mulf %mul3A_1131, %max3A_1008 : vector<16xf32>
      %mul3A_1133 = arith.mulf %mul3A_1132, %bitcast_convert_type3A_1068 : vector<16xf32>
      %mul3A_1134 = arith.mulf %mul3A_1133, %bitcast_convert_type3A_1068 : vector<16xf32>
      %sub3A_1135 = arith.constant 1.500000e+00 : f32
      %sub3A_1136 = vector.broadcast %sub3A_1135 : f32 to vector<16xf32>
      %sub3A_1137 = arith.subf %sub3A_1136, %mul3A_1134 : vector<16xf32>
      %mul3A_1138 = arith.mulf %bitcast_convert_type3A_1068, %sub3A_1137 : vector<16xf32>
      %mul3A_1139 = arith.constant 5.000000e-01 : f32
      %mul3A_1140 = vector.broadcast %mul3A_1139 : f32 to vector<16xf32>
      %mul3A_1141 = arith.mulf %mul3A_1140, %max3A_1011 : vector<16xf32>
      %mul3A_1142 = arith.mulf %mul3A_1141, %bitcast_convert_type3A_1075 : vector<16xf32>
      %mul3A_1143 = arith.mulf %mul3A_1142, %bitcast_convert_type3A_1075 : vector<16xf32>
      %sub3A_1144 = arith.constant 1.500000e+00 : f32
      %sub3A_1145 = vector.broadcast %sub3A_1144 : f32 to vector<16xf32>
      %sub3A_1146 = arith.subf %sub3A_1145, %mul3A_1143 : vector<16xf32>
      %mul3A_1147 = arith.mulf %bitcast_convert_type3A_1075, %sub3A_1146 : vector<16xf32>
      %mul3A_1148 = arith.constant 5.000000e-01 : f32
      %mul3A_1149 = vector.broadcast %mul3A_1148 : f32 to vector<16xf32>
      %mul3A_1150 = arith.mulf %mul3A_1149, %max3A_990 : vector<16xf32>
      %mul3A_1151 = arith.mulf %mul3A_1150, %mul3A_1084 : vector<16xf32>
      %mul3A_1152 = arith.mulf %mul3A_1151, %mul3A_1084 : vector<16xf32>
      %sub3A_1153 = arith.constant 1.500000e+00 : f32
      %sub3A_1154 = vector.broadcast %sub3A_1153 : f32 to vector<16xf32>
      %sub3A_1155 = arith.subf %sub3A_1154, %mul3A_1152 : vector<16xf32>
      %mul3A_1156 = arith.mulf %mul3A_1084, %sub3A_1155 : vector<16xf32>
      %mul3A_1157 = arith.constant 5.000000e-01 : f32
      %mul3A_1158 = vector.broadcast %mul3A_1157 : f32 to vector<16xf32>
      %mul3A_1159 = arith.mulf %mul3A_1158, %max3A_993 : vector<16xf32>
      %mul3A_1160 = arith.mulf %mul3A_1159, %mul3A_1093 : vector<16xf32>
      %mul3A_1161 = arith.mulf %mul3A_1160, %mul3A_1093 : vector<16xf32>
      %sub3A_1162 = arith.constant 1.500000e+00 : f32
      %sub3A_1163 = vector.broadcast %sub3A_1162 : f32 to vector<16xf32>
      %sub3A_1164 = arith.subf %sub3A_1163, %mul3A_1161 : vector<16xf32>
      %mul3A_1165 = arith.mulf %mul3A_1093, %sub3A_1164 : vector<16xf32>
      %mul3A_1166 = arith.constant 5.000000e-01 : f32
      %mul3A_1167 = vector.broadcast %mul3A_1166 : f32 to vector<16xf32>
      %mul3A_1168 = arith.mulf %mul3A_1167, %max3A_996 : vector<16xf32>
      %mul3A_1169 = arith.mulf %mul3A_1168, %mul3A_1102 : vector<16xf32>
      %mul3A_1170 = arith.mulf %mul3A_1169, %mul3A_1102 : vector<16xf32>
      %sub3A_1171 = arith.constant 1.500000e+00 : f32
      %sub3A_1172 = vector.broadcast %sub3A_1171 : f32 to vector<16xf32>
      %sub3A_1173 = arith.subf %sub3A_1172, %mul3A_1170 : vector<16xf32>
      %mul3A_1174 = arith.mulf %mul3A_1102, %sub3A_1173 : vector<16xf32>
      %mul3A_1175 = arith.constant 5.000000e-01 : f32
      %mul3A_1176 = vector.broadcast %mul3A_1175 : f32 to vector<16xf32>
      %mul3A_1177 = arith.mulf %mul3A_1176, %max3A_999 : vector<16xf32>
      %mul3A_1178 = arith.mulf %mul3A_1177, %mul3A_1111 : vector<16xf32>
      %mul3A_1179 = arith.mulf %mul3A_1178, %mul3A_1111 : vector<16xf32>
      %sub3A_1180 = arith.constant 1.500000e+00 : f32
      %sub3A_1181 = vector.broadcast %sub3A_1180 : f32 to vector<16xf32>
      %sub3A_1182 = arith.subf %sub3A_1181, %mul3A_1179 : vector<16xf32>
      %mul3A_1183 = arith.mulf %mul3A_1111, %sub3A_1182 : vector<16xf32>
      %mul3A_1184 = arith.constant 5.000000e-01 : f32
      %mul3A_1185 = vector.broadcast %mul3A_1184 : f32 to vector<16xf32>
      %mul3A_1186 = arith.mulf %mul3A_1185, %max3A_1002 : vector<16xf32>
      %mul3A_1187 = arith.mulf %mul3A_1186, %mul3A_1120 : vector<16xf32>
      %mul3A_1188 = arith.mulf %mul3A_1187, %mul3A_1120 : vector<16xf32>
      %sub3A_1189 = arith.constant 1.500000e+00 : f32
      %sub3A_1190 = vector.broadcast %sub3A_1189 : f32 to vector<16xf32>
      %sub3A_1191 = arith.subf %sub3A_1190, %mul3A_1188 : vector<16xf32>
      %mul3A_1192 = arith.mulf %mul3A_1120, %sub3A_1191 : vector<16xf32>
      %mul3A_1193 = arith.constant 5.000000e-01 : f32
      %mul3A_1194 = vector.broadcast %mul3A_1193 : f32 to vector<16xf32>
      %mul3A_1195 = arith.mulf %mul3A_1194, %max3A_1005 : vector<16xf32>
      %mul3A_1196 = arith.mulf %mul3A_1195, %mul3A_1129 : vector<16xf32>
      %mul3A_1197 = arith.mulf %mul3A_1196, %mul3A_1129 : vector<16xf32>
      %sub3A_1198 = arith.constant 1.500000e+00 : f32
      %sub3A_1199 = vector.broadcast %sub3A_1198 : f32 to vector<16xf32>
      %sub3A_1200 = arith.subf %sub3A_1199, %mul3A_1197 : vector<16xf32>
      %mul3A_1201 = arith.mulf %mul3A_1129, %sub3A_1200 : vector<16xf32>
      %mul3A_1202 = arith.constant 5.000000e-01 : f32
      %mul3A_1203 = vector.broadcast %mul3A_1202 : f32 to vector<16xf32>
      %mul3A_1204 = arith.mulf %mul3A_1203, %max3A_1008 : vector<16xf32>
      %mul3A_1205 = arith.mulf %mul3A_1204, %mul3A_1138 : vector<16xf32>
      %mul3A_1206 = arith.mulf %mul3A_1205, %mul3A_1138 : vector<16xf32>
      %sub3A_1207 = arith.constant 1.500000e+00 : f32
      %sub3A_1208 = vector.broadcast %sub3A_1207 : f32 to vector<16xf32>
      %sub3A_1209 = arith.subf %sub3A_1208, %mul3A_1206 : vector<16xf32>
      %mul3A_1210 = arith.mulf %mul3A_1138, %sub3A_1209 : vector<16xf32>
      %mul3A_1211 = arith.constant 5.000000e-01 : f32
      %mul3A_1212 = vector.broadcast %mul3A_1211 : f32 to vector<16xf32>
      %mul3A_1213 = arith.mulf %mul3A_1212, %max3A_1011 : vector<16xf32>
      %mul3A_1214 = arith.mulf %mul3A_1213, %mul3A_1147 : vector<16xf32>
      %mul3A_1215 = arith.mulf %mul3A_1214, %mul3A_1147 : vector<16xf32>
      %sub3A_1216 = arith.constant 1.500000e+00 : f32
      %sub3A_1217 = vector.broadcast %sub3A_1216 : f32 to vector<16xf32>
      %sub3A_1218 = arith.subf %sub3A_1217, %mul3A_1215 : vector<16xf32>
      %mul3A_1219 = arith.mulf %mul3A_1147, %sub3A_1218 : vector<16xf32>
      %mul3A_1220 = arith.constant 5.000000e-01 : f32
      %mul3A_1221 = vector.broadcast %mul3A_1220 : f32 to vector<16xf32>
      %mul3A_1222 = arith.mulf %mul3A_1221, %max3A_990 : vector<16xf32>
      %mul3A_1223 = arith.mulf %mul3A_1222, %mul3A_1156 : vector<16xf32>
      %mul3A_1224 = arith.mulf %mul3A_1223, %mul3A_1156 : vector<16xf32>
      %sub3A_1225 = arith.constant 1.500000e+00 : f32
      %sub3A_1226 = vector.broadcast %sub3A_1225 : f32 to vector<16xf32>
      %sub3A_1227 = arith.subf %sub3A_1226, %mul3A_1224 : vector<16xf32>
      %mul3A_1228 = arith.mulf %mul3A_1156, %sub3A_1227 : vector<16xf32>
      %mul3A_1229 = arith.constant 5.000000e-01 : f32
      %mul3A_1230 = vector.broadcast %mul3A_1229 : f32 to vector<16xf32>
      %mul3A_1231 = arith.mulf %mul3A_1230, %max3A_993 : vector<16xf32>
      %mul3A_1232 = arith.mulf %mul3A_1231, %mul3A_1165 : vector<16xf32>
      %mul3A_1233 = arith.mulf %mul3A_1232, %mul3A_1165 : vector<16xf32>
      %sub3A_1234 = arith.constant 1.500000e+00 : f32
      %sub3A_1235 = vector.broadcast %sub3A_1234 : f32 to vector<16xf32>
      %sub3A_1236 = arith.subf %sub3A_1235, %mul3A_1233 : vector<16xf32>
      %mul3A_1237 = arith.mulf %mul3A_1165, %sub3A_1236 : vector<16xf32>
      %mul3A_1238 = arith.constant 5.000000e-01 : f32
      %mul3A_1239 = vector.broadcast %mul3A_1238 : f32 to vector<16xf32>
      %mul3A_1240 = arith.mulf %mul3A_1239, %max3A_996 : vector<16xf32>
      %mul3A_1241 = arith.mulf %mul3A_1240, %mul3A_1174 : vector<16xf32>
      %mul3A_1242 = arith.mulf %mul3A_1241, %mul3A_1174 : vector<16xf32>
      %sub3A_1243 = arith.constant 1.500000e+00 : f32
      %sub3A_1244 = vector.broadcast %sub3A_1243 : f32 to vector<16xf32>
      %sub3A_1245 = arith.subf %sub3A_1244, %mul3A_1242 : vector<16xf32>
      %mul3A_1246 = arith.mulf %mul3A_1174, %sub3A_1245 : vector<16xf32>
      %mul3A_1247 = arith.constant 5.000000e-01 : f32
      %mul3A_1248 = vector.broadcast %mul3A_1247 : f32 to vector<16xf32>
      %mul3A_1249 = arith.mulf %mul3A_1248, %max3A_999 : vector<16xf32>
      %mul3A_1250 = arith.mulf %mul3A_1249, %mul3A_1183 : vector<16xf32>
      %mul3A_1251 = arith.mulf %mul3A_1250, %mul3A_1183 : vector<16xf32>
      %sub3A_1252 = arith.constant 1.500000e+00 : f32
      %sub3A_1253 = vector.broadcast %sub3A_1252 : f32 to vector<16xf32>
      %sub3A_1254 = arith.subf %sub3A_1253, %mul3A_1251 : vector<16xf32>
      %mul3A_1255 = arith.mulf %mul3A_1183, %sub3A_1254 : vector<16xf32>
      %mul3A_1256 = arith.constant 5.000000e-01 : f32
      %mul3A_1257 = vector.broadcast %mul3A_1256 : f32 to vector<16xf32>
      %mul3A_1258 = arith.mulf %mul3A_1257, %max3A_1002 : vector<16xf32>
      %mul3A_1259 = arith.mulf %mul3A_1258, %mul3A_1192 : vector<16xf32>
      %mul3A_1260 = arith.mulf %mul3A_1259, %mul3A_1192 : vector<16xf32>
      %sub3A_1261 = arith.constant 1.500000e+00 : f32
      %sub3A_1262 = vector.broadcast %sub3A_1261 : f32 to vector<16xf32>
      %sub3A_1263 = arith.subf %sub3A_1262, %mul3A_1260 : vector<16xf32>
      %mul3A_1264 = arith.mulf %mul3A_1192, %sub3A_1263 : vector<16xf32>
      %mul3A_1265 = arith.constant 5.000000e-01 : f32
      %mul3A_1266 = vector.broadcast %mul3A_1265 : f32 to vector<16xf32>
      %mul3A_1267 = arith.mulf %mul3A_1266, %max3A_1005 : vector<16xf32>
      %mul3A_1268 = arith.mulf %mul3A_1267, %mul3A_1201 : vector<16xf32>
      %mul3A_1269 = arith.mulf %mul3A_1268, %mul3A_1201 : vector<16xf32>
      %sub3A_1270 = arith.constant 1.500000e+00 : f32
      %sub3A_1271 = vector.broadcast %sub3A_1270 : f32 to vector<16xf32>
      %sub3A_1272 = arith.subf %sub3A_1271, %mul3A_1269 : vector<16xf32>
      %mul3A_1273 = arith.mulf %mul3A_1201, %sub3A_1272 : vector<16xf32>
      %mul3A_1274 = arith.constant 5.000000e-01 : f32
      %mul3A_1275 = vector.broadcast %mul3A_1274 : f32 to vector<16xf32>
      %mul3A_1276 = arith.mulf %mul3A_1275, %max3A_1008 : vector<16xf32>
      %mul3A_1277 = arith.mulf %mul3A_1276, %mul3A_1210 : vector<16xf32>
      %mul3A_1278 = arith.mulf %mul3A_1277, %mul3A_1210 : vector<16xf32>
      %sub3A_1279 = arith.constant 1.500000e+00 : f32
      %sub3A_1280 = vector.broadcast %sub3A_1279 : f32 to vector<16xf32>
      %sub3A_1281 = arith.subf %sub3A_1280, %mul3A_1278 : vector<16xf32>
      %mul3A_1282 = arith.mulf %mul3A_1210, %sub3A_1281 : vector<16xf32>
      %mul3A_1283 = arith.constant 5.000000e-01 : f32
      %mul3A_1284 = vector.broadcast %mul3A_1283 : f32 to vector<16xf32>
      %mul3A_1285 = arith.mulf %mul3A_1284, %max3A_1011 : vector<16xf32>
      %mul3A_1286 = arith.mulf %mul3A_1285, %mul3A_1219 : vector<16xf32>
      %mul3A_1287 = arith.mulf %mul3A_1286, %mul3A_1219 : vector<16xf32>
      %sub3A_1288 = arith.constant 1.500000e+00 : f32
      %sub3A_1289 = vector.broadcast %sub3A_1288 : f32 to vector<16xf32>
      %sub3A_1290 = arith.subf %sub3A_1289, %mul3A_1287 : vector<16xf32>
      %mul3A_1291 = arith.mulf %mul3A_1219, %sub3A_1290 : vector<16xf32>
      %mul3A_1292 = arith.mulf %add3A_952, %mul3A_1228 : vector<16xf32>
      %mul3A_1293 = arith.mulf %add3A_957, %mul3A_1237 : vector<16xf32>
      %mul3A_1294 = arith.mulf %add3A_962, %mul3A_1246 : vector<16xf32>
      %mul3A_1295 = arith.mulf %add3A_967, %mul3A_1255 : vector<16xf32>
      %mul3A_1296 = arith.mulf %add3A_972, %mul3A_1264 : vector<16xf32>
      %mul3A_1297 = arith.mulf %add3A_977, %mul3A_1273 : vector<16xf32>
      %mul3A_1298 = arith.mulf %add3A_982, %mul3A_1282 : vector<16xf32>
      %mul3A_1299 = arith.mulf %add3A_987, %mul3A_1291 : vector<16xf32>
      %exp3A_1300 = math.exp %mul3A_1292 : vector<16xf32>
      %exp3A_1301 = math.exp %mul3A_1293 : vector<16xf32>
      %exp3A_1302 = math.exp %mul3A_1294 : vector<16xf32>
      %exp3A_1303 = math.exp %mul3A_1295 : vector<16xf32>
      %exp3A_1304 = math.exp %mul3A_1296 : vector<16xf32>
      %exp3A_1305 = math.exp %mul3A_1297 : vector<16xf32>
      %exp3A_1306 = math.exp %mul3A_1298 : vector<16xf32>
      %exp3A_1307 = math.exp %mul3A_1299 : vector<16xf32>
      %add3A_1308 = arith.constant 1.000000e+00 : f32
      %add3A_1309 = vector.broadcast %add3A_1308 : f32 to vector<16xf32>
      %add3A_1310 = arith.addf %add3A_1309, %exp3A_1300 : vector<16xf32>
      %div3A_1311 = arith.constant 2.000000e+00 : f32
      %div3A_1312 = vector.broadcast %div3A_1311 : f32 to vector<16xf32>
      %div3A_1313 = arith.divf %div3A_1312, %add3A_1310 : vector<16xf32>
      %add3A_1314 = arith.constant 1.000000e+00 : f32
      %add3A_1315 = vector.broadcast %add3A_1314 : f32 to vector<16xf32>
      %add3A_1316 = arith.addf %add3A_1315, %exp3A_1301 : vector<16xf32>
      %div3A_1317 = arith.constant 2.000000e+00 : f32
      %div3A_1318 = vector.broadcast %div3A_1317 : f32 to vector<16xf32>
      %div3A_1319 = arith.divf %div3A_1318, %add3A_1316 : vector<16xf32>
      %add3A_1320 = arith.constant 1.000000e+00 : f32
      %add3A_1321 = vector.broadcast %add3A_1320 : f32 to vector<16xf32>
      %add3A_1322 = arith.addf %add3A_1321, %exp3A_1302 : vector<16xf32>
      %div3A_1323 = arith.constant 2.000000e+00 : f32
      %div3A_1324 = vector.broadcast %div3A_1323 : f32 to vector<16xf32>
      %div3A_1325 = arith.divf %div3A_1324, %add3A_1322 : vector<16xf32>
      %add3A_1326 = arith.constant 1.000000e+00 : f32
      %add3A_1327 = vector.broadcast %add3A_1326 : f32 to vector<16xf32>
      %add3A_1328 = arith.addf %add3A_1327, %exp3A_1303 : vector<16xf32>
      %div3A_1329 = arith.constant 2.000000e+00 : f32
      %div3A_1330 = vector.broadcast %div3A_1329 : f32 to vector<16xf32>
      %div3A_1331 = arith.divf %div3A_1330, %add3A_1328 : vector<16xf32>
      %add3A_1332 = arith.constant 1.000000e+00 : f32
      %add3A_1333 = vector.broadcast %add3A_1332 : f32 to vector<16xf32>
      %add3A_1334 = arith.addf %add3A_1333, %exp3A_1304 : vector<16xf32>
      %div3A_1335 = arith.constant 2.000000e+00 : f32
      %div3A_1336 = vector.broadcast %div3A_1335 : f32 to vector<16xf32>
      %div3A_1337 = arith.divf %div3A_1336, %add3A_1334 : vector<16xf32>
      %add3A_1338 = arith.constant 1.000000e+00 : f32
      %add3A_1339 = vector.broadcast %add3A_1338 : f32 to vector<16xf32>
      %add3A_1340 = arith.addf %add3A_1339, %exp3A_1305 : vector<16xf32>
      %div3A_1341 = arith.constant 2.000000e+00 : f32
      %div3A_1342 = vector.broadcast %div3A_1341 : f32 to vector<16xf32>
      %div3A_1343 = arith.divf %div3A_1342, %add3A_1340 : vector<16xf32>
      %add3A_1344 = arith.constant 1.000000e+00 : f32
      %add3A_1345 = vector.broadcast %add3A_1344 : f32 to vector<16xf32>
      %add3A_1346 = arith.addf %add3A_1345, %exp3A_1306 : vector<16xf32>
      %div3A_1347 = arith.constant 2.000000e+00 : f32
      %div3A_1348 = vector.broadcast %div3A_1347 : f32 to vector<16xf32>
      %div3A_1349 = arith.divf %div3A_1348, %add3A_1346 : vector<16xf32>
      %add3A_1350 = arith.constant 1.000000e+00 : f32
      %add3A_1351 = vector.broadcast %add3A_1350 : f32 to vector<16xf32>
      %add3A_1352 = arith.addf %add3A_1351, %exp3A_1307 : vector<16xf32>
      %div3A_1353 = arith.constant 2.000000e+00 : f32
      %div3A_1354 = vector.broadcast %div3A_1353 : f32 to vector<16xf32>
      %div3A_1355 = arith.divf %div3A_1354, %add3A_1352 : vector<16xf32>
      %swap3A_1356 = arith.constant 0 : index
      %swap3A_1357 = tpu.vector_load %arg19[%swap3A_1356] {strides = array<i32>} : memref<144xf32, #tpu.memory_space<vmem>>, vector<16xf32>,
      tpu.vector_store %arg19[%swap3A_1356], %div3A_1313 {strides = array<i32>} : memref<144xf32, #tpu.memory_space<vmem>>, vector<16xf32>,
      %swap3A_1358 = arith.constant 16 : index
      %swap3A_1359 = tpu.vector_load %arg19[%swap3A_1358] {strides = array<i32>} : memref<144xf32, #tpu.memory_space<vmem>>, vector<16xf32>,
      tpu.vector_store %arg19[%swap3A_1358], %div3A_1319 {strides = array<i32>} : memref<144xf32, #tpu.memory_space<vmem>>, vector<16xf32>,
      %swap3A_1360 = arith.constant 32 : index
      %swap3A_1361 = tpu.vector_load %arg19[%swap3A_1360] {strides = array<i32>} : memref<144xf32, #tpu.memory_space<vmem>>, vector<16xf32>,
      tpu.vector_store %arg19[%swap3A_1360], %div3A_1325 {strides = array<i32>} : memref<144xf32, #tpu.memory_space<vmem>>, vector<16xf32>,
      %swap3A_1362 = arith.constant 48 : index
      %swap3A_1363 = tpu.vector_load %arg19[%swap3A_1362] {strides = array<i32>} : memref<144xf32, #tpu.memory_space<vmem>>, vector<16xf32>,
      tpu.vector_store %arg19[%swap3A_1362], %div3A_1331 {strides = array<i32>} : memref<144xf32, #tpu.memory_space<vmem>>, vector<16xf32>,
      %swap3A_1364 = arith.constant 64 : index
      %swap3A_1365 = tpu.vector_load %arg19[%swap3A_1364] {strides = array<i32>} : memref<144xf32, #tpu.memory_space<vmem>>, vector<16xf32>,
      tpu.vector_store %arg19[%swap3A_1364], %div3A_1337 {strides = array<i32>} : memref<144xf32, #tpu.memory_space<vmem>>, vector<16xf32>,
      %swap3A_1366 = arith.constant 80 : index
      %swap3A_1367 = tpu.vector_load %arg19[%swap3A_1366] {strides = array<i32>} : memref<144xf32, #tpu.memory_space<vmem>>, vector<16xf32>,
      tpu.vector_store %arg19[%swap3A_1366], %div3A_1343 {strides = array<i32>} : memref<144xf32, #tpu.memory_space<vmem>>, vector<16xf32>,
      %swap3A_1368 = arith.constant 96 : index
      %swap3A_1369 = tpu.vector_load %arg19[%swap3A_1368] {strides = array<i32>} : memref<144xf32, #tpu.memory_space<vmem>>, vector<16xf32>,
      tpu.vector_store %arg19[%swap3A_1368], %div3A_1349 {strides = array<i32>} : memref<144xf32, #tpu.memory_space<vmem>>, vector<16xf32>,
      %swap3A_1370 = arith.constant 112 : index
      %swap3A_1371 = tpu.vector_load %arg19[%swap3A_1370] {strides = array<i32>} : memref<144xf32, #tpu.memory_space<vmem>>, vector<16xf32>,
      tpu.vector_store %arg19[%swap3A_1370], %div3A_1355 {strides = array<i32>} : memref<144xf32, #tpu.memory_space<vmem>>, vector<16xf32>,
      %dma_wait3A_1372 = arith.constant 0 : i32
      %dma_wait3A_1373 = tpu.memref_slice %arg10[%add3A_827, %dma_wait3A_1372] : memref<80x128xi32, #tpu.memory_space<vmem>> -> memref<1x128xi32, #tpu.memory_space<vmem>>
      %dma_wait3A_1374 = tpu.memref_squeeze %dma_wait3A_1373 : memref<1x128xi32, #tpu.memory_space<vmem>> -> memref<128xi32, #tpu.memory_space<vmem>>
      %dma_wait3A_1375 = arith.constant 0 : i32
      %dma_wait3A_1376 = arith.constant 0 : i32
      %dma_wait3A_1377 = tpu.memref_slice %arg2[%dma_wait3A_1375, %dma_wait3A_1376] : memref<10000x128xf32, #tpu.memory_space<hbm>> -> memref<10000x128xf32, #tpu.memory_space<hbm>>
      tpu.wait_indirect_dma semaphore(%arg23 : memref<!tpu.dma_semaphore, #tpu.memory_space<semaphore_mem>>) src(%dma_wait3A_1377 : memref<10000x128xf32, #tpu.memory_space<hbm>>) dst(%arg17 : memref<128x128xf32, #tpu.memory_space<vmem>>)
      %dma_wait3A_1378 = arith.constant 0 : i32
      %dma_wait3A_1379 = tpu.memref_slice %arg11[%add3A_827, %dma_wait3A_1378] : memref<80x128xi32, #tpu.memory_space<vmem>> -> memref<1x128xi32, #tpu.memory_space<vmem>>
      %dma_wait3A_1380 = tpu.memref_squeeze %dma_wait3A_1379 : memref<1x128xi32, #tpu.memory_space<vmem>> -> memref<128xi32, #tpu.memory_space<vmem>>
      %dma_wait3A_1381 = arith.constant 0 : i32
      %dma_wait3A_1382 = arith.constant 0 : i32
      %dma_wait3A_1383 = tpu.memref_slice %arg3[%dma_wait3A_1381, %dma_wait3A_1382] : memref<10000x128xf32, #tpu.memory_space<hbm>> -> memref<10000x128xf32, #tpu.memory_space<hbm>>
      tpu.wait_indirect_dma semaphore(%arg23 : memref<!tpu.dma_semaphore, #tpu.memory_space<semaphore_mem>>) src(%dma_wait3A_1383 : memref<10000x128xf32, #tpu.memory_space<hbm>>) dst(%arg18 : memref<128x128xf32, #tpu.memory_space<vmem>>)
      %gt3A_1384 = arith.constant 0 : i32
      %gt3A_1385 = arith.cmpi sgt, %scan3A_30, %gt3A_1384 : i32
      %convert_element_type3A_1386 = arith.extui %gt3A_1385 : i1 to i32
      %cond3A_1387 = arith.constant 0 : i32
      %cond3A_1388 = arith.cmpi ne, %convert_element_type3A_1386, %cond3A_1387 : i32
      scf.if %cond3A_1388 {
        %dma_wait3A_1614 = arith.constant 0 : i32
        %dma_wait3A_1615 = arith.constant 0 : i32
        %dma_wait3A_1616 = tpu.memref_slice %arg9[%dma_wait3A_1614, %dma_wait3A_1615] : memref<10240x128xf32, #tpu.memory_space<hbm>> -> memref<4x128xf32, #tpu.memory_space<hbm>>
        %dma_wait3A_1617 = arith.constant 0 : i32
        %dma_wait3A_1618 = arith.constant 0 : i32
        %dma_wait3A_1619 = tpu.memref_slice %arg9[%dma_wait3A_1617, %dma_wait3A_1618] : memref<10240x128xf32, #tpu.memory_space<hbm>> -> memref<4x128xf32, #tpu.memory_space<hbm>>
        tpu.wait_dma2 semaphore(%arg25 : memref<!tpu.dma_semaphore, #tpu.memory_space<semaphore_mem>>) src(%arg21 : memref<4x128xf32, #tpu.memory_space<vmem>>) dst(%dma_wait3A_1619 : memref<4x128xf32, #tpu.memory_space<hbm>>)
      } else {
      }
      %broadcast_in_dim3A_1389 = arith.constant 0.000000e+00 : f32
      %broadcast_in_dim3A_1390 = vector.broadcast %broadcast_in_dim3A_1389 : f32 to vector<16xf32>
      %broadcast_in_dim3A_1391 = arith.constant 0.000000e+00 : f32
      %broadcast_in_dim3A_1392 = vector.broadcast %broadcast_in_dim3A_1391 : f32 to vector<16xf32>
      %broadcast_in_dim3A_1393 = arith.constant 0.000000e+00 : f32
      %broadcast_in_dim3A_1394 = vector.broadcast %broadcast_in_dim3A_1393 : f32 to vector<16xf32>
      %broadcast_in_dim3A_1395 = arith.constant 0.000000e+00 : f32
      %broadcast_in_dim3A_1396 = vector.broadcast %broadcast_in_dim3A_1395 : f32 to vector<16xf32>
      %broadcast_in_dim3A_1397 = arith.constant 0.000000e+00 : f32
      %broadcast_in_dim3A_1398 = vector.broadcast %broadcast_in_dim3A_1397 : f32 to vector<16xf32>
      %broadcast_in_dim3A_1399 = arith.constant 0.000000e+00 : f32
      %broadcast_in_dim3A_1400 = vector.broadcast %broadcast_in_dim3A_1399 : f32 to vector<16xf32>
      %broadcast_in_dim3A_1401 = arith.constant 0.000000e+00 : f32
      %broadcast_in_dim3A_1402 = vector.broadcast %broadcast_in_dim3A_1401 : f32 to vector<16xf32>
      %broadcast_in_dim3A_1403 = arith.constant 0.000000e+00 : f32
      %broadcast_in_dim3A_1404 = vector.broadcast %broadcast_in_dim3A_1403 : f32 to vector<16xf32>
      %scan3A_1405 = arith.constant 0 : i32
      %scan3A_1406 = arith.constant 32 : i32
      %scan3A_1407 = arith.addi %scan3A_1405, %scan3A_1406 : i32
      %scan3A_1408 = arith.constant 1 : i32
      %scan3A_1409:8 = scf.for %scan3A_1614 = %scan3A_1405 to %scan3A_1407 step %scan3A_1408 iter_args(%scan3A_1615 = %broadcast_in_dim3A_1390, %scan3A_1616 = %broadcast_in_dim3A_1392, %scan3A_1617 = %broadcast_in_dim3A_1394, %scan3A_1618 = %broadcast_in_dim3A_1396, %scan3A_1619 = %broadcast_in_dim3A_1398, %scan3A_1620 = %broadcast_in_dim3A_1400, %scan3A_1621 = %broadcast_in_dim3A_1402, %scan3A_1622 = %broadcast_in_dim3A_1404) -> (vector<16xf32>, vector<16xf32>, vector<16xf32>, vector<16xf32>, vector<16xf32>, vector<16xf32>, vector<16xf32>, vector<16xf32>)  : i32 {
        %add3A_1623 = arith.constant 0 : i32
        %add3A_1624 = arith.addi %add3A_1623, %scan3A_1614 : i32
        %get3A_1625 = arith.index_cast %add3A_1624 : i32 to index
        %get3A_1626 = tpu.vector_load %arg19[%get3A_1625] {strides = array<i32>} : memref<144xf32, #tpu.memory_space<vmem>>, vector<16xf32>,
        %slice3A = vector.extract_strided_slice %get3A_1626 {offsets = [0], sizes = [1], strides = [1]} : vector<16xf32> to vector<1xf32>
        %squeeze3A = vector.extract %slice3A[0] : f32 from vector<1xf32>
        %get3A_1627 = arith.index_cast %add3A_1624 : i32 to index
        %get3A_1628 = arith.constant 0 : index
        %get3A_1629 = tpu.vector_load %arg17[%get3A_1627, %get3A_1628] {strides = array<i32>} : memref<128x128xf32, #tpu.memory_space<vmem>>, vector<16xf32>,
        %get3A_1630 = arith.index_cast %add3A_1624 : i32 to index
        %get3A_1631 = arith.constant 0 : index
        %get3A_1632 = tpu.vector_load %arg18[%get3A_1630, %get3A_1631] {strides = array<i32>} : memref<128x128xf32, #tpu.memory_space<vmem>>, vector<16xf32>,
        %add3A_1633 = arith.addf %get3A_1629, %get3A_1632 : vector<16xf32>
        %mul3A_1634 = vector.broadcast %squeeze3A : f32 to vector<16xf32>
        %mul3A_1635 = arith.mulf %add3A_1633, %mul3A_1634 : vector<16xf32>
        %max3A_1636 = arith.maximumf %scan3A_1615, %mul3A_1635 : vector<16xf32>
        %get3A_1637 = arith.index_cast %add3A_1624 : i32 to index
        %get3A_1638 = arith.constant 16 : index
        %get3A_1639 = tpu.vector_load %arg17[%get3A_1637, %get3A_1638] {strides = array<i32>} : memref<128x128xf32, #tpu.memory_space<vmem>>, vector<16xf32>,
        %get3A_1640 = arith.index_cast %add3A_1624 : i32 to index
        %get3A_1641 = arith.constant 16 : index
        %get3A_1642 = tpu.vector_load %arg18[%get3A_1640, %get3A_1641] {strides = array<i32>} : memref<128x128xf32, #tpu.memory_space<vmem>>, vector<16xf32>,
        %add3A_1643 = arith.addf %get3A_1639, %get3A_1642 : vector<16xf32>
        %mul3A_1644 = vector.broadcast %squeeze3A : f32 to vector<16xf32>
        %mul3A_1645 = arith.mulf %add3A_1643, %mul3A_1644 : vector<16xf32>
        %max3A_1646 = arith.maximumf %scan3A_1616, %mul3A_1645 : vector<16xf32>
        %get3A_1647 = arith.index_cast %add3A_1624 : i32 to index
        %get3A_1648 = arith.constant 32 : index
        %get3A_1649 = tpu.vector_load %arg17[%get3A_1647, %get3A_1648] {strides = array<i32>} : memref<128x128xf32, #tpu.memory_space<vmem>>, vector<16xf32>,
        %get3A_1650 = arith.index_cast %add3A_1624 : i32 to index
        %get3A_1651 = arith.constant 32 : index
        %get3A_1652 = tpu.vector_load %arg18[%get3A_1650, %get3A_1651] {strides = array<i32>} : memref<128x128xf32, #tpu.memory_space<vmem>>, vector<16xf32>,
        %add3A_1653 = arith.addf %get3A_1649, %get3A_1652 : vector<16xf32>
        %mul3A_1654 = vector.broadcast %squeeze3A : f32 to vector<16xf32>
        %mul3A_1655 = arith.mulf %add3A_1653, %mul3A_1654 : vector<16xf32>
        %max3A_1656 = arith.maximumf %scan3A_1617, %mul3A_1655 : vector<16xf32>
        %get3A_1657 = arith.index_cast %add3A_1624 : i32 to index
        %get3A_1658 = arith.constant 48 : index
        %get3A_1659 = tpu.vector_load %arg17[%get3A_1657, %get3A_1658] {strides = array<i32>} : memref<128x128xf32, #tpu.memory_space<vmem>>, vector<16xf32>,
        %get3A_1660 = arith.index_cast %add3A_1624 : i32 to index
        %get3A_1661 = arith.constant 48 : index
        %get3A_1662 = tpu.vector_load %arg18[%get3A_1660, %get3A_1661] {strides = array<i32>} : memref<128x128xf32, #tpu.memory_space<vmem>>, vector<16xf32>,
        %add3A_1663 = arith.addf %get3A_1659, %get3A_1662 : vector<16xf32>
        %mul3A_1664 = vector.broadcast %squeeze3A : f32 to vector<16xf32>
        %mul3A_1665 = arith.mulf %add3A_1663, %mul3A_1664 : vector<16xf32>
        %max3A_1666 = arith.maximumf %scan3A_1618, %mul3A_1665 : vector<16xf32>
        %get3A_1667 = arith.index_cast %add3A_1624 : i32 to index
        %get3A_1668 = arith.constant 64 : index
        %get3A_1669 = tpu.vector_load %arg17[%get3A_1667, %get3A_1668] {strides = array<i32>} : memref<128x128xf32, #tpu.memory_space<vmem>>, vector<16xf32>,
        %get3A_1670 = arith.index_cast %add3A_1624 : i32 to index
        %get3A_1671 = arith.constant 64 : index
        %get3A_1672 = tpu.vector_load %arg18[%get3A_1670, %get3A_1671] {strides = array<i32>} : memref<128x128xf32, #tpu.memory_space<vmem>>, vector<16xf32>,
        %add3A_1673 = arith.addf %get3A_1669, %get3A_1672 : vector<16xf32>
        %mul3A_1674 = vector.broadcast %squeeze3A : f32 to vector<16xf32>
        %mul3A_1675 = arith.mulf %add3A_1673, %mul3A_1674 : vector<16xf32>
        %max3A_1676 = arith.maximumf %scan3A_1619, %mul3A_1675 : vector<16xf32>
        %get3A_1677 = arith.index_cast %add3A_1624 : i32 to index
        %get3A_1678 = arith.constant 80 : index
        %get3A_1679 = tpu.vector_load %arg17[%get3A_1677, %get3A_1678] {strides = array<i32>} : memref<128x128xf32, #tpu.memory_space<vmem>>, vector<16xf32>,
        %get3A_1680 = arith.index_cast %add3A_1624 : i32 to index
        %get3A_1681 = arith.constant 80 : index
        %get3A_1682 = tpu.vector_load %arg18[%get3A_1680, %get3A_1681] {strides = array<i32>} : memref<128x128xf32, #tpu.memory_space<vmem>>, vector<16xf32>,
        %add3A_1683 = arith.addf %get3A_1679, %get3A_1682 : vector<16xf32>
        %mul3A_1684 = vector.broadcast %squeeze3A : f32 to vector<16xf32>
        %mul3A_1685 = arith.mulf %add3A_1683, %mul3A_1684 : vector<16xf32>
        %max3A_1686 = arith.maximumf %scan3A_1620, %mul3A_1685 : vector<16xf32>
        %get3A_1687 = arith.index_cast %add3A_1624 : i32 to index
        %get3A_1688 = arith.constant 96 : index
        %get3A_1689 = tpu.vector_load %arg17[%get3A_1687, %get3A_1688] {strides = array<i32>} : memref<128x128xf32, #tpu.memory_space<vmem>>, vector<16xf32>,
        %get3A_1690 = arith.index_cast %add3A_1624 : i32 to index
        %get3A_1691 = arith.constant 96 : index
        %get3A_1692 = tpu.vector_load %arg18[%get3A_1690, %get3A_1691] {strides = array<i32>} : memref<128x128xf32, #tpu.memory_space<vmem>>, vector<16xf32>,
        %add3A_1693 = arith.addf %get3A_1689, %get3A_1692 : vector<16xf32>
        %mul3A_1694 = vector.broadcast %squeeze3A : f32 to vector<16xf32>
        %mul3A_1695 = arith.mulf %add3A_1693, %mul3A_1694 : vector<16xf32>
        %max3A_1696 = arith.maximumf %scan3A_1621, %mul3A_1695 : vector<16xf32>
        %get3A_1697 = arith.index_cast %add3A_1624 : i32 to index
        %get3A_1698 = arith.constant 112 : index
        %get3A_1699 = tpu.vector_load %arg17[%get3A_1697, %get3A_1698] {strides = array<i32>} : memref<128x128xf32, #tpu.memory_space<vmem>>, vector<16xf32>,
        %get3A_1700 = arith.index_cast %add3A_1624 : i32 to index
        %get3A_1701 = arith.constant 112 : index
        %get3A_1702 = tpu.vector_load %arg18[%get3A_1700, %get3A_1701] {strides = array<i32>} : memref<128x128xf32, #tpu.memory_space<vmem>>, vector<16xf32>,
        %add3A_1703 = arith.addf %get3A_1699, %get3A_1702 : vector<16xf32>
        %mul3A_1704 = vector.broadcast %squeeze3A : f32 to vector<16xf32>
        %mul3A_1705 = arith.mulf %add3A_1703, %mul3A_1704 : vector<16xf32>
        %max3A_1706 = arith.maximumf %scan3A_1622, %mul3A_1705 : vector<16xf32>
        scf.yield %max3A_1636, %max3A_1646, %max3A_1656, %max3A_1666, %max3A_1676, %max3A_1686, %max3A_1696, %max3A_1706 : vector<16xf32>, vector<16xf32>, vector<16xf32>, vector<16xf32>, vector<16xf32>, vector<16xf32>, vector<16xf32>, vector<16xf32>
      }
      %scan3A_1410 = arith.constant 32 : i32
      %swap3A_1411 = arith.constant 0 : i32
      %swap3A_1412 = arith.index_cast %swap3A_1411 : i32 to index
      %swap3A_1413 = arith.constant 0 : index
      %swap3A_1414 = tpu.vector_load %arg21[%swap3A_1412, %swap3A_1413] {strides = array<i32>} : memref<4x128xf32, #tpu.memory_space<vmem>>, vector<16xf32>,
      tpu.vector_store %arg21[%swap3A_1412, %swap3A_1413], %scan3A_1409#0 {strides = array<i32>} : memref<4x128xf32, #tpu.memory_space<vmem>>, vector<16xf32>,
      %swap3A_1415 = arith.constant 0 : i32
      %swap3A_1416 = arith.index_cast %swap3A_1415 : i32 to index
      %swap3A_1417 = arith.constant 16 : index
      %swap3A_1418 = tpu.vector_load %arg21[%swap3A_1416, %swap3A_1417] {strides = array<i32>} : memref<4x128xf32, #tpu.memory_space<vmem>>, vector<16xf32>,
      tpu.vector_store %arg21[%swap3A_1416, %swap3A_1417], %scan3A_1409#1 {strides = array<i32>} : memref<4x128xf32, #tpu.memory_space<vmem>>, vector<16xf32>,
      %swap3A_1419 = arith.constant 0 : i32
      %swap3A_1420 = arith.index_cast %swap3A_1419 : i32 to index
      %swap3A_1421 = arith.constant 32 : index
      %swap3A_1422 = tpu.vector_load %arg21[%swap3A_1420, %swap3A_1421] {strides = array<i32>} : memref<4x128xf32, #tpu.memory_space<vmem>>, vector<16xf32>,
      tpu.vector_store %arg21[%swap3A_1420, %swap3A_1421], %scan3A_1409#2 {strides = array<i32>} : memref<4x128xf32, #tpu.memory_space<vmem>>, vector<16xf32>,
      %swap3A_1423 = arith.constant 0 : i32
      %swap3A_1424 = arith.index_cast %swap3A_1423 : i32 to index
      %swap3A_1425 = arith.constant 48 : index
      %swap3A_1426 = tpu.vector_load %arg21[%swap3A_1424, %swap3A_1425] {strides = array<i32>} : memref<4x128xf32, #tpu.memory_space<vmem>>, vector<16xf32>,
      tpu.vector_store %arg21[%swap3A_1424, %swap3A_1425], %scan3A_1409#3 {strides = array<i32>} : memref<4x128xf32, #tpu.memory_space<vmem>>, vector<16xf32>,
      %swap3A_1427 = arith.constant 0 : i32
      %swap3A_1428 = arith.index_cast %swap3A_1427 : i32 to index
      %swap3A_1429 = arith.constant 64 : index
      %swap3A_1430 = tpu.vector_load %arg21[%swap3A_1428, %swap3A_1429] {strides = array<i32>} : memref<4x128xf32, #tpu.memory_space<vmem>>, vector<16xf32>,
      tpu.vector_store %arg21[%swap3A_1428, %swap3A_1429], %scan3A_1409#4 {strides = array<i32>} : memref<4x128xf32, #tpu.memory_space<vmem>>, vector<16xf32>,
      %swap3A_1431 = arith.constant 0 : i32
      %swap3A_1432 = arith.index_cast %swap3A_1431 : i32 to index
      %swap3A_1433 = arith.constant 80 : index
      %swap3A_1434 = tpu.vector_load %arg21[%swap3A_1432, %swap3A_1433] {strides = array<i32>} : memref<4x128xf32, #tpu.memory_space<vmem>>, vector<16xf32>,
      tpu.vector_store %arg21[%swap3A_1432, %swap3A_1433], %scan3A_1409#5 {strides = array<i32>} : memref<4x128xf32, #tpu.memory_space<vmem>>, vector<16xf32>,
      %swap3A_1435 = arith.constant 0 : i32
      %swap3A_1436 = arith.index_cast %swap3A_1435 : i32 to index
      %swap3A_1437 = arith.constant 96 : index
      %swap3A_1438 = tpu.vector_load %arg21[%swap3A_1436, %swap3A_1437] {strides = array<i32>} : memref<4x128xf32, #tpu.memory_space<vmem>>, vector<16xf32>,
      tpu.vector_store %arg21[%swap3A_1436, %swap3A_1437], %scan3A_1409#6 {strides = array<i32>} : memref<4x128xf32, #tpu.memory_space<vmem>>, vector<16xf32>,
      %swap3A_1439 = arith.constant 0 : i32
      %swap3A_1440 = arith.index_cast %swap3A_1439 : i32 to index
      %swap3A_1441 = arith.constant 112 : index
      %swap3A_1442 = tpu.vector_load %arg21[%swap3A_1440, %swap3A_1441] {strides = array<i32>} : memref<4x128xf32, #tpu.memory_space<vmem>>, vector<16xf32>,
      tpu.vector_store %arg21[%swap3A_1440, %swap3A_1441], %scan3A_1409#7 {strides = array<i32>} : memref<4x128xf32, #tpu.memory_space<vmem>>, vector<16xf32>,
      %broadcast_in_dim3A_1443 = arith.constant 0.000000e+00 : f32
      %broadcast_in_dim3A_1444 = vector.broadcast %broadcast_in_dim3A_1443 : f32 to vector<16xf32>
      %broadcast_in_dim3A_1445 = arith.constant 0.000000e+00 : f32
      %broadcast_in_dim3A_1446 = vector.broadcast %broadcast_in_dim3A_1445 : f32 to vector<16xf32>
      %broadcast_in_dim3A_1447 = arith.constant 0.000000e+00 : f32
      %broadcast_in_dim3A_1448 = vector.broadcast %broadcast_in_dim3A_1447 : f32 to vector<16xf32>
      %broadcast_in_dim3A_1449 = arith.constant 0.000000e+00 : f32
      %broadcast_in_dim3A_1450 = vector.broadcast %broadcast_in_dim3A_1449 : f32 to vector<16xf32>
      %broadcast_in_dim3A_1451 = arith.constant 0.000000e+00 : f32
      %broadcast_in_dim3A_1452 = vector.broadcast %broadcast_in_dim3A_1451 : f32 to vector<16xf32>
      %broadcast_in_dim3A_1453 = arith.constant 0.000000e+00 : f32
      %broadcast_in_dim3A_1454 = vector.broadcast %broadcast_in_dim3A_1453 : f32 to vector<16xf32>
      %broadcast_in_dim3A_1455 = arith.constant 0.000000e+00 : f32
      %broadcast_in_dim3A_1456 = vector.broadcast %broadcast_in_dim3A_1455 : f32 to vector<16xf32>
      %broadcast_in_dim3A_1457 = arith.constant 0.000000e+00 : f32
      %broadcast_in_dim3A_1458 = vector.broadcast %broadcast_in_dim3A_1457 : f32 to vector<16xf32>
      %scan3A_1459 = arith.constant 0 : i32
      %scan3A_1460 = arith.constant 32 : i32
      %scan3A_1461 = arith.addi %scan3A_1459, %scan3A_1460 : i32
      %scan3A_1462 = arith.constant 1 : i32
      %scan3A_1463:8 = scf.for %scan3A_1614 = %scan3A_1459 to %scan3A_1461 step %scan3A_1462 iter_args(%scan3A_1615 = %broadcast_in_dim3A_1444, %scan3A_1616 = %broadcast_in_dim3A_1446, %scan3A_1617 = %broadcast_in_dim3A_1448, %scan3A_1618 = %broadcast_in_dim3A_1450, %scan3A_1619 = %broadcast_in_dim3A_1452, %scan3A_1620 = %broadcast_in_dim3A_1454, %scan3A_1621 = %broadcast_in_dim3A_1456, %scan3A_1622 = %broadcast_in_dim3A_1458) -> (vector<16xf32>, vector<16xf32>, vector<16xf32>, vector<16xf32>, vector<16xf32>, vector<16xf32>, vector<16xf32>, vector<16xf32>)  : i32 {
        %add3A_1623 = arith.constant 32 : i32
        %add3A_1624 = arith.addi %add3A_1623, %scan3A_1614 : i32
        %get3A_1625 = arith.index_cast %add3A_1624 : i32 to index
        %get3A_1626 = tpu.vector_load %arg19[%get3A_1625] {strides = array<i32>} : memref<144xf32, #tpu.memory_space<vmem>>, vector<16xf32>,
        %slice3A = vector.extract_strided_slice %get3A_1626 {offsets = [0], sizes = [1], strides = [1]} : vector<16xf32> to vector<1xf32>
        %squeeze3A = vector.extract %slice3A[0] : f32 from vector<1xf32>
        %get3A_1627 = arith.index_cast %add3A_1624 : i32 to index
        %get3A_1628 = arith.constant 0 : index
        %get3A_1629 = tpu.vector_load %arg17[%get3A_1627, %get3A_1628] {strides = array<i32>} : memref<128x128xf32, #tpu.memory_space<vmem>>, vector<16xf32>,
        %get3A_1630 = arith.index_cast %add3A_1624 : i32 to index
        %get3A_1631 = arith.constant 0 : index
        %get3A_1632 = tpu.vector_load %arg18[%get3A_1630, %get3A_1631] {strides = array<i32>} : memref<128x128xf32, #tpu.memory_space<vmem>>, vector<16xf32>,
        %add3A_1633 = arith.addf %get3A_1629, %get3A_1632 : vector<16xf32>
        %mul3A_1634 = vector.broadcast %squeeze3A : f32 to vector<16xf32>
        %mul3A_1635 = arith.mulf %add3A_1633, %mul3A_1634 : vector<16xf32>
        %max3A_1636 = arith.maximumf %scan3A_1615, %mul3A_1635 : vector<16xf32>
        %get3A_1637 = arith.index_cast %add3A_1624 : i32 to index
        %get3A_1638 = arith.constant 16 : index
        %get3A_1639 = tpu.vector_load %arg17[%get3A_1637, %get3A_1638] {strides = array<i32>} : memref<128x128xf32, #tpu.memory_space<vmem>>, vector<16xf32>,
        %get3A_1640 = arith.index_cast %add3A_1624 : i32 to index
        %get3A_1641 = arith.constant 16 : index
        %get3A_1642 = tpu.vector_load %arg18[%get3A_1640, %get3A_1641] {strides = array<i32>} : memref<128x128xf32, #tpu.memory_space<vmem>>, vector<16xf32>,
        %add3A_1643 = arith.addf %get3A_1639, %get3A_1642 : vector<16xf32>
        %mul3A_1644 = vector.broadcast %squeeze3A : f32 to vector<16xf32>
        %mul3A_1645 = arith.mulf %add3A_1643, %mul3A_1644 : vector<16xf32>
        %max3A_1646 = arith.maximumf %scan3A_1616, %mul3A_1645 : vector<16xf32>
        %get3A_1647 = arith.index_cast %add3A_1624 : i32 to index
        %get3A_1648 = arith.constant 32 : index
        %get3A_1649 = tpu.vector_load %arg17[%get3A_1647, %get3A_1648] {strides = array<i32>} : memref<128x128xf32, #tpu.memory_space<vmem>>, vector<16xf32>,
        %get3A_1650 = arith.index_cast %add3A_1624 : i32 to index
        %get3A_1651 = arith.constant 32 : index
        %get3A_1652 = tpu.vector_load %arg18[%get3A_1650, %get3A_1651] {strides = array<i32>} : memref<128x128xf32, #tpu.memory_space<vmem>>, vector<16xf32>,
        %add3A_1653 = arith.addf %get3A_1649, %get3A_1652 : vector<16xf32>
        %mul3A_1654 = vector.broadcast %squeeze3A : f32 to vector<16xf32>
        %mul3A_1655 = arith.mulf %add3A_1653, %mul3A_1654 : vector<16xf32>
        %max3A_1656 = arith.maximumf %scan3A_1617, %mul3A_1655 : vector<16xf32>
        %get3A_1657 = arith.index_cast %add3A_1624 : i32 to index
        %get3A_1658 = arith.constant 48 : index
        %get3A_1659 = tpu.vector_load %arg17[%get3A_1657, %get3A_1658] {strides = array<i32>} : memref<128x128xf32, #tpu.memory_space<vmem>>, vector<16xf32>,
        %get3A_1660 = arith.index_cast %add3A_1624 : i32 to index
        %get3A_1661 = arith.constant 48 : index
        %get3A_1662 = tpu.vector_load %arg18[%get3A_1660, %get3A_1661] {strides = array<i32>} : memref<128x128xf32, #tpu.memory_space<vmem>>, vector<16xf32>,
        %add3A_1663 = arith.addf %get3A_1659, %get3A_1662 : vector<16xf32>
        %mul3A_1664 = vector.broadcast %squeeze3A : f32 to vector<16xf32>
        %mul3A_1665 = arith.mulf %add3A_1663, %mul3A_1664 : vector<16xf32>
        %max3A_1666 = arith.maximumf %scan3A_1618, %mul3A_1665 : vector<16xf32>
        %get3A_1667 = arith.index_cast %add3A_1624 : i32 to index
        %get3A_1668 = arith.constant 64 : index
        %get3A_1669 = tpu.vector_load %arg17[%get3A_1667, %get3A_1668] {strides = array<i32>} : memref<128x128xf32, #tpu.memory_space<vmem>>, vector<16xf32>,
        %get3A_1670 = arith.index_cast %add3A_1624 : i32 to index
        %get3A_1671 = arith.constant 64 : index
        %get3A_1672 = tpu.vector_load %arg18[%get3A_1670, %get3A_1671] {strides = array<i32>} : memref<128x128xf32, #tpu.memory_space<vmem>>, vector<16xf32>,
        %add3A_1673 = arith.addf %get3A_1669, %get3A_1672 : vector<16xf32>
        %mul3A_1674 = vector.broadcast %squeeze3A : f32 to vector<16xf32>
        %mul3A_1675 = arith.mulf %add3A_1673, %mul3A_1674 : vector<16xf32>
        %max3A_1676 = arith.maximumf %scan3A_1619, %mul3A_1675 : vector<16xf32>
        %get3A_1677 = arith.index_cast %add3A_1624 : i32 to index
        %get3A_1678 = arith.constant 80 : index
        %get3A_1679 = tpu.vector_load %arg17[%get3A_1677, %get3A_1678] {strides = array<i32>} : memref<128x128xf32, #tpu.memory_space<vmem>>, vector<16xf32>,
        %get3A_1680 = arith.index_cast %add3A_1624 : i32 to index
        %get3A_1681 = arith.constant 80 : index
        %get3A_1682 = tpu.vector_load %arg18[%get3A_1680, %get3A_1681] {strides = array<i32>} : memref<128x128xf32, #tpu.memory_space<vmem>>, vector<16xf32>,
        %add3A_1683 = arith.addf %get3A_1679, %get3A_1682 : vector<16xf32>
        %mul3A_1684 = vector.broadcast %squeeze3A : f32 to vector<16xf32>
        %mul3A_1685 = arith.mulf %add3A_1683, %mul3A_1684 : vector<16xf32>
        %max3A_1686 = arith.maximumf %scan3A_1620, %mul3A_1685 : vector<16xf32>
        %get3A_1687 = arith.index_cast %add3A_1624 : i32 to index
        %get3A_1688 = arith.constant 96 : index
        %get3A_1689 = tpu.vector_load %arg17[%get3A_1687, %get3A_1688] {strides = array<i32>} : memref<128x128xf32, #tpu.memory_space<vmem>>, vector<16xf32>,
        %get3A_1690 = arith.index_cast %add3A_1624 : i32 to index
        %get3A_1691 = arith.constant 96 : index
        %get3A_1692 = tpu.vector_load %arg18[%get3A_1690, %get3A_1691] {strides = array<i32>} : memref<128x128xf32, #tpu.memory_space<vmem>>, vector<16xf32>,
        %add3A_1693 = arith.addf %get3A_1689, %get3A_1692 : vector<16xf32>
        %mul3A_1694 = vector.broadcast %squeeze3A : f32 to vector<16xf32>
        %mul3A_1695 = arith.mulf %add3A_1693, %mul3A_1694 : vector<16xf32>
        %max3A_1696 = arith.maximumf %scan3A_1621, %mul3A_1695 : vector<16xf32>
        %get3A_1697 = arith.index_cast %add3A_1624 : i32 to index
        %get3A_1698 = arith.constant 112 : index
        %get3A_1699 = tpu.vector_load %arg17[%get3A_1697, %get3A_1698] {strides = array<i32>} : memref<128x128xf32, #tpu.memory_space<vmem>>, vector<16xf32>,
        %get3A_1700 = arith.index_cast %add3A_1624 : i32 to index
        %get3A_1701 = arith.constant 112 : index
        %get3A_1702 = tpu.vector_load %arg18[%get3A_1700, %get3A_1701] {strides = array<i32>} : memref<128x128xf32, #tpu.memory_space<vmem>>, vector<16xf32>,
        %add3A_1703 = arith.addf %get3A_1699, %get3A_1702 : vector<16xf32>
        %mul3A_1704 = vector.broadcast %squeeze3A : f32 to vector<16xf32>
        %mul3A_1705 = arith.mulf %add3A_1703, %mul3A_1704 : vector<16xf32>
        %max3A_1706 = arith.maximumf %scan3A_1622, %mul3A_1705 : vector<16xf32>
        scf.yield %max3A_1636, %max3A_1646, %max3A_1656, %max3A_1666, %max3A_1676, %max3A_1686, %max3A_1696, %max3A_1706 : vector<16xf32>, vector<16xf32>, vector<16xf32>, vector<16xf32>, vector<16xf32>, vector<16xf32>, vector<16xf32>, vector<16xf32>
      }
      %scan3A_1464 = arith.constant 32 : i32
      %swap3A_1465 = arith.constant 1 : i32
      %swap3A_1466 = arith.index_cast %swap3A_1465 : i32 to index
      %swap3A_1467 = arith.constant 0 : index
      %swap3A_1468 = tpu.vector_load %arg21[%swap3A_1466, %swap3A_1467] {strides = array<i32>} : memref<4x128xf32, #tpu.memory_space<vmem>>, vector<16xf32>,
      tpu.vector_store %arg21[%swap3A_1466, %swap3A_1467], %scan3A_1463#0 {strides = array<i32>} : memref<4x128xf32, #tpu.memory_space<vmem>>, vector<16xf32>,
      %swap3A_1469 = arith.constant 1 : i32
      %swap3A_1470 = arith.index_cast %swap3A_1469 : i32 to index
      %swap3A_1471 = arith.constant 16 : index
      %swap3A_1472 = tpu.vector_load %arg21[%swap3A_1470, %swap3A_1471] {strides = array<i32>} : memref<4x128xf32, #tpu.memory_space<vmem>>, vector<16xf32>,
      tpu.vector_store %arg21[%swap3A_1470, %swap3A_1471], %scan3A_1463#1 {strides = array<i32>} : memref<4x128xf32, #tpu.memory_space<vmem>>, vector<16xf32>,
      %swap3A_1473 = arith.constant 1 : i32
      %swap3A_1474 = arith.index_cast %swap3A_1473 : i32 to index
      %swap3A_1475 = arith.constant 32 : index
      %swap3A_1476 = tpu.vector_load %arg21[%swap3A_1474, %swap3A_1475] {strides = array<i32>} : memref<4x128xf32, #tpu.memory_space<vmem>>, vector<16xf32>,
      tpu.vector_store %arg21[%swap3A_1474, %swap3A_1475], %scan3A_1463#2 {strides = array<i32>} : memref<4x128xf32, #tpu.memory_space<vmem>>, vector<16xf32>,
      %swap3A_1477 = arith.constant 1 : i32
      %swap3A_1478 = arith.index_cast %swap3A_1477 : i32 to index
      %swap3A_1479 = arith.constant 48 : index
      %swap3A_1480 = tpu.vector_load %arg21[%swap3A_1478, %swap3A_1479] {strides = array<i32>} : memref<4x128xf32, #tpu.memory_space<vmem>>, vector<16xf32>,
      tpu.vector_store %arg21[%swap3A_1478, %swap3A_1479], %scan3A_1463#3 {strides = array<i32>} : memref<4x128xf32, #tpu.memory_space<vmem>>, vector<16xf32>,
      %swap3A_1481 = arith.constant 1 : i32
      %swap3A_1482 = arith.index_cast %swap3A_1481 : i32 to index
      %swap3A_1483 = arith.constant 64 : index
      %swap3A_1484 = tpu.vector_load %arg21[%swap3A_1482, %swap3A_1483] {strides = array<i32>} : memref<4x128xf32, #tpu.memory_space<vmem>>, vector<16xf32>,
      tpu.vector_store %arg21[%swap3A_1482, %swap3A_1483], %scan3A_1463#4 {strides = array<i32>} : memref<4x128xf32, #tpu.memory_space<vmem>>, vector<16xf32>,
      %swap3A_1485 = arith.constant 1 : i32
      %swap3A_1486 = arith.index_cast %swap3A_1485 : i32 to index
      %swap3A_1487 = arith.constant 80 : index
      %swap3A_1488 = tpu.vector_load %arg21[%swap3A_1486, %swap3A_1487] {strides = array<i32>} : memref<4x128xf32, #tpu.memory_space<vmem>>, vector<16xf32>,
      tpu.vector_store %arg21[%swap3A_1486, %swap3A_1487], %scan3A_1463#5 {strides = array<i32>} : memref<4x128xf32, #tpu.memory_space<vmem>>, vector<16xf32>,
      %swap3A_1489 = arith.constant 1 : i32
      %swap3A_1490 = arith.index_cast %swap3A_1489 : i32 to index
      %swap3A_1491 = arith.constant 96 : index
      %swap3A_1492 = tpu.vector_load %arg21[%swap3A_1490, %swap3A_1491] {strides = array<i32>} : memref<4x128xf32, #tpu.memory_space<vmem>>, vector<16xf32>,
      tpu.vector_store %arg21[%swap3A_1490, %swap3A_1491], %scan3A_1463#6 {strides = array<i32>} : memref<4x128xf32, #tpu.memory_space<vmem>>, vector<16xf32>,
      %swap3A_1493 = arith.constant 1 : i32
      %swap3A_1494 = arith.index_cast %swap3A_1493 : i32 to index
      %swap3A_1495 = arith.constant 112 : index
      %swap3A_1496 = tpu.vector_load %arg21[%swap3A_1494, %swap3A_1495] {strides = array<i32>} : memref<4x128xf32, #tpu.memory_space<vmem>>, vector<16xf32>,
      tpu.vector_store %arg21[%swap3A_1494, %swap3A_1495], %scan3A_1463#7 {strides = array<i32>} : memref<4x128xf32, #tpu.memory_space<vmem>>, vector<16xf32>,
      %broadcast_in_dim3A_1497 = arith.constant 0.000000e+00 : f32
      %broadcast_in_dim3A_1498 = vector.broadcast %broadcast_in_dim3A_1497 : f32 to vector<16xf32>
      %broadcast_in_dim3A_1499 = arith.constant 0.000000e+00 : f32
      %broadcast_in_dim3A_1500 = vector.broadcast %broadcast_in_dim3A_1499 : f32 to vector<16xf32>
      %broadcast_in_dim3A_1501 = arith.constant 0.000000e+00 : f32
      %broadcast_in_dim3A_1502 = vector.broadcast %broadcast_in_dim3A_1501 : f32 to vector<16xf32>
      %broadcast_in_dim3A_1503 = arith.constant 0.000000e+00 : f32
      %broadcast_in_dim3A_1504 = vector.broadcast %broadcast_in_dim3A_1503 : f32 to vector<16xf32>
      %broadcast_in_dim3A_1505 = arith.constant 0.000000e+00 : f32
      %broadcast_in_dim3A_1506 = vector.broadcast %broadcast_in_dim3A_1505 : f32 to vector<16xf32>
      %broadcast_in_dim3A_1507 = arith.constant 0.000000e+00 : f32
      %broadcast_in_dim3A_1508 = vector.broadcast %broadcast_in_dim3A_1507 : f32 to vector<16xf32>
      %broadcast_in_dim3A_1509 = arith.constant 0.000000e+00 : f32
      %broadcast_in_dim3A_1510 = vector.broadcast %broadcast_in_dim3A_1509 : f32 to vector<16xf32>
      %broadcast_in_dim3A_1511 = arith.constant 0.000000e+00 : f32
      %broadcast_in_dim3A_1512 = vector.broadcast %broadcast_in_dim3A_1511 : f32 to vector<16xf32>
      %scan3A_1513 = arith.constant 0 : i32
      %scan3A_1514 = arith.constant 32 : i32
      %scan3A_1515 = arith.addi %scan3A_1513, %scan3A_1514 : i32
      %scan3A_1516 = arith.constant 1 : i32
      %scan3A_1517:8 = scf.for %scan3A_1614 = %scan3A_1513 to %scan3A_1515 step %scan3A_1516 iter_args(%scan3A_1615 = %broadcast_in_dim3A_1498, %scan3A_1616 = %broadcast_in_dim3A_1500, %scan3A_1617 = %broadcast_in_dim3A_1502, %scan3A_1618 = %broadcast_in_dim3A_1504, %scan3A_1619 = %broadcast_in_dim3A_1506, %scan3A_1620 = %broadcast_in_dim3A_1508, %scan3A_1621 = %broadcast_in_dim3A_1510, %scan3A_1622 = %broadcast_in_dim3A_1512) -> (vector<16xf32>, vector<16xf32>, vector<16xf32>, vector<16xf32>, vector<16xf32>, vector<16xf32>, vector<16xf32>, vector<16xf32>)  : i32 {
        %add3A_1623 = arith.constant 64 : i32
        %add3A_1624 = arith.addi %add3A_1623, %scan3A_1614 : i32
        %get3A_1625 = arith.index_cast %add3A_1624 : i32 to index
        %get3A_1626 = tpu.vector_load %arg19[%get3A_1625] {strides = array<i32>} : memref<144xf32, #tpu.memory_space<vmem>>, vector<16xf32>,
        %slice3A = vector.extract_strided_slice %get3A_1626 {offsets = [0], sizes = [1], strides = [1]} : vector<16xf32> to vector<1xf32>
        %squeeze3A = vector.extract %slice3A[0] : f32 from vector<1xf32>
        %get3A_1627 = arith.index_cast %add3A_1624 : i32 to index
        %get3A_1628 = arith.constant 0 : index
        %get3A_1629 = tpu.vector_load %arg17[%get3A_1627, %get3A_1628] {strides = array<i32>} : memref<128x128xf32, #tpu.memory_space<vmem>>, vector<16xf32>,
        %get3A_1630 = arith.index_cast %add3A_1624 : i32 to index
        %get3A_1631 = arith.constant 0 : index
        %get3A_1632 = tpu.vector_load %arg18[%get3A_1630, %get3A_1631] {strides = array<i32>} : memref<128x128xf32, #tpu.memory_space<vmem>>, vector<16xf32>,
        %add3A_1633 = arith.addf %get3A_1629, %get3A_1632 : vector<16xf32>
        %mul3A_1634 = vector.broadcast %squeeze3A : f32 to vector<16xf32>
        %mul3A_1635 = arith.mulf %add3A_1633, %mul3A_1634 : vector<16xf32>
        %max3A_1636 = arith.maximumf %scan3A_1615, %mul3A_1635 : vector<16xf32>
        %get3A_1637 = arith.index_cast %add3A_1624 : i32 to index
        %get3A_1638 = arith.constant 16 : index
        %get3A_1639 = tpu.vector_load %arg17[%get3A_1637, %get3A_1638] {strides = array<i32>} : memref<128x128xf32, #tpu.memory_space<vmem>>, vector<16xf32>,
        %get3A_1640 = arith.index_cast %add3A_1624 : i32 to index
        %get3A_1641 = arith.constant 16 : index
        %get3A_1642 = tpu.vector_load %arg18[%get3A_1640, %get3A_1641] {strides = array<i32>} : memref<128x128xf32, #tpu.memory_space<vmem>>, vector<16xf32>,
        %add3A_1643 = arith.addf %get3A_1639, %get3A_1642 : vector<16xf32>
        %mul3A_1644 = vector.broadcast %squeeze3A : f32 to vector<16xf32>
        %mul3A_1645 = arith.mulf %add3A_1643, %mul3A_1644 : vector<16xf32>
        %max3A_1646 = arith.maximumf %scan3A_1616, %mul3A_1645 : vector<16xf32>
        %get3A_1647 = arith.index_cast %add3A_1624 : i32 to index
        %get3A_1648 = arith.constant 32 : index
        %get3A_1649 = tpu.vector_load %arg17[%get3A_1647, %get3A_1648] {strides = array<i32>} : memref<128x128xf32, #tpu.memory_space<vmem>>, vector<16xf32>,
        %get3A_1650 = arith.index_cast %add3A_1624 : i32 to index
        %get3A_1651 = arith.constant 32 : index
        %get3A_1652 = tpu.vector_load %arg18[%get3A_1650, %get3A_1651] {strides = array<i32>} : memref<128x128xf32, #tpu.memory_space<vmem>>, vector<16xf32>,
        %add3A_1653 = arith.addf %get3A_1649, %get3A_1652 : vector<16xf32>
        %mul3A_1654 = vector.broadcast %squeeze3A : f32 to vector<16xf32>
        %mul3A_1655 = arith.mulf %add3A_1653, %mul3A_1654 : vector<16xf32>
        %max3A_1656 = arith.maximumf %scan3A_1617, %mul3A_1655 : vector<16xf32>
        %get3A_1657 = arith.index_cast %add3A_1624 : i32 to index
        %get3A_1658 = arith.constant 48 : index
        %get3A_1659 = tpu.vector_load %arg17[%get3A_1657, %get3A_1658] {strides = array<i32>} : memref<128x128xf32, #tpu.memory_space<vmem>>, vector<16xf32>,
        %get3A_1660 = arith.index_cast %add3A_1624 : i32 to index
        %get3A_1661 = arith.constant 48 : index
        %get3A_1662 = tpu.vector_load %arg18[%get3A_1660, %get3A_1661] {strides = array<i32>} : memref<128x128xf32, #tpu.memory_space<vmem>>, vector<16xf32>,
        %add3A_1663 = arith.addf %get3A_1659, %get3A_1662 : vector<16xf32>
        %mul3A_1664 = vector.broadcast %squeeze3A : f32 to vector<16xf32>
        %mul3A_1665 = arith.mulf %add3A_1663, %mul3A_1664 : vector<16xf32>
        %max3A_1666 = arith.maximumf %scan3A_1618, %mul3A_1665 : vector<16xf32>
        %get3A_1667 = arith.index_cast %add3A_1624 : i32 to index
        %get3A_1668 = arith.constant 64 : index
        %get3A_1669 = tpu.vector_load %arg17[%get3A_1667, %get3A_1668] {strides = array<i32>} : memref<128x128xf32, #tpu.memory_space<vmem>>, vector<16xf32>,
        %get3A_1670 = arith.index_cast %add3A_1624 : i32 to index
        %get3A_1671 = arith.constant 64 : index
        %get3A_1672 = tpu.vector_load %arg18[%get3A_1670, %get3A_1671] {strides = array<i32>} : memref<128x128xf32, #tpu.memory_space<vmem>>, vector<16xf32>,
        %add3A_1673 = arith.addf %get3A_1669, %get3A_1672 : vector<16xf32>
        %mul3A_1674 = vector.broadcast %squeeze3A : f32 to vector<16xf32>
        %mul3A_1675 = arith.mulf %add3A_1673, %mul3A_1674 : vector<16xf32>
        %max3A_1676 = arith.maximumf %scan3A_1619, %mul3A_1675 : vector<16xf32>
        %get3A_1677 = arith.index_cast %add3A_1624 : i32 to index
        %get3A_1678 = arith.constant 80 : index
        %get3A_1679 = tpu.vector_load %arg17[%get3A_1677, %get3A_1678] {strides = array<i32>} : memref<128x128xf32, #tpu.memory_space<vmem>>, vector<16xf32>,
        %get3A_1680 = arith.index_cast %add3A_1624 : i32 to index
        %get3A_1681 = arith.constant 80 : index
        %get3A_1682 = tpu.vector_load %arg18[%get3A_1680, %get3A_1681] {strides = array<i32>} : memref<128x128xf32, #tpu.memory_space<vmem>>, vector<16xf32>,
        %add3A_1683 = arith.addf %get3A_1679, %get3A_1682 : vector<16xf32>
        %mul3A_1684 = vector.broadcast %squeeze3A : f32 to vector<16xf32>
        %mul3A_1685 = arith.mulf %add3A_1683, %mul3A_1684 : vector<16xf32>
        %max3A_1686 = arith.maximumf %scan3A_1620, %mul3A_1685 : vector<16xf32>
        %get3A_1687 = arith.index_cast %add3A_1624 : i32 to index
        %get3A_1688 = arith.constant 96 : index
        %get3A_1689 = tpu.vector_load %arg17[%get3A_1687, %get3A_1688] {strides = array<i32>} : memref<128x128xf32, #tpu.memory_space<vmem>>, vector<16xf32>,
        %get3A_1690 = arith.index_cast %add3A_1624 : i32 to index
        %get3A_1691 = arith.constant 96 : index
        %get3A_1692 = tpu.vector_load %arg18[%get3A_1690, %get3A_1691] {strides = array<i32>} : memref<128x128xf32, #tpu.memory_space<vmem>>, vector<16xf32>,
        %add3A_1693 = arith.addf %get3A_1689, %get3A_1692 : vector<16xf32>
        %mul3A_1694 = vector.broadcast %squeeze3A : f32 to vector<16xf32>
        %mul3A_1695 = arith.mulf %add3A_1693, %mul3A_1694 : vector<16xf32>
        %max3A_1696 = arith.maximumf %scan3A_1621, %mul3A_1695 : vector<16xf32>
        %get3A_1697 = arith.index_cast %add3A_1624 : i32 to index
        %get3A_1698 = arith.constant 112 : index
        %get3A_1699 = tpu.vector_load %arg17[%get3A_1697, %get3A_1698] {strides = array<i32>} : memref<128x128xf32, #tpu.memory_space<vmem>>, vector<16xf32>,
        %get3A_1700 = arith.index_cast %add3A_1624 : i32 to index
        %get3A_1701 = arith.constant 112 : index
        %get3A_1702 = tpu.vector_load %arg18[%get3A_1700, %get3A_1701] {strides = array<i32>} : memref<128x128xf32, #tpu.memory_space<vmem>>, vector<16xf32>,
        %add3A_1703 = arith.addf %get3A_1699, %get3A_1702 : vector<16xf32>
        %mul3A_1704 = vector.broadcast %squeeze3A : f32 to vector<16xf32>
        %mul3A_1705 = arith.mulf %add3A_1703, %mul3A_1704 : vector<16xf32>
        %max3A_1706 = arith.maximumf %scan3A_1622, %mul3A_1705 : vector<16xf32>
        scf.yield %max3A_1636, %max3A_1646, %max3A_1656, %max3A_1666, %max3A_1676, %max3A_1686, %max3A_1696, %max3A_1706 : vector<16xf32>, vector<16xf32>, vector<16xf32>, vector<16xf32>, vector<16xf32>, vector<16xf32>, vector<16xf32>, vector<16xf32>
      }
      %scan3A_1518 = arith.constant 32 : i32
      %swap3A_1519 = arith.constant 2 : i32
      %swap3A_1520 = arith.index_cast %swap3A_1519 : i32 to index
      %swap3A_1521 = arith.constant 0 : index
      %swap3A_1522 = tpu.vector_load %arg21[%swap3A_1520, %swap3A_1521] {strides = array<i32>} : memref<4x128xf32, #tpu.memory_space<vmem>>, vector<16xf32>,
      tpu.vector_store %arg21[%swap3A_1520, %swap3A_1521], %scan3A_1517#0 {strides = array<i32>} : memref<4x128xf32, #tpu.memory_space<vmem>>, vector<16xf32>,
      %swap3A_1523 = arith.constant 2 : i32
      %swap3A_1524 = arith.index_cast %swap3A_1523 : i32 to index
      %swap3A_1525 = arith.constant 16 : index
      %swap3A_1526 = tpu.vector_load %arg21[%swap3A_1524, %swap3A_1525] {strides = array<i32>} : memref<4x128xf32, #tpu.memory_space<vmem>>, vector<16xf32>,
      tpu.vector_store %arg21[%swap3A_1524, %swap3A_1525], %scan3A_1517#1 {strides = array<i32>} : memref<4x128xf32, #tpu.memory_space<vmem>>, vector<16xf32>,
      %swap3A_1527 = arith.constant 2 : i32
      %swap3A_1528 = arith.index_cast %swap3A_1527 : i32 to index
      %swap3A_1529 = arith.constant 32 : index
      %swap3A_1530 = tpu.vector_load %arg21[%swap3A_1528, %swap3A_1529] {strides = array<i32>} : memref<4x128xf32, #tpu.memory_space<vmem>>, vector<16xf32>,
      tpu.vector_store %arg21[%swap3A_1528, %swap3A_1529], %scan3A_1517#2 {strides = array<i32>} : memref<4x128xf32, #tpu.memory_space<vmem>>, vector<16xf32>,
      %swap3A_1531 = arith.constant 2 : i32
      %swap3A_1532 = arith.index_cast %swap3A_1531 : i32 to index
      %swap3A_1533 = arith.constant 48 : index
      %swap3A_1534 = tpu.vector_load %arg21[%swap3A_1532, %swap3A_1533] {strides = array<i32>} : memref<4x128xf32, #tpu.memory_space<vmem>>, vector<16xf32>,
      tpu.vector_store %arg21[%swap3A_1532, %swap3A_1533], %scan3A_1517#3 {strides = array<i32>} : memref<4x128xf32, #tpu.memory_space<vmem>>, vector<16xf32>,
      %swap3A_1535 = arith.constant 2 : i32
      %swap3A_1536 = arith.index_cast %swap3A_1535 : i32 to index
      %swap3A_1537 = arith.constant 64 : index
      %swap3A_1538 = tpu.vector_load %arg21[%swap3A_1536, %swap3A_1537] {strides = array<i32>} : memref<4x128xf32, #tpu.memory_space<vmem>>, vector<16xf32>,
      tpu.vector_store %arg21[%swap3A_1536, %swap3A_1537], %scan3A_1517#4 {strides = array<i32>} : memref<4x128xf32, #tpu.memory_space<vmem>>, vector<16xf32>,
      %swap3A_1539 = arith.constant 2 : i32
      %swap3A_1540 = arith.index_cast %swap3A_1539 : i32 to index
      %swap3A_1541 = arith.constant 80 : index
      %swap3A_1542 = tpu.vector_load %arg21[%swap3A_1540, %swap3A_1541] {strides = array<i32>} : memref<4x128xf32, #tpu.memory_space<vmem>>, vector<16xf32>,
      tpu.vector_store %arg21[%swap3A_1540, %swap3A_1541], %scan3A_1517#5 {strides = array<i32>} : memref<4x128xf32, #tpu.memory_space<vmem>>, vector<16xf32>,
      %swap3A_1543 = arith.constant 2 : i32
      %swap3A_1544 = arith.index_cast %swap3A_1543 : i32 to index
      %swap3A_1545 = arith.constant 96 : index
      %swap3A_1546 = tpu.vector_load %arg21[%swap3A_1544, %swap3A_1545] {strides = array<i32>} : memref<4x128xf32, #tpu.memory_space<vmem>>, vector<16xf32>,
      tpu.vector_store %arg21[%swap3A_1544, %swap3A_1545], %scan3A_1517#6 {strides = array<i32>} : memref<4x128xf32, #tpu.memory_space<vmem>>, vector<16xf32>,
      %swap3A_1547 = arith.constant 2 : i32
      %swap3A_1548 = arith.index_cast %swap3A_1547 : i32 to index
      %swap3A_1549 = arith.constant 112 : index
      %swap3A_1550 = tpu.vector_load %arg21[%swap3A_1548, %swap3A_1549] {strides = array<i32>} : memref<4x128xf32, #tpu.memory_space<vmem>>, vector<16xf32>,
      tpu.vector_store %arg21[%swap3A_1548, %swap3A_1549], %scan3A_1517#7 {strides = array<i32>} : memref<4x128xf32, #tpu.memory_space<vmem>>, vector<16xf32>,
      %broadcast_in_dim3A_1551 = arith.constant 0.000000e+00 : f32
      %broadcast_in_dim3A_1552 = vector.broadcast %broadcast_in_dim3A_1551 : f32 to vector<16xf32>
      %broadcast_in_dim3A_1553 = arith.constant 0.000000e+00 : f32
      %broadcast_in_dim3A_1554 = vector.broadcast %broadcast_in_dim3A_1553 : f32 to vector<16xf32>
      %broadcast_in_dim3A_1555 = arith.constant 0.000000e+00 : f32
      %broadcast_in_dim3A_1556 = vector.broadcast %broadcast_in_dim3A_1555 : f32 to vector<16xf32>
      %broadcast_in_dim3A_1557 = arith.constant 0.000000e+00 : f32
      %broadcast_in_dim3A_1558 = vector.broadcast %broadcast_in_dim3A_1557 : f32 to vector<16xf32>
      %broadcast_in_dim3A_1559 = arith.constant 0.000000e+00 : f32
      %broadcast_in_dim3A_1560 = vector.broadcast %broadcast_in_dim3A_1559 : f32 to vector<16xf32>
      %broadcast_in_dim3A_1561 = arith.constant 0.000000e+00 : f32
      %broadcast_in_dim3A_1562 = vector.broadcast %broadcast_in_dim3A_1561 : f32 to vector<16xf32>
      %broadcast_in_dim3A_1563 = arith.constant 0.000000e+00 : f32
      %broadcast_in_dim3A_1564 = vector.broadcast %broadcast_in_dim3A_1563 : f32 to vector<16xf32>
      %broadcast_in_dim3A_1565 = arith.constant 0.000000e+00 : f32
      %broadcast_in_dim3A_1566 = vector.broadcast %broadcast_in_dim3A_1565 : f32 to vector<16xf32>
      %scan3A_1567 = arith.constant 0 : i32
      %scan3A_1568 = arith.constant 32 : i32
      %scan3A_1569 = arith.addi %scan3A_1567, %scan3A_1568 : i32
      %scan3A_1570 = arith.constant 1 : i32
      %scan3A_1571:8 = scf.for %scan3A_1614 = %scan3A_1567 to %scan3A_1569 step %scan3A_1570 iter_args(%scan3A_1615 = %broadcast_in_dim3A_1552, %scan3A_1616 = %broadcast_in_dim3A_1554, %scan3A_1617 = %broadcast_in_dim3A_1556, %scan3A_1618 = %broadcast_in_dim3A_1558, %scan3A_1619 = %broadcast_in_dim3A_1560, %scan3A_1620 = %broadcast_in_dim3A_1562, %scan3A_1621 = %broadcast_in_dim3A_1564, %scan3A_1622 = %broadcast_in_dim3A_1566) -> (vector<16xf32>, vector<16xf32>, vector<16xf32>, vector<16xf32>, vector<16xf32>, vector<16xf32>, vector<16xf32>, vector<16xf32>)  : i32 {
        %add3A_1623 = arith.constant 96 : i32
        %add3A_1624 = arith.addi %add3A_1623, %scan3A_1614 : i32
        %get3A_1625 = arith.index_cast %add3A_1624 : i32 to index
        %get3A_1626 = tpu.vector_load %arg19[%get3A_1625] {strides = array<i32>} : memref<144xf32, #tpu.memory_space<vmem>>, vector<16xf32>,
        %slice3A = vector.extract_strided_slice %get3A_1626 {offsets = [0], sizes = [1], strides = [1]} : vector<16xf32> to vector<1xf32>
        %squeeze3A = vector.extract %slice3A[0] : f32 from vector<1xf32>
        %get3A_1627 = arith.index_cast %add3A_1624 : i32 to index
        %get3A_1628 = arith.constant 0 : index
        %get3A_1629 = tpu.vector_load %arg17[%get3A_1627, %get3A_1628] {strides = array<i32>} : memref<128x128xf32, #tpu.memory_space<vmem>>, vector<16xf32>,
        %get3A_1630 = arith.index_cast %add3A_1624 : i32 to index
        %get3A_1631 = arith.constant 0 : index
        %get3A_1632 = tpu.vector_load %arg18[%get3A_1630, %get3A_1631] {strides = array<i32>} : memref<128x128xf32, #tpu.memory_space<vmem>>, vector<16xf32>,
        %add3A_1633 = arith.addf %get3A_1629, %get3A_1632 : vector<16xf32>
        %mul3A_1634 = vector.broadcast %squeeze3A : f32 to vector<16xf32>
        %mul3A_1635 = arith.mulf %add3A_1633, %mul3A_1634 : vector<16xf32>
        %max3A_1636 = arith.maximumf %scan3A_1615, %mul3A_1635 : vector<16xf32>
        %get3A_1637 = arith.index_cast %add3A_1624 : i32 to index
        %get3A_1638 = arith.constant 16 : index
        %get3A_1639 = tpu.vector_load %arg17[%get3A_1637, %get3A_1638] {strides = array<i32>} : memref<128x128xf32, #tpu.memory_space<vmem>>, vector<16xf32>,
        %get3A_1640 = arith.index_cast %add3A_1624 : i32 to index
        %get3A_1641 = arith.constant 16 : index
        %get3A_1642 = tpu.vector_load %arg18[%get3A_1640, %get3A_1641] {strides = array<i32>} : memref<128x128xf32, #tpu.memory_space<vmem>>, vector<16xf32>,
        %add3A_1643 = arith.addf %get3A_1639, %get3A_1642 : vector<16xf32>
        %mul3A_1644 = vector.broadcast %squeeze3A : f32 to vector<16xf32>
        %mul3A_1645 = arith.mulf %add3A_1643, %mul3A_1644 : vector<16xf32>
        %max3A_1646 = arith.maximumf %scan3A_1616, %mul3A_1645 : vector<16xf32>
        %get3A_1647 = arith.index_cast %add3A_1624 : i32 to index
        %get3A_1648 = arith.constant 32 : index
        %get3A_1649 = tpu.vector_load %arg17[%get3A_1647, %get3A_1648] {strides = array<i32>} : memref<128x128xf32, #tpu.memory_space<vmem>>, vector<16xf32>,
        %get3A_1650 = arith.index_cast %add3A_1624 : i32 to index
        %get3A_1651 = arith.constant 32 : index
        %get3A_1652 = tpu.vector_load %arg18[%get3A_1650, %get3A_1651] {strides = array<i32>} : memref<128x128xf32, #tpu.memory_space<vmem>>, vector<16xf32>,
        %add3A_1653 = arith.addf %get3A_1649, %get3A_1652 : vector<16xf32>
        %mul3A_1654 = vector.broadcast %squeeze3A : f32 to vector<16xf32>
        %mul3A_1655 = arith.mulf %add3A_1653, %mul3A_1654 : vector<16xf32>
        %max3A_1656 = arith.maximumf %scan3A_1617, %mul3A_1655 : vector<16xf32>
        %get3A_1657 = arith.index_cast %add3A_1624 : i32 to index
        %get3A_1658 = arith.constant 48 : index
        %get3A_1659 = tpu.vector_load %arg17[%get3A_1657, %get3A_1658] {strides = array<i32>} : memref<128x128xf32, #tpu.memory_space<vmem>>, vector<16xf32>,
        %get3A_1660 = arith.index_cast %add3A_1624 : i32 to index
        %get3A_1661 = arith.constant 48 : index
        %get3A_1662 = tpu.vector_load %arg18[%get3A_1660, %get3A_1661] {strides = array<i32>} : memref<128x128xf32, #tpu.memory_space<vmem>>, vector<16xf32>,
        %add3A_1663 = arith.addf %get3A_1659, %get3A_1662 : vector<16xf32>
        %mul3A_1664 = vector.broadcast %squeeze3A : f32 to vector<16xf32>
        %mul3A_1665 = arith.mulf %add3A_1663, %mul3A_1664 : vector<16xf32>
        %max3A_1666 = arith.maximumf %scan3A_1618, %mul3A_1665 : vector<16xf32>
        %get3A_1667 = arith.index_cast %add3A_1624 : i32 to index
        %get3A_1668 = arith.constant 64 : index
        %get3A_1669 = tpu.vector_load %arg17[%get3A_1667, %get3A_1668] {strides = array<i32>} : memref<128x128xf32, #tpu.memory_space<vmem>>, vector<16xf32>,
        %get3A_1670 = arith.index_cast %add3A_1624 : i32 to index
        %get3A_1671 = arith.constant 64 : index
        %get3A_1672 = tpu.vector_load %arg18[%get3A_1670, %get3A_1671] {strides = array<i32>} : memref<128x128xf32, #tpu.memory_space<vmem>>, vector<16xf32>,
        %add3A_1673 = arith.addf %get3A_1669, %get3A_1672 : vector<16xf32>
        %mul3A_1674 = vector.broadcast %squeeze3A : f32 to vector<16xf32>
        %mul3A_1675 = arith.mulf %add3A_1673, %mul3A_1674 : vector<16xf32>
        %max3A_1676 = arith.maximumf %scan3A_1619, %mul3A_1675 : vector<16xf32>
        %get3A_1677 = arith.index_cast %add3A_1624 : i32 to index
        %get3A_1678 = arith.constant 80 : index
        %get3A_1679 = tpu.vector_load %arg17[%get3A_1677, %get3A_1678] {strides = array<i32>} : memref<128x128xf32, #tpu.memory_space<vmem>>, vector<16xf32>,
        %get3A_1680 = arith.index_cast %add3A_1624 : i32 to index
        %get3A_1681 = arith.constant 80 : index
        %get3A_1682 = tpu.vector_load %arg18[%get3A_1680, %get3A_1681] {strides = array<i32>} : memref<128x128xf32, #tpu.memory_space<vmem>>, vector<16xf32>,
        %add3A_1683 = arith.addf %get3A_1679, %get3A_1682 : vector<16xf32>
        %mul3A_1684 = vector.broadcast %squeeze3A : f32 to vector<16xf32>
        %mul3A_1685 = arith.mulf %add3A_1683, %mul3A_1684 : vector<16xf32>
        %max3A_1686 = arith.maximumf %scan3A_1620, %mul3A_1685 : vector<16xf32>
        %get3A_1687 = arith.index_cast %add3A_1624 : i32 to index
        %get3A_1688 = arith.constant 96 : index
        %get3A_1689 = tpu.vector_load %arg17[%get3A_1687, %get3A_1688] {strides = array<i32>} : memref<128x128xf32, #tpu.memory_space<vmem>>, vector<16xf32>,
        %get3A_1690 = arith.index_cast %add3A_1624 : i32 to index
        %get3A_1691 = arith.constant 96 : index
        %get3A_1692 = tpu.vector_load %arg18[%get3A_1690, %get3A_1691] {strides = array<i32>} : memref<128x128xf32, #tpu.memory_space<vmem>>, vector<16xf32>,
        %add3A_1693 = arith.addf %get3A_1689, %get3A_1692 : vector<16xf32>
        %mul3A_1694 = vector.broadcast %squeeze3A : f32 to vector<16xf32>
        %mul3A_1695 = arith.mulf %add3A_1693, %mul3A_1694 : vector<16xf32>
        %max3A_1696 = arith.maximumf %scan3A_1621, %mul3A_1695 : vector<16xf32>
        %get3A_1697 = arith.index_cast %add3A_1624 : i32 to index
        %get3A_1698 = arith.constant 112 : index
        %get3A_1699 = tpu.vector_load %arg17[%get3A_1697, %get3A_1698] {strides = array<i32>} : memref<128x128xf32, #tpu.memory_space<vmem>>, vector<16xf32>,
        %get3A_1700 = arith.index_cast %add3A_1624 : i32 to index
        %get3A_1701 = arith.constant 112 : index
        %get3A_1702 = tpu.vector_load %arg18[%get3A_1700, %get3A_1701] {strides = array<i32>} : memref<128x128xf32, #tpu.memory_space<vmem>>, vector<16xf32>,
        %add3A_1703 = arith.addf %get3A_1699, %get3A_1702 : vector<16xf32>
        %mul3A_1704 = vector.broadcast %squeeze3A : f32 to vector<16xf32>
        %mul3A_1705 = arith.mulf %add3A_1703, %mul3A_1704 : vector<16xf32>
        %max3A_1706 = arith.maximumf %scan3A_1622, %mul3A_1705 : vector<16xf32>
        scf.yield %max3A_1636, %max3A_1646, %max3A_1656, %max3A_1666, %max3A_1676, %max3A_1686, %max3A_1696, %max3A_1706 : vector<16xf32>, vector<16xf32>, vector<16xf32>, vector<16xf32>, vector<16xf32>, vector<16xf32>, vector<16xf32>, vector<16xf32>
      }
      %scan3A_1572 = arith.constant 32 : i32
      %swap3A_1573 = arith.constant 3 : i32
      %swap3A_1574 = arith.index_cast %swap3A_1573 : i32 to index
      %swap3A_1575 = arith.constant 0 : index
      %swap3A_1576 = tpu.vector_load %arg21[%swap3A_1574, %swap3A_1575] {strides = array<i32>} : memref<4x128xf32, #tpu.memory_space<vmem>>, vector<16xf32>,
      tpu.vector_store %arg21[%swap3A_1574, %swap3A_1575], %scan3A_1571#0 {strides = array<i32>} : memref<4x128xf32, #tpu.memory_space<vmem>>, vector<16xf32>,
      %swap3A_1577 = arith.constant 3 : i32
      %swap3A_1578 = arith.index_cast %swap3A_1577 : i32 to index
      %swap3A_1579 = arith.constant 16 : index
      %swap3A_1580 = tpu.vector_load %arg21[%swap3A_1578, %swap3A_1579] {strides = array<i32>} : memref<4x128xf32, #tpu.memory_space<vmem>>, vector<16xf32>,
      tpu.vector_store %arg21[%swap3A_1578, %swap3A_1579], %scan3A_1571#1 {strides = array<i32>} : memref<4x128xf32, #tpu.memory_space<vmem>>, vector<16xf32>,
      %swap3A_1581 = arith.constant 3 : i32
      %swap3A_1582 = arith.index_cast %swap3A_1581 : i32 to index
      %swap3A_1583 = arith.constant 32 : index
      %swap3A_1584 = tpu.vector_load %arg21[%swap3A_1582, %swap3A_1583] {strides = array<i32>} : memref<4x128xf32, #tpu.memory_space<vmem>>, vector<16xf32>,
      tpu.vector_store %arg21[%swap3A_1582, %swap3A_1583], %scan3A_1571#2 {strides = array<i32>} : memref<4x128xf32, #tpu.memory_space<vmem>>, vector<16xf32>,
      %swap3A_1585 = arith.constant 3 : i32
      %swap3A_1586 = arith.index_cast %swap3A_1585 : i32 to index
      %swap3A_1587 = arith.constant 48 : index
      %swap3A_1588 = tpu.vector_load %arg21[%swap3A_1586, %swap3A_1587] {strides = array<i32>} : memref<4x128xf32, #tpu.memory_space<vmem>>, vector<16xf32>,
      tpu.vector_store %arg21[%swap3A_1586, %swap3A_1587], %scan3A_1571#3 {strides = array<i32>} : memref<4x128xf32, #tpu.memory_space<vmem>>, vector<16xf32>,
      %swap3A_1589 = arith.constant 3 : i32
      %swap3A_1590 = arith.index_cast %swap3A_1589 : i32 to index
      %swap3A_1591 = arith.constant 64 : index
      %swap3A_1592 = tpu.vector_load %arg21[%swap3A_1590, %swap3A_1591] {strides = array<i32>} : memref<4x128xf32, #tpu.memory_space<vmem>>, vector<16xf32>,
      tpu.vector_store %arg21[%swap3A_1590, %swap3A_1591], %scan3A_1571#4 {strides = array<i32>} : memref<4x128xf32, #tpu.memory_space<vmem>>, vector<16xf32>,
      %swap3A_1593 = arith.constant 3 : i32
      %swap3A_1594 = arith.index_cast %swap3A_1593 : i32 to index
      %swap3A_1595 = arith.constant 80 : index
      %swap3A_1596 = tpu.vector_load %arg21[%swap3A_1594, %swap3A_1595] {strides = array<i32>} : memref<4x128xf32, #tpu.memory_space<vmem>>, vector<16xf32>,
      tpu.vector_store %arg21[%swap3A_1594, %swap3A_1595], %scan3A_1571#5 {strides = array<i32>} : memref<4x128xf32, #tpu.memory_space<vmem>>, vector<16xf32>,
      %swap3A_1597 = arith.constant 3 : i32
      %swap3A_1598 = arith.index_cast %swap3A_1597 : i32 to index
      %swap3A_1599 = arith.constant 96 : index
      %swap3A_1600 = tpu.vector_load %arg21[%swap3A_1598, %swap3A_1599] {strides = array<i32>} : memref<4x128xf32, #tpu.memory_space<vmem>>, vector<16xf32>,
      tpu.vector_store %arg21[%swap3A_1598, %swap3A_1599], %scan3A_1571#6 {strides = array<i32>} : memref<4x128xf32, #tpu.memory_space<vmem>>, vector<16xf32>,
      %swap3A_1601 = arith.constant 3 : i32
      %swap3A_1602 = arith.index_cast %swap3A_1601 : i32 to index
      %swap3A_1603 = arith.constant 112 : index
      %swap3A_1604 = tpu.vector_load %arg21[%swap3A_1602, %swap3A_1603] {strides = array<i32>} : memref<4x128xf32, #tpu.memory_space<vmem>>, vector<16xf32>,
      tpu.vector_store %arg21[%swap3A_1602, %swap3A_1603], %scan3A_1571#7 {strides = array<i32>} : memref<4x128xf32, #tpu.memory_space<vmem>>, vector<16xf32>,
      %mul3A_1605 = arith.constant 320 : i32
      %mul3A_1606 = arith.muli %add3A, %mul3A_1605 : i32
      %mul3A_1607 = arith.constant 4 : i32
      %mul3A_1608 = arith.muli %add3A_827, %mul3A_1607 : i32
      %add3A_1609 = arith.addi %mul3A_1606, %mul3A_1608 : i32
      %dma_start3A_1610 = arith.constant 0 : i32
      %dma_start3A_1611 = tpu.memref_slice %arg9[%add3A_1609, %dma_start3A_1610] : memref<10240x128xf32, #tpu.memory_space<hbm>> -> memref<4x128xf32, #tpu.memory_space<hbm>>
      %dma_start3A_1612 = arith.constant 0 : i32
      %dma_start3A_1613 = tpu.memref_slice %arg9[%add3A_1609, %dma_start3A_1612] : memref<10240x128xf32, #tpu.memory_space<hbm>> -> memref<4x128xf32, #tpu.memory_space<hbm>>
      tpu.enqueue_dma source(%arg21 : memref<4x128xf32, #tpu.memory_space<vmem>>) target(%dma_start3A_1613 : memref<4x128xf32, #tpu.memory_space<hbm>>) target_semaphore(%arg25 : memref<!tpu.dma_semaphore, #tpu.memory_space<semaphore_mem>>)
    }
    %scan3A_18 = arith.constant 40 : i32
    %dma_wait3A = arith.constant 0 : i32
    %dma_wait3A_19 = arith.constant 0 : i32
    %dma_wait3A_20 = tpu.memref_slice %arg9[%dma_wait3A, %dma_wait3A_19] : memref<10240x128xf32, #tpu.memory_space<hbm>> -> memref<4x128xf32, #tpu.memory_space<hbm>>
    %dma_wait3A_21 = arith.constant 0 : i32
    %dma_wait3A_22 = arith.constant 0 : i32
    %dma_wait3A_23 = tpu.memref_slice %arg9[%dma_wait3A_21, %dma_wait3A_22] : memref<10240x128xf32, #tpu.memory_space<hbm>> -> memref<4x128xf32, #tpu.memory_space<hbm>>
    tpu.wait_dma2 semaphore(%arg24 : memref<!tpu.dma_semaphore, #tpu.memory_space<semaphore_mem>>) src(%arg20 : memref<4x128xf32, #tpu.memory_space<vmem>>) dst(%dma_wait3A_23 : memref<4x128xf32, #tpu.memory_space<hbm>>)
    %dma_wait3A_24 = arith.constant 0 : i32
    %dma_wait3A_25 = arith.constant 0 : i32
    %dma_wait3A_26 = tpu.memref_slice %arg9[%dma_wait3A_24, %dma_wait3A_25] : memref<10240x128xf32, #tpu.memory_space<hbm>> -> memref<4x128xf32, #tpu.memory_space<hbm>>
    %dma_wait3A_27 = arith.constant 0 : i32
    %dma_wait3A_28 = arith.constant 0 : i32
    %dma_wait3A_29 = tpu.memref_slice %arg9[%dma_wait3A_27, %dma_wait3A_28] : memref<10240x128xf32, #tpu.memory_space<hbm>> -> memref<4x128xf32, #tpu.memory_space<hbm>>
    tpu.wait_dma2 semaphore(%arg25 : memref<!tpu.dma_semaphore, #tpu.memory_space<semaphore_mem>>) src(%arg21 : memref<4x128xf32, #tpu.memory_space<vmem>>) dst(%dma_wait3A_29 : memref<4x128xf32, #tpu.memory_space<hbm>>)
    return
  }
}

module attributes {stable_mosaic.version = 14 : i64} {
  func.func @_tc_tables_body(%arg0: memref<128x10000xf32, #tpu.memory_space<vmem>>, %arg1: memref<128x256xf32, #tpu.memory_space<vmem>>, %arg2: memref<1x128xf32, #tpu.memory_space<vmem>>, %arg3: memref<10000x128xf32, #tpu.memory_space<vmem>>, %arg4: memref<10000x128xf32, #tpu.memory_space<vmem>>) attributes {dimension_semantics = [], scalar_prefetch = 0 : i64, scratch_operands = 0 : i64, tpu.core_type = #tpu.core_type<tc>} {
    %get3A = arith.constant 0 : index
    %get3A_0 = arith.constant 0 : index
    %get3A_1 = vector.load %arg0[%get3A, %get3A_0] : memref<128x10000xf32, #tpu.memory_space<vmem>>, vector<128x10000xf32>
    %get3A_2 = arith.constant 0 : index
    %get3A_3 = arith.constant 0 : index
    %get3A_4 = vector.load %arg1[%get3A_2, %get3A_3] : memref<128x256xf32, #tpu.memory_space<vmem>>, vector<128x256xf32>
    %slice3A = vector.extract_strided_slice %get3A_4 {offsets = [0, 0], sizes = [128, 128], strides = [1, 1]} : vector<128x256xf32> to vector<128x128xf32>
    %slice3A_5 = vector.extract_strided_slice %get3A_4 {offsets = [0, 128], sizes = [128, 128], strides = [1, 1]} : vector<128x256xf32> to vector<128x128xf32>
    %sub3A = arith.subf %slice3A, %slice3A_5 : vector<128x128xf32>
    %dot_general3A = arith.constant dense<0.000000e+00> : vector<10000x128xf32>
    %dot_general3A_6 = tpu.matmul %get3A_1, %sub3A, %dot_general3A {dimension_numbers = #tpu.dot_dimension_numbers<[0], [1], [1], [0], [0, 1, 1, 0], [], []>, precision = #tpu.contract_precision<fp32>, transpose_lhs_hint = false} : vector<128x10000xf32>, vector<128x128xf32>, vector<10000x128xf32> -> vector<10000x128xf32>
    %get3A_7 = arith.constant 0 : index
    %get3A_8 = arith.constant 0 : index
    %get3A_9 = vector.load %arg2[%get3A_7, %get3A_8] : memref<1x128xf32, #tpu.memory_space<vmem>>, vector<1x128xf32>
    %add3A = vector.broadcast %get3A_9 : vector<1x128xf32> to vector<10000x128xf32>
    %add3A_10 = arith.addf %dot_general3A_6, %add3A : vector<10000x128xf32>
    %swap3A = arith.constant 0 : index
    %swap3A_11 = arith.constant 0 : index
    %swap3A_12 = vector.load %arg3[%swap3A, %swap3A_11] : memref<10000x128xf32, #tpu.memory_space<vmem>>, vector<10000x128xf32>
    tpu.vector_store %arg3[%swap3A, %swap3A_11], %add3A_10 {strides = array<i32>} : memref<10000x128xf32, #tpu.memory_space<vmem>>, vector<10000x128xf32>,
    %dot_general3A_13 = arith.constant dense<0.000000e+00> : vector<10000x128xf32>
    %dot_general3A_14 = tpu.matmul %get3A_1, %slice3A_5, %dot_general3A_13 {dimension_numbers = #tpu.dot_dimension_numbers<[0], [1], [1], [0], [0, 1, 1, 0], [], []>, precision = #tpu.contract_precision<fp32>, transpose_lhs_hint = false} : vector<128x10000xf32>, vector<128x128xf32>, vector<10000x128xf32> -> vector<10000x128xf32>
    %swap3A_15 = arith.constant 0 : index
    %swap3A_16 = arith.constant 0 : index
    %swap3A_17 = vector.load %arg4[%swap3A_15, %swap3A_16] : memref<10000x128xf32, #tpu.memory_space<vmem>>, vector<10000x128xf32>
    tpu.vector_store %arg4[%swap3A_15, %swap3A_16], %dot_general3A_14 {strides = array<i32>} : memref<10000x128xf32, #tpu.memory_space<vmem>>, vector<10000x128xf32>,
    return
  }
}

</mosaic_0001>

<sc_bundles>
// kernel: kernel.4.cloned.1.call-start
scs
__scs_entry_jumppad:
0x0: {  	(pc) =	sbr.rel $0x88, $3  }
0x1: {  	(tag) =	ssettag $0x0;
	lr =	simm.s32 $0x1  }
0x2: {  	[smem:$0x3F9C] =	sst lr;
	_ =	strace $0xD0000000  }
0x3: {  	_ = 	snop  }
0x4: {  	_ = 	snop  }
0x5: {  	_ = 	snop  }
0x6: {  	_ = 	snop  }
0x7: {  	_ = 	snop  }
__scs_overlays_trampoline_lowered:
0x8: {  	[smem:$0x3FAB] =	sst s0  }
0x9: {  	[smem:$0x3FAC] =	sst s1  }
0xa: {  	[smem:$0x3FAD] =	sst s2  }
0xb: {  	[smem:$0x3FAE] =	sst s3  }
0xc: {  	[smem:$0x3FAF] =	sst s4  }
0xd: {  	[smem:$0x3FB0] =	sst s5  }
0xe: {  	[smem:$0x3FB1] =	sst s6  }
0xf: {  	[smem:$0x3FB2] =	sst s7  }
0x10: {  	[smem:$0x3FB3] =	sst s8  }
0x11: {  	[smem:$0x3FB4] =	sst s9;
	s0 =	simm.s32 @!p0 $0x0  }
0x12: {  	s1 =	sld [smem:$0x3F9A];
	s0 =	simm.s32 @p0 $0x1  }
0x13: {  	[smem:$0x3FB5] =	sst s0;
	s0 =	simm.s32 @!p1 $0x0  }
0x14: {  	s2 =	sld [smem:$0x3F99];
	s0 =	simm.s32 @p1 $0x1  }
0x15: {  	[smem:$0x3FB6] =	sst s0;
	s0 =	simm.s32 @!p2 $0x0  }
0x16: {  	s3 =	sld [smem:$0x3FDB];
	s0 =	simm.s32 @p2 $0x1  }
0x17: {  	s4 =	simm.s32 $0x1BF5;
	[smem:$0x3FB8] =	sst s0  }
0x18: {  	s0 =	sld [smem:$0x3F9B];
	_ =	swait.ge [sflag:s4], $0x0  }
0x19: {  	s7 =	sld [smem:$0x3F9C]  }
0x1a: {  	s8 =	sadd.s32 $0xFFFFE003, lr  }
0x1b: {  	s9 =	sadd.s32 $0xFFFFFEF7, lr;
	s5 =	simm.s32 $0xFFFFFFFF;
	p2 =	slt.u32 s8, $0xFFFFF086  }
0x1c: {  	p1 =	slt.u32 s9, $0xF7A;
	s5 =	simm.s32 @!p2 $0x0  }
0x1d: {  	s5 =	simm.s32 @p1 $0x1;
	p0 =	seq.s32 s7, s2  }
0x1e: {  	s7 =	smul.u32 @!p0 $0xF7A, s2;
	p2 =	seq.s32 @!p0 s5, $0x0  }
0x1f: {  	s9 =	smul.u32 $0xF7A, s1;
	s8 =	simm.s32 @!p0 $0x1BF5;
	p2 =	por !p2, p0  }
0x20: {  	[sflag:s8] =	ssyncset.s32 @!p0 $0xFFFFF086;
	s6 =	sadd.s32 @!p0 s3, s7;
	s7 =	simm.s32 @!p0 $0x108  }
0x21: {  	s3 =	sadd.s32 s3, s9;
	s6 =	sadd.s32 @!p0 $0x88, s6;
	s7 =	simm.s32 @p2 $0x1082  }
0x22: {  	[simem:s7], [sflag:s8] =	dma.local @!p0 [hbm:s6], $0xF7A  }
0x23: {  	s9 =	sor.u32 $0xD0000000, s2;
	s6 =	simm.s32 $0x108;
	_ =	swait.ge @!p0 [sflag:s8], $0x0  }
0x24: {  	s3 =	sadd.s32 $0x88, s3;
	s6 =	simm.s32 @!p1 $0x1082;
	[sflag:s4] =	ssyncset.s32 $0xFFFFF086  }
0x25: {  	[simem:s6], [sflag:s4] =	dma.local [hbm:s3], $0xF7A  }
0x26: {  	[smem:$0x3F9C] =	sst s1;
	(tag) =	ssettag s2;
	_ =	strace s9  }
0x27: {  	s1 =	sld [smem:$0x3FAC]  }
0x28: {  	s2 =	sld [smem:$0x3FAD]  }
0x29: {  	s4 =	sld [smem:$0x3FAF]  }
0x2a: {  	p0 =	seq.s32 s5, $0x0;
	s5 =	sld [smem:$0x3FB0]  }
0x2b: {  	s6 =	sld [smem:$0x3FB1]  }
0x2c: {  	s7 =	sld [smem:$0x3FB2]  }
0x2d: {  	s3 =	simm.s32 $0x108;
	s8 =	sld [smem:$0x3FB3]  }
0x2e: {  	s3 =	simm.s32 @!p0 $0x1082;
	s9 =	sld [smem:$0x3FB4]  }
0x2f: {  	lr =	sadd.s32 s0, s3;
	s0 =	sld [smem:$0x3FAB]  }
0x30: {  	s3 =	sld [smem:$0x3FAE]  }
0x31: {  	[smem:$0x3FB7] =	sst s10  }
0x32: {  	s10 =	sld [smem:$0x3FB5];
	_ =	sdelay $0x3  }
0x33: {  	p0 =	seq.s32 s10, $0x1;
	s10 =	sld [smem:$0x3FB7];
	_ =	sdelay $0x3  }
0x34: {  	[smem:$0x3FB7] =	sst s10  }
0x35: {  	s10 =	sld [smem:$0x3FB6];
	_ =	sdelay $0x3  }
0x36: {  	p1 =	seq.s32 s10, $0x1;
	s10 =	sld [smem:$0x3FB7];
	_ =	sdelay $0x3  }
0x37: {  	[smem:$0x3FB7] =	sst s10  }
0x38: {  	s10 =	sld [smem:$0x3FB8]  }
0x39: {  	_ = 	snop;
	(pc) =	sbr.ind lr, $3  }
0x3a: {  	_ = 	snop  }
0x3b: {  	_ = 	snop  }
0x3c: {  	p2 =	seq.s32 s10, $0x1;
	s10 =	sld [smem:$0x3FB7]  }
0x3d: {  	_ =	shalt  }
0x3e: {  	_ =	shalt  }
0x3f: {  	_ =	shalt  }
0x40: {  	_ =	shalt  }
0x41: {  	_ =	shalt  }
0x42: {  	_ =	shalt  }
0x43: {  	_ =	shalt  }
0x44: {  	_ =	shalt  }
0x45: {  	_ =	shalt  }
0x46: {  	_ =	shalt  }
0x47: {  	_ =	shalt  }
0x48: {  	_ =	shalt  }
0x49: {  	_ =	shalt  }
0x4a: {  	_ =	shalt  }
0x4b: {  	_ =	shalt  }
0x4c: {  	_ =	shalt  }
0x4d: {  	_ =	shalt  }
0x4e: {  	_ =	shalt  }
0x4f: {  	_ =	shalt  }
0x50: {  	_ =	shalt  }
0x51: {  	_ =	shalt  }
0x52: {  	_ =	shalt  }
0x53: {  	_ =	shalt  }
0x54: {  	_ =	shalt  }
0x55: {  	_ =	shalt  }
0x56: {  	_ =	shalt  }
0x57: {  	_ =	shalt  }
0x58: {  	_ =	shalt  }
0x59: {  	_ =	shalt  }
0x5a: {  	_ =	shalt  }
0x5b: {  	_ =	shalt  }
0x5c: {  	_ =	shalt  }
0x5d: {  	_ =	shalt  }
0x5e: {  	_ =	shalt  }
0x5f: {  	_ =	shalt  }
0x60: {  	_ =	shalt  }
0x61: {  	_ =	shalt  }
0x62: {  	_ =	shalt  }
0x63: {  	_ =	shalt  }
0x64: {  	_ =	shalt  }
0x65: {  	_ =	shalt  }
0x66: {  	_ =	shalt  }
0x67: {  	_ =	shalt  }
0x68: {  	_ =	shalt  }
0x69: {  	_ =	shalt  }
0x6a: {  	_ =	shalt  }
0x6b: {  	_ =	shalt  }
0x6c: {  	_ =	shalt  }
0x6d: {  	_ =	shalt  }
0x6e: {  	_ =	shalt  }
0x6f: {  	_ =	shalt  }
0x70: {  	_ =	shalt  }
0x71: {  	_ =	shalt  }
0x72: {  	_ =	shalt  }
0x73: {  	_ =	shalt  }
0x74: {  	_ =	shalt  }
0x75: {  	_ =	shalt  }
0x76: {  	_ =	shalt  }
0x77: {  	_ =	shalt  }
0x78: {  	_ =	shalt  }
0x79: {  	_ =	shalt  }
0x7a: {  	_ =	shalt  }
0x7b: {  	_ =	shalt  }
0x7c: {  	_ =	shalt  }
0x7d: {  	_ =	shalt  }
0x7e: {  	_ =	shalt  }
0x7f: {  	_ =	shalt  }
0x80: {  	_ =	shalt  }
0x81: {  	_ =	shalt  }
0x82: {  	_ =	shalt  }
0x83: {  	_ =	shalt  }
0x84: {  	_ =	shalt  }
0x85: {  	_ =	shalt  }
0x86: {  	_ =	shalt  }
0x87: {  	_ =	shalt  }
.Lfunc_end0:
.L_simem_size_0:
called_computation_lowered:
.L_overlay_start_0:
0x88: {  	s2 =	sld [smem:$0x3FD9]  }
0x89: {  	s3 =	sld [smem:$0x3FFE];
	_ =	sdelay $0x1  }
0x8a: {  	s1 =	srdreg.scid  }
0x8b: {  	s0 =	sand.u32 $0x1, s1  }
0x8c: {  	s14 =	sshll.u32 s0, $0xA;
	s2 =	sadd.s32 s3, s2  }
0x8d: {  	s2 =	sadd.s32 s2, s14  }
0x8e: {  	[smem:$0x3FC3] =	sst s2  }
0x8f: {  	_ = 	snop  }
0x90: {  	s2 =	sld [smem:$0x3FD0];
	_ =	sdelay $0x2  }
0x91: {  	s15 =	simm.s32 $0xA;
	s4 =	simm.s32 $0x10  }
0x92: {  	[smem:s4], [sflag:s15] =	dma.local [hbm:s2], $0x1  }
0x93: {  	_ =	swait.eq [sflag:s15], $0x1  }
0x94: {  	s16 =	sld [smem:$0x10];
	[sflag:s15] =	ssyncset.done $0x0  }
0x95: {  	s17 =	sld [smem:$0x11];
	[sflag:s15] =	ssyncadd.s32 $0xFFFFFFFF  }
0x96: {  	s18 =	sld [smem:$0x12];
	(tm) =	ssettm $0x1  }
0x97: {  	s5 =	sld [smem:$0x3FFB];
	_ =	sdelay $0x3  }
0x98: {  	_ =	strace s5  }
0x99: {  	s5 =	sld [smem:$0x3FFC];
	_ =	sdelay $0x3  }
0x9a: {  	_ =	strace s5  }
0x9b: {  	s5 =	sld [smem:$0x3FFD];
	_ =	sdelay $0x3  }
0x9c: {  	_ =	strace s5  }
0x9d: {  	_ =	strace $0x8FFFFFFF  }
0x9e: {  	s19 =	sld [smem:$0x3FDB];
	_ =	sdelay $0x1  }
0x9f: {  	s6 =	simm.s32 $_scs_section_size  }
0xa0: {  	s7 =	simm.s32 $_size__tile_overlayer_lowered;
	s8 =	simm.s32 $_tile_overlayer_lowered  }
0xa1: {  	s22 =	simm.s32 $0x1BFF;
	s21 =	sshll.u32 s8, $0x1;
	s5 =	sadd.s32 s6, s19  }
0xa2: {  	s9 =	simm.s32 $0x0;
	s20 =	sshll.u32 s7, $0x1;
	s7 =	sadd.s32 s21, s5  }
0xa3: {  	[timem:s9], [sflag:s22] =	dma.local [hbm:s7], s20  }
0xa4: {  	_ =	swait.ge [sflag:s22], s20  }
0xa5: {  	s6 =	ssub.s32 $0x0, s20;
	[sflag:s22] =	ssyncset.done $0x0  }
0xa6: {  	[sflag:s22] =	ssyncadd.s32 s6;
	_ =	sdelay $0x1  }
0xa7: {  	s23 =	simm.s32 $0x1B8B  }
0xa8: {  	_ =	swait.ge [sflag:s23], $0x1  }
0xa9: {  	[sflag:s23] =	ssyncset.done $0x0  }
0xaa: {  	s25 =	simm.s32 $0x1B8E;
	s24 =	sld [smem:$0x3FFE];
	[sflag:s23] =	ssyncadd.s32 $0xFFFFFFFF  }
0xab: {  	s26 =	simm.s32 $execute0_lowered;
	[smem:$0x3FD2] =	sst s25  }
0xac: {  	s7 =	sshll.u32 s26, $0x1;
	_ =	strace $0x80000046;
	[dreg:$0x1] =	wrdreg $0xFFFFFFFF  }
0xad: {  	s28 =	simm.s32 $_size_execute0_lowered;
	s5 =	sadd.s32 s5, s7;
	[dreg:$0x0] =	wrdreg $0x0  }
0xae: {  	s7 =	sshll.u32 s28, $0x1;
	[dreg:$0x2] =	wrdreg s5  }
0xaf: {  	[dreg:$0x3] =	wrdreg s7  }
0xb0: {  	[dreg:$0x4] =	wrdreg $0xC0  }
0xb1: {  	_ =	task [dreg:s9], $0x5FFFF  }
0xb2: {  	[dreg:$0x1] =	wrdreg $0xFFFFFFFF  }
0xb3: {  	[dreg:$0x0] =	wrdreg $0x60  }
0xb4: {  	[dreg:$0x2] =	wrdreg s16  }
0xb5: {  	[dreg:$0x3] =	wrdreg s24  }
0xb6: {  	[dreg:$0x4] =	wrdreg s17  }
0xb7: {  	[dreg:$0x5] =	wrdreg s18  }
0xb8: {  	[dreg:$0x6] =	wrdreg $0x9  }
0xb9: {  	_ =	task.clear_ibuf [dreg:s9], $0x7FFFF;
	_ =	strace $0x90000046  }
0xba: {  	s29 =	simm.s32 $0x9;
	_ =	strace $0x80000048  }
0xbb: {  	_ =	swait.ge [sflag:s29], $0x1  }
0xbc: {  	[sflag:s29] =	ssyncadd.s32 $0xFFFFFFFF  }
0xbd: {  	_ =	strace $0x90000048  }
0xbe: {  	_ =	sfence  }
0xbf: {  	s30 =	sld [smem:$0x0];
	_ =	sdelay $0x2  }
0xc0: {  	s31 =	sshll.u32 s1, $0xD;
	s1 =	sshrl.u32 s1, $0x2  }
0xc1: {  	s3 =	sand.u32 $0x4000, s31;
	s1 =	sadd.s32 s1, s30  }
0xc2: {  	s0 =	sor.u32 s3, s0;
	s1 =	sshll.u32 s1, $0x11  }
0xc3: {  	s0 =	sor.u32 s1, s0  }
0xc4: {  	s0 =	sadd.s32 $0x8F2B, s0  }
0xc5: {  	[sflag:s0] =	ssyncadd.remote.s32 $0x1  }
0xc6: {  	_ =	sfence.sel $0xFFFF  }
0xc7: {  	[dreg:$0x0] =	wrdreg $0xFFFFFFFF;
	(pc) =	sbr.abs _section_cstart, $3  }
0xc8: {  	[dreg:$0x1] =	wrdreg $0xFFFFFFFF  }
0xc9: {  	_ =	task.clear_ibuf [dreg:s9], $0x2FFFF;
	_ =	strace $0x9FFFFFFF  }
0xca: {  	(tm) =	ssettm $0x7FFFFFFF  }
0xcb: {  	_ =	shalt  }
tec
execute0_lowered:
.L_overlay_start_1:
0x0: {  	(tag) =	ssettag $0x1  }
0x1: {  	s1 =	rddreg [dreg:$0x0]  }
0x2: {  	s0 =	rddreg [dreg:$0x1]  }
0x3: {  	s2 =	rddreg [dreg:$0x2]  }
0x4: {  	s3 =	srdreg.scid;
	s4 =	stileid.u32  }
0x5: {  	s15 =	simm.s32 $0x5;
	s17 =	simm.s32 $0x5000;
	s18 =	simm.s32 $0x7800  }
0x6: {  	s19 =	simm.s32 $0xA000;
	s20 =	simm.s32 $0x80;
	s23 =	simm.s32 $0x14800  }
0x7: {  	s24 =	simm.s32 $0x18800;
	s25 =	simm.s32 $0x1;
	s26 =	simm.s32 $0x1C900  }
0x8: {  	s28 =	simm.s32 $0x2;
	s29 =	simm.s32 $0x1CB00;
	s30 =	simm.s32 $0x3  }
0x9: {  	s31 =	simm.s32 $0x4;
	s3 =	sand.u32 $0x1, s3;
	s5 =	sshll.u32 s4, $0x1  }
0xa: {  	s4 =	simm.s32 $0x0;
	s7 =	sadd.s32 $0x1400, s0;
	s8 =	sadd.s32 $0x32C00, s0  }
0xb: {  	s13 =	sadd.s32 $0x32C40, s0;
	s6 =	sor.u32 s3, s5;
	[smem:$0x7FF] =	sst s4  }
0xc: {  	s5 =	sadd.s32 $0xBA00, s0;
	s3 =	ssub.s32 $0x2, s3;
	s9 =	smul.u32 $0x500, s6  }
0xd: {  	_ =	strace $0x80000047;
	[dreg:$0x5] =	wrdreg s7;
	s10 =	sshrl.u32 s3, $0x1  }
0xe: {  	s7 =	sadd.s32 $0xE00, s0;
	s12 =	smul.u32 $0xA000, s6;
	s3 =	ssub.s32 s3, s10  }
0xf: {  	s10 =	smul.u32 $0x28, s6;
	s11 =	sadd.s32 s9, s0;
	s9 =	sadd.s32 s2, s9  }
0x10: {  	s14 =	smax.u32 s3, $0x1;
	s2 =	simm.s32 $0x0;
	s11 =	sadd.s32 $0x1A00, s11  }
.LBB2_1:
0x11: {  	[tilespmem:s4], [sflag:$0x5] =	stream.linear.gather [hbm4b:s9+s4], $0x2800, $0x38;
	[tilespmem:$0x1CD00] =	vst v63  }
0x12: {  	_ =	swait.ge [sflag:s15], $0x2800  }
0x13: {  	[sflag:s15] =	ssyncset.done $0x0  }
0x14: {  	s3 =	simm.s32 $0x2800;
	[sflag:s15] =	ssyncadd.s32 $0xFFFFD800  }
0x15: {  	[tilespmem:s3], [sflag:$0x5] =	stream.linear.gather [hbm4b:s11+s4], $0x2800, $0x38;
	[tilespmem:$0x1CD00] =	vst v63  }
0x16: {  	_ =	swait.ge [sflag:s15], $0x2800  }
0x17: {  	[sflag:s15] =	ssyncset.done $0x0  }
0x18: {  	[sflag:s15] =	ssyncadd.s32 $0xFFFFD800  }
0x19: {  	s0 =	rddreg [dreg:$0x3]  }
0x1a: {  	[tilespmem:s17], [sflag:$0x5] =	stream.linear.gather [hbm4b:s0+s4], $0x2800, $0x38;
	[tilespmem:$0x1CD00] =	vst v63  }
0x1b: {  	_ =	swait.ge [sflag:s15], $0x2800  }
0x1c: {  	[sflag:s15] =	ssyncset.done $0x0  }
0x1d: {  	s16 =	rddreg [dreg:$0x5];
	[sflag:s15] =	ssyncadd.s32 $0xFFFFD800  }
0x1e: {  	[tilespmem:s18], [sflag:$0x5] =	stream.linear.gather [hbm4b:s16+s4], $0x2800, $0x38;
	[tilespmem:$0x1CD00] =	vst v63  }
0x1f: {  	_ =	swait.ge [sflag:s15], $0x2800  }
0x20: {  	[sflag:s15] =	ssyncset.done $0x0  }
0x21: {  	[sflag:s15] =	ssyncadd.s32 $0xFFFFD800  }
0x22: {  	[tilespmem:s19], [sflag:$0x5] =	stream.linear.gather [hbm4b:s7+s4], $0x2800, $0x38;
	[tilespmem:$0x1CD00] =	vst v63  }
0x23: {  	_ =	swait.ge [sflag:s15], $0x2800  }
0x24: {  	[sflag:s15] =	ssyncset.done $0x0  }
0x25: {  	s21 =	simm.s32 $0xC800;
	[sflag:s15] =	ssyncadd.s32 $0xFFFFD800  }
0x26: {  	[tilespmem:s21], [sflag:$0x1] =	stream.indirect.gather [hbm4b:s1+s20], $0x80, s4, s20, $0xb8;
	[tilespmem:$0x1CD00] =	vst v63  }
0x27: {  	s22 =	simm.s32 $0x10800;
	s0 =	simm.s32 $0x0  }
0x28: {  	[tilespmem:s22], [sflag:$0x1] =	stream.indirect.gather [hbm4b:s5+s20], $0x80, s3, s20, $0xb8;
	[tilespmem:$0x1CD00] =	vst v63  }
.LBB2_2:
0x29: {  	s3 =	sshll.u32 s0, $0x8  }
0x2a: {  	s21 =	sor.u32 $0x80, s3  }
0x2b: {  	[tilespmem:s23], [sflag:$0x2] =	stream.indirect.gather [hbm4b:s1+s20], $0x80, s21, s20, $0xb8;
	[tilespmem:$0x1CD00] =	vst v63  }
0x2c: {  	s6 =	sadd.s32 $0x2880, s3  }
0x2d: {  	[tilespmem:s24], [sflag:$0x2] =	stream.indirect.gather [hbm4b:s5+s20], $0x80, s6, s20, $0xb8;
	[tilespmem:$0x1CD00] =	vst v63  }
0x2e: {  	v0 =	vld [tilespmem:s3+$0x0]  }
0x2f: {  	v1 =	vld [tilespmem:s3+$0x10]  }
0x30: {  	v2 =	vld [tilespmem:s3+$0x20]  }
0x31: {  	v3 =	vld [tilespmem:s3+$0x30]  }
0x32: {  	v4 =	vld [tilespmem:s3+$0x40]  }
0x33: {  	v5 =	vld [tilespmem:s3+$0x50]  }
0x34: {  	v6 =	vld [tilespmem:s3+$0x60]  }
0x35: {  	v7 =	vld [tilespmem:s3+$0x70]  }
0x36: {  	v8 =	vld [tilespmem:s3+$0x2800]  }
0x37: {  	v9 =	vld [tilespmem:s3+$0x2810]  }
0x38: {  	v10 =	vld [tilespmem:s3+$0x2820]  }
0x39: {  	v11 =	vld [tilespmem:s3+$0x2830]  }
0x3a: {  	v12 =	vld [tilespmem:s3+$0x2840]  }
0x3b: {  	v13 =	vld [tilespmem:s3+$0x2850]  }
0x3c: {  	v14 =	vld [tilespmem:s3+$0x2860]  }
0x3d: {  	v15 =	vld [tilespmem:s3+$0x2870]  }
0x3e: {  	v16 =	vld.idx.msk [tilespmem:v8+s17+$0x0], $0xffff  }
0x3f: {  	v17 =	vld.idx.msk [tilespmem:v0+s17+$0x0], $0xffff  }
0x40: {  	v18 =	vld.idx.msk [tilespmem:v9+s17+$0x0], $0xffff  }
0x41: {  	v19 =	vld.idx.msk [tilespmem:v1+s17+$0x0], $0xffff  }
0x42: {  	v20 =	vld.idx.msk [tilespmem:v10+s17+$0x0], $0xffff  }
0x43: {  	v21 =	vld.idx.msk [tilespmem:v2+s17+$0x0], $0xffff  }
0x44: {  	v22 =	vld.idx.msk [tilespmem:v11+s17+$0x0], $0xffff  }
0x45: {  	v23 =	vld.idx.msk [tilespmem:v3+s17+$0x0], $0xffff  }
0x46: {  	v24 =	vld.idx.msk [tilespmem:v12+s17+$0x0], $0xffff  }
0x47: {  	v25 =	vld.idx.msk [tilespmem:v4+s17+$0x0], $0xffff  }
0x48: {  	v26 =	vld.idx.msk [tilespmem:v13+s17+$0x0], $0xffff  }
0x49: {  	v27 =	vld.idx.msk [tilespmem:v5+s17+$0x0], $0xffff  }
0x4a: {  	v28 =	vld.idx.msk [tilespmem:v14+s17+$0x0], $0xffff  }
0x4b: {  	v29 =	vld.idx.msk [tilespmem:v6+s17+$0x0], $0xffff  }
0x4c: {  	v30 =	vld.idx.msk [tilespmem:v15+s17+$0x0], $0xffff  }
0x4d: {  	v31 =	vld.idx.msk [tilespmem:v7+s17+$0x0], $0xffff  }
0x4e: {  	v32 =	vld.idx.msk [tilespmem:v8+s18+$0x0], $0xffff  }
0x4f: {  	v33 =	vld.idx.msk [tilespmem:v0+s18+$0x0], $0xffff  }
0x50: {  	v34 =	vld.idx.msk [tilespmem:v9+s18+$0x0], $0xffff  }
0x51: {  	v35 =	vld.idx.msk [tilespmem:v1+s18+$0x0], $0xffff  }
0x52: {  	v36 =	vld.idx.msk [tilespmem:v10+s18+$0x0], $0xffff  }
0x53: {  	v37 =	vld.idx.msk [tilespmem:v2+s18+$0x0], $0xffff  }
0x54: {  	v38 =	vld.idx.msk [tilespmem:v11+s18+$0x0], $0xffff  }
0x55: {  	v39 =	vld.idx.msk [tilespmem:v3+s18+$0x0], $0xffff  }
0x56: {  	v40 =	vld.idx.msk [tilespmem:v12+s18+$0x0], $0xffff  }
0x57: {  	v41 =	vld.idx.msk [tilespmem:v4+s18+$0x0], $0xffff  }
0x58: {  	v42 =	vld.idx.msk [tilespmem:v13+s18+$0x0], $0xffff  }
0x59: {  	v43 =	vld.idx.msk [tilespmem:v5+s18+$0x0], $0xffff  }
0x5a: {  	v44 =	vld.idx.msk [tilespmem:v14+s18+$0x0], $0xffff  }
0x5b: {  	v45 =	vld.idx.msk [tilespmem:v6+s18+$0x0], $0xffff  }
0x5c: {  	v46 =	vld.idx.msk [tilespmem:v15+s18+$0x0], $0xffff  }
0x5d: {  	v47 =	vld.idx.msk [tilespmem:v7+s18+$0x0], $0xffff  }
0x5e: {  	v8 =	vld.idx.msk [tilespmem:v8+s19+$0x0], $0xffff  }
0x5f: {  	v0 =	vld.idx.msk [tilespmem:v0+s19+$0x0], $0xffff  }
0x60: {  	v9 =	vld.idx.msk [tilespmem:v9+s19+$0x0], $0xffff  }
0x61: {  	v1 =	vld.idx.msk [tilespmem:v1+s19+$0x0], $0xffff  }
0x62: {  	v10 =	vld.idx.msk [tilespmem:v10+s19+$0x0], $0xffff  }
0x63: {  	v2 =	vld.idx.msk [tilespmem:v2+s19+$0x0], $0xffff  }
0x64: {  	v11 =	vld.idx.msk [tilespmem:v11+s19+$0x0], $0xffff  }
0x65: {  	v3 =	vld.idx.msk [tilespmem:v3+s19+$0x0], $0xffff;
	v16 =	vsub.f32 v16, v17  }
0x66: {  	v12 =	vld.idx.msk [tilespmem:v12+s19+$0x0], $0xffff;
	v17 =	vsub.f32 v18, v19;
	v58 =	vsub.f32 v20, v21  }
0x67: {  	v4 =	vld.idx.msk [tilespmem:v4+s19+$0x0], $0xffff;
	v59 =	vsub.f32 v22, v23;
	v60 =	vsub.f32 v24, v25  }
0x68: {  	v13 =	vld.idx.msk [tilespmem:v13+s19+$0x0], $0xffff;
	v61 =	vsub.f32 v26, v27;
	v62 =	vsub.f32 v28, v29  }
0x69: {  	v5 =	vld.idx.msk [tilespmem:v5+s19+$0x0], $0xffff;
	v63 =	vsub.f32 v30, v31;
	v33 =	vsub.f32 v32, v33  }
0x6a: {  	v14 =	vld.idx.msk [tilespmem:v14+s19+$0x0], $0xffff;
	v35 =	vsub.f32 v34, v35;
	v37 =	vsub.f32 v36, v37  }
0x6b: {  	v6 =	vld.idx.msk [tilespmem:v6+s19+$0x0], $0xffff;
	v39 =	vsub.f32 v38, v39;
	v41 =	vsub.f32 v40, v41  }
0x6c: {  	v15 =	vld.idx.msk [tilespmem:v15+s19+$0x0], $0xffff;
	v48 =	vsub.f32 v42, v43;
	v49 =	vsub.f32 v44, v45  }
0x6d: {  	v7 =	vld.idx.msk [tilespmem:v7+s19+$0x0], $0xffff;
	v50 =	vsub.f32 v46, v47;
	v0 =	vsub.f32 v8, v0  }
0x6e: {  	v1 =	vsub.f32 v9, v1;
	v2 =	vsub.f32 v10, v2  }
0x6f: {  	v3 =	vsub.f32 v11, v3;
	v4 =	vsub.f32 v12, v4  }
0x70: {  	v5 =	vsub.f32 v13, v5;
	v8 =	vmul.f32 v16, v16;
	v9 =	vmul.f32 v33, v33  }
0x71: {  	v6 =	vsub.f32 v14, v6;
	v10 =	vmul.f32 v17, v17;
	v11 =	vmul.f32 v35, v35  }
0x72: {  	v7 =	vsub.f32 v15, v7;
	v0 =	vmul.f32 v0, v0;
	v8 =	vadd.f32 v9, v8  }
0x73: {  	v1 =	vmul.f32 v1, v1;
	v2 =	vmul.f32 v2, v2;
	v9 =	vadd.f32 v11, v10  }
0x74: {  	v10 =	vmul.f32 v58, v58;
	v0 =	vadd.f32 v0, v8;
	v8 =	vmul.f32 v37, v37  }
0x75: {  	v11 =	vmul.f32 v39, v39;
	v1 =	vadd.f32 v1, v9;
	v9 =	vmul.f32 v59, v59  }
0x76: {  	v3 =	vmul.f32 v3, v3;
	v4 =	vmul.f32 v4, v4;
	v8 =	vadd.f32 v8, v10  }
0x77: {  	v12 =	vmul.f32 v48, v48;
	v13 =	vmul.f32 v49, v49;
	v9 =	vadd.f32 v11, v9  }
0x78: {  	v10 =	vmul.f32 v60, v60;
	v11 =	vmul.f32 v41, v41;
	v2 =	vadd.f32 v2, v8  }
0x79: {  	v8 =	vmul.f32 v61, v61;
	v3 =	vadd.f32 v3, v9;
	v9 =	vmul.f32 v62, v62  }
0x7a: {  	v14 =	vmul.f32 v50, v50;
	v10 =	vadd.f32 v11, v10;
	v11 =	vmul.f32 v63, v63  }
0x7b: {  	v8 =	vadd.f32 v12, v8;
	v12 =	vmul.f32 v5, v5;
	v9 =	vadd.f32 v13, v9  }
0x7c: {  	v13 =	vmul.f32 v6, v6;
	v5 =	vadd.f32 v4, v10;
	v10 =	vmax.f32 v2, $1.000000000e-30  }
0x7d: {  	v11 =	vadd.f32 v14, v11;
	v14 =	vmul.f32 v7, v7;
	v52 =	vshra.s32 v10, $0x1  }
0x7e: {  	v10 =	vmul.f32 $5.000000000e-01, v10;
	v6 =	vadd.f32 v12, v8;
	v7 =	vadd.f32 v13, v9  }
0x7f: {  	v4 =	vadd.f32 v14, v11;
	v8 =	vmax.f32 v0, $1.000000000e-30;
	v9 =	vmax.f32 v1, $1.000000000e-30  }
0x80: {  	v11 =	vmax.f32 v3, $1.000000000e-30;
	v13 =	vmax.f32 v5, $1.000000000e-30;
	v19 =	vsub.s32 $0x5F3759DF, v52  }
0x81: {  	v12 =	vshra.s32 v8, $0x1;
	v8 =	vmul.f32 $5.000000000e-01, v8;
	v15 =	vshra.s32 v9, $0x1  }
0x82: {  	v9 =	vmul.f32 $5.000000000e-01, v9;
	v54 =	vshra.s32 v11, $0x1;
	v57 =	vmul.f32 v19, v10  }
0x83: {  	v55 =	vshra.s32 v13, $0x1;
	v11 =	vmul.f32 $5.000000000e-01, v11;
	v13 =	vmul.f32 $5.000000000e-01, v13  }
0x84: {  	v14 =	vmax.f32 v6, $1.000000000e-30;
	v12 =	vsub.s32 $0x5F3759DF, v12;
	v17 =	vmax.f32 v7, $1.000000000e-30  }
0x85: {  	v51 =	vmax.f32 v4, $1.000000000e-30;
	v15 =	vsub.s32 $0x5F3759DF, v15;
	v21 =	vsub.s32 $0x5F3759DF, v54  }
0x86: {  	v22 =	vsub.s32 $0x5F3759DF, v55;
	v16 =	vmul.f32 v12, v8;
	v53 =	vmul.f32 v15, v9  }
0x87: {  	v56 =	vshra.s32 v14, $0x1;
	v58 =	vshra.s32 v17, $0x1;
	v60 =	vmul.f32 v21, v11  }
0x88: {  	v61 =	vmul.f32 v22, v13;
	v62 =	vshra.s32 v51, $0x1;
	v14 =	vmul.f32 $5.000000000e-01, v14  }
0x89: {  	v17 =	vmul.f32 $5.000000000e-01, v17;
	v18 =	vmul.f32 $5.000000000e-01, v51;
	v23 =	vsub.s32 $0x5F3759DF, v56  }
0x8a: {  	v59 =	vsub.s32 $0x5F3759DF, v58;
	v16 =	vmul.f32 v12, v16;
	v20 =	vmul.f32 v15, v53  }
0x8b: {  	v26 =	vsub.s32 $0x5F3759DF, v62;
	v25 =	vmul.f32 v22, v61;
	v63 =	vmul.f32 v23, v14  }
0x8c: {  	v24 =	vmul.f32 v21, v60;
	v32 =	vmul.f32 v59, v17;
	v16 =	vsub.f32 $1.500000000e+00, v16  }
0x8d: {  	v37 =	vmul.f32 v26, v18;
	v34 =	vsub.f32 $1.500000000e+00, v25;
	v35 =	vmul.f32 v23, v63  }
0x8e: {  	v36 =	vmul.f32 v59, v32;
	v12 =	vmul.f32 v12, v16;
	v16 =	vsub.f32 $1.500000000e+00, v20  }
0x8f: {  	v42 =	vmul.f32 v26, v37;
	v39 =	vmul.f32 v22, v34;
	v40 =	vsub.f32 $1.500000000e+00, v35  }
0x90: {  	v41 =	vsub.f32 $1.500000000e+00, v36;
	v15 =	vmul.f32 v15, v16;
	v16 =	vmul.f32 v19, v57  }
0x91: {  	v46 =	vsub.f32 $1.500000000e+00, v42;
	v38 =	vmul.f32 v12, v8;
	v22 =	vmul.f32 v23, v40  }
0x92: {  	v20 =	vmul.f32 v59, v41;
	v53 =	vmul.f32 v39, v13  }
0x93: {  	v23 =	vmul.f32 v26, v46;
	v43 =	vmul.f32 v38, v12  }
0x94: {  	v16 =	vsub.f32 $1.500000000e+00, v16;
	v44 =	vmul.f32 v15, v9;
	v55 =	vmul.f32 v53, v39  }
0x95: {  	v33 =	vsub.f32 $1.500000000e+00, v24;
	v56 =	vmul.f32 v22, v14;
	v57 =	vmul.f32 v20, v17  }
0x96: {  	v58 =	vmul.f32 v23, v18;
	v16 =	vmul.f32 v19, v16  }
0x97: {  	v19 =	vmul.f32 v21, v33;
	v48 =	vmul.f32 v44, v15  }
0x98: {  	v47 =	vsub.f32 $1.500000000e+00, v43;
	v59 =	vmul.f32 v56, v22;
	v60 =	vmul.f32 v57, v20  }
0x99: {  	v25 =	vsub.f32 $1.500000000e+00, v55;
	v61 =	vmul.f32 v58, v23;
	v45 =	vmul.f32 v16, v10  }
0x9a: {  	v50 =	vmul.f32 v19, v11;
	v12 =	vmul.f32 v47, v12;
	v51 =	vsub.f32 $1.500000000e+00, v48  }
0x9b: {  	v21 =	vmul.f32 v25, v39;
	v24 =	vsub.f32 $1.500000000e+00, v59;
	v49 =	vmul.f32 v45, v16  }
0x9c: {  	v62 =	vsub.f32 $1.500000000e+00, v60;
	v26 =	vmul.f32 v50, v19;
	v15 =	vmul.f32 v51, v15  }
0x9d: {  	v8 =	vmul.f32 v12, v8;
	v22 =	vmul.f32 v24, v22  }
0x9e: {  	v20 =	vmul.f32 v62, v20;
	v52 =	vsub.f32 $1.500000000e+00, v49;
	v54 =	vsub.f32 $1.500000000e+00, v26  }
0x9f: {  	v63 =	vsub.f32 $1.500000000e+00, v61;
	v9 =	vmul.f32 v15, v9;
	v8 =	vmul.f32 v8, v12  }
0xa0: {  	v16 =	vmul.f32 v52, v16;
	v19 =	vmul.f32 v54, v19  }
0xa1: {  	v23 =	vmul.f32 v63, v23;
	v9 =	vmul.f32 v9, v15;
	v8 =	vsub.f32 $1.500000000e+00, v8  }
0xa2: {  	v10 =	vmul.f32 v16, v10;
	v11 =	vmul.f32 v19, v11  }
0xa3: {  	v9 =	vsub.f32 $1.500000000e+00, v9;
	v8 =	vmul.f32 v8, v12;
	v12 =	vmul.f32 v21, v13  }
0xa4: {  	v13 =	vmul.f32 v22, v14;
	v14 =	vmul.f32 v20, v17  }
0xa5: {  	v9 =	vmul.f32 v9, v15;
	v10 =	vmul.f32 v10, v16  }
0xa6: {  	v11 =	vmul.f32 v11, v19;
	v15 =	vmul.f32 v23, v18  }
0xa7: {  	v12 =	vmul.f32 v12, v21;
	v13 =	vmul.f32 v13, v22  }
0xa8: {  	v14 =	vmul.f32 v14, v20;
	v0 =	vmul.f32 v8, v0  }
0xa9: {  	v10 =	vsub.f32 $1.500000000e+00, v10;
	v11 =	vsub.f32 $1.500000000e+00, v11;
	v15 =	vmul.f32 v15, v23  }
0xaa: {  	v12 =	vsub.f32 $1.500000000e+00, v12;
	v13 =	vsub.f32 $1.500000000e+00, v13;
	v1 =	vmul.f32 v9, v1  }
0xab: {  	v14 =	vsub.f32 $1.500000000e+00, v14;
	v0 =	vmul.f32 $1.442695020e+00, v0;
	v10 =	vmul.f32 v10, v16  }
0xac: {  	v11 =	vmul.f32 v11, v19;
	v12 =	vmul.f32 v12, v21  }
0xad: {  	v15 =	vsub.f32 $1.500000000e+00, v15;
	v13 =	vmul.f32 v13, v22;
	v14 =	vmul.f32 v14, v20  }
0xae: {  	v1 =	vmul.f32 $1.442695020e+00, v1;
	(erf) = vpow2.f32 v0  }
0xaf: {  	v15 =	vmul.f32 v15, v23;
	v2 =	vmul.f32 v10, v2  }
0xb0: {  	v3 =	vmul.f32 v11, v3;
	v5 =	vmul.f32 v12, v5  }
0xb1: {  	v6 =	vmul.f32 v13, v6;
	v0 =	vmul.f32 $1.442695020e+00, v2  }
0xb2: {  	(erf) = vpow2.f32 v1;
	v1 =	vmul.f32 $1.442695020e+00, v3  }
0xb3: {  	v7 =	vmul.f32 v14, v7;
	(erf) = vpow2.f32 v0  }
0xb4: {  	v0 =	vmul.f32 $1.442695020e+00, v5;
	(erf) = vpow2.f32 v1  }
0xb5: {  	v4 =	vmul.f32 v15, v4;
	v1 =	vmul.f32 $1.442695020e+00, v6  }
0xb6: {  	(erf) = vpow2.f32 v0;
	v0 =	vmul.f32 $1.442695020e+00, v7  }
0xb7: {  	(erf) = vpow2.f32 v1;
	v1 =	vmul.f32 $1.442695020e+00, v4  }
0xb8: {  	(erf) = vpow2.f32 v0  }
0xb9: {  	(erf) = vpow2.f32 v1  }
0xba: {  	v0 =	vpop (erf)  }
0xbb: {  	v1 =	vpop (erf);
	v0 =	vadd.f32 $1.000000000e+00, v0  }
0xbc: {  	v1 =	vadd.f32 $1.000000000e+00, v1;
	v2 =	vpop (erf)  }
0xbd: {  	(erf) = vrcp.f32 v0;
	v3 =	vpop (erf);
	v0 =	vadd.f32 $1.000000000e+00, v2  }
0xbe: {  	(erf) = vrcp.f32 v1;
	v1 =	vadd.f32 $1.000000000e+00, v3  }
0xbf: {  	v2 =	vpop (erf);
	(erf) = vrcp.f32 v0  }
0xc0: {  	v3 =	vpop (erf);
	v0 =	vadd.f32 $1.000000000e+00, v2;
	(erf) = vrcp.f32 v1  }
0xc1: {  	v2 =	vpop (erf);
	v1 =	vadd.f32 $1.000000000e+00, v3  }
0xc2: {  	v3 =	vpop (erf);
	(erf) = vrcp.f32 v0;
	v0 =	vadd.f32 $1.000000000e+00, v2  }
0xc3: {  	(erf) = vrcp.f32 v1;
	v1 =	vadd.f32 $1.000000000e+00, v3  }
0xc4: {  	(erf) = vrcp.f32 v0  }
0xc5: {  	(erf) = vrcp.f32 v1  }
0xc6: {  	v0 =	vpop (erf)  }
0xc7: {  	v1 =	vpop (erf);
	v0 =	vadd.f32 v0, v0  }
0xc8: {  	v1 =	vadd.f32 v1, v1;
	v2 =	vpop (erf)  }
0xc9: {  	v3 =	vpop (erf);
	v2 =	vadd.f32 v2, v2  }
0xca: {  	[tilespmem:$0x1C800] =	vst v0;
	v3 =	vadd.f32 v3, v3  }
0xcb: {  	[tilespmem:$0x1C810] =	vst v1;
	v0 =	vpop (erf)  }
0xcc: {  	v1 =	vpop (erf);
	v0 =	vadd.f32 v0, v0;
	[tilespmem:$0x1C820] =	vst v2  }
0xcd: {  	v1 =	vadd.f32 v1, v1;
	[tilespmem:$0x1C830] =	vst v3;
	v2 =	vpop (erf)  }
0xce: {  	[tilespmem:$0x1C840] =	vst v0;
	v2 =	vadd.f32 v2, v2;
	v3 =	vpop (erf)  }
0xcf: {  	[tilespmem:$0x1C850] =	vst v1;
	v0 =	vadd.f32 v3, v3  }
0xd0: {  	[tilespmem:$0x1C860] =	vst v2  }
0xd1: {  	[tilespmem:$0x1C870] =	vst v0  }
0xd2: {  	_ =	swait.ge [sflag:s25], $0x4000  }
0xd3: {  	[sflag:s25] =	ssyncset.done $0x0  }
0xd4: {  	[sflag:s25] =	ssyncadd.s32 $0xFFFFC000  }
0xd5: {  	_ =	swait.ge [sflag:s25], $0x4000  }
0xd6: {  	p0 =	seq.s32 s0, $0x0;
	[sflag:s25] =	ssyncset.done $0x0  }
0xd7: {  	s6 =	simm.s32 @!p0 $0x3;
	[sflag:s25] =	ssyncadd.s32 $0xFFFFC000  }
0xd8: {  	_ =	swait.ge @!p0 [sflag:s6], $0x200  }
0xd9: {  	[sflag:s6] =	ssyncset.done @!p0 $0x0  }
0xda: {  	[sflag:s6] =	ssyncadd.s32 @!p0 $0xFFFFFE00;
	s6 =	simm.s32 $0x0  }
0xdb: {  	v1 =	vld [tilespmem:s6+$0xC870]  }
0xdc: {  	s22 =	simm.s32 $0x1C800;
	v2 =	vld [tilespmem:s6+$0x10870]  }
0xdd: {  	v0 =	vld.msk [tilespmem:s22+$0x0 ss:$0x0], $0xffff  }
0xde: {  	v3 =	vld [tilespmem:s6+$0xC800]  }
0xdf: {  	v4 =	vld [tilespmem:s6+$0x10800]  }
0xe0: {  	v5 =	vld [tilespmem:s6+$0xC810]  }
0xe1: {  	v6 =	vld [tilespmem:s6+$0x10810]  }
0xe2: {  	v7 =	vld [tilespmem:s6+$0xC820]  }
0xe3: {  	v8 =	vld [tilespmem:s6+$0x10820]  }
0xe4: {  	v11 =	vld [tilespmem:s6+$0xC830]  }
0xe5: {  	v12 =	vld [tilespmem:s6+$0x10830];
	_ =	sdelay $0x2  }
0xe6: {  	v15 =	vld [tilespmem:s6+$0x10840];
	v1 =	vadd.f32 v2, v1;
	v3 =	vadd.f32 v4, v3  }
0xe7: {  	v2 =	vld [tilespmem:s6+$0xC840];
	v4 =	vadd.f32 v6, v5;
	v5 =	vadd.f32 v8, v7  }
0xe8: {  	v9 =	vld [tilespmem:s6+$0xC850];
	v12 =	vadd.f32 v12, v11;
	v1 =	vmul.f32 v1, v0;
	v3 =	vmul.f32 v3, v0  }
0xe9: {  	v10 =	vld [tilespmem:s6+$0x10850];
	v7 =	vimm.f32 $0.0e+00;
	v4 =	vmul.f32 v4, v0;
	v8 =	vmul.f32 v5, v0  }
0xea: {  	v13 =	vld [tilespmem:s6+$0x10860];
	v14 =	vmul.f32 v12, v0;
	v1 =	vmax.f32 v7, v1;
	v6 =	vmax.f32 v7, v3  }
0xeb: {  	s16 =	simm.s32 $0x80;
	v11 =	vld [tilespmem:s6+$0xC860];
	v5 =	vmax.f32 v7, v4;
	v4 =	vmax.f32 v7, v8;
	v8 =	vimm.f32 $0.0e+00  }
0xec: {  	s6 =	simm.s32 $0x400;
	v12 =	vld [tilespmem:s16+$0xC870];
	v3 =	vimm.f32 $0.0e+00;
	v15 =	vadd.f32 v15, v2;
	v2 =	vimm.f32 $0.0e+00  }
.LBB2_3:
0xed: {  	p1 =	sne.s32 s6, $0x3E00;
	v16 =	vld [tilespmem:s16+$0x10870];
	s22 =	sadd.s32 $0x1, s22  }
0xee: {  	v17 =	vld.msk [tilespmem:s22+$0x0 ss:$0x0], $0xffff;
	v7 =	vmax.f32 v7, v14;
	v14 =	vmul.f32 v15, v0;
	v9 =	vadd.f32 v10, v9  }
0xef: {  	v10 =	vld [tilespmem:s16+$0xC800]  }
0xf0: {  	v15 =	vld [tilespmem:s16+$0x10800];
	v8 =	vmax.f32 v8, v14;
	v9 =	vmul.f32 v9, v0;
	v11 =	vadd.f32 v13, v11  }
0xf1: {  	v13 =	vld [tilespmem:s16+$0xC810]  }
0xf2: {  	v14 =	vld [tilespmem:s16+$0x10810];
	v12 =	vadd.f32 v16, v12;
	v3 =	vmax.f32 v3, v9;
	v16 =	vmul.f32 v11, v0  }
0xf3: {  	v9 =	vld [tilespmem:s16+$0xC820]  }
0xf4: {  	v0 =	vmov v17;
	v11 =	vld [tilespmem:s16+$0x10820];
	v12 =	vmul.f32 v12, v17;
	v2 =	vmax.f32 v2, v16  }
0xf5: {  	v10 =	vadd.f32 v15, v10;
	v15 =	vld [tilespmem:s16+$0xC830]  }
0xf6: {  	v16 =	vld [tilespmem:s16+$0x10830];
	v1 =	vmax.f32 v1, v12  }
0xf7: {  	v10 =	vmul.f32 v10, v0;
	v12 =	vadd.f32 v14, v13;
	v17 =	vld [tilespmem:s16+$0xC840]  }
0xf8: {  	v18 =	vld [tilespmem:s16+$0x10840]  }
.Ltmp0:
0xf9: {  	v6 =	vmax.f32 v6, v10;
	v12 =	vmul.f32 v12, v0;
	v11 =	vadd.f32 v11, v9;
	v9 =	vld [tilespmem:s16+$0xC850];
	(pc) =	sbr.rel @p1 .LBB2_3-.Ltmp0, $4  }
0xfa: {  	v10 =	vld [tilespmem:s16+$0x10850]  }
0xfb: {  	v5 =	vmax.f32 v5, v12;
	v14 =	vmul.f32 v11, v0;
	v15 =	vadd.f32 v16, v15;
	v11 =	vld [tilespmem:s16+$0xC860]  }
0xfc: {  	v13 =	vld [tilespmem:s16+$0x10860];
	s16 =	sshra.s32 s6, $0x2  }
0xfd: {  	s6 =	sadd.s32 $0x200, s6;
	v12 =	vld [tilespmem:s16+$0xC870];
	v4 =	vmax.f32 v4, v14;
	v14 =	vmul.f32 v15, v0;
	v15 =	vadd.f32 v18, v17  }
0xfe: {  	v16 =	vld [tilespmem:s16+$0x10870]  }
0xff: {  	v18 =	vld [tilespmem:s16+$0xC800]  }
0x100: {  	v19 =	vld [tilespmem:s16+$0x10800]  }
0x101: {  	v20 =	vld [tilespmem:s16+$0xC810]  }
0x102: {  	v21 =	vld [tilespmem:s16+$0x10810]  }
0x103: {  	v22 =	vld [tilespmem:s16+$0xC820]  }
0x104: {  	v23 =	vld [tilespmem:s16+$0x10820]  }
0x105: {  	v24 =	vld [tilespmem:s16+$0xC830]  }
0x106: {  	v25 =	vld [tilespmem:s16+$0x10830]  }
0x107: {  	s6 =	sadd.s32 $0x1, s22;
	v26 =	vld [tilespmem:s16+$0xC840]  }
0x108: {  	v17 =	vld.msk [tilespmem:s6+$0x0 ss:$0x0], $0xffff  }
0x109: {  	v27 =	vld [tilespmem:s16+$0x10840]  }
0x10a: {  	v28 =	vld [tilespmem:s16+$0xC850];
	v15 =	vmul.f32 v15, v0  }
0x10b: {  	v63 =	vld [tilespmem:s16+$0xC860];
	v7 =	vmax.f32 v7, v14;
	v11 =	vadd.f32 v13, v11;
	v18 =	vadd.f32 v19, v18  }
0x10c: {  	v8 =	vmax.f32 v8, v15;
	v15 =	vld [tilespmem:s16+$0x10860];
	v14 =	vadd.f32 v21, v20;
	v13 =	vadd.f32 v23, v22  }
0x10d: {  	v62 =	vld [tilespmem:s16+$0x10850];
	v9 =	vadd.f32 v10, v9;
	v10 =	vmul.f32 v18, v17  }
0x10e: {  	v14 =	vmul.f32 v14, v17;
	v13 =	vmul.f32 v13, v17  }
0x10f: {  	v12 =	vadd.f32 v16, v12;
	v6 =	vmax.f32 v6, v10;
	v10 =	vadd.f32 v25, v24  }
0x110: {  	v5 =	vmax.f32 v5, v14;
	v14 =	vadd.f32 v27, v26;
	v4 =	vmax.f32 v4, v13  }
0x111: {  	v13 =	vadd.f32 v15, v63;
	[tilespmem:$0x1C900] =	vst v6;
	v6 =	vmul.f32 v9, v0;
	v9 =	vmul.f32 v10, v17  }
0x112: {  	v16 =	vadd.f32 v62, v28;
	[tilespmem:$0x1C910] =	vst v5;
	v0 =	vmul.f32 v11, v0;
	v10 =	vmul.f32 v14, v17  }
0x113: {  	[tilespmem:$0x1C920] =	vst v4;
	v3 =	vmax.f32 v3, v6;
	v6 =	vmul.f32 v13, v17;
	v5 =	vmax.f32 v7, v9  }
0x114: {  	v0 =	vmax.f32 v2, v0;
	v7 =	vmul.f32 v16, v17;
	v4 =	vmax.f32 v8, v10;
	[tilespmem:$0x1C930] =	vst v5  }
0x115: {  	v5 =	vmul.f32 v12, v17;
	[tilespmem:$0x1C940] =	vst v4;
	v0 =	vmax.f32 v0, v6  }
0x116: {  	v2 =	vmax.f32 v3, v7;
	[tilespmem:$0x1C960] =	vst v0  }
0x117: {  	[tilespmem:$0x1C950] =	vst v2;
	v1 =	vmax.f32 v1, v5  }
0x118: {  	s6 =	simm.s32 $0x0;
	[tilespmem:$0x1C970] =	vst v1  }
0x119: {  	v1 =	vld [tilespmem:s6+$0xD870]  }
0x11a: {  	s22 =	simm.s32 $0x1C820;
	v2 =	vld [tilespmem:s6+$0x11870]  }
0x11b: {  	v0 =	vld.msk [tilespmem:s22+$0x0 ss:$0x0], $0xffff  }
0x11c: {  	v3 =	vld [tilespmem:s6+$0xD800]  }
0x11d: {  	v4 =	vld [tilespmem:s6+$0x11800]  }
0x11e: {  	v5 =	vld [tilespmem:s6+$0xD810]  }
0x11f: {  	v6 =	vld [tilespmem:s6+$0x11810]  }
0x120: {  	v7 =	vld [tilespmem:s6+$0xD820]  }
0x121: {  	v8 =	vld [tilespmem:s6+$0x11820]  }
0x122: {  	v11 =	vld [tilespmem:s6+$0xD830]  }
0x123: {  	v12 =	vld [tilespmem:s6+$0x11830];
	_ =	sdelay $0x2  }
0x124: {  	v15 =	vld [tilespmem:s6+$0x11840];
	v1 =	vadd.f32 v2, v1;
	v3 =	vadd.f32 v4, v3  }
0x125: {  	v2 =	vld [tilespmem:s6+$0xD840];
	v4 =	vadd.f32 v6, v5;
	v5 =	vadd.f32 v8, v7  }
0x126: {  	v9 =	vld [tilespmem:s6+$0xD850];
	v12 =	vadd.f32 v12, v11;
	v1 =	vmul.f32 v1, v0;
	v3 =	vmul.f32 v3, v0  }
0x127: {  	v10 =	vld [tilespmem:s6+$0x11850];
	v7 =	vimm.f32 $0.0e+00;
	v4 =	vmul.f32 v4, v0;
	v8 =	vmul.f32 v5, v0  }
0x128: {  	v13 =	vld [tilespmem:s6+$0x11860];
	v14 =	vmul.f32 v12, v0;
	v1 =	vmax.f32 v7, v1;
	v6 =	vmax.f32 v7, v3  }
0x129: {  	s16 =	simm.s32 $0x80;
	v11 =	vld [tilespmem:s6+$0xD860];
	v5 =	vmax.f32 v7, v4;
	v4 =	vmax.f32 v7, v8;
	v8 =	vimm.f32 $0.0e+00  }
0x12a: {  	s6 =	simm.s32 $0x400;
	v12 =	vld [tilespmem:s16+$0xD870];
	v3 =	vimm.f32 $0.0e+00;
	v15 =	vadd.f32 v15, v2;
	v2 =	vimm.f32 $0.0e+00  }
.LBB2_5:
0x12b: {  	p1 =	sne.s32 s6, $0x3E00;
	v16 =	vld [tilespmem:s16+$0x11870];
	s22 =	sadd.s32 $0x1, s22  }
0x12c: {  	v17 =	vld.msk [tilespmem:s22+$0x0 ss:$0x0], $0xffff;
	v7 =	vmax.f32 v7, v14;
	v14 =	vmul.f32 v15, v0;
	v9 =	vadd.f32 v10, v9  }
0x12d: {  	v10 =	vld [tilespmem:s16+$0xD800]  }
0x12e: {  	v15 =	vld [tilespmem:s16+$0x11800];
	v8 =	vmax.f32 v8, v14;
	v9 =	vmul.f32 v9, v0;
	v11 =	vadd.f32 v13, v11  }
0x12f: {  	v13 =	vld [tilespmem:s16+$0xD810]  }
0x130: {  	v14 =	vld [tilespmem:s16+$0x11810];
	v12 =	vadd.f32 v16, v12;
	v3 =	vmax.f32 v3, v9;
	v16 =	vmul.f32 v11, v0  }
0x131: {  	v9 =	vld [tilespmem:s16+$0xD820]  }
0x132: {  	v0 =	vmov v17;
	v11 =	vld [tilespmem:s16+$0x11820];
	v12 =	vmul.f32 v12, v17;
	v2 =	vmax.f32 v2, v16  }
0x133: {  	v10 =	vadd.f32 v15, v10;
	v15 =	vld [tilespmem:s16+$0xD830]  }
0x134: {  	v16 =	vld [tilespmem:s16+$0x11830];
	v1 =	vmax.f32 v1, v12  }
0x135: {  	v10 =	vmul.f32 v10, v0;
	v12 =	vadd.f32 v14, v13;
	v17 =	vld [tilespmem:s16+$0xD840]  }
0x136: {  	v18 =	vld [tilespmem:s16+$0x11840]  }
.Ltmp1:
0x137: {  	v6 =	vmax.f32 v6, v10;
	v12 =	vmul.f32 v12, v0;
	v11 =	vadd.f32 v11, v9;
	v9 =	vld [tilespmem:s16+$0xD850];
	(pc) =	sbr.rel @p1 .LBB2_5-.Ltmp1, $4  }
0x138: {  	v10 =	vld [tilespmem:s16+$0x11850]  }
0x139: {  	v5 =	vmax.f32 v5, v12;
	v14 =	vmul.f32 v11, v0;
	v15 =	vadd.f32 v16, v15;
	v11 =	vld [tilespmem:s16+$0xD860]  }
0x13a: {  	v13 =	vld [tilespmem:s16+$0x11860];
	s16 =	sshra.s32 s6, $0x2  }
0x13b: {  	s6 =	sadd.s32 $0x200, s6;
	v12 =	vld [tilespmem:s16+$0xD870];
	v4 =	vmax.f32 v4, v14;
	v14 =	vmul.f32 v15, v0;
	v15 =	vadd.f32 v18, v17  }
0x13c: {  	v16 =	vld [tilespmem:s16+$0x11870]  }
0x13d: {  	v18 =	vld [tilespmem:s16+$0xD800]  }
0x13e: {  	v19 =	vld [tilespmem:s16+$0x11800]  }
0x13f: {  	v20 =	vld [tilespmem:s16+$0xD810]  }
0x140: {  	v21 =	vld [tilespmem:s16+$0x11810]  }
0x141: {  	v22 =	vld [tilespmem:s16+$0xD820]  }
0x142: {  	v23 =	vld [tilespmem:s16+$0x11820]  }
0x143: {  	v24 =	vld [tilespmem:s16+$0xD830]  }
0x144: {  	v25 =	vld [tilespmem:s16+$0x11830]  }
0x145: {  	s6 =	sadd.s32 $0x1, s22;
	v26 =	vld [tilespmem:s16+$0xD840]  }
0x146: {  	v17 =	vld.msk [tilespmem:s6+$0x0 ss:$0x0], $0xffff  }
0x147: {  	v27 =	vld [tilespmem:s16+$0x11840]  }
0x148: {  	v28 =	vld [tilespmem:s16+$0xD850];
	v15 =	vmul.f32 v15, v0  }
0x149: {  	v63 =	vld [tilespmem:s16+$0xD860];
	v7 =	vmax.f32 v7, v14;
	v11 =	vadd.f32 v13, v11;
	v18 =	vadd.f32 v19, v18  }
0x14a: {  	v8 =	vmax.f32 v8, v15;
	v15 =	vld [tilespmem:s16+$0x11860];
	v14 =	vadd.f32 v21, v20;
	v13 =	vadd.f32 v23, v22  }
0x14b: {  	v62 =	vld [tilespmem:s16+$0x11850];
	v9 =	vadd.f32 v10, v9;
	v10 =	vmul.f32 v18, v17  }
0x14c: {  	v14 =	vmul.f32 v14, v17;
	v13 =	vmul.f32 v13, v17  }
0x14d: {  	v12 =	vadd.f32 v16, v12;
	v6 =	vmax.f32 v6, v10;
	v10 =	vadd.f32 v25, v24  }
0x14e: {  	v5 =	vmax.f32 v5, v14;
	v14 =	vadd.f32 v27, v26;
	v4 =	vmax.f32 v4, v13  }
0x14f: {  	v13 =	vadd.f32 v15, v63;
	[tilespmem:$0x1C980] =	vst v6;
	v6 =	vmul.f32 v9, v0;
	v9 =	vmul.f32 v10, v17  }
0x150: {  	v16 =	vadd.f32 v62, v28;
	[tilespmem:$0x1C990] =	vst v5;
	v0 =	vmul.f32 v11, v0;
	v10 =	vmul.f32 v14, v17  }
0x151: {  	[tilespmem:$0x1C9A0] =	vst v4;
	v3 =	vmax.f32 v3, v6;
	v6 =	vmul.f32 v13, v17;
	v5 =	vmax.f32 v7, v9  }
0x152: {  	v0 =	vmax.f32 v2, v0;
	v7 =	vmul.f32 v16, v17;
	v4 =	vmax.f32 v8, v10;
	[tilespmem:$0x1C9B0] =	vst v5  }
0x153: {  	v5 =	vmul.f32 v12, v17;
	[tilespmem:$0x1C9C0] =	vst v4;
	v0 =	vmax.f32 v0, v6  }
0x154: {  	v2 =	vmax.f32 v3, v7;
	[tilespmem:$0x1C9E0] =	vst v0  }
0x155: {  	[tilespmem:$0x1C9D0] =	vst v2;
	v1 =	vmax.f32 v1, v5  }
0x156: {  	s6 =	simm.s32 $0x0;
	[tilespmem:$0x1C9F0] =	vst v1  }
0x157: {  	v1 =	vld [tilespmem:s6+$0xE870]  }
0x158: {  	s22 =	simm.s32 $0x1C840;
	v2 =	vld [tilespmem:s6+$0x12870]  }
0x159: {  	v0 =	vld.msk [tilespmem:s22+$0x0 ss:$0x0], $0xffff  }
0x15a: {  	v3 =	vld [tilespmem:s6+$0xE800]  }
0x15b: {  	v4 =	vld [tilespmem:s6+$0x12800]  }
0x15c: {  	v5 =	vld [tilespmem:s6+$0xE810]  }
0x15d: {  	v6 =	vld [tilespmem:s6+$0x12810]  }
0x15e: {  	v7 =	vld [tilespmem:s6+$0xE820]  }
0x15f: {  	v8 =	vld [tilespmem:s6+$0x12820]  }
0x160: {  	v11 =	vld [tilespmem:s6+$0xE830]  }
0x161: {  	v12 =	vld [tilespmem:s6+$0x12830];
	_ =	sdelay $0x2  }
0x162: {  	v15 =	vld [tilespmem:s6+$0x12840];
	v1 =	vadd.f32 v2, v1;
	v3 =	vadd.f32 v4, v3  }
0x163: {  	v2 =	vld [tilespmem:s6+$0xE840];
	v4 =	vadd.f32 v6, v5;
	v5 =	vadd.f32 v8, v7  }
0x164: {  	v9 =	vld [tilespmem:s6+$0xE850];
	v12 =	vadd.f32 v12, v11;
	v1 =	vmul.f32 v1, v0;
	v3 =	vmul.f32 v3, v0  }
0x165: {  	v10 =	vld [tilespmem:s6+$0x12850];
	v7 =	vimm.f32 $0.0e+00;
	v4 =	vmul.f32 v4, v0;
	v8 =	vmul.f32 v5, v0  }
0x166: {  	v13 =	vld [tilespmem:s6+$0x12860];
	v14 =	vmul.f32 v12, v0;
	v1 =	vmax.f32 v7, v1;
	v6 =	vmax.f32 v7, v3  }
0x167: {  	s16 =	simm.s32 $0x80;
	v11 =	vld [tilespmem:s6+$0xE860];
	v5 =	vmax.f32 v7, v4;
	v4 =	vmax.f32 v7, v8;
	v8 =	vimm.f32 $0.0e+00  }
0x168: {  	s6 =	simm.s32 $0x400;
	v12 =	vld [tilespmem:s16+$0xE870];
	v3 =	vimm.f32 $0.0e+00;
	v15 =	vadd.f32 v15, v2;
	v2 =	vimm.f32 $0.0e+00  }
.LBB2_7:
0x169: {  	p1 =	sne.s32 s6, $0x3E00;
	v16 =	vld [tilespmem:s16+$0x12870];
	s22 =	sadd.s32 $0x1, s22  }
0x16a: {  	v17 =	vld.msk [tilespmem:s22+$0x0 ss:$0x0], $0xffff;
	v7 =	vmax.f32 v7, v14;
	v14 =	vmul.f32 v15, v0;
	v9 =	vadd.f32 v10, v9  }
0x16b: {  	v10 =	vld [tilespmem:s16+$0xE800]  }
0x16c: {  	v15 =	vld [tilespmem:s16+$0x12800];
	v8 =	vmax.f32 v8, v14;
	v9 =	vmul.f32 v9, v0;
	v11 =	vadd.f32 v13, v11  }
0x16d: {  	v13 =	vld [tilespmem:s16+$0xE810]  }
0x16e: {  	v14 =	vld [tilespmem:s16+$0x12810];
	v12 =	vadd.f32 v16, v12;
	v3 =	vmax.f32 v3, v9;
	v16 =	vmul.f32 v11, v0  }
0x16f: {  	v9 =	vld [tilespmem:s16+$0xE820]  }
0x170: {  	v0 =	vmov v17;
	v11 =	vld [tilespmem:s16+$0x12820];
	v12 =	vmul.f32 v12, v17;
	v2 =	vmax.f32 v2, v16  }
0x171: {  	v10 =	vadd.f32 v15, v10;
	v15 =	vld [tilespmem:s16+$0xE830]  }
0x172: {  	v16 =	vld [tilespmem:s16+$0x12830];
	v1 =	vmax.f32 v1, v12  }
0x173: {  	v10 =	vmul.f32 v10, v0;
	v12 =	vadd.f32 v14, v13;
	v17 =	vld [tilespmem:s16+$0xE840]  }
0x174: {  	v18 =	vld [tilespmem:s16+$0x12840]  }
.Ltmp2:
0x175: {  	v6 =	vmax.f32 v6, v10;
	v12 =	vmul.f32 v12, v0;
	v11 =	vadd.f32 v11, v9;
	v9 =	vld [tilespmem:s16+$0xE850];
	(pc) =	sbr.rel @p1 .LBB2_7-.Ltmp2, $4  }
0x176: {  	v10 =	vld [tilespmem:s16+$0x12850]  }
0x177: {  	v5 =	vmax.f32 v5, v12;
	v14 =	vmul.f32 v11, v0;
	v15 =	vadd.f32 v16, v15;
	v11 =	vld [tilespmem:s16+$0xE860]  }
0x178: {  	v13 =	vld [tilespmem:s16+$0x12860];
	s16 =	sshra.s32 s6, $0x2  }
0x179: {  	s6 =	sadd.s32 $0x200, s6;
	v12 =	vld [tilespmem:s16+$0xE870];
	v4 =	vmax.f32 v4, v14;
	v14 =	vmul.f32 v15, v0;
	v15 =	vadd.f32 v18, v17  }
0x17a: {  	v16 =	vld [tilespmem:s16+$0x12870]  }
0x17b: {  	v18 =	vld [tilespmem:s16+$0xE800]  }
0x17c: {  	v19 =	vld [tilespmem:s16+$0x12800]  }
0x17d: {  	v20 =	vld [tilespmem:s16+$0xE810]  }
0x17e: {  	v21 =	vld [tilespmem:s16+$0x12810]  }
0x17f: {  	v22 =	vld [tilespmem:s16+$0xE820]  }
0x180: {  	v23 =	vld [tilespmem:s16+$0x12820]  }
0x181: {  	v24 =	vld [tilespmem:s16+$0xE830]  }
0x182: {  	v25 =	vld [tilespmem:s16+$0x12830]  }
0x183: {  	s6 =	sadd.s32 $0x1, s22;
	v26 =	vld [tilespmem:s16+$0xE840]  }
0x184: {  	v17 =	vld.msk [tilespmem:s6+$0x0 ss:$0x0], $0xffff  }
0x185: {  	v27 =	vld [tilespmem:s16+$0x12840]  }
0x186: {  	v28 =	vld [tilespmem:s16+$0xE850];
	v15 =	vmul.f32 v15, v0  }
0x187: {  	v63 =	vld [tilespmem:s16+$0xE860];
	v7 =	vmax.f32 v7, v14;
	v11 =	vadd.f32 v13, v11;
	v18 =	vadd.f32 v19, v18  }
0x188: {  	v8 =	vmax.f32 v8, v15;
	v15 =	vld [tilespmem:s16+$0x12860];
	v14 =	vadd.f32 v21, v20;
	v13 =	vadd.f32 v23, v22  }
0x189: {  	v62 =	vld [tilespmem:s16+$0x12850];
	v9 =	vadd.f32 v10, v9;
	v10 =	vmul.f32 v18, v17  }
0x18a: {  	v14 =	vmul.f32 v14, v17;
	v13 =	vmul.f32 v13, v17  }
0x18b: {  	v12 =	vadd.f32 v16, v12;
	v6 =	vmax.f32 v6, v10;
	v10 =	vadd.f32 v25, v24  }
0x18c: {  	v5 =	vmax.f32 v5, v14;
	v14 =	vadd.f32 v27, v26;
	v4 =	vmax.f32 v4, v13  }
0x18d: {  	v13 =	vadd.f32 v15, v63;
	[tilespmem:$0x1CA00] =	vst v6;
	v6 =	vmul.f32 v9, v0;
	v9 =	vmul.f32 v10, v17  }
0x18e: {  	v16 =	vadd.f32 v62, v28;
	[tilespmem:$0x1CA10] =	vst v5;
	v0 =	vmul.f32 v11, v0;
	v10 =	vmul.f32 v14, v17  }
0x18f: {  	[tilespmem:$0x1CA20] =	vst v4;
	v3 =	vmax.f32 v3, v6;
	v6 =	vmul.f32 v13, v17;
	v5 =	vmax.f32 v7, v9  }
0x190: {  	v0 =	vmax.f32 v2, v0;
	v7 =	vmul.f32 v16, v17;
	v4 =	vmax.f32 v8, v10;
	[tilespmem:$0x1CA30] =	vst v5  }
0x191: {  	v5 =	vmul.f32 v12, v17;
	[tilespmem:$0x1CA40] =	vst v4;
	v0 =	vmax.f32 v0, v6  }
0x192: {  	v2 =	vmax.f32 v3, v7;
	[tilespmem:$0x1CA60] =	vst v0  }
0x193: {  	[tilespmem:$0x1CA50] =	vst v2;
	v1 =	vmax.f32 v1, v5  }
0x194: {  	s6 =	simm.s32 $0x0;
	[tilespmem:$0x1CA70] =	vst v1  }
0x195: {  	v1 =	vld [tilespmem:s6+$0xF870]  }
0x196: {  	s22 =	simm.s32 $0x1C860;
	v2 =	vld [tilespmem:s6+$0x13870]  }
0x197: {  	v0 =	vld.msk [tilespmem:s22+$0x0 ss:$0x0], $0xffff  }
0x198: {  	v3 =	vld [tilespmem:s6+$0xF800]  }
0x199: {  	v4 =	vld [tilespmem:s6+$0x13800]  }
0x19a: {  	v5 =	vld [tilespmem:s6+$0xF810]  }
0x19b: {  	v6 =	vld [tilespmem:s6+$0x13810]  }
0x19c: {  	v7 =	vld [tilespmem:s6+$0xF820]  }
0x19d: {  	v8 =	vld [tilespmem:s6+$0x13820]  }
0x19e: {  	v9 =	vld [tilespmem:s6+$0xF830]  }
0x19f: {  	v11 =	vld [tilespmem:s6+$0x13830];
	_ =	sdelay $0x2  }
0x1a0: {  	v15 =	vld [tilespmem:s6+$0x13840];
	v1 =	vadd.f32 v2, v1;
	v3 =	vadd.f32 v4, v3  }
0x1a1: {  	v2 =	vld [tilespmem:s6+$0xF840];
	v4 =	vadd.f32 v6, v5;
	v5 =	vadd.f32 v8, v7  }
0x1a2: {  	v10 =	vld [tilespmem:s6+$0xF850];
	v8 =	vadd.f32 v11, v9;
	v1 =	vmul.f32 v1, v0;
	v3 =	vmul.f32 v3, v0  }
0x1a3: {  	v13 =	vld [tilespmem:s6+$0x13850];
	v7 =	vimm.f32 $0.0e+00;
	v4 =	vmul.f32 v4, v0;
	v5 =	vmul.f32 v5, v0  }
0x1a4: {  	v12 =	vld [tilespmem:s6+$0x13860];
	v14 =	vmul.f32 v8, v0;
	v8 =	vimm.f32 $0.0e+00;
	v1 =	vmax.f32 v7, v1  }
0x1a5: {  	s16 =	simm.s32 $0x80;
	v9 =	vld [tilespmem:s6+$0xF860];
	v6 =	vmax.f32 v7, v3;
	v4 =	vmax.f32 v7, v4;
	v5 =	vmax.f32 v7, v5  }
0x1a6: {  	v11 =	vld [tilespmem:s16+$0xF870];
	s6 =	simm.s32 $0x400;
	v3 =	vimm.f32 $0.0e+00;
	v15 =	vadd.f32 v15, v2;
	v2 =	vimm.f32 $0.0e+00  }
.LBB2_9:
0x1a7: {  	p1 =	sne.s32 s6, $0x3E00;
	v16 =	vld [tilespmem:s16+$0x13870];
	s22 =	sadd.s32 $0x1, s22  }
0x1a8: {  	v17 =	vld.msk [tilespmem:s22+$0x0 ss:$0x0], $0xffff;
	v7 =	vmax.f32 v7, v14;
	v14 =	vmul.f32 v15, v0;
	v10 =	vadd.f32 v13, v10  }
0x1a9: {  	v13 =	vld [tilespmem:s16+$0xF800]  }
0x1aa: {  	v15 =	vld [tilespmem:s16+$0x13800];
	v8 =	vmax.f32 v8, v14;
	v10 =	vmul.f32 v10, v0;
	v9 =	vadd.f32 v12, v9  }
0x1ab: {  	v12 =	vld [tilespmem:s16+$0xF810]  }
0x1ac: {  	v14 =	vld [tilespmem:s16+$0x13810];
	v11 =	vadd.f32 v16, v11;
	v3 =	vmax.f32 v3, v10;
	v16 =	vmul.f32 v9, v0  }
0x1ad: {  	v9 =	vld [tilespmem:s16+$0xF820]  }
0x1ae: {  	v0 =	vmov v17;
	v10 =	vld [tilespmem:s16+$0x13820];
	v11 =	vmul.f32 v11, v17;
	v2 =	vmax.f32 v2, v16  }
0x1af: {  	v13 =	vadd.f32 v15, v13;
	v15 =	vld [tilespmem:s16+$0xF830]  }
0x1b0: {  	v16 =	vld [tilespmem:s16+$0x13830];
	v1 =	vmax.f32 v1, v11  }
0x1b1: {  	v11 =	vmul.f32 v13, v0;
	v12 =	vadd.f32 v14, v12;
	v17 =	vld [tilespmem:s16+$0xF840]  }
0x1b2: {  	v18 =	vld [tilespmem:s16+$0x13840]  }
.Ltmp3:
0x1b3: {  	v6 =	vmax.f32 v6, v11;
	v11 =	vmul.f32 v12, v0;
	v9 =	vadd.f32 v10, v9;
	v10 =	vld [tilespmem:s16+$0xF850];
	(pc) =	sbr.rel @p1 .LBB2_9-.Ltmp3, $4  }
0x1b4: {  	v13 =	vld [tilespmem:s16+$0x13850]  }
0x1b5: {  	v4 =	vmax.f32 v4, v11;
	v14 =	vmul.f32 v9, v0;
	v15 =	vadd.f32 v16, v15;
	v9 =	vld [tilespmem:s16+$0xF860]  }
0x1b6: {  	v12 =	vld [tilespmem:s16+$0x13860];
	s16 =	sshra.s32 s6, $0x2  }
0x1b7: {  	s6 =	sadd.s32 $0x200, s6;
	v11 =	vld [tilespmem:s16+$0xF870];
	v5 =	vmax.f32 v5, v14;
	v14 =	vmul.f32 v15, v0;
	v15 =	vadd.f32 v18, v17  }
0x1b8: {  	v16 =	vld [tilespmem:s16+$0x13870]  }
0x1b9: {  	v18 =	vld [tilespmem:s16+$0xF800]  }
0x1ba: {  	v19 =	vld [tilespmem:s16+$0x13800]  }
0x1bb: {  	v20 =	vld [tilespmem:s16+$0xF810]  }
0x1bc: {  	v21 =	vld [tilespmem:s16+$0x13810]  }
0x1bd: {  	v22 =	vld [tilespmem:s16+$0xF820]  }
0x1be: {  	v23 =	vld [tilespmem:s16+$0x13820]  }
0x1bf: {  	v24 =	vld [tilespmem:s16+$0xF830]  }
0x1c0: {  	v25 =	vld [tilespmem:s16+$0x13830]  }
0x1c1: {  	s6 =	sadd.s32 $0x1, s22;
	v26 =	vld [tilespmem:s16+$0xF840]  }
0x1c2: {  	v17 =	vld.msk [tilespmem:s6+$0x0 ss:$0x0], $0xffff  }
0x1c3: {  	v27 =	vld [tilespmem:s16+$0x13840]  }
0x1c4: {  	v28 =	vld [tilespmem:s16+$0xF850];
	v15 =	vmul.f32 v15, v0;
	v10 =	vadd.f32 v13, v10  }
0x1c5: {  	v13 =	vld [tilespmem:s16+$0x13850];
	v7 =	vmax.f32 v7, v14;
	v14 =	vadd.f32 v19, v18  }
0x1c6: {  	v61 =	vld [tilespmem:s16+$0xF860];
	v8 =	vmax.f32 v8, v15;
	v10 =	vmul.f32 v10, v0;
	v15 =	vadd.f32 v21, v20  }
0x1c7: {  	v62 =	vld [tilespmem:s16+$0x13860];
	v9 =	vadd.f32 v12, v9;
	v12 =	vmul.f32 v14, v17;
	v14 =	vadd.f32 v23, v22  }
0x1c8: {  	v11 =	vadd.f32 v16, v11;
	v16 =	vadd.f32 v25, v24;
	v15 =	vmul.f32 v15, v17  }
0x1c9: {  	v6 =	vmax.f32 v6, v12;
	v12 =	vmul.f32 v14, v17;
	v14 =	vadd.f32 v27, v26  }
0x1ca: {  	v13 =	vadd.f32 v13, v28;
	v4 =	vmax.f32 v4, v15;
	v15 =	vmul.f32 v16, v17;
	[tilespmem:$0x1CA80] =	vst v6  }
0x1cb: {  	v0 =	vmul.f32 v9, v0;
	[tilespmem:$0x1CA90] =	vst v4;
	v5 =	vmax.f32 v5, v12;
	v6 =	vmul.f32 v14, v17  }
0x1cc: {  	v12 =	vadd.f32 v62, v61;
	v4 =	vmax.f32 v7, v15;
	v7 =	vmul.f32 v13, v17;
	[tilespmem:$0x1CAA0] =	vst v5  }
0x1cd: {  	v3 =	vmax.f32 v3, v10;
	[tilespmem:$0x1CAB0] =	vst v4;
	v4 =	vmul.f32 v11, v17;
	v5 =	vmax.f32 v8, v6  }
0x1ce: {  	v0 =	vmax.f32 v2, v0;
	v6 =	vmul.f32 v12, v17;
	v2 =	vmax.f32 v3, v7;
	[tilespmem:$0x1CAC0] =	vst v5  }
0x1cf: {  	s22 =	sadd.s32 s10, s0;
	[tilespmem:$0x1CAD0] =	vst v2;
	v1 =	vmax.f32 v1, v4  }
0x1d0: {  	s6 =	sshll.u32 s22, $0x7;
	v0 =	vmax.f32 v0, v6;
	[tilespmem:$0x1CAF0] =	vst v1  }
0x1d1: {  	p1 =	seq.s32 s0, $0x27;
	s6 =	sadd.s32 s8, s6;
	[tilespmem:$0x1CAE0] =	vst v0  }
0x1d2: {  	[hbm4b:s6+s4] =	stream.linear.scatter [tilespmem:s26], [sflag:$0x3], $0x200, $0x38;
	[tilespmem:$0x1CD00] =	vst v63  }
0x1d3: {  	s16 =	simm.s32 @!p1 $0x80;
	s22 =	simm.s32 @!p1 $0xC800;
	s6 =	sadd.s32 @!p1 $0x100, s3  }
0x1d4: {  	[tilespmem:s22], [sflag:$0x1] =	stream.indirect.gather @!p1 [hbm4b:s1+s16], $0x80, s6, s16, $0xb8;
	[tilespmem:$0x1CD00] =	vst v63  }
0x1d5: {  	s6 =	sadd.s32 @!p1 $0x2900, s3;
	s22 =	simm.s32 @!p1 $0x10800  }
0x1d6: {  	[tilespmem:s22], [sflag:$0x1] =	stream.indirect.gather @!p1 [hbm4b:s5+s16], $0x80, s6, s16, $0xb8;
	[tilespmem:$0x1CD00] =	vst v63  }
0x1d7: {  	s16 =	sor.u32 $0x90, s3;
	v0 =	vld [tilespmem:s21+$0x0]  }
0x1d8: {  	s22 =	sor.u32 $0xA0, s3;
	v1 =	vld [tilespmem:s16+$0x0]  }
0x1d9: {  	v2 =	vld [tilespmem:s22+$0x0]  }
0x1da: {  	v8 =	vld [tilespmem:s21+$0x2800]  }
0x1db: {  	v9 =	vld [tilespmem:s3+$0x2890]  }
0x1dc: {  	v10 =	vld [tilespmem:s3+$0x28A0]  }
0x1dd: {  	v11 =	vld [tilespmem:s3+$0x28B0]  }
0x1de: {  	v12 =	vld [tilespmem:s3+$0x28C0]  }
0x1df: {  	v13 =	vld [tilespmem:s3+$0x28D0]  }
0x1e0: {  	v14 =	vld [tilespmem:s3+$0x28E0]  }
0x1e1: {  	s16 =	sor.u32 $0xB0, s3;
	v15 =	vld [tilespmem:s3+$0x28F0]  }
0x1e2: {  	s22 =	sor.u32 $0xC0, s3;
	v3 =	vld [tilespmem:s16+$0x0]  }
0x1e3: {  	v4 =	vld [tilespmem:s22+$0x0];
	s16 =	sor.u32 $0xD0, s3  }
0x1e4: {  	s22 =	sor.u32 $0xE0, s3;
	v5 =	vld [tilespmem:s16+$0x0]  }
0x1e5: {  	v6 =	vld [tilespmem:s22+$0x0];
	s16 =	sor.u32 $0xF0, s3  }
0x1e6: {  	v7 =	vld [tilespmem:s16+$0x0]  }
0x1e7: {  	v16 =	vld.idx.msk [tilespmem:v8+s17+$0x0], $0xffff  }
0x1e8: {  	v17 =	vld.idx.msk [tilespmem:v0+s17+$0x0], $0xffff  }
0x1e9: {  	v63 =	vld.idx.msk [tilespmem:v9+s17+$0x0], $0xffff  }
0x1ea: {  	v48 =	vld.idx.msk [tilespmem:v1+s17+$0x0], $0xffff  }
0x1eb: {  	v49 =	vld.idx.msk [tilespmem:v10+s17+$0x0], $0xffff  }
0x1ec: {  	v50 =	vld.idx.msk [tilespmem:v2+s17+$0x0], $0xffff  }
0x1ed: {  	v51 =	vld.idx.msk [tilespmem:v11+s17+$0x0], $0xffff  }
0x1ee: {  	v53 =	vld.idx.msk [tilespmem:v12+s17+$0x0], $0xffff  }
0x1ef: {  	v55 =	vld.idx.msk [tilespmem:v13+s17+$0x0], $0xffff  }
0x1f0: {  	v57 =	vld.idx.msk [tilespmem:v14+s17+$0x0], $0xffff  }
0x1f1: {  	v30 =	vld.idx.msk [tilespmem:v15+s17+$0x0], $0xffff  }
0x1f2: {  	v32 =	vld.idx.msk [tilespmem:v8+s18+$0x0], $0xffff  }
0x1f3: {  	v33 =	vld.idx.msk [tilespmem:v0+s18+$0x0], $0xffff  }
0x1f4: {  	v34 =	vld.idx.msk [tilespmem:v9+s18+$0x0], $0xffff  }
0x1f5: {  	v35 =	vld.idx.msk [tilespmem:v1+s18+$0x0], $0xffff  }
0x1f6: {  	v36 =	vld.idx.msk [tilespmem:v10+s18+$0x0], $0xffff  }
0x1f7: {  	v37 =	vld.idx.msk [tilespmem:v2+s18+$0x0], $0xffff  }
0x1f8: {  	v38 =	vld.idx.msk [tilespmem:v11+s18+$0x0], $0xffff  }
0x1f9: {  	v40 =	vld.idx.msk [tilespmem:v12+s18+$0x0], $0xffff  }
0x1fa: {  	v42 =	vld.idx.msk [tilespmem:v13+s18+$0x0], $0xffff  }
0x1fb: {  	v44 =	vld.idx.msk [tilespmem:v14+s18+$0x0], $0xffff  }
0x1fc: {  	v46 =	vld.idx.msk [tilespmem:v15+s18+$0x0], $0xffff  }
0x1fd: {  	v8 =	vld.idx.msk [tilespmem:v8+s19+$0x0], $0xffff  }
0x1fe: {  	v0 =	vld.idx.msk [tilespmem:v0+s19+$0x0], $0xffff  }
0x1ff: {  	v9 =	vld.idx.msk [tilespmem:v9+s19+$0x0], $0xffff  }
0x200: {  	v1 =	vld.idx.msk [tilespmem:v1+s19+$0x0], $0xffff  }
0x201: {  	v10 =	vld.idx.msk [tilespmem:v10+s19+$0x0], $0xffff  }
0x202: {  	v2 =	vld.idx.msk [tilespmem:v2+s19+$0x0], $0xffff  }
0x203: {  	v11 =	vld.idx.msk [tilespmem:v11+s19+$0x0], $0xffff  }
0x204: {  	v12 =	vld.idx.msk [tilespmem:v12+s19+$0x0], $0xffff  }
0x205: {  	v13 =	vld.idx.msk [tilespmem:v13+s19+$0x0], $0xffff  }
0x206: {  	v14 =	vld.idx.msk [tilespmem:v14+s19+$0x0], $0xffff  }
0x207: {  	v15 =	vld.idx.msk [tilespmem:v15+s19+$0x0], $0xffff  }
0x208: {  	v52 =	vld.idx.msk [tilespmem:v3+s17+$0x0], $0xffff  }
0x209: {  	v54 =	vld.idx.msk [tilespmem:v4+s17+$0x0], $0xffff  }
0x20a: {  	v39 =	vld.idx.msk [tilespmem:v3+s18+$0x0], $0xffff  }
0x20b: {  	v41 =	vld.idx.msk [tilespmem:v4+s18+$0x0], $0xffff  }
0x20c: {  	v3 =	vld.idx.msk [tilespmem:v3+s19+$0x0], $0xffff  }
0x20d: {  	v4 =	vld.idx.msk [tilespmem:v4+s19+$0x0], $0xffff  }
0x20e: {  	v56 =	vld.idx.msk [tilespmem:v5+s17+$0x0], $0xffff;
	v16 =	vsub.f32 v16, v17;
	v17 =	vsub.f32 v63, v48  }
0x20f: {  	v29 =	vld.idx.msk [tilespmem:v6+s17+$0x0], $0xffff;
	v58 =	vsub.f32 v49, v50;
	v33 =	vsub.f32 v32, v33  }
0x210: {  	v43 =	vld.idx.msk [tilespmem:v5+s18+$0x0], $0xffff;
	v35 =	vsub.f32 v34, v35;
	v37 =	vsub.f32 v36, v37  }
0x211: {  	v45 =	vld.idx.msk [tilespmem:v6+s18+$0x0], $0xffff;
	v0 =	vsub.f32 v8, v0;
	v1 =	vsub.f32 v9, v1  }
0x212: {  	v5 =	vld.idx.msk [tilespmem:v5+s19+$0x0], $0xffff;
	v2 =	vsub.f32 v10, v2;
	v59 =	vsub.f32 v51, v52  }
0x213: {  	v6 =	vld.idx.msk [tilespmem:v6+s19+$0x0], $0xffff;
	v60 =	vsub.f32 v53, v54;
	v39 =	vsub.f32 v38, v39  }
0x214: {  	v31 =	vld.idx.msk [tilespmem:v7+s17+$0x0], $0xffff;
	v41 =	vsub.f32 v40, v41;
	v3 =	vsub.f32 v11, v3  }
0x215: {  	v47 =	vld.idx.msk [tilespmem:v7+s18+$0x0], $0xffff;
	v4 =	vsub.f32 v12, v4;
	v61 =	vsub.f32 v55, v56  }
0x216: {  	v7 =	vld.idx.msk [tilespmem:v7+s19+$0x0], $0xffff;
	v62 =	vsub.f32 v57, v29;
	v48 =	vsub.f32 v42, v43  }
0x217: {  	v49 =	vsub.f32 v44, v45;
	v5 =	vsub.f32 v13, v5;
	v8 =	vmul.f32 v16, v16  }
0x218: {  	v9 =	vmul.f32 v33, v33;
	v6 =	vsub.f32 v14, v6;
	v10 =	vmul.f32 v17, v17  }
0x219: {  	v11 =	vmul.f32 v35, v35;
	v0 =	vmul.f32 v0, v0;
	v63 =	vsub.f32 v30, v31  }
0x21a: {  	v1 =	vmul.f32 v1, v1;
	v50 =	vsub.f32 v46, v47;
	v8 =	vadd.f32 v9, v8  }
0x21b: {  	v2 =	vmul.f32 v2, v2;
	v7 =	vsub.f32 v15, v7;
	v9 =	vadd.f32 v11, v10  }
0x21c: {  	v10 =	vmul.f32 v58, v58;
	v0 =	vadd.f32 v0, v8;
	v8 =	vmul.f32 v37, v37  }
0x21d: {  	v11 =	vmul.f32 v39, v39;
	v1 =	vadd.f32 v1, v9;
	v9 =	vmul.f32 v59, v59  }
0x21e: {  	v3 =	vmul.f32 v3, v3;
	v4 =	vmul.f32 v4, v4;
	v8 =	vadd.f32 v8, v10  }
0x21f: {  	v12 =	vmul.f32 v48, v48;
	v13 =	vmul.f32 v49, v49;
	v9 =	vadd.f32 v11, v9  }
0x220: {  	v10 =	vmul.f32 v60, v60;
	v11 =	vmul.f32 v41, v41;
	v2 =	vadd.f32 v2, v8  }
0x221: {  	v8 =	vmul.f32 v61, v61;
	v3 =	vadd.f32 v3, v9;
	v9 =	vmul.f32 v62, v62  }
0x222: {  	v14 =	vmul.f32 v50, v50;
	v10 =	vadd.f32 v11, v10;
	v11 =	vmul.f32 v63, v63  }
0x223: {  	v8 =	vadd.f32 v12, v8;
	v12 =	vmul.f32 v5, v5;
	v9 =	vadd.f32 v13, v9  }
0x224: {  	v13 =	vmul.f32 v6, v6;
	v5 =	vadd.f32 v4, v10;
	v10 =	vmax.f32 v2, $1.000000000e-30  }
0x225: {  	v11 =	vadd.f32 v14, v11;
	v14 =	vmul.f32 v7, v7;
	v52 =	vshra.s32 v10, $0x1  }
0x226: {  	v10 =	vmul.f32 $5.000000000e-01, v10;
	v6 =	vadd.f32 v12, v8;
	v7 =	vadd.f32 v13, v9  }
0x227: {  	v4 =	vadd.f32 v14, v11;
	v8 =	vmax.f32 v0, $1.000000000e-30;
	v9 =	vmax.f32 v1, $1.000000000e-30  }
0x228: {  	v11 =	vmax.f32 v3, $1.000000000e-30;
	v13 =	vmax.f32 v5, $1.000000000e-30;
	v19 =	vsub.s32 $0x5F3759DF, v52  }
0x229: {  	v12 =	vshra.s32 v8, $0x1;
	v8 =	vmul.f32 $5.000000000e-01, v8;
	v15 =	vshra.s32 v9, $0x1  }
0x22a: {  	v9 =	vmul.f32 $5.000000000e-01, v9;
	v54 =	vshra.s32 v11, $0x1;
	v57 =	vmul.f32 v19, v10  }
0x22b: {  	v55 =	vshra.s32 v13, $0x1;
	v11 =	vmul.f32 $5.000000000e-01, v11;
	v13 =	vmul.f32 $5.000000000e-01, v13  }
0x22c: {  	v14 =	vmax.f32 v6, $1.000000000e-30;
	v12 =	vsub.s32 $0x5F3759DF, v12;
	v17 =	vmax.f32 v7, $1.000000000e-30  }
0x22d: {  	v51 =	vmax.f32 v4, $1.000000000e-30;
	v15 =	vsub.s32 $0x5F3759DF, v15;
	v21 =	vsub.s32 $0x5F3759DF, v54  }
0x22e: {  	v22 =	vsub.s32 $0x5F3759DF, v55;
	v16 =	vmul.f32 v12, v8;
	v53 =	vmul.f32 v15, v9  }
0x22f: {  	v56 =	vshra.s32 v14, $0x1;
	v58 =	vshra.s32 v17, $0x1;
	v60 =	vmul.f32 v21, v11  }
0x230: {  	v61 =	vmul.f32 v22, v13;
	v62 =	vshra.s32 v51, $0x1;
	v14 =	vmul.f32 $5.000000000e-01, v14  }
0x231: {  	v17 =	vmul.f32 $5.000000000e-01, v17;
	v18 =	vmul.f32 $5.000000000e-01, v51;
	v23 =	vsub.s32 $0x5F3759DF, v56  }
0x232: {  	v59 =	vsub.s32 $0x5F3759DF, v58;
	v16 =	vmul.f32 v12, v16;
	v20 =	vmul.f32 v15, v53  }
0x233: {  	v26 =	vsub.s32 $0x5F3759DF, v62;
	v25 =	vmul.f32 v22, v61;
	v63 =	vmul.f32 v23, v14  }
0x234: {  	v24 =	vmul.f32 v21, v60;
	v32 =	vmul.f32 v59, v17;
	v16 =	vsub.f32 $1.500000000e+00, v16  }
0x235: {  	v37 =	vmul.f32 v26, v18;
	v34 =	vsub.f32 $1.500000000e+00, v25;
	v35 =	vmul.f32 v23, v63  }
0x236: {  	v36 =	vmul.f32 v59, v32;
	v12 =	vmul.f32 v12, v16;
	v16 =	vsub.f32 $1.500000000e+00, v20  }
0x237: {  	v42 =	vmul.f32 v26, v37;
	v39 =	vmul.f32 v22, v34;
	v40 =	vsub.f32 $1.500000000e+00, v35  }
0x238: {  	v41 =	vsub.f32 $1.500000000e+00, v36;
	v15 =	vmul.f32 v15, v16;
	v16 =	vmul.f32 v19, v57  }
0x239: {  	v46 =	vsub.f32 $1.500000000e+00, v42;
	v38 =	vmul.f32 v12, v8;
	v22 =	vmul.f32 v23, v40  }
0x23a: {  	v20 =	vmul.f32 v59, v41;
	v53 =	vmul.f32 v39, v13  }
0x23b: {  	v23 =	vmul.f32 v26, v46;
	v43 =	vmul.f32 v38, v12  }
0x23c: {  	v16 =	vsub.f32 $1.500000000e+00, v16;
	v44 =	vmul.f32 v15, v9;
	v55 =	vmul.f32 v53, v39  }
0x23d: {  	v33 =	vsub.f32 $1.500000000e+00, v24;
	v56 =	vmul.f32 v22, v14;
	v57 =	vmul.f32 v20, v17  }
0x23e: {  	v58 =	vmul.f32 v23, v18;
	v16 =	vmul.f32 v19, v16  }
0x23f: {  	v19 =	vmul.f32 v21, v33;
	v48 =	vmul.f32 v44, v15  }
0x240: {  	v47 =	vsub.f32 $1.500000000e+00, v43;
	v59 =	vmul.f32 v56, v22;
	v60 =	vmul.f32 v57, v20  }
0x241: {  	v25 =	vsub.f32 $1.500000000e+00, v55;
	v61 =	vmul.f32 v58, v23;
	v45 =	vmul.f32 v16, v10  }
0x242: {  	v50 =	vmul.f32 v19, v11;
	v12 =	vmul.f32 v47, v12;
	v51 =	vsub.f32 $1.500000000e+00, v48  }
0x243: {  	v21 =	vmul.f32 v25, v39;
	v24 =	vsub.f32 $1.500000000e+00, v59;
	v49 =	vmul.f32 v45, v16  }
0x244: {  	v62 =	vsub.f32 $1.500000000e+00, v60;
	v26 =	vmul.f32 v50, v19;
	v15 =	vmul.f32 v51, v15  }
0x245: {  	v8 =	vmul.f32 v12, v8;
	v22 =	vmul.f32 v24, v22  }
0x246: {  	v20 =	vmul.f32 v62, v20;
	v52 =	vsub.f32 $1.500000000e+00, v49;
	v54 =	vsub.f32 $1.500000000e+00, v26  }
0x247: {  	v63 =	vsub.f32 $1.500000000e+00, v61;
	v9 =	vmul.f32 v15, v9;
	v8 =	vmul.f32 v8, v12  }
0x248: {  	v16 =	vmul.f32 v52, v16;
	v19 =	vmul.f32 v54, v19  }
0x249: {  	v23 =	vmul.f32 v63, v23;
	v9 =	vmul.f32 v9, v15;
	v8 =	vsub.f32 $1.500000000e+00, v8  }
0x24a: {  	v10 =	vmul.f32 v16, v10;
	v11 =	vmul.f32 v19, v11  }
0x24b: {  	v9 =	vsub.f32 $1.500000000e+00, v9;
	v8 =	vmul.f32 v8, v12;
	v12 =	vmul.f32 v21, v13  }
0x24c: {  	v13 =	vmul.f32 v22, v14;
	v14 =	vmul.f32 v20, v17  }
0x24d: {  	v9 =	vmul.f32 v9, v15;
	v10 =	vmul.f32 v10, v16  }
0x24e: {  	v11 =	vmul.f32 v11, v19;
	v15 =	vmul.f32 v23, v18  }
0x24f: {  	v12 =	vmul.f32 v12, v21;
	v13 =	vmul.f32 v13, v22  }
0x250: {  	v14 =	vmul.f32 v14, v20;
	v0 =	vmul.f32 v8, v0  }
0x251: {  	v10 =	vsub.f32 $1.500000000e+00, v10;
	v11 =	vsub.f32 $1.500000000e+00, v11;
	v15 =	vmul.f32 v15, v23  }
0x252: {  	v12 =	vsub.f32 $1.500000000e+00, v12;
	v13 =	vsub.f32 $1.500000000e+00, v13;
	v1 =	vmul.f32 v9, v1  }
0x253: {  	v14 =	vsub.f32 $1.500000000e+00, v14;
	v0 =	vmul.f32 $1.442695020e+00, v0;
	v10 =	vmul.f32 v10, v16  }
0x254: {  	v11 =	vmul.f32 v11, v19;
	v12 =	vmul.f32 v12, v21  }
0x255: {  	v15 =	vsub.f32 $1.500000000e+00, v15;
	v13 =	vmul.f32 v13, v22;
	v14 =	vmul.f32 v14, v20  }
0x256: {  	v1 =	vmul.f32 $1.442695020e+00, v1;
	(erf) = vpow2.f32 v0  }
0x257: {  	v15 =	vmul.f32 v15, v23;
	v2 =	vmul.f32 v10, v2  }
0x258: {  	v3 =	vmul.f32 v11, v3;
	v5 =	vmul.f32 v12, v5  }
0x259: {  	v6 =	vmul.f32 v13, v6;
	v0 =	vmul.f32 $1.442695020e+00, v2  }
0x25a: {  	(erf) = vpow2.f32 v1;
	v1 =	vmul.f32 $1.442695020e+00, v3  }
0x25b: {  	v7 =	vmul.f32 v14, v7;
	(erf) = vpow2.f32 v0  }
0x25c: {  	v0 =	vmul.f32 $1.442695020e+00, v5;
	(erf) = vpow2.f32 v1  }
0x25d: {  	v4 =	vmul.f32 v15, v4;
	v1 =	vmul.f32 $1.442695020e+00, v6  }
0x25e: {  	(erf) = vpow2.f32 v0;
	v0 =	vmul.f32 $1.442695020e+00, v7  }
0x25f: {  	(erf) = vpow2.f32 v1;
	v1 =	vmul.f32 $1.442695020e+00, v4  }
0x260: {  	(erf) = vpow2.f32 v0  }
0x261: {  	(erf) = vpow2.f32 v1  }
0x262: {  	v0 =	vpop (erf)  }
0x263: {  	v1 =	vpop (erf);
	v0 =	vadd.f32 $1.000000000e+00, v0  }
0x264: {  	v1 =	vadd.f32 $1.000000000e+00, v1;
	v2 =	vpop (erf)  }
0x265: {  	(erf) = vrcp.f32 v0;
	v3 =	vpop (erf);
	v0 =	vadd.f32 $1.000000000e+00, v2  }
0x266: {  	(erf) = vrcp.f32 v1;
	v1 =	vadd.f32 $1.000000000e+00, v3  }
0x267: {  	v2 =	vpop (erf);
	(erf) = vrcp.f32 v0  }
0x268: {  	v3 =	vpop (erf);
	v0 =	vadd.f32 $1.000000000e+00, v2;
	(erf) = vrcp.f32 v1  }
0x269: {  	v2 =	vpop (erf);
	v1 =	vadd.f32 $1.000000000e+00, v3  }
0x26a: {  	v3 =	vpop (erf);
	(erf) = vrcp.f32 v0;
	v0 =	vadd.f32 $1.000000000e+00, v2  }
0x26b: {  	(erf) = vrcp.f32 v1;
	v1 =	vadd.f32 $1.000000000e+00, v3  }
0x26c: {  	(erf) = vrcp.f32 v0  }
0x26d: {  	(erf) = vrcp.f32 v1  }
0x26e: {  	v0 =	vpop (erf)  }
0x26f: {  	v1 =	vpop (erf);
	v0 =	vadd.f32 v0, v0  }
0x270: {  	v1 =	vadd.f32 v1, v1;
	v2 =	vpop (erf)  }
0x271: {  	v3 =	vpop (erf);
	v2 =	vadd.f32 v2, v2  }
0x272: {  	[tilespmem:$0x1C800] =	vst v0;
	v3 =	vadd.f32 v3, v3  }
0x273: {  	[tilespmem:$0x1C810] =	vst v1;
	v0 =	vpop (erf)  }
0x274: {  	v1 =	vpop (erf);
	v0 =	vadd.f32 v0, v0;
	[tilespmem:$0x1C820] =	vst v2  }
0x275: {  	v1 =	vadd.f32 v1, v1;
	[tilespmem:$0x1C830] =	vst v3;
	v2 =	vpop (erf)  }
0x276: {  	[tilespmem:$0x1C840] =	vst v0;
	v2 =	vadd.f32 v2, v2;
	v3 =	vpop (erf)  }
0x277: {  	[tilespmem:$0x1C850] =	vst v1;
	v0 =	vadd.f32 v3, v3  }
0x278: {  	[tilespmem:$0x1C860] =	vst v2  }
0x279: {  	[tilespmem:$0x1C870] =	vst v0  }
0x27a: {  	_ =	swait.ge [sflag:s28], $0x4000  }
0x27b: {  	[sflag:s28] =	ssyncset.done $0x0  }
0x27c: {  	[sflag:s28] =	ssyncadd.s32 $0xFFFFC000  }
0x27d: {  	_ =	swait.ge [sflag:s28], $0x4000  }
0x27e: {  	[sflag:s28] =	ssyncset.done $0x0  }
0x27f: {  	s3 =	simm.s32 @!p0 $0x4;
	[sflag:s28] =	ssyncadd.s32 $0xFFFFC000  }
0x280: {  	_ =	swait.ge @!p0 [sflag:s3], $0x200  }
0x281: {  	[sflag:s3] =	ssyncset.done @!p0 $0x0  }
0x282: {  	s22 =	simm.s32 $0x0;
	[sflag:s3] =	ssyncadd.s32 @!p0 $0xFFFFFE00  }
0x283: {  	v1 =	vld [tilespmem:s22+$0x14870]  }
0x284: {  	s3 =	simm.s32 $0x1C800;
	v2 =	vld [tilespmem:s22+$0x18870]  }
0x285: {  	v0 =	vld.msk [tilespmem:s3+$0x0 ss:$0x0], $0xffff  }
0x286: {  	v3 =	vld [tilespmem:s22+$0x14800]  }
0x287: {  	v4 =	vld [tilespmem:s22+$0x18800]  }
0x288: {  	v5 =	vld [tilespmem:s22+$0x14810]  }
0x289: {  	v6 =	vld [tilespmem:s22+$0x18810]  }
0x28a: {  	v7 =	vld [tilespmem:s22+$0x14820]  }
0x28b: {  	v8 =	vld [tilespmem:s22+$0x18820]  }
0x28c: {  	v11 =	vld [tilespmem:s22+$0x14830]  }
0x28d: {  	v12 =	vld [tilespmem:s22+$0x18830];
	_ =	sdelay $0x2  }
0x28e: {  	v15 =	vld [tilespmem:s22+$0x18840];
	v1 =	vadd.f32 v2, v1;
	v3 =	vadd.f32 v4, v3  }
0x28f: {  	v2 =	vld [tilespmem:s22+$0x14840];
	v4 =	vadd.f32 v6, v5;
	v5 =	vadd.f32 v8, v7  }
0x290: {  	v9 =	vld [tilespmem:s22+$0x14850];
	v12 =	vadd.f32 v12, v11;
	v1 =	vmul.f32 v1, v0;
	v3 =	vmul.f32 v3, v0  }
0x291: {  	v10 =	vld [tilespmem:s22+$0x18850];
	v7 =	vimm.f32 $0.0e+00;
	v4 =	vmul.f32 v4, v0;
	v8 =	vmul.f32 v5, v0  }
0x292: {  	v13 =	vld [tilespmem:s22+$0x18860];
	v14 =	vmul.f32 v12, v0;
	v1 =	vmax.f32 v7, v1;
	v6 =	vmax.f32 v7, v3  }
0x293: {  	s16 =	simm.s32 $0x80;
	v11 =	vld [tilespmem:s22+$0x14860];
	v5 =	vmax.f32 v7, v4;
	v4 =	vmax.f32 v7, v8;
	v8 =	vimm.f32 $0.0e+00  }
0x294: {  	s6 =	simm.s32 $0x400;
	v12 =	vld [tilespmem:s16+$0x14870];
	v3 =	vimm.f32 $0.0e+00;
	v15 =	vadd.f32 v15, v2;
	v2 =	vimm.f32 $0.0e+00  }
.LBB2_11:
0x295: {  	p0 =	sne.s32 s6, $0x3E00;
	v16 =	vld [tilespmem:s16+$0x18870];
	s3 =	sadd.s32 $0x1, s3  }
0x296: {  	v17 =	vld.msk [tilespmem:s3+$0x0 ss:$0x0], $0xffff;
	v7 =	vmax.f32 v7, v14;
	v14 =	vmul.f32 v15, v0;
	v9 =	vadd.f32 v10, v9  }
0x297: {  	v10 =	vld [tilespmem:s16+$0x14800]  }
0x298: {  	v15 =	vld [tilespmem:s16+$0x18800];
	v8 =	vmax.f32 v8, v14;
	v9 =	vmul.f32 v9, v0;
	v11 =	vadd.f32 v13, v11  }
0x299: {  	v13 =	vld [tilespmem:s16+$0x14810]  }
0x29a: {  	v14 =	vld [tilespmem:s16+$0x18810];
	v12 =	vadd.f32 v16, v12;
	v3 =	vmax.f32 v3, v9;
	v16 =	vmul.f32 v11, v0  }
0x29b: {  	v9 =	vld [tilespmem:s16+$0x14820]  }
0x29c: {  	v0 =	vmov v17;
	v11 =	vld [tilespmem:s16+$0x18820];
	v12 =	vmul.f32 v12, v17;
	v2 =	vmax.f32 v2, v16  }
0x29d: {  	v10 =	vadd.f32 v15, v10;
	v15 =	vld [tilespmem:s16+$0x14830]  }
0x29e: {  	v16 =	vld [tilespmem:s16+$0x18830];
	v1 =	vmax.f32 v1, v12  }
0x29f: {  	v10 =	vmul.f32 v10, v0;
	v12 =	vadd.f32 v14, v13;
	v17 =	vld [tilespmem:s16+$0x14840]  }
0x2a0: {  	v18 =	vld [tilespmem:s16+$0x18840]  }
.Ltmp4:
0x2a1: {  	v6 =	vmax.f32 v6, v10;
	v12 =	vmul.f32 v12, v0;
	v11 =	vadd.f32 v11, v9;
	v9 =	vld [tilespmem:s16+$0x14850];
	(pc) =	sbr.rel @p0 .LBB2_11-.Ltmp4, $4  }
0x2a2: {  	v10 =	vld [tilespmem:s16+$0x18850]  }
0x2a3: {  	v5 =	vmax.f32 v5, v12;
	v14 =	vmul.f32 v11, v0;
	v15 =	vadd.f32 v16, v15;
	v11 =	vld [tilespmem:s16+$0x14860]  }
0x2a4: {  	v13 =	vld [tilespmem:s16+$0x18860];
	s16 =	sshra.s32 s6, $0x2  }
0x2a5: {  	s6 =	sadd.s32 $0x200, s6;
	v12 =	vld [tilespmem:s16+$0x14870];
	v4 =	vmax.f32 v4, v14;
	v14 =	vmul.f32 v15, v0;
	v15 =	vadd.f32 v18, v17  }
0x2a6: {  	v16 =	vld [tilespmem:s16+$0x18870]  }
0x2a7: {  	v18 =	vld [tilespmem:s16+$0x14800]  }
0x2a8: {  	v19 =	vld [tilespmem:s16+$0x18800]  }
0x2a9: {  	v20 =	vld [tilespmem:s16+$0x14810]  }
0x2aa: {  	v21 =	vld [tilespmem:s16+$0x18810]  }
0x2ab: {  	v22 =	vld [tilespmem:s16+$0x14820]  }
0x2ac: {  	v23 =	vld [tilespmem:s16+$0x18820]  }
0x2ad: {  	v24 =	vld [tilespmem:s16+$0x14830]  }
0x2ae: {  	v25 =	vld [tilespmem:s16+$0x18830]  }
0x2af: {  	s3 =	sadd.s32 $0x1, s3;
	v26 =	vld [tilespmem:s16+$0x14840]  }
0x2b0: {  	v17 =	vld.msk [tilespmem:s3+$0x0 ss:$0x0], $0xffff  }
0x2b1: {  	v27 =	vld [tilespmem:s16+$0x18840]  }
0x2b2: {  	v28 =	vld [tilespmem:s16+$0x14850];
	v15 =	vmul.f32 v15, v0  }
0x2b3: {  	v63 =	vld [tilespmem:s16+$0x14860];
	v7 =	vmax.f32 v7, v14;
	v11 =	vadd.f32 v13, v11;
	v18 =	vadd.f32 v19, v18  }
0x2b4: {  	v8 =	vmax.f32 v8, v15;
	v15 =	vld [tilespmem:s16+$0x18860];
	v14 =	vadd.f32 v21, v20;
	v13 =	vadd.f32 v23, v22  }
0x2b5: {  	v62 =	vld [tilespmem:s16+$0x18850];
	v9 =	vadd.f32 v10, v9;
	v10 =	vmul.f32 v18, v17  }
0x2b6: {  	v14 =	vmul.f32 v14, v17;
	v13 =	vmul.f32 v13, v17  }
0x2b7: {  	v12 =	vadd.f32 v16, v12;
	v6 =	vmax.f32 v6, v10;
	v10 =	vadd.f32 v25, v24  }
0x2b8: {  	v5 =	vmax.f32 v5, v14;
	v14 =	vadd.f32 v27, v26;
	v4 =	vmax.f32 v4, v13  }
0x2b9: {  	v13 =	vadd.f32 v15, v63;
	[tilespmem:$0x1CB00] =	vst v6;
	v6 =	vmul.f32 v9, v0;
	v9 =	vmul.f32 v10, v17  }
0x2ba: {  	v16 =	vadd.f32 v62, v28;
	[tilespmem:$0x1CB10] =	vst v5;
	v0 =	vmul.f32 v11, v0;
	v10 =	vmul.f32 v14, v17  }
0x2bb: {  	[tilespmem:$0x1CB20] =	vst v4;
	v3 =	vmax.f32 v3, v6;
	v6 =	vmul.f32 v13, v17;
	v5 =	vmax.f32 v7, v9  }
0x2bc: {  	v0 =	vmax.f32 v2, v0;
	v7 =	vmul.f32 v16, v17;
	v4 =	vmax.f32 v8, v10;
	[tilespmem:$0x1CB30] =	vst v5  }
0x2bd: {  	v5 =	vmul.f32 v12, v17;
	[tilespmem:$0x1CB40] =	vst v4;
	v0 =	vmax.f32 v0, v6  }
0x2be: {  	v2 =	vmax.f32 v3, v7;
	[tilespmem:$0x1CB60] =	vst v0  }
0x2bf: {  	[tilespmem:$0x1CB50] =	vst v2;
	v1 =	vmax.f32 v1, v5  }
0x2c0: {  	s6 =	simm.s32 $0x0;
	[tilespmem:$0x1CB70] =	vst v1  }
0x2c1: {  	v1 =	vld [tilespmem:s6+$0x15870]  }
0x2c2: {  	s3 =	simm.s32 $0x1C820;
	v2 =	vld [tilespmem:s6+$0x19870]  }
0x2c3: {  	v0 =	vld.msk [tilespmem:s3+$0x0 ss:$0x0], $0xffff  }
0x2c4: {  	v3 =	vld [tilespmem:s6+$0x15800]  }
0x2c5: {  	v4 =	vld [tilespmem:s6+$0x19800]  }
0x2c6: {  	v5 =	vld [tilespmem:s6+$0x15810]  }
0x2c7: {  	v6 =	vld [tilespmem:s6+$0x19810]  }
0x2c8: {  	v7 =	vld [tilespmem:s6+$0x15820]  }
0x2c9: {  	v8 =	vld [tilespmem:s6+$0x19820]  }
0x2ca: {  	v11 =	vld [tilespmem:s6+$0x15830]  }
0x2cb: {  	v12 =	vld [tilespmem:s6+$0x19830];
	_ =	sdelay $0x2  }
0x2cc: {  	v15 =	vld [tilespmem:s6+$0x19840];
	v1 =	vadd.f32 v2, v1;
	v3 =	vadd.f32 v4, v3  }
0x2cd: {  	v2 =	vld [tilespmem:s6+$0x15840];
	v4 =	vadd.f32 v6, v5;
	v5 =	vadd.f32 v8, v7  }
0x2ce: {  	v9 =	vld [tilespmem:s6+$0x15850];
	v12 =	vadd.f32 v12, v11;
	v1 =	vmul.f32 v1, v0;
	v3 =	vmul.f32 v3, v0  }
0x2cf: {  	v10 =	vld [tilespmem:s6+$0x19850];
	v7 =	vimm.f32 $0.0e+00;
	v4 =	vmul.f32 v4, v0;
	v8 =	vmul.f32 v5, v0  }
0x2d0: {  	v13 =	vld [tilespmem:s6+$0x19860];
	v14 =	vmul.f32 v12, v0;
	v1 =	vmax.f32 v7, v1;
	v6 =	vmax.f32 v7, v3  }
0x2d1: {  	s16 =	simm.s32 $0x80;
	v11 =	vld [tilespmem:s6+$0x15860];
	v5 =	vmax.f32 v7, v4;
	v4 =	vmax.f32 v7, v8;
	v8 =	vimm.f32 $0.0e+00  }
0x2d2: {  	s6 =	simm.s32 $0x400;
	v12 =	vld [tilespmem:s16+$0x15870];
	v3 =	vimm.f32 $0.0e+00;
	v15 =	vadd.f32 v15, v2;
	v2 =	vimm.f32 $0.0e+00  }
.LBB2_13:
0x2d3: {  	p0 =	sne.s32 s6, $0x3E00;
	v16 =	vld [tilespmem:s16+$0x19870];
	s3 =	sadd.s32 $0x1, s3  }
0x2d4: {  	v17 =	vld.msk [tilespmem:s3+$0x0 ss:$0x0], $0xffff;
	v7 =	vmax.f32 v7, v14;
	v14 =	vmul.f32 v15, v0;
	v9 =	vadd.f32 v10, v9  }
0x2d5: {  	v10 =	vld [tilespmem:s16+$0x15800]  }
0x2d6: {  	v15 =	vld [tilespmem:s16+$0x19800];
	v8 =	vmax.f32 v8, v14;
	v9 =	vmul.f32 v9, v0;
	v11 =	vadd.f32 v13, v11  }
0x2d7: {  	v13 =	vld [tilespmem:s16+$0x15810]  }
0x2d8: {  	v14 =	vld [tilespmem:s16+$0x19810];
	v12 =	vadd.f32 v16, v12;
	v3 =	vmax.f32 v3, v9;
	v16 =	vmul.f32 v11, v0  }
0x2d9: {  	v9 =	vld [tilespmem:s16+$0x15820]  }
0x2da: {  	v0 =	vmov v17;
	v11 =	vld [tilespmem:s16+$0x19820];
	v12 =	vmul.f32 v12, v17;
	v2 =	vmax.f32 v2, v16  }
0x2db: {  	v10 =	vadd.f32 v15, v10;
	v15 =	vld [tilespmem:s16+$0x15830]  }
0x2dc: {  	v16 =	vld [tilespmem:s16+$0x19830];
	v1 =	vmax.f32 v1, v12  }
0x2dd: {  	v10 =	vmul.f32 v10, v0;
	v12 =	vadd.f32 v14, v13;
	v17 =	vld [tilespmem:s16+$0x15840]  }
0x2de: {  	v18 =	vld [tilespmem:s16+$0x19840]  }
.Ltmp5:
0x2df: {  	v6 =	vmax.f32 v6, v10;
	v12 =	vmul.f32 v12, v0;
	v11 =	vadd.f32 v11, v9;
	v9 =	vld [tilespmem:s16+$0x15850];
	(pc) =	sbr.rel @p0 .LBB2_13-.Ltmp5, $4  }
0x2e0: {  	v10 =	vld [tilespmem:s16+$0x19850]  }
0x2e1: {  	v5 =	vmax.f32 v5, v12;
	v14 =	vmul.f32 v11, v0;
	v15 =	vadd.f32 v16, v15;
	v11 =	vld [tilespmem:s16+$0x15860]  }
0x2e2: {  	v13 =	vld [tilespmem:s16+$0x19860];
	s16 =	sshra.s32 s6, $0x2  }
0x2e3: {  	s6 =	sadd.s32 $0x200, s6;
	v12 =	vld [tilespmem:s16+$0x15870];
	v4 =	vmax.f32 v4, v14;
	v14 =	vmul.f32 v15, v0;
	v15 =	vadd.f32 v18, v17  }
0x2e4: {  	v16 =	vld [tilespmem:s16+$0x19870]  }
0x2e5: {  	v18 =	vld [tilespmem:s16+$0x15800]  }
0x2e6: {  	v19 =	vld [tilespmem:s16+$0x19800]  }
0x2e7: {  	v20 =	vld [tilespmem:s16+$0x15810]  }
0x2e8: {  	v21 =	vld [tilespmem:s16+$0x19810]  }
0x2e9: {  	v22 =	vld [tilespmem:s16+$0x15820]  }
0x2ea: {  	v23 =	vld [tilespmem:s16+$0x19820]  }
0x2eb: {  	v24 =	vld [tilespmem:s16+$0x15830]  }
0x2ec: {  	v25 =	vld [tilespmem:s16+$0x19830]  }
0x2ed: {  	s3 =	sadd.s32 $0x1, s3;
	v26 =	vld [tilespmem:s16+$0x15840]  }
0x2ee: {  	v17 =	vld.msk [tilespmem:s3+$0x0 ss:$0x0], $0xffff  }
0x2ef: {  	v27 =	vld [tilespmem:s16+$0x19840]  }
0x2f0: {  	v28 =	vld [tilespmem:s16+$0x15850];
	v15 =	vmul.f32 v15, v0  }
0x2f1: {  	v63 =	vld [tilespmem:s16+$0x15860];
	v7 =	vmax.f32 v7, v14;
	v11 =	vadd.f32 v13, v11;
	v18 =	vadd.f32 v19, v18  }
0x2f2: {  	v8 =	vmax.f32 v8, v15;
	v15 =	vld [tilespmem:s16+$0x19860];
	v14 =	vadd.f32 v21, v20;
	v13 =	vadd.f32 v23, v22  }
0x2f3: {  	v62 =	vld [tilespmem:s16+$0x19850];
	v9 =	vadd.f32 v10, v9;
	v10 =	vmul.f32 v18, v17  }
0x2f4: {  	v14 =	vmul.f32 v14, v17;
	v13 =	vmul.f32 v13, v17  }
0x2f5: {  	v12 =	vadd.f32 v16, v12;
	v6 =	vmax.f32 v6, v10;
	v10 =	vadd.f32 v25, v24  }
0x2f6: {  	v5 =	vmax.f32 v5, v14;
	v14 =	vadd.f32 v27, v26;
	v4 =	vmax.f32 v4, v13  }
0x2f7: {  	v13 =	vadd.f32 v15, v63;
	[tilespmem:$0x1CB80] =	vst v6;
	v6 =	vmul.f32 v9, v0;
	v9 =	vmul.f32 v10, v17  }
0x2f8: {  	v16 =	vadd.f32 v62, v28;
	[tilespmem:$0x1CB90] =	vst v5;
	v0 =	vmul.f32 v11, v0;
	v10 =	vmul.f32 v14, v17  }
0x2f9: {  	[tilespmem:$0x1CBA0] =	vst v4;
	v3 =	vmax.f32 v3, v6;
	v6 =	vmul.f32 v13, v17;
	v5 =	vmax.f32 v7, v9  }
0x2fa: {  	v0 =	vmax.f32 v2, v0;
	v7 =	vmul.f32 v16, v17;
	v4 =	vmax.f32 v8, v10;
	[tilespmem:$0x1CBB0] =	vst v5  }
0x2fb: {  	v5 =	vmul.f32 v12, v17;
	[tilespmem:$0x1CBC0] =	vst v4;
	v0 =	vmax.f32 v0, v6  }
0x2fc: {  	v2 =	vmax.f32 v3, v7;
	[tilespmem:$0x1CBE0] =	vst v0  }
0x2fd: {  	[tilespmem:$0x1CBD0] =	vst v2;
	v1 =	vmax.f32 v1, v5  }
0x2fe: {  	s6 =	simm.s32 $0x0;
	[tilespmem:$0x1CBF0] =	vst v1  }
0x2ff: {  	v1 =	vld [tilespmem:s6+$0x16870]  }
0x300: {  	s3 =	simm.s32 $0x1C840;
	v2 =	vld [tilespmem:s6+$0x1A870]  }
0x301: {  	v0 =	vld.msk [tilespmem:s3+$0x0 ss:$0x0], $0xffff  }
0x302: {  	v3 =	vld [tilespmem:s6+$0x16800]  }
0x303: {  	v4 =	vld [tilespmem:s6+$0x1A800]  }
0x304: {  	v5 =	vld [tilespmem:s6+$0x16810]  }
0x305: {  	v6 =	vld [tilespmem:s6+$0x1A810]  }
0x306: {  	v7 =	vld [tilespmem:s6+$0x16820]  }
0x307: {  	v8 =	vld [tilespmem:s6+$0x1A820]  }
0x308: {  	v11 =	vld [tilespmem:s6+$0x16830]  }
0x309: {  	v12 =	vld [tilespmem:s6+$0x1A830];
	_ =	sdelay $0x2  }
0x30a: {  	v15 =	vld [tilespmem:s6+$0x1A840];
	v1 =	vadd.f32 v2, v1;
	v3 =	vadd.f32 v4, v3  }
0x30b: {  	v2 =	vld [tilespmem:s6+$0x16840];
	v4 =	vadd.f32 v6, v5;
	v5 =	vadd.f32 v8, v7  }
0x30c: {  	v9 =	vld [tilespmem:s6+$0x16850];
	v12 =	vadd.f32 v12, v11;
	v1 =	vmul.f32 v1, v0;
	v3 =	vmul.f32 v3, v0  }
0x30d: {  	v10 =	vld [tilespmem:s6+$0x1A850];
	v7 =	vimm.f32 $0.0e+00;
	v4 =	vmul.f32 v4, v0;
	v8 =	vmul.f32 v5, v0  }
0x30e: {  	v13 =	vld [tilespmem:s6+$0x1A860];
	v14 =	vmul.f32 v12, v0;
	v1 =	vmax.f32 v7, v1;
	v6 =	vmax.f32 v7, v3  }
0x30f: {  	s16 =	simm.s32 $0x80;
	v11 =	vld [tilespmem:s6+$0x16860];
	v5 =	vmax.f32 v7, v4;
	v4 =	vmax.f32 v7, v8;
	v8 =	vimm.f32 $0.0e+00  }
0x310: {  	s6 =	simm.s32 $0x400;
	v12 =	vld [tilespmem:s16+$0x16870];
	v3 =	vimm.f32 $0.0e+00;
	v15 =	vadd.f32 v15, v2;
	v2 =	vimm.f32 $0.0e+00  }
.LBB2_15:
0x311: {  	p0 =	sne.s32 s6, $0x3E00;
	v16 =	vld [tilespmem:s16+$0x1A870];
	s3 =	sadd.s32 $0x1, s3  }
0x312: {  	v17 =	vld.msk [tilespmem:s3+$0x0 ss:$0x0], $0xffff;
	v7 =	vmax.f32 v7, v14;
	v14 =	vmul.f32 v15, v0;
	v9 =	vadd.f32 v10, v9  }
0x313: {  	v10 =	vld [tilespmem:s16+$0x16800]  }
0x314: {  	v15 =	vld [tilespmem:s16+$0x1A800];
	v8 =	vmax.f32 v8, v14;
	v9 =	vmul.f32 v9, v0;
	v11 =	vadd.f32 v13, v11  }
0x315: {  	v13 =	vld [tilespmem:s16+$0x16810]  }
0x316: {  	v14 =	vld [tilespmem:s16+$0x1A810];
	v12 =	vadd.f32 v16, v12;
	v3 =	vmax.f32 v3, v9;
	v16 =	vmul.f32 v11, v0  }
0x317: {  	v9 =	vld [tilespmem:s16+$0x16820]  }
0x318: {  	v0 =	vmov v17;
	v11 =	vld [tilespmem:s16+$0x1A820];
	v12 =	vmul.f32 v12, v17;
	v2 =	vmax.f32 v2, v16  }
0x319: {  	v10 =	vadd.f32 v15, v10;
	v15 =	vld [tilespmem:s16+$0x16830]  }
0x31a: {  	v16 =	vld [tilespmem:s16+$0x1A830];
	v1 =	vmax.f32 v1, v12  }
0x31b: {  	v10 =	vmul.f32 v10, v0;
	v12 =	vadd.f32 v14, v13;
	v17 =	vld [tilespmem:s16+$0x16840]  }
0x31c: {  	v18 =	vld [tilespmem:s16+$0x1A840]  }
.Ltmp6:
0x31d: {  	v6 =	vmax.f32 v6, v10;
	v12 =	vmul.f32 v12, v0;
	v11 =	vadd.f32 v11, v9;
	v9 =	vld [tilespmem:s16+$0x16850];
	(pc) =	sbr.rel @p0 .LBB2_15-.Ltmp6, $4  }
0x31e: {  	v10 =	vld [tilespmem:s16+$0x1A850]  }
0x31f: {  	v5 =	vmax.f32 v5, v12;
	v14 =	vmul.f32 v11, v0;
	v15 =	vadd.f32 v16, v15;
	v11 =	vld [tilespmem:s16+$0x16860]  }
0x320: {  	v13 =	vld [tilespmem:s16+$0x1A860];
	s16 =	sshra.s32 s6, $0x2  }
0x321: {  	s6 =	sadd.s32 $0x200, s6;
	v12 =	vld [tilespmem:s16+$0x16870];
	v4 =	vmax.f32 v4, v14;
	v14 =	vmul.f32 v15, v0;
	v15 =	vadd.f32 v18, v17  }
0x322: {  	v16 =	vld [tilespmem:s16+$0x1A870]  }
0x323: {  	v18 =	vld [tilespmem:s16+$0x16800]  }
0x324: {  	v19 =	vld [tilespmem:s16+$0x1A800]  }
0x325: {  	v20 =	vld [tilespmem:s16+$0x16810]  }
0x326: {  	v21 =	vld [tilespmem:s16+$0x1A810]  }
0x327: {  	v22 =	vld [tilespmem:s16+$0x16820]  }
0x328: {  	v23 =	vld [tilespmem:s16+$0x1A820]  }
0x329: {  	v24 =	vld [tilespmem:s16+$0x16830]  }
0x32a: {  	v25 =	vld [tilespmem:s16+$0x1A830]  }
0x32b: {  	s3 =	sadd.s32 $0x1, s3;
	v26 =	vld [tilespmem:s16+$0x16840]  }
0x32c: {  	v17 =	vld.msk [tilespmem:s3+$0x0 ss:$0x0], $0xffff  }
0x32d: {  	v27 =	vld [tilespmem:s16+$0x1A840]  }
0x32e: {  	v28 =	vld [tilespmem:s16+$0x16850];
	v15 =	vmul.f32 v15, v0  }
0x32f: {  	v63 =	vld [tilespmem:s16+$0x16860];
	v7 =	vmax.f32 v7, v14;
	v11 =	vadd.f32 v13, v11;
	v18 =	vadd.f32 v19, v18  }
0x330: {  	v8 =	vmax.f32 v8, v15;
	v15 =	vld [tilespmem:s16+$0x1A860];
	v14 =	vadd.f32 v21, v20;
	v13 =	vadd.f32 v23, v22  }
0x331: {  	v62 =	vld [tilespmem:s16+$0x1A850];
	v9 =	vadd.f32 v10, v9;
	v10 =	vmul.f32 v18, v17  }
0x332: {  	v14 =	vmul.f32 v14, v17;
	v13 =	vmul.f32 v13, v17  }
0x333: {  	v12 =	vadd.f32 v16, v12;
	v6 =	vmax.f32 v6, v10;
	v10 =	vadd.f32 v25, v24  }
0x334: {  	v5 =	vmax.f32 v5, v14;
	v14 =	vadd.f32 v27, v26;
	v4 =	vmax.f32 v4, v13  }
0x335: {  	v13 =	vadd.f32 v15, v63;
	[tilespmem:$0x1CC00] =	vst v6;
	v6 =	vmul.f32 v9, v0;
	v9 =	vmul.f32 v10, v17  }
0x336: {  	v16 =	vadd.f32 v62, v28;
	[tilespmem:$0x1CC10] =	vst v5;
	v0 =	vmul.f32 v11, v0;
	v10 =	vmul.f32 v14, v17  }
0x337: {  	[tilespmem:$0x1CC20] =	vst v4;
	v3 =	vmax.f32 v3, v6;
	v6 =	vmul.f32 v13, v17;
	v5 =	vmax.f32 v7, v9  }
0x338: {  	v0 =	vmax.f32 v2, v0;
	v7 =	vmul.f32 v16, v17;
	v4 =	vmax.f32 v8, v10;
	[tilespmem:$0x1CC30] =	vst v5  }
0x339: {  	v5 =	vmul.f32 v12, v17;
	[tilespmem:$0x1CC40] =	vst v4;
	v0 =	vmax.f32 v0, v6  }
0x33a: {  	v2 =	vmax.f32 v3, v7;
	[tilespmem:$0x1CC60] =	vst v0  }
0x33b: {  	[tilespmem:$0x1CC50] =	vst v2;
	v1 =	vmax.f32 v1, v5  }
0x33c: {  	s6 =	simm.s32 $0x0;
	[tilespmem:$0x1CC70] =	vst v1  }
0x33d: {  	v1 =	vld [tilespmem:s6+$0x17870]  }
0x33e: {  	s3 =	simm.s32 $0x1C860;
	v2 =	vld [tilespmem:s6+$0x1B870]  }
0x33f: {  	v0 =	vld.msk [tilespmem:s3+$0x0 ss:$0x0], $0xffff  }
0x340: {  	v3 =	vld [tilespmem:s6+$0x17800]  }
0x341: {  	v4 =	vld [tilespmem:s6+$0x1B800]  }
0x342: {  	v5 =	vld [tilespmem:s6+$0x17810]  }
0x343: {  	v6 =	vld [tilespmem:s6+$0x1B810]  }
0x344: {  	v7 =	vld [tilespmem:s6+$0x17820]  }
0x345: {  	v8 =	vld [tilespmem:s6+$0x1B820]  }
0x346: {  	v11 =	vld [tilespmem:s6+$0x17830]  }
0x347: {  	v12 =	vld [tilespmem:s6+$0x1B830];
	_ =	sdelay $0x2  }
0x348: {  	v15 =	vld [tilespmem:s6+$0x1B840];
	v1 =	vadd.f32 v2, v1;
	v3 =	vadd.f32 v4, v3  }
0x349: {  	v2 =	vld [tilespmem:s6+$0x17840];
	v4 =	vadd.f32 v6, v5;
	v5 =	vadd.f32 v8, v7  }
0x34a: {  	v9 =	vld [tilespmem:s6+$0x17850];
	v12 =	vadd.f32 v12, v11;
	v1 =	vmul.f32 v1, v0;
	v3 =	vmul.f32 v3, v0  }
0x34b: {  	v10 =	vld [tilespmem:s6+$0x1B850];
	v7 =	vimm.f32 $0.0e+00;
	v4 =	vmul.f32 v4, v0;
	v8 =	vmul.f32 v5, v0  }
0x34c: {  	v13 =	vld [tilespmem:s6+$0x1B860];
	v14 =	vmul.f32 v12, v0;
	v1 =	vmax.f32 v7, v1;
	v6 =	vmax.f32 v7, v3  }
0x34d: {  	s16 =	simm.s32 $0x80;
	v11 =	vld [tilespmem:s6+$0x17860];
	v5 =	vmax.f32 v7, v4;
	v4 =	vmax.f32 v7, v8;
	v8 =	vimm.f32 $0.0e+00  }
0x34e: {  	s6 =	simm.s32 $0x400;
	v12 =	vld [tilespmem:s16+$0x17870];
	v3 =	vimm.f32 $0.0e+00;
	v15 =	vadd.f32 v15, v2;
	v2 =	vimm.f32 $0.0e+00  }
.LBB2_17:
0x34f: {  	p0 =	sne.s32 s6, $0x3E00;
	v16 =	vld [tilespmem:s16+$0x1B870];
	s3 =	sadd.s32 $0x1, s3  }
0x350: {  	v17 =	vld.msk [tilespmem:s3+$0x0 ss:$0x0], $0xffff;
	v7 =	vmax.f32 v7, v14;
	v14 =	vmul.f32 v15, v0;
	v9 =	vadd.f32 v10, v9  }
0x351: {  	v10 =	vld [tilespmem:s16+$0x17800]  }
0x352: {  	v15 =	vld [tilespmem:s16+$0x1B800];
	v8 =	vmax.f32 v8, v14;
	v9 =	vmul.f32 v9, v0;
	v11 =	vadd.f32 v13, v11  }
0x353: {  	v13 =	vld [tilespmem:s16+$0x17810]  }
0x354: {  	v14 =	vld [tilespmem:s16+$0x1B810];
	v12 =	vadd.f32 v16, v12;
	v3 =	vmax.f32 v3, v9;
	v16 =	vmul.f32 v11, v0  }
0x355: {  	v9 =	vld [tilespmem:s16+$0x17820]  }
0x356: {  	v0 =	vmov v17;
	v11 =	vld [tilespmem:s16+$0x1B820];
	v12 =	vmul.f32 v12, v17;
	v2 =	vmax.f32 v2, v16  }
0x357: {  	v10 =	vadd.f32 v15, v10;
	v15 =	vld [tilespmem:s16+$0x17830]  }
0x358: {  	v16 =	vld [tilespmem:s16+$0x1B830];
	v1 =	vmax.f32 v1, v12  }
0x359: {  	v10 =	vmul.f32 v10, v0;
	v12 =	vadd.f32 v14, v13;
	v17 =	vld [tilespmem:s16+$0x17840]  }
0x35a: {  	v18 =	vld [tilespmem:s16+$0x1B840]  }
.Ltmp7:
0x35b: {  	v6 =	vmax.f32 v6, v10;
	v12 =	vmul.f32 v12, v0;
	v11 =	vadd.f32 v11, v9;
	v9 =	vld [tilespmem:s16+$0x17850];
	(pc) =	sbr.rel @p0 .LBB2_17-.Ltmp7, $4  }
0x35c: {  	v10 =	vld [tilespmem:s16+$0x1B850]  }
0x35d: {  	v5 =	vmax.f32 v5, v12;
	v14 =	vmul.f32 v11, v0;
	v15 =	vadd.f32 v16, v15;
	v11 =	vld [tilespmem:s16+$0x17860]  }
0x35e: {  	v13 =	vld [tilespmem:s16+$0x1B860];
	s16 =	sshra.s32 s6, $0x2  }
0x35f: {  	s6 =	sadd.s32 $0x200, s6;
	v12 =	vld [tilespmem:s16+$0x17870];
	v4 =	vmax.f32 v4, v14;
	v14 =	vmul.f32 v15, v0;
	v15 =	vadd.f32 v18, v17  }
0x360: {  	v16 =	vld [tilespmem:s16+$0x1B870]  }
0x361: {  	v18 =	vld [tilespmem:s16+$0x17800]  }
0x362: {  	v19 =	vld [tilespmem:s16+$0x1B800]  }
0x363: {  	v20 =	vld [tilespmem:s16+$0x17810]  }
0x364: {  	v21 =	vld [tilespmem:s16+$0x1B810]  }
0x365: {  	v22 =	vld [tilespmem:s16+$0x17820]  }
0x366: {  	v23 =	vld [tilespmem:s16+$0x1B820]  }
0x367: {  	v24 =	vld [tilespmem:s16+$0x17830]  }
0x368: {  	v25 =	vld [tilespmem:s16+$0x1B830]  }
0x369: {  	v26 =	vld [tilespmem:s16+$0x17840]  }
0x36a: {  	s3 =	sadd.s32 $0x1, s3;
	v27 =	vld [tilespmem:s16+$0x1B840]  }
0x36b: {  	v17 =	vld.msk [tilespmem:s3+$0x0 ss:$0x0], $0xffff  }
0x36c: {  	v28 =	vld [tilespmem:s16+$0x17850]  }
0x36d: {  	v44 =	vld [tilespmem:s16+$0x1B850];
	v15 =	vmul.f32 v15, v0  }
0x36e: {  	v46 =	vld [tilespmem:s16+$0x17860];
	v7 =	vmax.f32 v7, v14;
	v9 =	vadd.f32 v10, v9;
	v18 =	vadd.f32 v19, v18  }
0x36f: {  	v48 =	vld [tilespmem:s16+$0x1B860];
	v8 =	vmax.f32 v8, v15;
	v11 =	vadd.f32 v13, v11;
	v45 =	vadd.f32 v21, v20  }
0x370: {  	v53 =	vmul.f32 v9, v0;
	v49 =	vadd.f32 v23, v22;
	v47 =	vmul.f32 v18, v17  }
0x371: {  	v12 =	vadd.f32 v16, v12;
	v50 =	vadd.f32 v25, v24;
	v14 =	vmul.f32 v45, v17  }
0x372: {  	v51 =	vadd.f32 v27, v26;
	v13 =	vmul.f32 v49, v17;
	v6 =	vmax.f32 v6, v47  }
0x373: {  	v52 =	vadd.f32 v44, v28;
	v54 =	vmul.f32 v50, v17;
	v5 =	vmax.f32 v5, v14;
	[tilespmem:$0x1CC80] =	vst v6  }
0x374: {  	v56 =	vadd.f32 v48, v46;
	v55 =	vmul.f32 v51, v17;
	v4 =	vmax.f32 v4, v13;
	[tilespmem:$0x1CC90] =	vst v5  }
0x375: {  	s22 =	sshll.u32 s0, $0xA;
	s0 =	sadd.s32 $0x1, s0;
	v57 =	vmul.f32 v11, v0;
	v59 =	vmul.f32 v52, v17;
	v58 =	vmax.f32 v7, v54;
	[tilespmem:$0x1CCA0] =	vst v4  }
0x376: {  	p0 =	sne.s32 s0, $0x28;
	v3 =	vmax.f32 v3, v53;
	v61 =	vmul.f32 v56, v17;
	v60 =	vmax.f32 v8, v55;
	[tilespmem:$0x1CCB0] =	vst v58  }
.Ltmp8:
0x377: {  	v62 =	vmul.f32 v12, v17;
	v0 =	vmax.f32 v2, v57;
	v63 =	vmax.f32 v3, v59;
	[tilespmem:$0x1CCC0] =	vst v60;
	(pc) =	sbr.rel @p0 .LBB2_2-.Ltmp8, $4  }
0x378: {  	s3 =	sadd.s32 s12, s22;
	v0 =	vmax.f32 v0, v61;
	[tilespmem:$0x1CCD0] =	vst v63  }
0x379: {  	s3 =	sshrl.u32 s3, $0x3;
	v1 =	vmax.f32 v1, v62;
	[tilespmem:$0x1CCE0] =	vst v0  }
0x37a: {  	s3 =	sadd.s32 s3, s13;
	[tilespmem:$0x1CCF0] =	vst v1  }
0x37b: {  	[hbm4b:s3+s4] =	stream.linear.scatter [tilespmem:s29], [sflag:$0x4], $0x200, $0x38;
	[tilespmem:$0x1CD00] =	vst v63  }
0x37c: {  	s2 =	sadd.s32 $0x1, s2  }
0x37d: {  	_ =	swait.ge [sflag:s30], $0x200;
	p0 =	sne.s32 s2, s14  }
.Ltmp9:
0x37e: {  	[sflag:s30] =	ssyncset.done $0x0;
	(pc) =	sbr.rel @p0 .LBB2_1-.Ltmp9, $4  }
0x37f: {  	[sflag:s30] =	ssyncadd.s32 $0xFFFFFE00  }
0x380: {  	_ =	swait.ge [sflag:s31], $0x200  }
0x381: {  	[sflag:s31] =	ssyncset.done $0x0  }
0x382: {  	[sflag:s31] =	ssyncadd.s32 $0xFFFFFE00  }
0x383: {  	_ =	sfence.sel $0x180000  }
0x384: {  	[bflag:$0x0] =	sbarrier.arrive $0xFFFF  }
0x385: {  	_ =	strace $0x90000047  }
0x386: {  	s0 =	stileid.u32;
	[bflag:$0x2] =	sbarrier.arrive $0xFFFF  }
0x387: {  	p0 =	sne.s32 s0, $0x0;
	s0 =	rddreg [dreg:$0x4]  }
0x388: {  	s0 =	sadd.s32 @!p0 $0x100000, s0  }
0x389: {  	[sflag:s0] =	ssyncadd.tile.s32 @!p0 $0x1;
	_ =	shalt  }
.Lfunc_end2:
_tile_overlayer_lowered:
.L_overlay_start_2:
0x38a: {  	(tag) =	ssettag $0x2  }
0x38b: {  	s0 =	rddreg [dreg:$0x0];
	s2 =	stileid.u32  }
0x38c: {  	s1 =	rddreg [dreg:$0x1];
	p0 =	sne.s32 s2, $0x0  }
0x38d: {  	s3 =	rddreg [dreg:$0x2];
	[bflag:$0x3] =	sbarrier.arrive $0xFFFF;
	s2 =	simm.s32 @!p0 $0x1C05  }
0x38e: {  	[timem:s3], [sflag:s2] =	dma.local @!p0 [hbm:s0], s1  }
0x38f: {  	s0 =	simm.s32 @!p0 $0x5  }
0x390: {  	_ =	swait.ge @!p0 [sflag:s0], s1  }
0x391: {  	s1 =	ssub.s32 @!p0 $0x0, s1;
	[sflag:s0] =	ssyncset.done @!p0 $0x0  }
0x392: {  	[sflag:s0] =	ssyncadd.s32 @!p0 s1  }
0x393: {  	[bflag:$0x3] =	sbarrier.arrive $0xFFFF  }
0x394: {  	_ =	shalt  }

</sc_bundles>
